<compile_context>
chip_gen: v7x
topology: tpu7x:2x2x1
jax: 0.10.2.dev20260603
libtpu: 0.0.44.dev20260713+nightly
codegen_flags: <defaults>
</compile_context>

<pallas_src>
import functools

import jax
import jax.numpy as jnp
from jax import lax
from jax.experimental import pallas as pl
from jax.experimental.pallas import tpu as pltpu
from jax.experimental.pallas import tpu_sc as plsc

VOCAB = 1000000
DIM = 64
BATCH = 16384
NNEG = 20
NPAIR = NNEG + 1

_INFO = plsc.get_sparse_core_info()
NC = _INFO.num_cores
NS = _INFO.num_subcores
NW = NC * NS
B_PER_W = BATCH // NW
C = 16
NCHUNK = B_PER_W // C
NEG_PER_CHUNK = C * NNEG
NNEG_W = B_PER_W * NNEG
SPLIT = 1 << 19

_mesh = plsc.VectorSubcoreMesh(core_axis_name="c", subcore_axis_name="s")


@functools.partial(
    pl.kernel,
    out_type=jax.ShapeDtypeStruct((BATCH * NPAIR,), jnp.float32),
    mesh=_mesh,
    compiler_params=pltpu.CompilerParams(needs_layout_passes=False,
                                         use_tc_tiling_on_sc=True),
    scratch_types=[
        pltpu.VMEM((B_PER_W,), jnp.int32),
        pltpu.VMEM((B_PER_W,), jnp.int32),
        pltpu.VMEM((NNEG_W,), jnp.int32),
        pltpu.VMEM((B_PER_W,), jnp.int32),
        pltpu.VMEM((B_PER_W,), jnp.int32),
        pltpu.VMEM((NNEG_W,), jnp.int32),
        pltpu.VMEM((C, 128), jnp.float32),
        pltpu.VMEM((C, 128), jnp.float32),
        pltpu.VMEM((NEG_PER_CHUNK, 128), jnp.float32),
        pltpu.VMEM((C, 128), jnp.float32),
        pltpu.VMEM((C, 128), jnp.float32),
        pltpu.VMEM((NEG_PER_CHUNK, 128), jnp.float32),
        pltpu.VMEM((C * NPAIR,), jnp.float32),
        pltpu.SemaphoreType.DMA,
        pltpu.SemaphoreType.DMA,
    ],
)
def _sc_dots(cen_hbm, ctx_hbm, neg_hbm, win_hbm, wout_hbm, out_hbm,
             cen_h, ctx_h, neg_h, cen_o, ctx_o, neg_o,
             cen_v0, ctx_v0, neg_v0, cen_v1, ctx_v1, neg_v1,
             out_v, sem0, sem1):
    wid = lax.axis_index("s") * NC + lax.axis_index("c")

    pltpu.sync_copy(cen_hbm.at[pl.ds(wid * B_PER_W, B_PER_W)], cen_h)
    pltpu.sync_copy(ctx_hbm.at[pl.ds(wid * B_PER_W, B_PER_W)], ctx_h)
    pltpu.sync_copy(neg_hbm.at[pl.ds(wid * NNEG_W, NNEG_W)], neg_h)

    def split_ids(n, buf, offs):
        def body(j, _):
            v = buf[pl.ds(j * 16, 16)]
            offs[pl.ds(j * 16, 16)] = lax.shift_right_logical(v, 19) * 64
            buf[pl.ds(j * 16, 16)] = v & (SPLIT - 1)
            return 0
        lax.fori_loop(0, n // 16, body, 0)

    split_ids(B_PER_W, cen_h, cen_o)
    split_ids(B_PER_W, ctx_h, ctx_o)
    split_ids(NNEG_W, neg_h, neg_o)

    lane = lax.broadcasted_iota(jnp.int32, (16,), 0)
    last_lane = lane == 15

    def splat_elem(offs, idx):
        vec = offs[pl.ds((idx // 16) * 16, 16)]
        return lax.gather(
            vec, jnp.broadcast_to(idx % 16, (16,))[:, None],
            lax.GatherDimensionNumbers(offset_dims=(),
                                       collapsed_slice_dims=(0,),
                                       start_index_map=(0,)),
            slice_sizes=(1,),
            mode=lax.GatherScatterMode.PROMISE_IN_BOUNDS)

    neg_slices = [(0, 128), (128, 128), (256, 64)][:(NEG_PER_CHUNK + 127)
                                                   // 128]

    def issue(t, cen_b, ctx_b, neg_b, sm):
        pltpu.async_copy(win_hbm.at[cen_h.at[pl.ds(t * C, C)]], cen_b, sm)
        pltpu.async_copy(wout_hbm.at[ctx_h.at[pl.ds(t * C, C)]], ctx_b, sm)
        for o, l in neg_slices:
            pltpu.async_copy(
                wout_hbm.at[neg_h.at[pl.ds(t * NEG_PER_CHUNK + o, l)]],
                neg_b.at[pl.ds(o, l)], sm)

    def drain(cen_b, ctx_b, neg_b, sm):
        pltpu.make_async_copy(win_hbm.at[pl.ds(0, C)], cen_b, sm).wait()
        pltpu.make_async_copy(wout_hbm.at[pl.ds(0, C)], ctx_b, sm).wait()
        for o, l in neg_slices:
            pltpu.make_async_copy(wout_hbm.at[pl.ds(0, l)],
                                  neg_b.at[pl.ds(o, l)], sm).wait()

    def compute(t, cen_b, ctx_b, neg_b):
        base = wid * B_PER_W + t * C

        def elem_body(i, _):
            coff = splat_elem(cen_o, t * C + i) + lane
            c = [plsc.load_gather(cen_b, [jnp.broadcast_to(i, (16,)),
                                          coff + k * 16])
                 for k in range(DIM // 16)]

            def emit_dot(buf, row, off_splat, slot):
                col = off_splat + lane
                y = [plsc.load_gather(buf, [jnp.broadcast_to(row, (16,)),
                                            col + k * 16])
                     for k in range(DIM // 16)]
                p = (c[0] * y[0] + c[1] * y[1]) + (c[2] * y[2] + c[3] * y[3])
                s = plsc.cumsum(p)
                plsc.store_scatter(out_v, [jnp.full((16,), slot, jnp.int32)],
                                   s, mask=last_lane)

            emit_dot(ctx_b, i, splat_elem(ctx_o, t * C + i), i * NPAIR)
            for n in range(NNEG):
                r = i * NNEG + n
                emit_dot(neg_b, r, splat_elem(neg_o, t * NEG_PER_CHUNK + r),
                         i * NPAIR + (n + 1))
            return 0

        lax.fori_loop(0, C, elem_body, 0)
        pltpu.sync_copy(out_v, out_hbm.at[pl.ds(base * NPAIR, C * NPAIR)])

    bufs = ((cen_v0, ctx_v0, neg_v0, sem0), (cen_v1, ctx_v1, neg_v1, sem1))
    issue(0, *bufs[0])

    def pair_body(tt, _):
        for p in range(2):
            t = tt * 2 + p
            cb, xb, nb, sm = bufs[p]
            drain(cb, xb, nb, sm)
            issue(jnp.minimum(t + 1, NCHUNK - 1), *bufs[1 - p])
            compute(t, cb, xb, nb)
        return 0

    lax.fori_loop(0, NCHUNK // 2, pair_body, 0)
    drain(*bufs[0])


_TBLK = 8192


def _tc_transpose_body(lo_ref, hi_ref, out_ref):
    lo = jnp.transpose(lo_ref[...], (1, 0))
    hi = jnp.transpose(hi_ref[...], (1, 0))
    out_ref[...] = jnp.concatenate([lo, hi], axis=1)


def _tc_relayout(wt):
    nblk = SPLIT // _TBLK
    jmax = (VOCAB + _TBLK - 1) // _TBLK - 1
    return pl.pallas_call(
        _tc_transpose_body,
        grid=(nblk,),
        in_specs=[pl.BlockSpec((DIM, _TBLK), lambda j: (0, j)),
                  pl.BlockSpec((DIM, _TBLK),
                               lambda j: (0, jnp.minimum(j + nblk, jmax)))],
        out_specs=pl.BlockSpec((_TBLK, 128), lambda j: (j, 0)),
        out_shape=jax.ShapeDtypeStruct((SPLIT, 128), jnp.float32),
    )(wt, wt)


def _tc_loss_body(dots_ref, out_ref):
    x = dots_ref[...]
    rows, cols = x.shape
    flat = (lax.broadcasted_iota(jnp.int32, (rows, cols), 0) * cols
            + lax.broadcasted_iota(jnp.int32, (rows, cols), 1))
    v = jnp.where(flat % NPAIR == 0, x, -x)
    ls = -(jnp.maximum(-v, 0.0) + jnp.log1p(jnp.exp(-jnp.abs(v))))
    out_ref[...] = jnp.reshape(-jnp.sum(ls) / BATCH, (1, 1))


def kernel(center_ids, context_ids, negative_ids, W_in, W_out):
    neg_flat = negative_ids.reshape(BATCH * NNEG)
    win2 = _tc_relayout(jnp.transpose(W_in))
    wout2 = _tc_relayout(jnp.transpose(W_out))
    dots = _sc_dots(center_ids, context_ids, neg_flat, win2, wout2)
    dots2d = dots.reshape(BATCH * NPAIR // 128, 128)
    loss = pl.pallas_call(
        _tc_loss_body,
        out_shape=jax.ShapeDtypeStruct((1, 1), jnp.float32),
    )(dots2d)
    return loss[0, 0]

# --- scband reference (transcript-rebuilt; emitter-appended) ---
"""Pipeline reference for scband-skip-gram-58385785422055 (READ-ONLY COPY).

The authoritative reference and input builder live on the scoring server;
editing this copy changes nothing except your own understanding.
"""

import jax, jax.numpy as jnp
import numpy as np

VOCAB = 1000000
DIM = 64
BATCH = 16384
NNEG = 20

def setup_inputs(seed: int = 0) -> dict:
    key = jax.random.key(seed)
    k1, k2, k3, k4 = jax.random.split(key, 4)
    center_ids = jax.random.randint(k1, (BATCH,), 0, VOCAB, dtype=jnp.int64 if jax.config.jax_enable_x64 else jnp.int32).astype(jnp.int32)
    context_ids = jax.random.randint(k2, (BATCH,), 0, VOCAB).astype(jnp.int32)
    negative_ids = jax.random.randint(k3, (BATCH, NNEG), 0, VOCAB).astype(jnp.int32)
    init_range = 0.5 / DIM
    W_in = jax.random.uniform(k4, (VOCAB, DIM), dtype=jnp.float32, minval=-init_range, maxval=init_range)
    W_out = jnp.zeros((VOCAB, DIM), dtype=jnp.float32)
    return {"center_ids": center_ids, "context_ids": context_ids, "negative_ids": negative_ids, "W_in": W_in, "W_out": W_out}

def reference(center_ids, context_ids, negative_ids, W_in, W_out):
    v_center = jnp.take(W_in, center_ids, axis=0)            # [B, D]
    v_context = jnp.take(W_out, context_ids, axis=0)         # [B, D]
    v_negatives = jnp.take(W_out, negative_ids, axis=0)      # [B, N, D]
    pos_dot = jnp.sum(v_center * v_context, axis=1)          # [B]
    pos_loss = jax.nn.log_sigmoid(pos_dot)                   # [B]
    neg_dot = jnp.einsum('bnd,bd->bn', v_negatives, v_center)  # [B, N] == bmm(v_neg, v_center[:, :, None]).squeeze(2)
    neg_loss = jnp.sum(jax.nn.log_sigmoid(-neg_dot), axis=1)   # [B]
    loss = -jnp.mean(pos_loss + neg_loss)
    return loss

if __name__ == "__main__":
    import jax
    _d = setup_inputs()
    print(jax.jit(kernel)(*tuple(_d.values())))

</pallas_src>

<mosaic_0001>
#map = affine_map<(d0, d1) -> (0)>
#map1 = affine_map<(d0, d1) -> (0, 0)>
module attributes {stable_mosaic.version = 14 : i64} {
  func.func @_sc_dots(%arg0: i32, %arg1: i32, %arg2: memref<16384xi32, #tpu.memory_space<hbm>>, %arg3: memref<16384xi32, #tpu.memory_space<hbm>>, %arg4: memref<327680xi32, #tpu.memory_space<hbm>>, %arg5: memref<524288x128xf32, #tpu.memory_space<hbm>>, %arg6: memref<524288x128xf32, #tpu.memory_space<hbm>>, %arg7: memref<344064xf32, #tpu.memory_space<hbm>>, %arg8: memref<512xi32, #tpu.memory_space<vmem>>, %arg9: memref<512xi32, #tpu.memory_space<vmem>>, %arg10: memref<10240xi32, #tpu.memory_space<vmem>>, %arg11: memref<512xi32, #tpu.memory_space<vmem>>, %arg12: memref<512xi32, #tpu.memory_space<vmem>>, %arg13: memref<10240xi32, #tpu.memory_space<vmem>>, %arg14: memref<16x128xf32, #tpu.memory_space<vmem>>, %arg15: memref<16x128xf32, #tpu.memory_space<vmem>>, %arg16: memref<320x128xf32, #tpu.memory_space<vmem>>, %arg17: memref<16x128xf32, #tpu.memory_space<vmem>>, %arg18: memref<16x128xf32, #tpu.memory_space<vmem>>, %arg19: memref<320x128xf32, #tpu.memory_space<vmem>>, %arg20: memref<336xf32, #tpu.memory_space<vmem>>, %arg21: memref<!tpu.dma_semaphore, #tpu.memory_space<semaphore_mem>>, %arg22: memref<!tpu.dma_semaphore, #tpu.memory_space<semaphore_mem>>) attributes {dimension_semantics = [#tpu.dimension_semantics<core_parallel>, #tpu.dimension_semantics<subcore_parallel>], iteration_bounds = array<i64: 2, 16>, scalar_prefetch = 0 : i64, scratch_operands = 15 : i64, tpu.core_type = #tpu.core_type<sc_vector_subcore>, window_params = [{transform_indices = #map}, {transform_indices = #map}, {transform_indices = #map}, {transform_indices = #map1}, {transform_indices = #map1}, {transform_indices = #map}]} {
    %mul3A = arith.constant 2 : i32
    %mul3A_0 = arith.muli %arg1, %mul3A : i32
    %add3A = arith.addi %mul3A_0, %arg0 : i32
    %mul3A_1 = arith.constant 512 : i32
    %mul3A_2 = arith.muli %add3A, %mul3A_1 : i32
    "tpu.region"() ({
      %run_scoped3A = tpu.sem_alloc : memref<!tpu.dma_semaphore, #tpu.memory_space<semaphore_mem>>
      %dma_start3A_116 = tpu.memref_slice %arg2[%mul3A_2] : memref<16384xi32, #tpu.memory_space<hbm>> -> memref<512xi32, #tpu.memory_space<hbm>>
      %dma_start3A_117 = tpu.memref_slice %arg2[%mul3A_2] : memref<16384xi32, #tpu.memory_space<hbm>> -> memref<512xi32, #tpu.memory_space<hbm>>
      tpu.enqueue_dma source(%dma_start3A_117 : memref<512xi32, #tpu.memory_space<hbm>>) target(%arg8 : memref<512xi32, #tpu.memory_space<vmem>>) target_semaphore(%run_scoped3A : memref<!tpu.dma_semaphore, #tpu.memory_space<semaphore_mem>>)
      %dma_wait3A_118 = tpu.memref_slice %arg2[%mul3A_2] : memref<16384xi32, #tpu.memory_space<hbm>> -> memref<512xi32, #tpu.memory_space<hbm>>
      %dma_wait3A_119 = tpu.memref_slice %arg2[%mul3A_2] : memref<16384xi32, #tpu.memory_space<hbm>> -> memref<512xi32, #tpu.memory_space<hbm>>
      tpu.wait_dma2 semaphore(%run_scoped3A : memref<!tpu.dma_semaphore, #tpu.memory_space<semaphore_mem>>) src(%dma_wait3A_119 : memref<512xi32, #tpu.memory_space<hbm>>) dst(%arg8 : memref<512xi32, #tpu.memory_space<vmem>>)
      tpu.yield
    }) : () -> ()
    %mul3A_3 = arith.constant 512 : i32
    %mul3A_4 = arith.muli %add3A, %mul3A_3 : i32
    "tpu.region"() ({
      %run_scoped3A = tpu.sem_alloc : memref<!tpu.dma_semaphore, #tpu.memory_space<semaphore_mem>>
      %dma_start3A_116 = tpu.memref_slice %arg3[%mul3A_4] : memref<16384xi32, #tpu.memory_space<hbm>> -> memref<512xi32, #tpu.memory_space<hbm>>
      %dma_start3A_117 = tpu.memref_slice %arg3[%mul3A_4] : memref<16384xi32, #tpu.memory_space<hbm>> -> memref<512xi32, #tpu.memory_space<hbm>>
      tpu.enqueue_dma source(%dma_start3A_117 : memref<512xi32, #tpu.memory_space<hbm>>) target(%arg9 : memref<512xi32, #tpu.memory_space<vmem>>) target_semaphore(%run_scoped3A : memref<!tpu.dma_semaphore, #tpu.memory_space<semaphore_mem>>)
      %dma_wait3A_118 = tpu.memref_slice %arg3[%mul3A_4] : memref<16384xi32, #tpu.memory_space<hbm>> -> memref<512xi32, #tpu.memory_space<hbm>>
      %dma_wait3A_119 = tpu.memref_slice %arg3[%mul3A_4] : memref<16384xi32, #tpu.memory_space<hbm>> -> memref<512xi32, #tpu.memory_space<hbm>>
      tpu.wait_dma2 semaphore(%run_scoped3A : memref<!tpu.dma_semaphore, #tpu.memory_space<semaphore_mem>>) src(%dma_wait3A_119 : memref<512xi32, #tpu.memory_space<hbm>>) dst(%arg9 : memref<512xi32, #tpu.memory_space<vmem>>)
      tpu.yield
    }) : () -> ()
    %mul3A_5 = arith.constant 10240 : i32
    %mul3A_6 = arith.muli %add3A, %mul3A_5 : i32
    "tpu.region"() ({
      %run_scoped3A = tpu.sem_alloc : memref<!tpu.dma_semaphore, #tpu.memory_space<semaphore_mem>>
      %dma_start3A_116 = tpu.memref_slice %arg4[%mul3A_6] : memref<327680xi32, #tpu.memory_space<hbm>> -> memref<10240xi32, #tpu.memory_space<hbm>>
      %dma_start3A_117 = tpu.memref_slice %arg4[%mul3A_6] : memref<327680xi32, #tpu.memory_space<hbm>> -> memref<10240xi32, #tpu.memory_space<hbm>>
      tpu.enqueue_dma source(%dma_start3A_117 : memref<10240xi32, #tpu.memory_space<hbm>>) target(%arg10 : memref<10240xi32, #tpu.memory_space<vmem>>) target_semaphore(%run_scoped3A : memref<!tpu.dma_semaphore, #tpu.memory_space<semaphore_mem>>)
      %dma_wait3A_118 = tpu.memref_slice %arg4[%mul3A_6] : memref<327680xi32, #tpu.memory_space<hbm>> -> memref<10240xi32, #tpu.memory_space<hbm>>
      %dma_wait3A_119 = tpu.memref_slice %arg4[%mul3A_6] : memref<327680xi32, #tpu.memory_space<hbm>> -> memref<10240xi32, #tpu.memory_space<hbm>>
      tpu.wait_dma2 semaphore(%run_scoped3A : memref<!tpu.dma_semaphore, #tpu.memory_space<semaphore_mem>>) src(%dma_wait3A_119 : memref<10240xi32, #tpu.memory_space<hbm>>) dst(%arg10 : memref<10240xi32, #tpu.memory_space<vmem>>)
      tpu.yield
    }) : () -> ()
    %scan3A = arith.constant 0 : i32
    %scan3A_7 = arith.constant 0 : i32
    %scan3A_8 = arith.constant 32 : i32
    %scan3A_9 = arith.addi %scan3A_7, %scan3A_8 : i32
    %scan3A_10 = arith.constant 1 : i32
    %scan3A_11 = scf.for %scan3A_116 = %scan3A_7 to %scan3A_9 step %scan3A_10 iter_args(%scan3A_117 = %scan3A) -> (i32)  : i32 {
      %mul3A_118 = arith.constant 16 : i32
      %mul3A_119 = arith.muli %scan3A_116, %mul3A_118 : i32
      %get3A = arith.index_cast %mul3A_119 : i32 to index
      %get3A_120 = tpu.vector_load %arg8[%get3A] {strides = array<i32>} : memref<512xi32, #tpu.memory_space<vmem>>, vector<16xi32>,
      %shift_right_logical3A = arith.constant 19 : i32
      %shift_right_logical3A_121 = vector.broadcast %shift_right_logical3A : i32 to vector<16xi32>
      %shift_right_logical3A_122 = arith.shrui %get3A_120, %shift_right_logical3A_121 : vector<16xi32>
      %mul3A_123 = arith.constant 64 : i32
      %mul3A_124 = vector.broadcast %mul3A_123 : i32 to vector<16xi32>
      %mul3A_125 = arith.muli %shift_right_logical3A_122, %mul3A_124 : vector<16xi32>
      %mul3A_126 = arith.constant 16 : i32
      %mul3A_127 = arith.muli %scan3A_116, %mul3A_126 : i32
      %swap3A = arith.index_cast %mul3A_127 : i32 to index
      %swap3A_128 = tpu.vector_load %arg11[%swap3A] {strides = array<i32>} : memref<512xi32, #tpu.memory_space<vmem>>, vector<16xi32>,
      tpu.vector_store %arg11[%swap3A], %mul3A_125 {strides = array<i32>} : memref<512xi32, #tpu.memory_space<vmem>>, vector<16xi32>,
      %and3A = arith.constant 524287 : i32
      %and3A_129 = vector.broadcast %and3A : i32 to vector<16xi32>
      %and3A_130 = arith.andi %get3A_120, %and3A_129 : vector<16xi32>
      %mul3A_131 = arith.constant 16 : i32
      %mul3A_132 = arith.muli %scan3A_116, %mul3A_131 : i32
      %swap3A_133 = arith.index_cast %mul3A_132 : i32 to index
      %swap3A_134 = tpu.vector_load %arg8[%swap3A_133] {strides = array<i32>} : memref<512xi32, #tpu.memory_space<vmem>>, vector<16xi32>,
      tpu.vector_store %arg8[%swap3A_133], %and3A_130 {strides = array<i32>} : memref<512xi32, #tpu.memory_space<vmem>>, vector<16xi32>,
      %scan3A_135 = arith.constant 0 : i32
      scf.yield %scan3A_135 : i32
    }
    %scan3A_12 = arith.constant 32 : i32
    %scan3A_13 = arith.constant 0 : i32
    %scan3A_14 = arith.constant 0 : i32
    %scan3A_15 = arith.constant 32 : i32
    %scan3A_16 = arith.addi %scan3A_14, %scan3A_15 : i32
    %scan3A_17 = arith.constant 1 : i32
    %scan3A_18 = scf.for %scan3A_116 = %scan3A_14 to %scan3A_16 step %scan3A_17 iter_args(%scan3A_117 = %scan3A_13) -> (i32)  : i32 {
      %mul3A_118 = arith.constant 16 : i32
      %mul3A_119 = arith.muli %scan3A_116, %mul3A_118 : i32
      %get3A = arith.index_cast %mul3A_119 : i32 to index
      %get3A_120 = tpu.vector_load %arg9[%get3A] {strides = array<i32>} : memref<512xi32, #tpu.memory_space<vmem>>, vector<16xi32>,
      %shift_right_logical3A = arith.constant 19 : i32
      %shift_right_logical3A_121 = vector.broadcast %shift_right_logical3A : i32 to vector<16xi32>
      %shift_right_logical3A_122 = arith.shrui %get3A_120, %shift_right_logical3A_121 : vector<16xi32>
      %mul3A_123 = arith.constant 64 : i32
      %mul3A_124 = vector.broadcast %mul3A_123 : i32 to vector<16xi32>
      %mul3A_125 = arith.muli %shift_right_logical3A_122, %mul3A_124 : vector<16xi32>
      %mul3A_126 = arith.constant 16 : i32
      %mul3A_127 = arith.muli %scan3A_116, %mul3A_126 : i32
      %swap3A = arith.index_cast %mul3A_127 : i32 to index
      %swap3A_128 = tpu.vector_load %arg12[%swap3A] {strides = array<i32>} : memref<512xi32, #tpu.memory_space<vmem>>, vector<16xi32>,
      tpu.vector_store %arg12[%swap3A], %mul3A_125 {strides = array<i32>} : memref<512xi32, #tpu.memory_space<vmem>>, vector<16xi32>,
      %and3A = arith.constant 524287 : i32
      %and3A_129 = vector.broadcast %and3A : i32 to vector<16xi32>
      %and3A_130 = arith.andi %get3A_120, %and3A_129 : vector<16xi32>
      %mul3A_131 = arith.constant 16 : i32
      %mul3A_132 = arith.muli %scan3A_116, %mul3A_131 : i32
      %swap3A_133 = arith.index_cast %mul3A_132 : i32 to index
      %swap3A_134 = tpu.vector_load %arg9[%swap3A_133] {strides = array<i32>} : memref<512xi32, #tpu.memory_space<vmem>>, vector<16xi32>,
      tpu.vector_store %arg9[%swap3A_133], %and3A_130 {strides = array<i32>} : memref<512xi32, #tpu.memory_space<vmem>>, vector<16xi32>,
      %scan3A_135 = arith.constant 0 : i32
      scf.yield %scan3A_135 : i32
    }
    %scan3A_19 = arith.constant 32 : i32
    %scan3A_20 = arith.constant 0 : i32
    %scan3A_21 = arith.constant 0 : i32
    %scan3A_22 = arith.constant 640 : i32
    %scan3A_23 = arith.addi %scan3A_21, %scan3A_22 : i32
    %scan3A_24 = arith.constant 1 : i32
    %scan3A_25 = scf.for %scan3A_116 = %scan3A_21 to %scan3A_23 step %scan3A_24 iter_args(%scan3A_117 = %scan3A_20) -> (i32)  : i32 {
      %mul3A_118 = arith.constant 16 : i32
      %mul3A_119 = arith.muli %scan3A_116, %mul3A_118 : i32
      %get3A = arith.index_cast %mul3A_119 : i32 to index
      %get3A_120 = tpu.vector_load %arg10[%get3A] {strides = array<i32>} : memref<10240xi32, #tpu.memory_space<vmem>>, vector<16xi32>,
      %shift_right_logical3A = arith.constant 19 : i32
      %shift_right_logical3A_121 = vector.broadcast %shift_right_logical3A : i32 to vector<16xi32>
      %shift_right_logical3A_122 = arith.shrui %get3A_120, %shift_right_logical3A_121 : vector<16xi32>
      %mul3A_123 = arith.constant 64 : i32
      %mul3A_124 = vector.broadcast %mul3A_123 : i32 to vector<16xi32>
      %mul3A_125 = arith.muli %shift_right_logical3A_122, %mul3A_124 : vector<16xi32>
      %mul3A_126 = arith.constant 16 : i32
      %mul3A_127 = arith.muli %scan3A_116, %mul3A_126 : i32
      %swap3A = arith.index_cast %mul3A_127 : i32 to index
      %swap3A_128 = tpu.vector_load %arg13[%swap3A] {strides = array<i32>} : memref<10240xi32, #tpu.memory_space<vmem>>, vector<16xi32>,
      tpu.vector_store %arg13[%swap3A], %mul3A_125 {strides = array<i32>} : memref<10240xi32, #tpu.memory_space<vmem>>, vector<16xi32>,
      %and3A = arith.constant 524287 : i32
      %and3A_129 = vector.broadcast %and3A : i32 to vector<16xi32>
      %and3A_130 = arith.andi %get3A_120, %and3A_129 : vector<16xi32>
      %mul3A_131 = arith.constant 16 : i32
      %mul3A_132 = arith.muli %scan3A_116, %mul3A_131 : i32
      %swap3A_133 = arith.index_cast %mul3A_132 : i32 to index
      %swap3A_134 = tpu.vector_load %arg10[%swap3A_133] {strides = array<i32>} : memref<10240xi32, #tpu.memory_space<vmem>>, vector<16xi32>,
      tpu.vector_store %arg10[%swap3A_133], %and3A_130 {strides = array<i32>} : memref<10240xi32, #tpu.memory_space<vmem>>, vector<16xi32>,
      %scan3A_135 = arith.constant 0 : i32
      scf.yield %scan3A_135 : i32
    }
    %scan3A_26 = arith.constant 640 : i32
    %iota3A = tpu.iota {dimensions = array<i32: 0>} : vector<16xi32>
    %eq3A = arith.constant 15 : i32
    %eq3A_27 = vector.broadcast %eq3A : i32 to vector<16xi32>
    %eq3A_28 = arith.cmpi eq, %iota3A, %eq3A_27 : vector<16xi32>
    %dma_start3A = arith.constant 0 : i32
    %dma_start3A_29 = tpu.memref_slice %arg8[%dma_start3A] : memref<512xi32, #tpu.memory_space<vmem>> -> memref<16xi32, #tpu.memory_space<vmem>>
    %dma_start3A_30 = arith.constant 0 : i32
    %dma_start3A_31 = arith.constant 0 : i32
    %dma_start3A_32 = tpu.memref_slice %arg5[%dma_start3A_30, %dma_start3A_31] : memref<524288x128xf32, #tpu.memory_space<hbm>> -> memref<524288x128xf32, #tpu.memory_space<hbm>>
    tpu.enqueue_indirect_dma source(%dma_start3A_32 : memref<524288x128xf32, #tpu.memory_space<hbm>>) target(%arg14 : memref<16x128xf32, #tpu.memory_space<vmem>>) offsets(%dma_start3A_29 : memref<16xi32, #tpu.memory_space<vmem>>) semaphore(%arg21 : memref<!tpu.dma_semaphore, #tpu.memory_space<semaphore_mem>>)
    %dma_start3A_33 = arith.constant 0 : i32
    %dma_start3A_34 = tpu.memref_slice %arg9[%dma_start3A_33] : memref<512xi32, #tpu.memory_space<vmem>> -> memref<16xi32, #tpu.memory_space<vmem>>
    %dma_start3A_35 = arith.constant 0 : i32
    %dma_start3A_36 = arith.constant 0 : i32
    %dma_start3A_37 = tpu.memref_slice %arg6[%dma_start3A_35, %dma_start3A_36] : memref<524288x128xf32, #tpu.memory_space<hbm>> -> memref<524288x128xf32, #tpu.memory_space<hbm>>
    tpu.enqueue_indirect_dma source(%dma_start3A_37 : memref<524288x128xf32, #tpu.memory_space<hbm>>) target(%arg15 : memref<16x128xf32, #tpu.memory_space<vmem>>) offsets(%dma_start3A_34 : memref<16xi32, #tpu.memory_space<vmem>>) semaphore(%arg21 : memref<!tpu.dma_semaphore, #tpu.memory_space<semaphore_mem>>)
    %dma_start3A_38 = arith.constant 0 : i32
    %dma_start3A_39 = arith.constant 0 : i32
    %dma_start3A_40 = tpu.memref_slice %arg16[%dma_start3A_38, %dma_start3A_39] : memref<320x128xf32, #tpu.memory_space<vmem>> -> memref<128x128xf32, #tpu.memory_space<vmem>>
    %dma_start3A_41 = arith.constant 0 : i32
    %dma_start3A_42 = tpu.memref_slice %arg10[%dma_start3A_41] : memref<10240xi32, #tpu.memory_space<vmem>> -> memref<128xi32, #tpu.memory_space<vmem>>
    %dma_start3A_43 = arith.constant 0 : i32
    %dma_start3A_44 = arith.constant 0 : i32
    %dma_start3A_45 = tpu.memref_slice %arg6[%dma_start3A_43, %dma_start3A_44] : memref<524288x128xf32, #tpu.memory_space<hbm>> -> memref<524288x128xf32, #tpu.memory_space<hbm>>
    tpu.enqueue_indirect_dma source(%dma_start3A_45 : memref<524288x128xf32, #tpu.memory_space<hbm>>) target(%dma_start3A_40 : memref<128x128xf32, #tpu.memory_space<vmem>>) offsets(%dma_start3A_42 : memref<128xi32, #tpu.memory_space<vmem>>) semaphore(%arg21 : memref<!tpu.dma_semaphore, #tpu.memory_space<semaphore_mem>>)
    %dma_start3A_46 = arith.constant 128 : i32
    %dma_start3A_47 = arith.constant 0 : i32
    %dma_start3A_48 = tpu.memref_slice %arg16[%dma_start3A_46, %dma_start3A_47] : memref<320x128xf32, #tpu.memory_space<vmem>> -> memref<128x128xf32, #tpu.memory_space<vmem>>
    %dma_start3A_49 = arith.constant 128 : i32
    %dma_start3A_50 = tpu.memref_slice %arg10[%dma_start3A_49] : memref<10240xi32, #tpu.memory_space<vmem>> -> memref<128xi32, #tpu.memory_space<vmem>>
    %dma_start3A_51 = arith.constant 0 : i32
    %dma_start3A_52 = arith.constant 0 : i32
    %dma_start3A_53 = tpu.memref_slice %arg6[%dma_start3A_51, %dma_start3A_52] : memref<524288x128xf32, #tpu.memory_space<hbm>> -> memref<524288x128xf32, #tpu.memory_space<hbm>>
    tpu.enqueue_indirect_dma source(%dma_start3A_53 : memref<524288x128xf32, #tpu.memory_space<hbm>>) target(%dma_start3A_48 : memref<128x128xf32, #tpu.memory_space<vmem>>) offsets(%dma_start3A_50 : memref<128xi32, #tpu.memory_space<vmem>>) semaphore(%arg21 : memref<!tpu.dma_semaphore, #tpu.memory_space<semaphore_mem>>)
    %dma_start3A_54 = arith.constant 256 : i32
    %dma_start3A_55 = arith.constant 0 : i32
    %dma_start3A_56 = tpu.memref_slice %arg16[%dma_start3A_54, %dma_start3A_55] : memref<320x128xf32, #tpu.memory_space<vmem>> -> memref<64x128xf32, #tpu.memory_space<vmem>>
    %dma_start3A_57 = arith.constant 256 : i32
    %dma_start3A_58 = tpu.memref_slice %arg10[%dma_start3A_57] : memref<10240xi32, #tpu.memory_space<vmem>> -> memref<64xi32, #tpu.memory_space<vmem>>
    %dma_start3A_59 = arith.constant 0 : i32
    %dma_start3A_60 = arith.constant 0 : i32
    %dma_start3A_61 = tpu.memref_slice %arg6[%dma_start3A_59, %dma_start3A_60] : memref<524288x128xf32, #tpu.memory_space<hbm>> -> memref<524288x128xf32, #tpu.memory_space<hbm>>
    tpu.enqueue_indirect_dma source(%dma_start3A_61 : memref<524288x128xf32, #tpu.memory_space<hbm>>) target(%dma_start3A_56 : memref<64x128xf32, #tpu.memory_space<vmem>>) offsets(%dma_start3A_58 : memref<64xi32, #tpu.memory_space<vmem>>) semaphore(%arg21 : memref<!tpu.dma_semaphore, #tpu.memory_space<semaphore_mem>>)
    %scan3A_62 = arith.constant 0 : i32
    %scan3A_63 = arith.constant 0 : i32
    %scan3A_64 = arith.constant 16 : i32
    %scan3A_65 = arith.addi %scan3A_63, %scan3A_64 : i32
    %scan3A_66 = arith.constant 1 : i32
    %scan3A_67 = scf.for %scan3A_116 = %scan3A_63 to %scan3A_65 step %scan3A_66 iter_args(%scan3A_117 = %scan3A_62) -> (i32)  : i32 {
      %mul3A_118 = arith.constant 2 : i32
      %mul3A_119 = arith.muli %scan3A_116, %mul3A_118 : i32
      %add3A_120 = arith.constant 0 : i32
      %add3A_121 = arith.addi %mul3A_119, %add3A_120 : i32
      %dma_wait3A_122 = arith.constant 0 : i32
      %dma_wait3A_123 = arith.constant 0 : i32
      %dma_wait3A_124 = tpu.memref_slice %arg5[%dma_wait3A_122, %dma_wait3A_123] : memref<524288x128xf32, #tpu.memory_space<hbm>> -> memref<16x128xf32, #tpu.memory_space<hbm>>
      %dma_wait3A_125 = arith.constant 0 : i32
      %dma_wait3A_126 = arith.constant 0 : i32
      %dma_wait3A_127 = tpu.memref_slice %arg5[%dma_wait3A_125, %dma_wait3A_126] : memref<524288x128xf32, #tpu.memory_space<hbm>> -> memref<16x128xf32, #tpu.memory_space<hbm>>
      tpu.wait_dma2 semaphore(%arg21 : memref<!tpu.dma_semaphore, #tpu.memory_space<semaphore_mem>>) src(%dma_wait3A_127 : memref<16x128xf32, #tpu.memory_space<hbm>>) dst(%arg14 : memref<16x128xf32, #tpu.memory_space<vmem>>)
      %dma_wait3A_128 = arith.constant 0 : i32
      %dma_wait3A_129 = arith.constant 0 : i32
      %dma_wait3A_130 = tpu.memref_slice %arg6[%dma_wait3A_128, %dma_wait3A_129] : memref<524288x128xf32, #tpu.memory_space<hbm>> -> memref<16x128xf32, #tpu.memory_space<hbm>>
      %dma_wait3A_131 = arith.constant 0 : i32
      %dma_wait3A_132 = arith.constant 0 : i32
      %dma_wait3A_133 = tpu.memref_slice %arg6[%dma_wait3A_131, %dma_wait3A_132] : memref<524288x128xf32, #tpu.memory_space<hbm>> -> memref<16x128xf32, #tpu.memory_space<hbm>>
      tpu.wait_dma2 semaphore(%arg21 : memref<!tpu.dma_semaphore, #tpu.memory_space<semaphore_mem>>) src(%dma_wait3A_133 : memref<16x128xf32, #tpu.memory_space<hbm>>) dst(%arg15 : memref<16x128xf32, #tpu.memory_space<vmem>>)
      %dma_wait3A_134 = arith.constant 0 : i32
      %dma_wait3A_135 = arith.constant 0 : i32
      %dma_wait3A_136 = tpu.memref_slice %arg16[%dma_wait3A_134, %dma_wait3A_135] : memref<320x128xf32, #tpu.memory_space<vmem>> -> memref<128x128xf32, #tpu.memory_space<vmem>>
      %dma_wait3A_137 = arith.constant 0 : i32
      %dma_wait3A_138 = arith.constant 0 : i32
      %dma_wait3A_139 = tpu.memref_slice %arg6[%dma_wait3A_137, %dma_wait3A_138] : memref<524288x128xf32, #tpu.memory_space<hbm>> -> memref<128x128xf32, #tpu.memory_space<hbm>>
      %dma_wait3A_140 = arith.constant 0 : i32
      %dma_wait3A_141 = arith.constant 0 : i32
      %dma_wait3A_142 = tpu.memref_slice %arg16[%dma_wait3A_140, %dma_wait3A_141] : memref<320x128xf32, #tpu.memory_space<vmem>> -> memref<128x128xf32, #tpu.memory_space<vmem>>
      %dma_wait3A_143 = arith.constant 0 : i32
      %dma_wait3A_144 = arith.constant 0 : i32
      %dma_wait3A_145 = tpu.memref_slice %arg6[%dma_wait3A_143, %dma_wait3A_144] : memref<524288x128xf32, #tpu.memory_space<hbm>> -> memref<128x128xf32, #tpu.memory_space<hbm>>
      tpu.wait_dma2 semaphore(%arg21 : memref<!tpu.dma_semaphore, #tpu.memory_space<semaphore_mem>>) src(%dma_wait3A_145 : memref<128x128xf32, #tpu.memory_space<hbm>>) dst(%dma_wait3A_142 : memref<128x128xf32, #tpu.memory_space<vmem>>)
      %dma_wait3A_146 = arith.constant 128 : i32
      %dma_wait3A_147 = arith.constant 0 : i32
      %dma_wait3A_148 = tpu.memref_slice %arg16[%dma_wait3A_146, %dma_wait3A_147] : memref<320x128xf32, #tpu.memory_space<vmem>> -> memref<128x128xf32, #tpu.memory_space<vmem>>
      %dma_wait3A_149 = arith.constant 0 : i32
      %dma_wait3A_150 = arith.constant 0 : i32
      %dma_wait3A_151 = tpu.memref_slice %arg6[%dma_wait3A_149, %dma_wait3A_150] : memref<524288x128xf32, #tpu.memory_space<hbm>> -> memref<128x128xf32, #tpu.memory_space<hbm>>
      %dma_wait3A_152 = arith.constant 128 : i32
      %dma_wait3A_153 = arith.constant 0 : i32
      %dma_wait3A_154 = tpu.memref_slice %arg16[%dma_wait3A_152, %dma_wait3A_153] : memref<320x128xf32, #tpu.memory_space<vmem>> -> memref<128x128xf32, #tpu.memory_space<vmem>>
      %dma_wait3A_155 = arith.constant 0 : i32
      %dma_wait3A_156 = arith.constant 0 : i32
      %dma_wait3A_157 = tpu.memref_slice %arg6[%dma_wait3A_155, %dma_wait3A_156] : memref<524288x128xf32, #tpu.memory_space<hbm>> -> memref<128x128xf32, #tpu.memory_space<hbm>>
      tpu.wait_dma2 semaphore(%arg21 : memref<!tpu.dma_semaphore, #tpu.memory_space<semaphore_mem>>) src(%dma_wait3A_157 : memref<128x128xf32, #tpu.memory_space<hbm>>) dst(%dma_wait3A_154 : memref<128x128xf32, #tpu.memory_space<vmem>>)
      %dma_wait3A_158 = arith.constant 256 : i32
      %dma_wait3A_159 = arith.constant 0 : i32
      %dma_wait3A_160 = tpu.memref_slice %arg16[%dma_wait3A_158, %dma_wait3A_159] : memref<320x128xf32, #tpu.memory_space<vmem>> -> memref<64x128xf32, #tpu.memory_space<vmem>>
      %dma_wait3A_161 = arith.constant 0 : i32
      %dma_wait3A_162 = arith.constant 0 : i32
      %dma_wait3A_163 = tpu.memref_slice %arg6[%dma_wait3A_161, %dma_wait3A_162] : memref<524288x128xf32, #tpu.memory_space<hbm>> -> memref<64x128xf32, #tpu.memory_space<hbm>>
      %dma_wait3A_164 = arith.constant 256 : i32
      %dma_wait3A_165 = arith.constant 0 : i32
      %dma_wait3A_166 = tpu.memref_slice %arg16[%dma_wait3A_164, %dma_wait3A_165] : memref<320x128xf32, #tpu.memory_space<vmem>> -> memref<64x128xf32, #tpu.memory_space<vmem>>
      %dma_wait3A_167 = arith.constant 0 : i32
      %dma_wait3A_168 = arith.constant 0 : i32
      %dma_wait3A_169 = tpu.memref_slice %arg6[%dma_wait3A_167, %dma_wait3A_168] : memref<524288x128xf32, #tpu.memory_space<hbm>> -> memref<64x128xf32, #tpu.memory_space<hbm>>
      tpu.wait_dma2 semaphore(%arg21 : memref<!tpu.dma_semaphore, #tpu.memory_space<semaphore_mem>>) src(%dma_wait3A_169 : memref<64x128xf32, #tpu.memory_space<hbm>>) dst(%dma_wait3A_166 : memref<64x128xf32, #tpu.memory_space<vmem>>)
      %add3A_170 = arith.constant 1 : i32
      %add3A_171 = arith.addi %add3A_121, %add3A_170 : i32
      %min3A = arith.constant 31 : i32
      %min3A_172 = arith.minsi %add3A_171, %min3A : i32
      %mul3A_173 = arith.constant 16 : i32
      %mul3A_174 = arith.muli %min3A_172, %mul3A_173 : i32
      %dma_start3A_175 = tpu.memref_slice %arg8[%mul3A_174] : memref<512xi32, #tpu.memory_space<vmem>> -> memref<16xi32, #tpu.memory_space<vmem>>
      %dma_start3A_176 = arith.constant 0 : i32
      %dma_start3A_177 = arith.constant 0 : i32
      %dma_start3A_178 = tpu.memref_slice %arg5[%dma_start3A_176, %dma_start3A_177] : memref<524288x128xf32, #tpu.memory_space<hbm>> -> memref<524288x128xf32, #tpu.memory_space<hbm>>
      tpu.enqueue_indirect_dma source(%dma_start3A_178 : memref<524288x128xf32, #tpu.memory_space<hbm>>) target(%arg17 : memref<16x128xf32, #tpu.memory_space<vmem>>) offsets(%dma_start3A_175 : memref<16xi32, #tpu.memory_space<vmem>>) semaphore(%arg22 : memref<!tpu.dma_semaphore, #tpu.memory_space<semaphore_mem>>)
      %mul3A_179 = arith.constant 16 : i32
      %mul3A_180 = arith.muli %min3A_172, %mul3A_179 : i32
      %dma_start3A_181 = tpu.memref_slice %arg9[%mul3A_180] : memref<512xi32, #tpu.memory_space<vmem>> -> memref<16xi32, #tpu.memory_space<vmem>>
      %dma_start3A_182 = arith.constant 0 : i32
      %dma_start3A_183 = arith.constant 0 : i32
      %dma_start3A_184 = tpu.memref_slice %arg6[%dma_start3A_182, %dma_start3A_183] : memref<524288x128xf32, #tpu.memory_space<hbm>> -> memref<524288x128xf32, #tpu.memory_space<hbm>>
      tpu.enqueue_indirect_dma source(%dma_start3A_184 : memref<524288x128xf32, #tpu.memory_space<hbm>>) target(%arg18 : memref<16x128xf32, #tpu.memory_space<vmem>>) offsets(%dma_start3A_181 : memref<16xi32, #tpu.memory_space<vmem>>) semaphore(%arg22 : memref<!tpu.dma_semaphore, #tpu.memory_space<semaphore_mem>>)
      %mul3A_185 = arith.constant 320 : i32
      %mul3A_186 = arith.muli %min3A_172, %mul3A_185 : i32
      %add3A_187 = arith.constant 0 : i32
      %add3A_188 = arith.addi %mul3A_186, %add3A_187 : i32
      %dma_start3A_189 = arith.constant 0 : i32
      %dma_start3A_190 = arith.constant 0 : i32
      %dma_start3A_191 = tpu.memref_slice %arg19[%dma_start3A_189, %dma_start3A_190] : memref<320x128xf32, #tpu.memory_space<vmem>> -> memref<128x128xf32, #tpu.memory_space<vmem>>
      %dma_start3A_192 = tpu.memref_slice %arg10[%add3A_188] : memref<10240xi32, #tpu.memory_space<vmem>> -> memref<128xi32, #tpu.memory_space<vmem>>
      %dma_start3A_193 = arith.constant 0 : i32
      %dma_start3A_194 = arith.constant 0 : i32
      %dma_start3A_195 = tpu.memref_slice %arg6[%dma_start3A_193, %dma_start3A_194] : memref<524288x128xf32, #tpu.memory_space<hbm>> -> memref<524288x128xf32, #tpu.memory_space<hbm>>
      tpu.enqueue_indirect_dma source(%dma_start3A_195 : memref<524288x128xf32, #tpu.memory_space<hbm>>) target(%dma_start3A_191 : memref<128x128xf32, #tpu.memory_space<vmem>>) offsets(%dma_start3A_192 : memref<128xi32, #tpu.memory_space<vmem>>) semaphore(%arg22 : memref<!tpu.dma_semaphore, #tpu.memory_space<semaphore_mem>>)
      %mul3A_196 = arith.constant 320 : i32
      %mul3A_197 = arith.muli %min3A_172, %mul3A_196 : i32
      %add3A_198 = arith.constant 128 : i32
      %add3A_199 = arith.addi %mul3A_197, %add3A_198 : i32
      %dma_start3A_200 = arith.constant 128 : i32
      %dma_start3A_201 = arith.constant 0 : i32
      %dma_start3A_202 = tpu.memref_slice %arg19[%dma_start3A_200, %dma_start3A_201] : memref<320x128xf32, #tpu.memory_space<vmem>> -> memref<128x128xf32, #tpu.memory_space<vmem>>
      %dma_start3A_203 = tpu.memref_slice %arg10[%add3A_199] : memref<10240xi32, #tpu.memory_space<vmem>> -> memref<128xi32, #tpu.memory_space<vmem>>
      %dma_start3A_204 = arith.constant 0 : i32
      %dma_start3A_205 = arith.constant 0 : i32
      %dma_start3A_206 = tpu.memref_slice %arg6[%dma_start3A_204, %dma_start3A_205] : memref<524288x128xf32, #tpu.memory_space<hbm>> -> memref<524288x128xf32, #tpu.memory_space<hbm>>
      tpu.enqueue_indirect_dma source(%dma_start3A_206 : memref<524288x128xf32, #tpu.memory_space<hbm>>) target(%dma_start3A_202 : memref<128x128xf32, #tpu.memory_space<vmem>>) offsets(%dma_start3A_203 : memref<128xi32, #tpu.memory_space<vmem>>) semaphore(%arg22 : memref<!tpu.dma_semaphore, #tpu.memory_space<semaphore_mem>>)
      %mul3A_207 = arith.constant 320 : i32
      %mul3A_208 = arith.muli %min3A_172, %mul3A_207 : i32
      %add3A_209 = arith.constant 256 : i32
      %add3A_210 = arith.addi %mul3A_208, %add3A_209 : i32
      %dma_start3A_211 = arith.constant 256 : i32
      %dma_start3A_212 = arith.constant 0 : i32
      %dma_start3A_213 = tpu.memref_slice %arg19[%dma_start3A_211, %dma_start3A_212] : memref<320x128xf32, #tpu.memory_space<vmem>> -> memref<64x128xf32, #tpu.memory_space<vmem>>
      %dma_start3A_214 = tpu.memref_slice %arg10[%add3A_210] : memref<10240xi32, #tpu.memory_space<vmem>> -> memref<64xi32, #tpu.memory_space<vmem>>
      %dma_start3A_215 = arith.constant 0 : i32
      %dma_start3A_216 = arith.constant 0 : i32
      %dma_start3A_217 = tpu.memref_slice %arg6[%dma_start3A_215, %dma_start3A_216] : memref<524288x128xf32, #tpu.memory_space<hbm>> -> memref<524288x128xf32, #tpu.memory_space<hbm>>
      tpu.enqueue_indirect_dma source(%dma_start3A_217 : memref<524288x128xf32, #tpu.memory_space<hbm>>) target(%dma_start3A_213 : memref<64x128xf32, #tpu.memory_space<vmem>>) offsets(%dma_start3A_214 : memref<64xi32, #tpu.memory_space<vmem>>) semaphore(%arg22 : memref<!tpu.dma_semaphore, #tpu.memory_space<semaphore_mem>>)
      %mul3A_218 = arith.constant 512 : i32
      %mul3A_219 = arith.muli %add3A, %mul3A_218 : i32
      %mul3A_220 = arith.constant 16 : i32
      %mul3A_221 = arith.muli %add3A_121, %mul3A_220 : i32
      %add3A_222 = arith.addi %mul3A_219, %mul3A_221 : i32
      %scan3A_223 = arith.constant 0 : i32
      %scan3A_224 = arith.constant 0 : i32
      %scan3A_225 = arith.constant 16 : i32
      %scan3A_226 = arith.addi %scan3A_224, %scan3A_225 : i32
      %scan3A_227 = arith.constant 1 : i32
      %scan3A_228 = scf.for %scan3A_348 = %scan3A_224 to %scan3A_226 step %scan3A_227 iter_args(%scan3A_349 = %scan3A_223) -> (i32)  : i32 {
        %mul3A_350 = arith.constant 16 : i32
        %mul3A_351 = arith.muli %add3A_121, %mul3A_350 : i32
        %add3A_352 = arith.addi %mul3A_351, %scan3A_348 : i32
        %jit3A = arith.constant 16 : i32
        %div3A = arith.divsi %add3A_352, %jit3A : i32
        %sign3A = arith.constant 0 : i32
        %sign3A_353 = arith.cmpi sgt, %add3A_352, %sign3A : i32
        %sign3A_354 = arith.extui %sign3A_353 : i1 to i32
        %sign3A_355 = arith.constant 0 : i32
        %sign3A_356 = arith.cmpi slt, %add3A_352, %sign3A_355 : i32
        %sign3A_357 = arith.extui %sign3A_356 : i1 to i32
        %sign3A_358 = arith.subi %sign3A_354, %sign3A_357 : i32
        %sign3A_359 = arith.constant 0 : i32
        %sign3A_360 = arith.cmpi sgt, %jit3A, %sign3A_359 : i32
        %sign3A_361 = arith.extui %sign3A_360 : i1 to i32
        %sign3A_362 = arith.constant 0 : i32
        %sign3A_363 = arith.cmpi slt, %jit3A, %sign3A_362 : i32
        %sign3A_364 = arith.extui %sign3A_363 : i1 to i32
        %sign3A_365 = arith.subi %sign3A_361, %sign3A_364 : i32
        %ne3A = arith.cmpi ne, %sign3A_358, %sign3A_365 : i32
        %rem3A = arith.remsi %add3A_352, %jit3A : i32
        %ne3A_366 = arith.constant 0 : i32
        %ne3A_367 = arith.cmpi ne, %rem3A, %ne3A_366 : i32
        %and3A = arith.andi %ne3A, %ne3A_367 : i1
        %sub3A = arith.constant 1 : i32
        %sub3A_368 = arith.subi %div3A, %sub3A : i32
        %select_n3A = arith.select %and3A, %sub3A_368, %div3A : i32
        %mul3A_369 = arith.constant 16 : i32
        %mul3A_370 = arith.muli %select_n3A, %mul3A_369 : i32
        %get3A = arith.index_cast %mul3A_370 : i32 to index
        %get3A_371 = tpu.vector_load %arg11[%get3A] {strides = array<i32>} : memref<512xi32, #tpu.memory_space<vmem>>, vector<16xi32>,
        %jit3A_372 = arith.constant 16 : i32
        %eq3A_373 = arith.constant 0 : i32
        %eq3A_374 = arith.cmpi eq, %jit3A_372, %eq3A_373 : i32
        %jit3A_375 = arith.constant 1 : i32
        %select_n3A_376 = arith.select %eq3A_374, %jit3A_375, %jit3A_372 : i32
        %rem3A_377 = arith.remsi %add3A_352, %select_n3A_376 : i32
        %ne3A_378 = arith.constant 0 : i32
        %ne3A_379 = arith.cmpi ne, %rem3A_377, %ne3A_378 : i32
        %lt3A = arith.constant 0 : i32
        %lt3A_380 = arith.cmpi slt, %rem3A_377, %lt3A : i32
        %lt3A_381 = arith.constant 0 : i32
        %lt3A_382 = arith.cmpi slt, %select_n3A_376, %lt3A_381 : i32
        %ne3A_383 = arith.xori %lt3A_380, %lt3A_382 : i1
        %and3A_384 = arith.andi %ne3A_383, %ne3A_379 : i1
        %add3A_385 = arith.addi %rem3A_377, %select_n3A_376 : i32
        %select_n3A_386 = arith.select %and3A_384, %add3A_385, %rem3A_377 : i32
        %broadcast_in_dim3A = vector.broadcast %select_n3A_386 : i32 to vector<16xi32>
        %broadcast_in_dim3A_387 = vector.shape_cast %broadcast_in_dim3A : vector<16xi32> to vector<16x1xi32>
        %gather3A = vector.shape_cast %broadcast_in_dim3A_387 : vector<16x1xi32> to vector<16xi32>
        %gather3A_388 = tpu.dynamic_gather %get3A_371[%gather3A] in [0] : vector<16xi32>, vector<16xi32> -> vector<16xi32>
        %add3A_389 = arith.addi %gather3A_388, %iota3A : vector<16xi32>
        %broadcast_in_dim3A_390 = vector.broadcast %scan3A_348 : i32 to vector<16xi32>
        %add3A_391 = arith.constant 0 : i32
        %add3A_392 = vector.broadcast %add3A_391 : i32 to vector<16xi32>
        %add3A_393 = arith.addi %add3A_389, %add3A_392 : vector<16xi32>
        %gather3A_394 = tpu.vector_load_idx %arg14[%broadcast_in_dim3A_390, %add3A_393] : memref<16x128xf32, #tpu.memory_space<vmem>>[vector<16xi32>, vector<16xi32>], vector<16xf32>,
        %broadcast_in_dim3A_395 = vector.broadcast %scan3A_348 : i32 to vector<16xi32>
        %add3A_396 = arith.constant 16 : i32
        %add3A_397 = vector.broadcast %add3A_396 : i32 to vector<16xi32>
        %add3A_398 = arith.addi %add3A_389, %add3A_397 : vector<16xi32>
        %gather3A_399 = tpu.vector_load_idx %arg14[%broadcast_in_dim3A_395, %add3A_398] : memref<16x128xf32, #tpu.memory_space<vmem>>[vector<16xi32>, vector<16xi32>], vector<16xf32>,
        %broadcast_in_dim3A_400 = vector.broadcast %scan3A_348 : i32 to vector<16xi32>
        %add3A_401 = arith.constant 32 : i32
        %add3A_402 = vector.broadcast %add3A_401 : i32 to vector<16xi32>
        %add3A_403 = arith.addi %add3A_389, %add3A_402 : vector<16xi32>
        %gather3A_404 = tpu.vector_load_idx %arg14[%broadcast_in_dim3A_400, %add3A_403] : memref<16x128xf32, #tpu.memory_space<vmem>>[vector<16xi32>, vector<16xi32>], vector<16xf32>,
        %broadcast_in_dim3A_405 = vector.broadcast %scan3A_348 : i32 to vector<16xi32>
        %add3A_406 = arith.constant 48 : i32
        %add3A_407 = vector.broadcast %add3A_406 : i32 to vector<16xi32>
        %add3A_408 = arith.addi %add3A_389, %add3A_407 : vector<16xi32>
        %gather3A_409 = tpu.vector_load_idx %arg14[%broadcast_in_dim3A_405, %add3A_408] : memref<16x128xf32, #tpu.memory_space<vmem>>[vector<16xi32>, vector<16xi32>], vector<16xf32>,
        %mul3A_410 = arith.constant 16 : i32
        %mul3A_411 = arith.muli %add3A_121, %mul3A_410 : i32
        %add3A_412 = arith.addi %mul3A_411, %scan3A_348 : i32
        %jit3A_413 = arith.constant 16 : i32
        %div3A_414 = arith.divsi %add3A_412, %jit3A_413 : i32
        %sign3A_415 = arith.constant 0 : i32
        %sign3A_416 = arith.cmpi sgt, %add3A_412, %sign3A_415 : i32
        %sign3A_417 = arith.extui %sign3A_416 : i1 to i32
        %sign3A_418 = arith.constant 0 : i32
        %sign3A_419 = arith.cmpi slt, %add3A_412, %sign3A_418 : i32
        %sign3A_420 = arith.extui %sign3A_419 : i1 to i32
        %sign3A_421 = arith.subi %sign3A_417, %sign3A_420 : i32
        %sign3A_422 = arith.constant 0 : i32
        %sign3A_423 = arith.cmpi sgt, %jit3A_413, %sign3A_422 : i32
        %sign3A_424 = arith.extui %sign3A_423 : i1 to i32
        %sign3A_425 = arith.constant 0 : i32
        %sign3A_426 = arith.cmpi slt, %jit3A_413, %sign3A_425 : i32
        %sign3A_427 = arith.extui %sign3A_426 : i1 to i32
        %sign3A_428 = arith.subi %sign3A_424, %sign3A_427 : i32
        %ne3A_429 = arith.cmpi ne, %sign3A_421, %sign3A_428 : i32
        %rem3A_430 = arith.remsi %add3A_412, %jit3A_413 : i32
        %ne3A_431 = arith.constant 0 : i32
        %ne3A_432 = arith.cmpi ne, %rem3A_430, %ne3A_431 : i32
        %and3A_433 = arith.andi %ne3A_429, %ne3A_432 : i1
        %sub3A_434 = arith.constant 1 : i32
        %sub3A_435 = arith.subi %div3A_414, %sub3A_434 : i32
        %select_n3A_436 = arith.select %and3A_433, %sub3A_435, %div3A_414 : i32
        %mul3A_437 = arith.constant 16 : i32
        %mul3A_438 = arith.muli %select_n3A_436, %mul3A_437 : i32
        %get3A_439 = arith.index_cast %mul3A_438 : i32 to index
        %get3A_440 = tpu.vector_load %arg12[%get3A_439] {strides = array<i32>} : memref<512xi32, #tpu.memory_space<vmem>>, vector<16xi32>,
        %jit3A_441 = arith.constant 16 : i32
        %eq3A_442 = arith.constant 0 : i32
        %eq3A_443 = arith.cmpi eq, %jit3A_441, %eq3A_442 : i32
        %jit3A_444 = arith.constant 1 : i32
        %select_n3A_445 = arith.select %eq3A_443, %jit3A_444, %jit3A_441 : i32
        %rem3A_446 = arith.remsi %add3A_412, %select_n3A_445 : i32
        %ne3A_447 = arith.constant 0 : i32
        %ne3A_448 = arith.cmpi ne, %rem3A_446, %ne3A_447 : i32
        %lt3A_449 = arith.constant 0 : i32
        %lt3A_450 = arith.cmpi slt, %rem3A_446, %lt3A_449 : i32
        %lt3A_451 = arith.constant 0 : i32
        %lt3A_452 = arith.cmpi slt, %select_n3A_445, %lt3A_451 : i32
        %ne3A_453 = arith.xori %lt3A_450, %lt3A_452 : i1
        %and3A_454 = arith.andi %ne3A_453, %ne3A_448 : i1
        %add3A_455 = arith.addi %rem3A_446, %select_n3A_445 : i32
        %select_n3A_456 = arith.select %and3A_454, %add3A_455, %rem3A_446 : i32
        %broadcast_in_dim3A_457 = vector.broadcast %select_n3A_456 : i32 to vector<16xi32>
        %broadcast_in_dim3A_458 = vector.shape_cast %broadcast_in_dim3A_457 : vector<16xi32> to vector<16x1xi32>
        %gather3A_459 = vector.shape_cast %broadcast_in_dim3A_458 : vector<16x1xi32> to vector<16xi32>
        %gather3A_460 = tpu.dynamic_gather %get3A_440[%gather3A_459] in [0] : vector<16xi32>, vector<16xi32> -> vector<16xi32>
        %mul3A_461 = arith.constant 21 : i32
        %mul3A_462 = arith.muli %scan3A_348, %mul3A_461 : i32
        %add3A_463 = arith.addi %gather3A_460, %iota3A : vector<16xi32>
        %broadcast_in_dim3A_464 = vector.broadcast %scan3A_348 : i32 to vector<16xi32>
        %add3A_465 = arith.constant 0 : i32
        %add3A_466 = vector.broadcast %add3A_465 : i32 to vector<16xi32>
        %add3A_467 = arith.addi %add3A_463, %add3A_466 : vector<16xi32>
        %gather3A_468 = tpu.vector_load_idx %arg15[%broadcast_in_dim3A_464, %add3A_467] : memref<16x128xf32, #tpu.memory_space<vmem>>[vector<16xi32>, vector<16xi32>], vector<16xf32>,
        %broadcast_in_dim3A_469 = vector.broadcast %scan3A_348 : i32 to vector<16xi32>
        %add3A_470 = arith.constant 16 : i32
        %add3A_471 = vector.broadcast %add3A_470 : i32 to vector<16xi32>
        %add3A_472 = arith.addi %add3A_463, %add3A_471 : vector<16xi32>
        %gather3A_473 = tpu.vector_load_idx %arg15[%broadcast_in_dim3A_469, %add3A_472] : memref<16x128xf32, #tpu.memory_space<vmem>>[vector<16xi32>, vector<16xi32>], vector<16xf32>,
        %broadcast_in_dim3A_474 = vector.broadcast %scan3A_348 : i32 to vector<16xi32>
        %add3A_475 = arith.constant 32 : i32
        %add3A_476 = vector.broadcast %add3A_475 : i32 to vector<16xi32>
        %add3A_477 = arith.addi %add3A_463, %add3A_476 : vector<16xi32>
        %gather3A_478 = tpu.vector_load_idx %arg15[%broadcast_in_dim3A_474, %add3A_477] : memref<16x128xf32, #tpu.memory_space<vmem>>[vector<16xi32>, vector<16xi32>], vector<16xf32>,
        %broadcast_in_dim3A_479 = vector.broadcast %scan3A_348 : i32 to vector<16xi32>
        %add3A_480 = arith.constant 48 : i32
        %add3A_481 = vector.broadcast %add3A_480 : i32 to vector<16xi32>
        %add3A_482 = arith.addi %add3A_463, %add3A_481 : vector<16xi32>
        %gather3A_483 = tpu.vector_load_idx %arg15[%broadcast_in_dim3A_479, %add3A_482] : memref<16x128xf32, #tpu.memory_space<vmem>>[vector<16xi32>, vector<16xi32>], vector<16xf32>,
        %mul3A_484 = arith.mulf %gather3A_394, %gather3A_468 : vector<16xf32>
        %mul3A_485 = arith.mulf %gather3A_399, %gather3A_473 : vector<16xf32>
        %add3A_486 = arith.addf %mul3A_484, %mul3A_485 : vector<16xf32>
        %mul3A_487 = arith.mulf %gather3A_404, %gather3A_478 : vector<16xf32>
        %mul3A_488 = arith.mulf %gather3A_409, %gather3A_483 : vector<16xf32>
        %add3A_489 = arith.addf %mul3A_487, %mul3A_488 : vector<16xf32>
        %add3A_490 = arith.addf %add3A_486, %add3A_489 : vector<16xf32>
        %broadcast_in_dim3A_491 = arith.constant true
        %broadcast_in_dim3A_492 = vector.broadcast %broadcast_in_dim3A_491 : i1 to vector<16xi1>
        %masked_cumsum3A = tpu.scan <sum>, %add3A_490 masked %broadcast_in_dim3A_492 : vector<16xf32>, vector<16xi1> -> vector<16xf32>
        %broadcast_in_dim3A_493 = vector.broadcast %mul3A_462 : i32 to vector<16xi32>
        tpu.vector_store_idx %arg20[%broadcast_in_dim3A_493], %masked_cumsum3A masked %eq3A_28 : memref<336xf32, #tpu.memory_space<vmem>>[vector<16xi32>], vector<16xf32>, vector<16xi1>
        %mul3A_494 = arith.constant 20 : i32
        %mul3A_495 = arith.muli %scan3A_348, %mul3A_494 : i32
        %add3A_496 = arith.constant 0 : i32
        %add3A_497 = arith.addi %mul3A_495, %add3A_496 : i32
        %mul3A_498 = arith.constant 320 : i32
        %mul3A_499 = arith.muli %add3A_121, %mul3A_498 : i32
        %add3A_500 = arith.addi %mul3A_499, %add3A_497 : i32
        %jit3A_501 = arith.constant 16 : i32
        %div3A_502 = arith.divsi %add3A_500, %jit3A_501 : i32
        %sign3A_503 = arith.constant 0 : i32
        %sign3A_504 = arith.cmpi sgt, %add3A_500, %sign3A_503 : i32
        %sign3A_505 = arith.extui %sign3A_504 : i1 to i32
        %sign3A_506 = arith.constant 0 : i32
        %sign3A_507 = arith.cmpi slt, %add3A_500, %sign3A_506 : i32
        %sign3A_508 = arith.extui %sign3A_507 : i1 to i32
        %sign3A_509 = arith.subi %sign3A_505, %sign3A_508 : i32
        %sign3A_510 = arith.constant 0 : i32
        %sign3A_511 = arith.cmpi sgt, %jit3A_501, %sign3A_510 : i32
        %sign3A_512 = arith.extui %sign3A_511 : i1 to i32
        %sign3A_513 = arith.constant 0 : i32
        %sign3A_514 = arith.cmpi slt, %jit3A_501, %sign3A_513 : i32
        %sign3A_515 = arith.extui %sign3A_514 : i1 to i32
        %sign3A_516 = arith.subi %sign3A_512, %sign3A_515 : i32
        %ne3A_517 = arith.cmpi ne, %sign3A_509, %sign3A_516 : i32
        %rem3A_518 = arith.remsi %add3A_500, %jit3A_501 : i32
        %ne3A_519 = arith.constant 0 : i32
        %ne3A_520 = arith.cmpi ne, %rem3A_518, %ne3A_519 : i32
        %and3A_521 = arith.andi %ne3A_517, %ne3A_520 : i1
        %sub3A_522 = arith.constant 1 : i32
        %sub3A_523 = arith.subi %div3A_502, %sub3A_522 : i32
        %select_n3A_524 = arith.select %and3A_521, %sub3A_523, %div3A_502 : i32
        %mul3A_525 = arith.constant 16 : i32
        %mul3A_526 = arith.muli %select_n3A_524, %mul3A_525 : i32
        %get3A_527 = arith.index_cast %mul3A_526 : i32 to index
        %get3A_528 = tpu.vector_load %arg13[%get3A_527] {strides = array<i32>} : memref<10240xi32, #tpu.memory_space<vmem>>, vector<16xi32>,
        %jit3A_529 = arith.constant 16 : i32
        %eq3A_530 = arith.constant 0 : i32
        %eq3A_531 = arith.cmpi eq, %jit3A_529, %eq3A_530 : i32
        %jit3A_532 = arith.constant 1 : i32
        %select_n3A_533 = arith.select %eq3A_531, %jit3A_532, %jit3A_529 : i32
        %rem3A_534 = arith.remsi %add3A_500, %select_n3A_533 : i32
        %ne3A_535 = arith.constant 0 : i32
        %ne3A_536 = arith.cmpi ne, %rem3A_534, %ne3A_535 : i32
        %lt3A_537 = arith.constant 0 : i32
        %lt3A_538 = arith.cmpi slt, %rem3A_534, %lt3A_537 : i32
        %lt3A_539 = arith.constant 0 : i32
        %lt3A_540 = arith.cmpi slt, %select_n3A_533, %lt3A_539 : i32
        %ne3A_541 = arith.xori %lt3A_538, %lt3A_540 : i1
        %and3A_542 = arith.andi %ne3A_541, %ne3A_536 : i1
        %add3A_543 = arith.addi %rem3A_534, %select_n3A_533 : i32
        %select_n3A_544 = arith.select %and3A_542, %add3A_543, %rem3A_534 : i32
        %broadcast_in_dim3A_545 = vector.broadcast %select_n3A_544 : i32 to vector<16xi32>
        %broadcast_in_dim3A_546 = vector.shape_cast %broadcast_in_dim3A_545 : vector<16xi32> to vector<16x1xi32>
        %gather3A_547 = vector.shape_cast %broadcast_in_dim3A_546 : vector<16x1xi32> to vector<16xi32>
        %gather3A_548 = tpu.dynamic_gather %get3A_528[%gather3A_547] in [0] : vector<16xi32>, vector<16xi32> -> vector<16xi32>
        %mul3A_549 = arith.constant 21 : i32
        %mul3A_550 = arith.muli %scan3A_348, %mul3A_549 : i32
        %add3A_551 = arith.constant 1 : i32
        %add3A_552 = arith.addi %mul3A_550, %add3A_551 : i32
        %add3A_553 = arith.addi %gather3A_548, %iota3A : vector<16xi32>
        %broadcast_in_dim3A_554 = vector.broadcast %add3A_497 : i32 to vector<16xi32>
        %add3A_555 = arith.constant 0 : i32
        %add3A_556 = vector.broadcast %add3A_555 : i32 to vector<16xi32>
        %add3A_557 = arith.addi %add3A_553, %add3A_556 : vector<16xi32>
        %gather3A_558 = tpu.vector_load_idx %arg16[%broadcast_in_dim3A_554, %add3A_557] : memref<320x128xf32, #tpu.memory_space<vmem>>[vector<16xi32>, vector<16xi32>], vector<16xf32>,
        %broadcast_in_dim3A_559 = vector.broadcast %add3A_497 : i32 to vector<16xi32>
        %add3A_560 = arith.constant 16 : i32
        %add3A_561 = vector.broadcast %add3A_560 : i32 to vector<16xi32>
        %add3A_562 = arith.addi %add3A_553, %add3A_561 : vector<16xi32>
        %gather3A_563 = tpu.vector_load_idx %arg16[%broadcast_in_dim3A_559, %add3A_562] : memref<320x128xf32, #tpu.memory_space<vmem>>[vector<16xi32>, vector<16xi32>], vector<16xf32>,
        %broadcast_in_dim3A_564 = vector.broadcast %add3A_497 : i32 to vector<16xi32>
        %add3A_565 = arith.constant 32 : i32
        %add3A_566 = vector.broadcast %add3A_565 : i32 to vector<16xi32>
        %add3A_567 = arith.addi %add3A_553, %add3A_566 : vector<16xi32>
        %gather3A_568 = tpu.vector_load_idx %arg16[%broadcast_in_dim3A_564, %add3A_567] : memref<320x128xf32, #tpu.memory_space<vmem>>[vector<16xi32>, vector<16xi32>], vector<16xf32>,
        %broadcast_in_dim3A_569 = vector.broadcast %add3A_497 : i32 to vector<16xi32>
        %add3A_570 = arith.constant 48 : i32
        %add3A_571 = vector.broadcast %add3A_570 : i32 to vector<16xi32>
        %add3A_572 = arith.addi %add3A_553, %add3A_571 : vector<16xi32>
        %gather3A_573 = tpu.vector_load_idx %arg16[%broadcast_in_dim3A_569, %add3A_572] : memref<320x128xf32, #tpu.memory_space<vmem>>[vector<16xi32>, vector<16xi32>], vector<16xf32>,
        %mul3A_574 = arith.mulf %gather3A_394, %gather3A_558 : vector<16xf32>
        %mul3A_575 = arith.mulf %gather3A_399, %gather3A_563 : vector<16xf32>
        %add3A_576 = arith.addf %mul3A_574, %mul3A_575 : vector<16xf32>
        %mul3A_577 = arith.mulf %gather3A_404, %gather3A_568 : vector<16xf32>
        %mul3A_578 = arith.mulf %gather3A_409, %gather3A_573 : vector<16xf32>
        %add3A_579 = arith.addf %mul3A_577, %mul3A_578 : vector<16xf32>
        %add3A_580 = arith.addf %add3A_576, %add3A_579 : vector<16xf32>
        %broadcast_in_dim3A_581 = arith.constant true
        %broadcast_in_dim3A_582 = vector.broadcast %broadcast_in_dim3A_581 : i1 to vector<16xi1>
        %masked_cumsum3A_583 = tpu.scan <sum>, %add3A_580 masked %broadcast_in_dim3A_582 : vector<16xf32>, vector<16xi1> -> vector<16xf32>
        %broadcast_in_dim3A_584 = vector.broadcast %add3A_552 : i32 to vector<16xi32>
        tpu.vector_store_idx %arg20[%broadcast_in_dim3A_584], %masked_cumsum3A_583 masked %eq3A_28 : memref<336xf32, #tpu.memory_space<vmem>>[vector<16xi32>], vector<16xf32>, vector<16xi1>
        %mul3A_585 = arith.constant 20 : i32
        %mul3A_586 = arith.muli %scan3A_348, %mul3A_585 : i32
        %add3A_587 = arith.constant 1 : i32
        %add3A_588 = arith.addi %mul3A_586, %add3A_587 : i32
        %mul3A_589 = arith.constant 320 : i32
        %mul3A_590 = arith.muli %add3A_121, %mul3A_589 : i32
        %add3A_591 = arith.addi %mul3A_590, %add3A_588 : i32
        %jit3A_592 = arith.constant 16 : i32
        %div3A_593 = arith.divsi %add3A_591, %jit3A_592 : i32
        %sign3A_594 = arith.constant 0 : i32
        %sign3A_595 = arith.cmpi sgt, %add3A_591, %sign3A_594 : i32
        %sign3A_596 = arith.extui %sign3A_595 : i1 to i32
        %sign3A_597 = arith.constant 0 : i32
        %sign3A_598 = arith.cmpi slt, %add3A_591, %sign3A_597 : i32
        %sign3A_599 = arith.extui %sign3A_598 : i1 to i32
        %sign3A_600 = arith.subi %sign3A_596, %sign3A_599 : i32
        %sign3A_601 = arith.constant 0 : i32
        %sign3A_602 = arith.cmpi sgt, %jit3A_592, %sign3A_601 : i32
        %sign3A_603 = arith.extui %sign3A_602 : i1 to i32
        %sign3A_604 = arith.constant 0 : i32
        %sign3A_605 = arith.cmpi slt, %jit3A_592, %sign3A_604 : i32
        %sign3A_606 = arith.extui %sign3A_605 : i1 to i32
        %sign3A_607 = arith.subi %sign3A_603, %sign3A_606 : i32
        %ne3A_608 = arith.cmpi ne, %sign3A_600, %sign3A_607 : i32
        %rem3A_609 = arith.remsi %add3A_591, %jit3A_592 : i32
        %ne3A_610 = arith.constant 0 : i32
        %ne3A_611 = arith.cmpi ne, %rem3A_609, %ne3A_610 : i32
        %and3A_612 = arith.andi %ne3A_608, %ne3A_611 : i1
        %sub3A_613 = arith.constant 1 : i32
        %sub3A_614 = arith.subi %div3A_593, %sub3A_613 : i32
        %select_n3A_615 = arith.select %and3A_612, %sub3A_614, %div3A_593 : i32
        %mul3A_616 = arith.constant 16 : i32
        %mul3A_617 = arith.muli %select_n3A_615, %mul3A_616 : i32
        %get3A_618 = arith.index_cast %mul3A_617 : i32 to index
        %get3A_619 = tpu.vector_load %arg13[%get3A_618] {strides = array<i32>} : memref<10240xi32, #tpu.memory_space<vmem>>, vector<16xi32>,
        %jit3A_620 = arith.constant 16 : i32
        %eq3A_621 = arith.constant 0 : i32
        %eq3A_622 = arith.cmpi eq, %jit3A_620, %eq3A_621 : i32
        %jit3A_623 = arith.constant 1 : i32
        %select_n3A_624 = arith.select %eq3A_622, %jit3A_623, %jit3A_620 : i32
        %rem3A_625 = arith.remsi %add3A_591, %select_n3A_624 : i32
        %ne3A_626 = arith.constant 0 : i32
        %ne3A_627 = arith.cmpi ne, %rem3A_625, %ne3A_626 : i32
        %lt3A_628 = arith.constant 0 : i32
        %lt3A_629 = arith.cmpi slt, %rem3A_625, %lt3A_628 : i32
        %lt3A_630 = arith.constant 0 : i32
        %lt3A_631 = arith.cmpi slt, %select_n3A_624, %lt3A_630 : i32
        %ne3A_632 = arith.xori %lt3A_629, %lt3A_631 : i1
        %and3A_633 = arith.andi %ne3A_632, %ne3A_627 : i1
        %add3A_634 = arith.addi %rem3A_625, %select_n3A_624 : i32
        %select_n3A_635 = arith.select %and3A_633, %add3A_634, %rem3A_625 : i32
        %broadcast_in_dim3A_636 = vector.broadcast %select_n3A_635 : i32 to vector<16xi32>
        %broadcast_in_dim3A_637 = vector.shape_cast %broadcast_in_dim3A_636 : vector<16xi32> to vector<16x1xi32>
        %gather3A_638 = vector.shape_cast %broadcast_in_dim3A_637 : vector<16x1xi32> to vector<16xi32>
        %gather3A_639 = tpu.dynamic_gather %get3A_619[%gather3A_638] in [0] : vector<16xi32>, vector<16xi32> -> vector<16xi32>
        %mul3A_640 = arith.constant 21 : i32
        %mul3A_641 = arith.muli %scan3A_348, %mul3A_640 : i32
        %add3A_642 = arith.constant 2 : i32
        %add3A_643 = arith.addi %mul3A_641, %add3A_642 : i32
        %add3A_644 = arith.addi %gather3A_639, %iota3A : vector<16xi32>
        %broadcast_in_dim3A_645 = vector.broadcast %add3A_588 : i32 to vector<16xi32>
        %add3A_646 = arith.constant 0 : i32
        %add3A_647 = vector.broadcast %add3A_646 : i32 to vector<16xi32>
        %add3A_648 = arith.addi %add3A_644, %add3A_647 : vector<16xi32>
        %gather3A_649 = tpu.vector_load_idx %arg16[%broadcast_in_dim3A_645, %add3A_648] : memref<320x128xf32, #tpu.memory_space<vmem>>[vector<16xi32>, vector<16xi32>], vector<16xf32>,
        %broadcast_in_dim3A_650 = vector.broadcast %add3A_588 : i32 to vector<16xi32>
        %add3A_651 = arith.constant 16 : i32
        %add3A_652 = vector.broadcast %add3A_651 : i32 to vector<16xi32>
        %add3A_653 = arith.addi %add3A_644, %add3A_652 : vector<16xi32>
        %gather3A_654 = tpu.vector_load_idx %arg16[%broadcast_in_dim3A_650, %add3A_653] : memref<320x128xf32, #tpu.memory_space<vmem>>[vector<16xi32>, vector<16xi32>], vector<16xf32>,
        %broadcast_in_dim3A_655 = vector.broadcast %add3A_588 : i32 to vector<16xi32>
        %add3A_656 = arith.constant 32 : i32
        %add3A_657 = vector.broadcast %add3A_656 : i32 to vector<16xi32>
        %add3A_658 = arith.addi %add3A_644, %add3A_657 : vector<16xi32>
        %gather3A_659 = tpu.vector_load_idx %arg16[%broadcast_in_dim3A_655, %add3A_658] : memref<320x128xf32, #tpu.memory_space<vmem>>[vector<16xi32>, vector<16xi32>], vector<16xf32>,
        %broadcast_in_dim3A_660 = vector.broadcast %add3A_588 : i32 to vector<16xi32>
        %add3A_661 = arith.constant 48 : i32
        %add3A_662 = vector.broadcast %add3A_661 : i32 to vector<16xi32>
        %add3A_663 = arith.addi %add3A_644, %add3A_662 : vector<16xi32>
        %gather3A_664 = tpu.vector_load_idx %arg16[%broadcast_in_dim3A_660, %add3A_663] : memref<320x128xf32, #tpu.memory_space<vmem>>[vector<16xi32>, vector<16xi32>], vector<16xf32>,
        %mul3A_665 = arith.mulf %gather3A_394, %gather3A_649 : vector<16xf32>
        %mul3A_666 = arith.mulf %gather3A_399, %gather3A_654 : vector<16xf32>
        %add3A_667 = arith.addf %mul3A_665, %mul3A_666 : vector<16xf32>
        %mul3A_668 = arith.mulf %gather3A_404, %gather3A_659 : vector<16xf32>
        %mul3A_669 = arith.mulf %gather3A_409, %gather3A_664 : vector<16xf32>
        %add3A_670 = arith.addf %mul3A_668, %mul3A_669 : vector<16xf32>
        %add3A_671 = arith.addf %add3A_667, %add3A_670 : vector<16xf32>
        %broadcast_in_dim3A_672 = arith.constant true
        %broadcast_in_dim3A_673 = vector.broadcast %broadcast_in_dim3A_672 : i1 to vector<16xi1>
        %masked_cumsum3A_674 = tpu.scan <sum>, %add3A_671 masked %broadcast_in_dim3A_673 : vector<16xf32>, vector<16xi1> -> vector<16xf32>
        %broadcast_in_dim3A_675 = vector.broadcast %add3A_643 : i32 to vector<16xi32>
        tpu.vector_store_idx %arg20[%broadcast_in_dim3A_675], %masked_cumsum3A_674 masked %eq3A_28 : memref<336xf32, #tpu.memory_space<vmem>>[vector<16xi32>], vector<16xf32>, vector<16xi1>
        %mul3A_676 = arith.constant 20 : i32
        %mul3A_677 = arith.muli %scan3A_348, %mul3A_676 : i32
        %add3A_678 = arith.constant 2 : i32
        %add3A_679 = arith.addi %mul3A_677, %add3A_678 : i32
        %mul3A_680 = arith.constant 320 : i32
        %mul3A_681 = arith.muli %add3A_121, %mul3A_680 : i32
        %add3A_682 = arith.addi %mul3A_681, %add3A_679 : i32
        %jit3A_683 = arith.constant 16 : i32
        %div3A_684 = arith.divsi %add3A_682, %jit3A_683 : i32
        %sign3A_685 = arith.constant 0 : i32
        %sign3A_686 = arith.cmpi sgt, %add3A_682, %sign3A_685 : i32
        %sign3A_687 = arith.extui %sign3A_686 : i1 to i32
        %sign3A_688 = arith.constant 0 : i32
        %sign3A_689 = arith.cmpi slt, %add3A_682, %sign3A_688 : i32
        %sign3A_690 = arith.extui %sign3A_689 : i1 to i32
        %sign3A_691 = arith.subi %sign3A_687, %sign3A_690 : i32
        %sign3A_692 = arith.constant 0 : i32
        %sign3A_693 = arith.cmpi sgt, %jit3A_683, %sign3A_692 : i32
        %sign3A_694 = arith.extui %sign3A_693 : i1 to i32
        %sign3A_695 = arith.constant 0 : i32
        %sign3A_696 = arith.cmpi slt, %jit3A_683, %sign3A_695 : i32
        %sign3A_697 = arith.extui %sign3A_696 : i1 to i32
        %sign3A_698 = arith.subi %sign3A_694, %sign3A_697 : i32
        %ne3A_699 = arith.cmpi ne, %sign3A_691, %sign3A_698 : i32
        %rem3A_700 = arith.remsi %add3A_682, %jit3A_683 : i32
        %ne3A_701 = arith.constant 0 : i32
        %ne3A_702 = arith.cmpi ne, %rem3A_700, %ne3A_701 : i32
        %and3A_703 = arith.andi %ne3A_699, %ne3A_702 : i1
        %sub3A_704 = arith.constant 1 : i32
        %sub3A_705 = arith.subi %div3A_684, %sub3A_704 : i32
        %select_n3A_706 = arith.select %and3A_703, %sub3A_705, %div3A_684 : i32
        %mul3A_707 = arith.constant 16 : i32
        %mul3A_708 = arith.muli %select_n3A_706, %mul3A_707 : i32
        %get3A_709 = arith.index_cast %mul3A_708 : i32 to index
        %get3A_710 = tpu.vector_load %arg13[%get3A_709] {strides = array<i32>} : memref<10240xi32, #tpu.memory_space<vmem>>, vector<16xi32>,
        %jit3A_711 = arith.constant 16 : i32
        %eq3A_712 = arith.constant 0 : i32
        %eq3A_713 = arith.cmpi eq, %jit3A_711, %eq3A_712 : i32
        %jit3A_714 = arith.constant 1 : i32
        %select_n3A_715 = arith.select %eq3A_713, %jit3A_714, %jit3A_711 : i32
        %rem3A_716 = arith.remsi %add3A_682, %select_n3A_715 : i32
        %ne3A_717 = arith.constant 0 : i32
        %ne3A_718 = arith.cmpi ne, %rem3A_716, %ne3A_717 : i32
        %lt3A_719 = arith.constant 0 : i32
        %lt3A_720 = arith.cmpi slt, %rem3A_716, %lt3A_719 : i32
        %lt3A_721 = arith.constant 0 : i32
        %lt3A_722 = arith.cmpi slt, %select_n3A_715, %lt3A_721 : i32
        %ne3A_723 = arith.xori %lt3A_720, %lt3A_722 : i1
        %and3A_724 = arith.andi %ne3A_723, %ne3A_718 : i1
        %add3A_725 = arith.addi %rem3A_716, %select_n3A_715 : i32
        %select_n3A_726 = arith.select %and3A_724, %add3A_725, %rem3A_716 : i32
        %broadcast_in_dim3A_727 = vector.broadcast %select_n3A_726 : i32 to vector<16xi32>
        %broadcast_in_dim3A_728 = vector.shape_cast %broadcast_in_dim3A_727 : vector<16xi32> to vector<16x1xi32>
        %gather3A_729 = vector.shape_cast %broadcast_in_dim3A_728 : vector<16x1xi32> to vector<16xi32>
        %gather3A_730 = tpu.dynamic_gather %get3A_710[%gather3A_729] in [0] : vector<16xi32>, vector<16xi32> -> vector<16xi32>
        %mul3A_731 = arith.constant 21 : i32
        %mul3A_732 = arith.muli %scan3A_348, %mul3A_731 : i32
        %add3A_733 = arith.constant 3 : i32
        %add3A_734 = arith.addi %mul3A_732, %add3A_733 : i32
        %add3A_735 = arith.addi %gather3A_730, %iota3A : vector<16xi32>
        %broadcast_in_dim3A_736 = vector.broadcast %add3A_679 : i32 to vector<16xi32>
        %add3A_737 = arith.constant 0 : i32
        %add3A_738 = vector.broadcast %add3A_737 : i32 to vector<16xi32>
        %add3A_739 = arith.addi %add3A_735, %add3A_738 : vector<16xi32>
        %gather3A_740 = tpu.vector_load_idx %arg16[%broadcast_in_dim3A_736, %add3A_739] : memref<320x128xf32, #tpu.memory_space<vmem>>[vector<16xi32>, vector<16xi32>], vector<16xf32>,
        %broadcast_in_dim3A_741 = vector.broadcast %add3A_679 : i32 to vector<16xi32>
        %add3A_742 = arith.constant 16 : i32
        %add3A_743 = vector.broadcast %add3A_742 : i32 to vector<16xi32>
        %add3A_744 = arith.addi %add3A_735, %add3A_743 : vector<16xi32>
        %gather3A_745 = tpu.vector_load_idx %arg16[%broadcast_in_dim3A_741, %add3A_744] : memref<320x128xf32, #tpu.memory_space<vmem>>[vector<16xi32>, vector<16xi32>], vector<16xf32>,
        %broadcast_in_dim3A_746 = vector.broadcast %add3A_679 : i32 to vector<16xi32>
        %add3A_747 = arith.constant 32 : i32
        %add3A_748 = vector.broadcast %add3A_747 : i32 to vector<16xi32>
        %add3A_749 = arith.addi %add3A_735, %add3A_748 : vector<16xi32>
        %gather3A_750 = tpu.vector_load_idx %arg16[%broadcast_in_dim3A_746, %add3A_749] : memref<320x128xf32, #tpu.memory_space<vmem>>[vector<16xi32>, vector<16xi32>], vector<16xf32>,
        %broadcast_in_dim3A_751 = vector.broadcast %add3A_679 : i32 to vector<16xi32>
        %add3A_752 = arith.constant 48 : i32
        %add3A_753 = vector.broadcast %add3A_752 : i32 to vector<16xi32>
        %add3A_754 = arith.addi %add3A_735, %add3A_753 : vector<16xi32>
        %gather3A_755 = tpu.vector_load_idx %arg16[%broadcast_in_dim3A_751, %add3A_754] : memref<320x128xf32, #tpu.memory_space<vmem>>[vector<16xi32>, vector<16xi32>], vector<16xf32>,
        %mul3A_756 = arith.mulf %gather3A_394, %gather3A_740 : vector<16xf32>
        %mul3A_757 = arith.mulf %gather3A_399, %gather3A_745 : vector<16xf32>
        %add3A_758 = arith.addf %mul3A_756, %mul3A_757 : vector<16xf32>
        %mul3A_759 = arith.mulf %gather3A_404, %gather3A_750 : vector<16xf32>
        %mul3A_760 = arith.mulf %gather3A_409, %gather3A_755 : vector<16xf32>
        %add3A_761 = arith.addf %mul3A_759, %mul3A_760 : vector<16xf32>
        %add3A_762 = arith.addf %add3A_758, %add3A_761 : vector<16xf32>
        %broadcast_in_dim3A_763 = arith.constant true
        %broadcast_in_dim3A_764 = vector.broadcast %broadcast_in_dim3A_763 : i1 to vector<16xi1>
        %masked_cumsum3A_765 = tpu.scan <sum>, %add3A_762 masked %broadcast_in_dim3A_764 : vector<16xf32>, vector<16xi1> -> vector<16xf32>
        %broadcast_in_dim3A_766 = vector.broadcast %add3A_734 : i32 to vector<16xi32>
        tpu.vector_store_idx %arg20[%broadcast_in_dim3A_766], %masked_cumsum3A_765 masked %eq3A_28 : memref<336xf32, #tpu.memory_space<vmem>>[vector<16xi32>], vector<16xf32>, vector<16xi1>
        %mul3A_767 = arith.constant 20 : i32
        %mul3A_768 = arith.muli %scan3A_348, %mul3A_767 : i32
        %add3A_769 = arith.constant 3 : i32
        %add3A_770 = arith.addi %mul3A_768, %add3A_769 : i32
        %mul3A_771 = arith.constant 320 : i32
        %mul3A_772 = arith.muli %add3A_121, %mul3A_771 : i32
        %add3A_773 = arith.addi %mul3A_772, %add3A_770 : i32
        %jit3A_774 = arith.constant 16 : i32
        %div3A_775 = arith.divsi %add3A_773, %jit3A_774 : i32
        %sign3A_776 = arith.constant 0 : i32
        %sign3A_777 = arith.cmpi sgt, %add3A_773, %sign3A_776 : i32
        %sign3A_778 = arith.extui %sign3A_777 : i1 to i32
        %sign3A_779 = arith.constant 0 : i32
        %sign3A_780 = arith.cmpi slt, %add3A_773, %sign3A_779 : i32
        %sign3A_781 = arith.extui %sign3A_780 : i1 to i32
        %sign3A_782 = arith.subi %sign3A_778, %sign3A_781 : i32
        %sign3A_783 = arith.constant 0 : i32
        %sign3A_784 = arith.cmpi sgt, %jit3A_774, %sign3A_783 : i32
        %sign3A_785 = arith.extui %sign3A_784 : i1 to i32
        %sign3A_786 = arith.constant 0 : i32
        %sign3A_787 = arith.cmpi slt, %jit3A_774, %sign3A_786 : i32
        %sign3A_788 = arith.extui %sign3A_787 : i1 to i32
        %sign3A_789 = arith.subi %sign3A_785, %sign3A_788 : i32
        %ne3A_790 = arith.cmpi ne, %sign3A_782, %sign3A_789 : i32
        %rem3A_791 = arith.remsi %add3A_773, %jit3A_774 : i32
        %ne3A_792 = arith.constant 0 : i32
        %ne3A_793 = arith.cmpi ne, %rem3A_791, %ne3A_792 : i32
        %and3A_794 = arith.andi %ne3A_790, %ne3A_793 : i1
        %sub3A_795 = arith.constant 1 : i32
        %sub3A_796 = arith.subi %div3A_775, %sub3A_795 : i32
        %select_n3A_797 = arith.select %and3A_794, %sub3A_796, %div3A_775 : i32
        %mul3A_798 = arith.constant 16 : i32
        %mul3A_799 = arith.muli %select_n3A_797, %mul3A_798 : i32
        %get3A_800 = arith.index_cast %mul3A_799 : i32 to index
        %get3A_801 = tpu.vector_load %arg13[%get3A_800] {strides = array<i32>} : memref<10240xi32, #tpu.memory_space<vmem>>, vector<16xi32>,
        %jit3A_802 = arith.constant 16 : i32
        %eq3A_803 = arith.constant 0 : i32
        %eq3A_804 = arith.cmpi eq, %jit3A_802, %eq3A_803 : i32
        %jit3A_805 = arith.constant 1 : i32
        %select_n3A_806 = arith.select %eq3A_804, %jit3A_805, %jit3A_802 : i32
        %rem3A_807 = arith.remsi %add3A_773, %select_n3A_806 : i32
        %ne3A_808 = arith.constant 0 : i32
        %ne3A_809 = arith.cmpi ne, %rem3A_807, %ne3A_808 : i32
        %lt3A_810 = arith.constant 0 : i32
        %lt3A_811 = arith.cmpi slt, %rem3A_807, %lt3A_810 : i32
        %lt3A_812 = arith.constant 0 : i32
        %lt3A_813 = arith.cmpi slt, %select_n3A_806, %lt3A_812 : i32
        %ne3A_814 = arith.xori %lt3A_811, %lt3A_813 : i1
        %and3A_815 = arith.andi %ne3A_814, %ne3A_809 : i1
        %add3A_816 = arith.addi %rem3A_807, %select_n3A_806 : i32
        %select_n3A_817 = arith.select %and3A_815, %add3A_816, %rem3A_807 : i32
        %broadcast_in_dim3A_818 = vector.broadcast %select_n3A_817 : i32 to vector<16xi32>
        %broadcast_in_dim3A_819 = vector.shape_cast %broadcast_in_dim3A_818 : vector<16xi32> to vector<16x1xi32>
        %gather3A_820 = vector.shape_cast %broadcast_in_dim3A_819 : vector<16x1xi32> to vector<16xi32>
        %gather3A_821 = tpu.dynamic_gather %get3A_801[%gather3A_820] in [0] : vector<16xi32>, vector<16xi32> -> vector<16xi32>
        %mul3A_822 = arith.constant 21 : i32
        %mul3A_823 = arith.muli %scan3A_348, %mul3A_822 : i32
        %add3A_824 = arith.constant 4 : i32
        %add3A_825 = arith.addi %mul3A_823, %add3A_824 : i32
        %add3A_826 = arith.addi %gather3A_821, %iota3A : vector<16xi32>
        %broadcast_in_dim3A_827 = vector.broadcast %add3A_770 : i32 to vector<16xi32>
        %add3A_828 = arith.constant 0 : i32
        %add3A_829 = vector.broadcast %add3A_828 : i32 to vector<16xi32>
        %add3A_830 = arith.addi %add3A_826, %add3A_829 : vector<16xi32>
        %gather3A_831 = tpu.vector_load_idx %arg16[%broadcast_in_dim3A_827, %add3A_830] : memref<320x128xf32, #tpu.memory_space<vmem>>[vector<16xi32>, vector<16xi32>], vector<16xf32>,
        %broadcast_in_dim3A_832 = vector.broadcast %add3A_770 : i32 to vector<16xi32>
        %add3A_833 = arith.constant 16 : i32
        %add3A_834 = vector.broadcast %add3A_833 : i32 to vector<16xi32>
        %add3A_835 = arith.addi %add3A_826, %add3A_834 : vector<16xi32>
        %gather3A_836 = tpu.vector_load_idx %arg16[%broadcast_in_dim3A_832, %add3A_835] : memref<320x128xf32, #tpu.memory_space<vmem>>[vector<16xi32>, vector<16xi32>], vector<16xf32>,
        %broadcast_in_dim3A_837 = vector.broadcast %add3A_770 : i32 to vector<16xi32>
        %add3A_838 = arith.constant 32 : i32
        %add3A_839 = vector.broadcast %add3A_838 : i32 to vector<16xi32>
        %add3A_840 = arith.addi %add3A_826, %add3A_839 : vector<16xi32>
        %gather3A_841 = tpu.vector_load_idx %arg16[%broadcast_in_dim3A_837, %add3A_840] : memref<320x128xf32, #tpu.memory_space<vmem>>[vector<16xi32>, vector<16xi32>], vector<16xf32>,
        %broadcast_in_dim3A_842 = vector.broadcast %add3A_770 : i32 to vector<16xi32>
        %add3A_843 = arith.constant 48 : i32
        %add3A_844 = vector.broadcast %add3A_843 : i32 to vector<16xi32>
        %add3A_845 = arith.addi %add3A_826, %add3A_844 : vector<16xi32>
        %gather3A_846 = tpu.vector_load_idx %arg16[%broadcast_in_dim3A_842, %add3A_845] : memref<320x128xf32, #tpu.memory_space<vmem>>[vector<16xi32>, vector<16xi32>], vector<16xf32>,
        %mul3A_847 = arith.mulf %gather3A_394, %gather3A_831 : vector<16xf32>
        %mul3A_848 = arith.mulf %gather3A_399, %gather3A_836 : vector<16xf32>
        %add3A_849 = arith.addf %mul3A_847, %mul3A_848 : vector<16xf32>
        %mul3A_850 = arith.mulf %gather3A_404, %gather3A_841 : vector<16xf32>
        %mul3A_851 = arith.mulf %gather3A_409, %gather3A_846 : vector<16xf32>
        %add3A_852 = arith.addf %mul3A_850, %mul3A_851 : vector<16xf32>
        %add3A_853 = arith.addf %add3A_849, %add3A_852 : vector<16xf32>
        %broadcast_in_dim3A_854 = arith.constant true
        %broadcast_in_dim3A_855 = vector.broadcast %broadcast_in_dim3A_854 : i1 to vector<16xi1>
        %masked_cumsum3A_856 = tpu.scan <sum>, %add3A_853 masked %broadcast_in_dim3A_855 : vector<16xf32>, vector<16xi1> -> vector<16xf32>
        %broadcast_in_dim3A_857 = vector.broadcast %add3A_825 : i32 to vector<16xi32>
        tpu.vector_store_idx %arg20[%broadcast_in_dim3A_857], %masked_cumsum3A_856 masked %eq3A_28 : memref<336xf32, #tpu.memory_space<vmem>>[vector<16xi32>], vector<16xf32>, vector<16xi1>
        %mul3A_858 = arith.constant 20 : i32
        %mul3A_859 = arith.muli %scan3A_348, %mul3A_858 : i32
        %add3A_860 = arith.constant 4 : i32
        %add3A_861 = arith.addi %mul3A_859, %add3A_860 : i32
        %mul3A_862 = arith.constant 320 : i32
        %mul3A_863 = arith.muli %add3A_121, %mul3A_862 : i32
        %add3A_864 = arith.addi %mul3A_863, %add3A_861 : i32
        %jit3A_865 = arith.constant 16 : i32
        %div3A_866 = arith.divsi %add3A_864, %jit3A_865 : i32
        %sign3A_867 = arith.constant 0 : i32
        %sign3A_868 = arith.cmpi sgt, %add3A_864, %sign3A_867 : i32
        %sign3A_869 = arith.extui %sign3A_868 : i1 to i32
        %sign3A_870 = arith.constant 0 : i32
        %sign3A_871 = arith.cmpi slt, %add3A_864, %sign3A_870 : i32
        %sign3A_872 = arith.extui %sign3A_871 : i1 to i32
        %sign3A_873 = arith.subi %sign3A_869, %sign3A_872 : i32
        %sign3A_874 = arith.constant 0 : i32
        %sign3A_875 = arith.cmpi sgt, %jit3A_865, %sign3A_874 : i32
        %sign3A_876 = arith.extui %sign3A_875 : i1 to i32
        %sign3A_877 = arith.constant 0 : i32
        %sign3A_878 = arith.cmpi slt, %jit3A_865, %sign3A_877 : i32
        %sign3A_879 = arith.extui %sign3A_878 : i1 to i32
        %sign3A_880 = arith.subi %sign3A_876, %sign3A_879 : i32
        %ne3A_881 = arith.cmpi ne, %sign3A_873, %sign3A_880 : i32
        %rem3A_882 = arith.remsi %add3A_864, %jit3A_865 : i32
        %ne3A_883 = arith.constant 0 : i32
        %ne3A_884 = arith.cmpi ne, %rem3A_882, %ne3A_883 : i32
        %and3A_885 = arith.andi %ne3A_881, %ne3A_884 : i1
        %sub3A_886 = arith.constant 1 : i32
        %sub3A_887 = arith.subi %div3A_866, %sub3A_886 : i32
        %select_n3A_888 = arith.select %and3A_885, %sub3A_887, %div3A_866 : i32
        %mul3A_889 = arith.constant 16 : i32
        %mul3A_890 = arith.muli %select_n3A_888, %mul3A_889 : i32
        %get3A_891 = arith.index_cast %mul3A_890 : i32 to index
        %get3A_892 = tpu.vector_load %arg13[%get3A_891] {strides = array<i32>} : memref<10240xi32, #tpu.memory_space<vmem>>, vector<16xi32>,
        %jit3A_893 = arith.constant 16 : i32
        %eq3A_894 = arith.constant 0 : i32
        %eq3A_895 = arith.cmpi eq, %jit3A_893, %eq3A_894 : i32
        %jit3A_896 = arith.constant 1 : i32
        %select_n3A_897 = arith.select %eq3A_895, %jit3A_896, %jit3A_893 : i32
        %rem3A_898 = arith.remsi %add3A_864, %select_n3A_897 : i32
        %ne3A_899 = arith.constant 0 : i32
        %ne3A_900 = arith.cmpi ne, %rem3A_898, %ne3A_899 : i32
        %lt3A_901 = arith.constant 0 : i32
        %lt3A_902 = arith.cmpi slt, %rem3A_898, %lt3A_901 : i32
        %lt3A_903 = arith.constant 0 : i32
        %lt3A_904 = arith.cmpi slt, %select_n3A_897, %lt3A_903 : i32
        %ne3A_905 = arith.xori %lt3A_902, %lt3A_904 : i1
        %and3A_906 = arith.andi %ne3A_905, %ne3A_900 : i1
        %add3A_907 = arith.addi %rem3A_898, %select_n3A_897 : i32
        %select_n3A_908 = arith.select %and3A_906, %add3A_907, %rem3A_898 : i32
        %broadcast_in_dim3A_909 = vector.broadcast %select_n3A_908 : i32 to vector<16xi32>
        %broadcast_in_dim3A_910 = vector.shape_cast %broadcast_in_dim3A_909 : vector<16xi32> to vector<16x1xi32>
        %gather3A_911 = vector.shape_cast %broadcast_in_dim3A_910 : vector<16x1xi32> to vector<16xi32>
        %gather3A_912 = tpu.dynamic_gather %get3A_892[%gather3A_911] in [0] : vector<16xi32>, vector<16xi32> -> vector<16xi32>
        %mul3A_913 = arith.constant 21 : i32
        %mul3A_914 = arith.muli %scan3A_348, %mul3A_913 : i32
        %add3A_915 = arith.constant 5 : i32
        %add3A_916 = arith.addi %mul3A_914, %add3A_915 : i32
        %add3A_917 = arith.addi %gather3A_912, %iota3A : vector<16xi32>
        %broadcast_in_dim3A_918 = vector.broadcast %add3A_861 : i32 to vector<16xi32>
        %add3A_919 = arith.constant 0 : i32
        %add3A_920 = vector.broadcast %add3A_919 : i32 to vector<16xi32>
        %add3A_921 = arith.addi %add3A_917, %add3A_920 : vector<16xi32>
        %gather3A_922 = tpu.vector_load_idx %arg16[%broadcast_in_dim3A_918, %add3A_921] : memref<320x128xf32, #tpu.memory_space<vmem>>[vector<16xi32>, vector<16xi32>], vector<16xf32>,
        %broadcast_in_dim3A_923 = vector.broadcast %add3A_861 : i32 to vector<16xi32>
        %add3A_924 = arith.constant 16 : i32
        %add3A_925 = vector.broadcast %add3A_924 : i32 to vector<16xi32>
        %add3A_926 = arith.addi %add3A_917, %add3A_925 : vector<16xi32>
        %gather3A_927 = tpu.vector_load_idx %arg16[%broadcast_in_dim3A_923, %add3A_926] : memref<320x128xf32, #tpu.memory_space<vmem>>[vector<16xi32>, vector<16xi32>], vector<16xf32>,
        %broadcast_in_dim3A_928 = vector.broadcast %add3A_861 : i32 to vector<16xi32>
        %add3A_929 = arith.constant 32 : i32
        %add3A_930 = vector.broadcast %add3A_929 : i32 to vector<16xi32>
        %add3A_931 = arith.addi %add3A_917, %add3A_930 : vector<16xi32>
        %gather3A_932 = tpu.vector_load_idx %arg16[%broadcast_in_dim3A_928, %add3A_931] : memref<320x128xf32, #tpu.memory_space<vmem>>[vector<16xi32>, vector<16xi32>], vector<16xf32>,
        %broadcast_in_dim3A_933 = vector.broadcast %add3A_861 : i32 to vector<16xi32>
        %add3A_934 = arith.constant 48 : i32
        %add3A_935 = vector.broadcast %add3A_934 : i32 to vector<16xi32>
        %add3A_936 = arith.addi %add3A_917, %add3A_935 : vector<16xi32>
        %gather3A_937 = tpu.vector_load_idx %arg16[%broadcast_in_dim3A_933, %add3A_936] : memref<320x128xf32, #tpu.memory_space<vmem>>[vector<16xi32>, vector<16xi32>], vector<16xf32>,
        %mul3A_938 = arith.mulf %gather3A_394, %gather3A_922 : vector<16xf32>
        %mul3A_939 = arith.mulf %gather3A_399, %gather3A_927 : vector<16xf32>
        %add3A_940 = arith.addf %mul3A_938, %mul3A_939 : vector<16xf32>
        %mul3A_941 = arith.mulf %gather3A_404, %gather3A_932 : vector<16xf32>
        %mul3A_942 = arith.mulf %gather3A_409, %gather3A_937 : vector<16xf32>
        %add3A_943 = arith.addf %mul3A_941, %mul3A_942 : vector<16xf32>
        %add3A_944 = arith.addf %add3A_940, %add3A_943 : vector<16xf32>
        %broadcast_in_dim3A_945 = arith.constant true
        %broadcast_in_dim3A_946 = vector.broadcast %broadcast_in_dim3A_945 : i1 to vector<16xi1>
        %masked_cumsum3A_947 = tpu.scan <sum>, %add3A_944 masked %broadcast_in_dim3A_946 : vector<16xf32>, vector<16xi1> -> vector<16xf32>
        %broadcast_in_dim3A_948 = vector.broadcast %add3A_916 : i32 to vector<16xi32>
        tpu.vector_store_idx %arg20[%broadcast_in_dim3A_948], %masked_cumsum3A_947 masked %eq3A_28 : memref<336xf32, #tpu.memory_space<vmem>>[vector<16xi32>], vector<16xf32>, vector<16xi1>
        %mul3A_949 = arith.constant 20 : i32
        %mul3A_950 = arith.muli %scan3A_348, %mul3A_949 : i32
        %add3A_951 = arith.constant 5 : i32
        %add3A_952 = arith.addi %mul3A_950, %add3A_951 : i32
        %mul3A_953 = arith.constant 320 : i32
        %mul3A_954 = arith.muli %add3A_121, %mul3A_953 : i32
        %add3A_955 = arith.addi %mul3A_954, %add3A_952 : i32
        %jit3A_956 = arith.constant 16 : i32
        %div3A_957 = arith.divsi %add3A_955, %jit3A_956 : i32
        %sign3A_958 = arith.constant 0 : i32
        %sign3A_959 = arith.cmpi sgt, %add3A_955, %sign3A_958 : i32
        %sign3A_960 = arith.extui %sign3A_959 : i1 to i32
        %sign3A_961 = arith.constant 0 : i32
        %sign3A_962 = arith.cmpi slt, %add3A_955, %sign3A_961 : i32
        %sign3A_963 = arith.extui %sign3A_962 : i1 to i32
        %sign3A_964 = arith.subi %sign3A_960, %sign3A_963 : i32
        %sign3A_965 = arith.constant 0 : i32
        %sign3A_966 = arith.cmpi sgt, %jit3A_956, %sign3A_965 : i32
        %sign3A_967 = arith.extui %sign3A_966 : i1 to i32
        %sign3A_968 = arith.constant 0 : i32
        %sign3A_969 = arith.cmpi slt, %jit3A_956, %sign3A_968 : i32
        %sign3A_970 = arith.extui %sign3A_969 : i1 to i32
        %sign3A_971 = arith.subi %sign3A_967, %sign3A_970 : i32
        %ne3A_972 = arith.cmpi ne, %sign3A_964, %sign3A_971 : i32
        %rem3A_973 = arith.remsi %add3A_955, %jit3A_956 : i32
        %ne3A_974 = arith.constant 0 : i32
        %ne3A_975 = arith.cmpi ne, %rem3A_973, %ne3A_974 : i32
        %and3A_976 = arith.andi %ne3A_972, %ne3A_975 : i1
        %sub3A_977 = arith.constant 1 : i32
        %sub3A_978 = arith.subi %div3A_957, %sub3A_977 : i32
        %select_n3A_979 = arith.select %and3A_976, %sub3A_978, %div3A_957 : i32
        %mul3A_980 = arith.constant 16 : i32
        %mul3A_981 = arith.muli %select_n3A_979, %mul3A_980 : i32
        %get3A_982 = arith.index_cast %mul3A_981 : i32 to index
        %get3A_983 = tpu.vector_load %arg13[%get3A_982] {strides = array<i32>} : memref<10240xi32, #tpu.memory_space<vmem>>, vector<16xi32>,
        %jit3A_984 = arith.constant 16 : i32
        %eq3A_985 = arith.constant 0 : i32
        %eq3A_986 = arith.cmpi eq, %jit3A_984, %eq3A_985 : i32
        %jit3A_987 = arith.constant 1 : i32
        %select_n3A_988 = arith.select %eq3A_986, %jit3A_987, %jit3A_984 : i32
        %rem3A_989 = arith.remsi %add3A_955, %select_n3A_988 : i32
        %ne3A_990 = arith.constant 0 : i32
        %ne3A_991 = arith.cmpi ne, %rem3A_989, %ne3A_990 : i32
        %lt3A_992 = arith.constant 0 : i32
        %lt3A_993 = arith.cmpi slt, %rem3A_989, %lt3A_992 : i32
        %lt3A_994 = arith.constant 0 : i32
        %lt3A_995 = arith.cmpi slt, %select_n3A_988, %lt3A_994 : i32
        %ne3A_996 = arith.xori %lt3A_993, %lt3A_995 : i1
        %and3A_997 = arith.andi %ne3A_996, %ne3A_991 : i1
        %add3A_998 = arith.addi %rem3A_989, %select_n3A_988 : i32
        %select_n3A_999 = arith.select %and3A_997, %add3A_998, %rem3A_989 : i32
        %broadcast_in_dim3A_1000 = vector.broadcast %select_n3A_999 : i32 to vector<16xi32>
        %broadcast_in_dim3A_1001 = vector.shape_cast %broadcast_in_dim3A_1000 : vector<16xi32> to vector<16x1xi32>
        %gather3A_1002 = vector.shape_cast %broadcast_in_dim3A_1001 : vector<16x1xi32> to vector<16xi32>
        %gather3A_1003 = tpu.dynamic_gather %get3A_983[%gather3A_1002] in [0] : vector<16xi32>, vector<16xi32> -> vector<16xi32>
        %mul3A_1004 = arith.constant 21 : i32
        %mul3A_1005 = arith.muli %scan3A_348, %mul3A_1004 : i32
        %add3A_1006 = arith.constant 6 : i32
        %add3A_1007 = arith.addi %mul3A_1005, %add3A_1006 : i32
        %add3A_1008 = arith.addi %gather3A_1003, %iota3A : vector<16xi32>
        %broadcast_in_dim3A_1009 = vector.broadcast %add3A_952 : i32 to vector<16xi32>
        %add3A_1010 = arith.constant 0 : i32
        %add3A_1011 = vector.broadcast %add3A_1010 : i32 to vector<16xi32>
        %add3A_1012 = arith.addi %add3A_1008, %add3A_1011 : vector<16xi32>
        %gather3A_1013 = tpu.vector_load_idx %arg16[%broadcast_in_dim3A_1009, %add3A_1012] : memref<320x128xf32, #tpu.memory_space<vmem>>[vector<16xi32>, vector<16xi32>], vector<16xf32>,
        %broadcast_in_dim3A_1014 = vector.broadcast %add3A_952 : i32 to vector<16xi32>
        %add3A_1015 = arith.constant 16 : i32
        %add3A_1016 = vector.broadcast %add3A_1015 : i32 to vector<16xi32>
        %add3A_1017 = arith.addi %add3A_1008, %add3A_1016 : vector<16xi32>
        %gather3A_1018 = tpu.vector_load_idx %arg16[%broadcast_in_dim3A_1014, %add3A_1017] : memref<320x128xf32, #tpu.memory_space<vmem>>[vector<16xi32>, vector<16xi32>], vector<16xf32>,
        %broadcast_in_dim3A_1019 = vector.broadcast %add3A_952 : i32 to vector<16xi32>
        %add3A_1020 = arith.constant 32 : i32
        %add3A_1021 = vector.broadcast %add3A_1020 : i32 to vector<16xi32>
        %add3A_1022 = arith.addi %add3A_1008, %add3A_1021 : vector<16xi32>
        %gather3A_1023 = tpu.vector_load_idx %arg16[%broadcast_in_dim3A_1019, %add3A_1022] : memref<320x128xf32, #tpu.memory_space<vmem>>[vector<16xi32>, vector<16xi32>], vector<16xf32>,
        %broadcast_in_dim3A_1024 = vector.broadcast %add3A_952 : i32 to vector<16xi32>
        %add3A_1025 = arith.constant 48 : i32
        %add3A_1026 = vector.broadcast %add3A_1025 : i32 to vector<16xi32>
        %add3A_1027 = arith.addi %add3A_1008, %add3A_1026 : vector<16xi32>
        %gather3A_1028 = tpu.vector_load_idx %arg16[%broadcast_in_dim3A_1024, %add3A_1027] : memref<320x128xf32, #tpu.memory_space<vmem>>[vector<16xi32>, vector<16xi32>], vector<16xf32>,
        %mul3A_1029 = arith.mulf %gather3A_394, %gather3A_1013 : vector<16xf32>
        %mul3A_1030 = arith.mulf %gather3A_399, %gather3A_1018 : vector<16xf32>
        %add3A_1031 = arith.addf %mul3A_1029, %mul3A_1030 : vector<16xf32>
        %mul3A_1032 = arith.mulf %gather3A_404, %gather3A_1023 : vector<16xf32>
        %mul3A_1033 = arith.mulf %gather3A_409, %gather3A_1028 : vector<16xf32>
        %add3A_1034 = arith.addf %mul3A_1032, %mul3A_1033 : vector<16xf32>
        %add3A_1035 = arith.addf %add3A_1031, %add3A_1034 : vector<16xf32>
        %broadcast_in_dim3A_1036 = arith.constant true
        %broadcast_in_dim3A_1037 = vector.broadcast %broadcast_in_dim3A_1036 : i1 to vector<16xi1>
        %masked_cumsum3A_1038 = tpu.scan <sum>, %add3A_1035 masked %broadcast_in_dim3A_1037 : vector<16xf32>, vector<16xi1> -> vector<16xf32>
        %broadcast_in_dim3A_1039 = vector.broadcast %add3A_1007 : i32 to vector<16xi32>
        tpu.vector_store_idx %arg20[%broadcast_in_dim3A_1039], %masked_cumsum3A_1038 masked %eq3A_28 : memref<336xf32, #tpu.memory_space<vmem>>[vector<16xi32>], vector<16xf32>, vector<16xi1>
        %mul3A_1040 = arith.constant 20 : i32
        %mul3A_1041 = arith.muli %scan3A_348, %mul3A_1040 : i32
        %add3A_1042 = arith.constant 6 : i32
        %add3A_1043 = arith.addi %mul3A_1041, %add3A_1042 : i32
        %mul3A_1044 = arith.constant 320 : i32
        %mul3A_1045 = arith.muli %add3A_121, %mul3A_1044 : i32
        %add3A_1046 = arith.addi %mul3A_1045, %add3A_1043 : i32
        %jit3A_1047 = arith.constant 16 : i32
        %div3A_1048 = arith.divsi %add3A_1046, %jit3A_1047 : i32
        %sign3A_1049 = arith.constant 0 : i32
        %sign3A_1050 = arith.cmpi sgt, %add3A_1046, %sign3A_1049 : i32
        %sign3A_1051 = arith.extui %sign3A_1050 : i1 to i32
        %sign3A_1052 = arith.constant 0 : i32
        %sign3A_1053 = arith.cmpi slt, %add3A_1046, %sign3A_1052 : i32
        %sign3A_1054 = arith.extui %sign3A_1053 : i1 to i32
        %sign3A_1055 = arith.subi %sign3A_1051, %sign3A_1054 : i32
        %sign3A_1056 = arith.constant 0 : i32
        %sign3A_1057 = arith.cmpi sgt, %jit3A_1047, %sign3A_1056 : i32
        %sign3A_1058 = arith.extui %sign3A_1057 : i1 to i32
        %sign3A_1059 = arith.constant 0 : i32
        %sign3A_1060 = arith.cmpi slt, %jit3A_1047, %sign3A_1059 : i32
        %sign3A_1061 = arith.extui %sign3A_1060 : i1 to i32
        %sign3A_1062 = arith.subi %sign3A_1058, %sign3A_1061 : i32
        %ne3A_1063 = arith.cmpi ne, %sign3A_1055, %sign3A_1062 : i32
        %rem3A_1064 = arith.remsi %add3A_1046, %jit3A_1047 : i32
        %ne3A_1065 = arith.constant 0 : i32
        %ne3A_1066 = arith.cmpi ne, %rem3A_1064, %ne3A_1065 : i32
        %and3A_1067 = arith.andi %ne3A_1063, %ne3A_1066 : i1
        %sub3A_1068 = arith.constant 1 : i32
        %sub3A_1069 = arith.subi %div3A_1048, %sub3A_1068 : i32
        %select_n3A_1070 = arith.select %and3A_1067, %sub3A_1069, %div3A_1048 : i32
        %mul3A_1071 = arith.constant 16 : i32
        %mul3A_1072 = arith.muli %select_n3A_1070, %mul3A_1071 : i32
        %get3A_1073 = arith.index_cast %mul3A_1072 : i32 to index
        %get3A_1074 = tpu.vector_load %arg13[%get3A_1073] {strides = array<i32>} : memref<10240xi32, #tpu.memory_space<vmem>>, vector<16xi32>,
        %jit3A_1075 = arith.constant 16 : i32
        %eq3A_1076 = arith.constant 0 : i32
        %eq3A_1077 = arith.cmpi eq, %jit3A_1075, %eq3A_1076 : i32
        %jit3A_1078 = arith.constant 1 : i32
        %select_n3A_1079 = arith.select %eq3A_1077, %jit3A_1078, %jit3A_1075 : i32
        %rem3A_1080 = arith.remsi %add3A_1046, %select_n3A_1079 : i32
        %ne3A_1081 = arith.constant 0 : i32
        %ne3A_1082 = arith.cmpi ne, %rem3A_1080, %ne3A_1081 : i32
        %lt3A_1083 = arith.constant 0 : i32
        %lt3A_1084 = arith.cmpi slt, %rem3A_1080, %lt3A_1083 : i32
        %lt3A_1085 = arith.constant 0 : i32
        %lt3A_1086 = arith.cmpi slt, %select_n3A_1079, %lt3A_1085 : i32
        %ne3A_1087 = arith.xori %lt3A_1084, %lt3A_1086 : i1
        %and3A_1088 = arith.andi %ne3A_1087, %ne3A_1082 : i1
        %add3A_1089 = arith.addi %rem3A_1080, %select_n3A_1079 : i32
        %select_n3A_1090 = arith.select %and3A_1088, %add3A_1089, %rem3A_1080 : i32
        %broadcast_in_dim3A_1091 = vector.broadcast %select_n3A_1090 : i32 to vector<16xi32>
        %broadcast_in_dim3A_1092 = vector.shape_cast %broadcast_in_dim3A_1091 : vector<16xi32> to vector<16x1xi32>
        %gather3A_1093 = vector.shape_cast %broadcast_in_dim3A_1092 : vector<16x1xi32> to vector<16xi32>
        %gather3A_1094 = tpu.dynamic_gather %get3A_1074[%gather3A_1093] in [0] : vector<16xi32>, vector<16xi32> -> vector<16xi32>
        %mul3A_1095 = arith.constant 21 : i32
        %mul3A_1096 = arith.muli %scan3A_348, %mul3A_1095 : i32
        %add3A_1097 = arith.constant 7 : i32
        %add3A_1098 = arith.addi %mul3A_1096, %add3A_1097 : i32
        %add3A_1099 = arith.addi %gather3A_1094, %iota3A : vector<16xi32>
        %broadcast_in_dim3A_1100 = vector.broadcast %add3A_1043 : i32 to vector<16xi32>
        %add3A_1101 = arith.constant 0 : i32
        %add3A_1102 = vector.broadcast %add3A_1101 : i32 to vector<16xi32>
        %add3A_1103 = arith.addi %add3A_1099, %add3A_1102 : vector<16xi32>
        %gather3A_1104 = tpu.vector_load_idx %arg16[%broadcast_in_dim3A_1100, %add3A_1103] : memref<320x128xf32, #tpu.memory_space<vmem>>[vector<16xi32>, vector<16xi32>], vector<16xf32>,
        %broadcast_in_dim3A_1105 = vector.broadcast %add3A_1043 : i32 to vector<16xi32>
        %add3A_1106 = arith.constant 16 : i32
        %add3A_1107 = vector.broadcast %add3A_1106 : i32 to vector<16xi32>
        %add3A_1108 = arith.addi %add3A_1099, %add3A_1107 : vector<16xi32>
        %gather3A_1109 = tpu.vector_load_idx %arg16[%broadcast_in_dim3A_1105, %add3A_1108] : memref<320x128xf32, #tpu.memory_space<vmem>>[vector<16xi32>, vector<16xi32>], vector<16xf32>,
        %broadcast_in_dim3A_1110 = vector.broadcast %add3A_1043 : i32 to vector<16xi32>
        %add3A_1111 = arith.constant 32 : i32
        %add3A_1112 = vector.broadcast %add3A_1111 : i32 to vector<16xi32>
        %add3A_1113 = arith.addi %add3A_1099, %add3A_1112 : vector<16xi32>
        %gather3A_1114 = tpu.vector_load_idx %arg16[%broadcast_in_dim3A_1110, %add3A_1113] : memref<320x128xf32, #tpu.memory_space<vmem>>[vector<16xi32>, vector<16xi32>], vector<16xf32>,
        %broadcast_in_dim3A_1115 = vector.broadcast %add3A_1043 : i32 to vector<16xi32>
        %add3A_1116 = arith.constant 48 : i32
        %add3A_1117 = vector.broadcast %add3A_1116 : i32 to vector<16xi32>
        %add3A_1118 = arith.addi %add3A_1099, %add3A_1117 : vector<16xi32>
        %gather3A_1119 = tpu.vector_load_idx %arg16[%broadcast_in_dim3A_1115, %add3A_1118] : memref<320x128xf32, #tpu.memory_space<vmem>>[vector<16xi32>, vector<16xi32>], vector<16xf32>,
        %mul3A_1120 = arith.mulf %gather3A_394, %gather3A_1104 : vector<16xf32>
        %mul3A_1121 = arith.mulf %gather3A_399, %gather3A_1109 : vector<16xf32>
        %add3A_1122 = arith.addf %mul3A_1120, %mul3A_1121 : vector<16xf32>
        %mul3A_1123 = arith.mulf %gather3A_404, %gather3A_1114 : vector<16xf32>
        %mul3A_1124 = arith.mulf %gather3A_409, %gather3A_1119 : vector<16xf32>
        %add3A_1125 = arith.addf %mul3A_1123, %mul3A_1124 : vector<16xf32>
        %add3A_1126 = arith.addf %add3A_1122, %add3A_1125 : vector<16xf32>
        %broadcast_in_dim3A_1127 = arith.constant true
        %broadcast_in_dim3A_1128 = vector.broadcast %broadcast_in_dim3A_1127 : i1 to vector<16xi1>
        %masked_cumsum3A_1129 = tpu.scan <sum>, %add3A_1126 masked %broadcast_in_dim3A_1128 : vector<16xf32>, vector<16xi1> -> vector<16xf32>
        %broadcast_in_dim3A_1130 = vector.broadcast %add3A_1098 : i32 to vector<16xi32>
        tpu.vector_store_idx %arg20[%broadcast_in_dim3A_1130], %masked_cumsum3A_1129 masked %eq3A_28 : memref<336xf32, #tpu.memory_space<vmem>>[vector<16xi32>], vector<16xf32>, vector<16xi1>
        %mul3A_1131 = arith.constant 20 : i32
        %mul3A_1132 = arith.muli %scan3A_348, %mul3A_1131 : i32
        %add3A_1133 = arith.constant 7 : i32
        %add3A_1134 = arith.addi %mul3A_1132, %add3A_1133 : i32
        %mul3A_1135 = arith.constant 320 : i32
        %mul3A_1136 = arith.muli %add3A_121, %mul3A_1135 : i32
        %add3A_1137 = arith.addi %mul3A_1136, %add3A_1134 : i32
        %jit3A_1138 = arith.constant 16 : i32
        %div3A_1139 = arith.divsi %add3A_1137, %jit3A_1138 : i32
        %sign3A_1140 = arith.constant 0 : i32
        %sign3A_1141 = arith.cmpi sgt, %add3A_1137, %sign3A_1140 : i32
        %sign3A_1142 = arith.extui %sign3A_1141 : i1 to i32
        %sign3A_1143 = arith.constant 0 : i32
        %sign3A_1144 = arith.cmpi slt, %add3A_1137, %sign3A_1143 : i32
        %sign3A_1145 = arith.extui %sign3A_1144 : i1 to i32
        %sign3A_1146 = arith.subi %sign3A_1142, %sign3A_1145 : i32
        %sign3A_1147 = arith.constant 0 : i32
        %sign3A_1148 = arith.cmpi sgt, %jit3A_1138, %sign3A_1147 : i32
        %sign3A_1149 = arith.extui %sign3A_1148 : i1 to i32
        %sign3A_1150 = arith.constant 0 : i32
        %sign3A_1151 = arith.cmpi slt, %jit3A_1138, %sign3A_1150 : i32
        %sign3A_1152 = arith.extui %sign3A_1151 : i1 to i32
        %sign3A_1153 = arith.subi %sign3A_1149, %sign3A_1152 : i32
        %ne3A_1154 = arith.cmpi ne, %sign3A_1146, %sign3A_1153 : i32
        %rem3A_1155 = arith.remsi %add3A_1137, %jit3A_1138 : i32
        %ne3A_1156 = arith.constant 0 : i32
        %ne3A_1157 = arith.cmpi ne, %rem3A_1155, %ne3A_1156 : i32
        %and3A_1158 = arith.andi %ne3A_1154, %ne3A_1157 : i1
        %sub3A_1159 = arith.constant 1 : i32
        %sub3A_1160 = arith.subi %div3A_1139, %sub3A_1159 : i32
        %select_n3A_1161 = arith.select %and3A_1158, %sub3A_1160, %div3A_1139 : i32
        %mul3A_1162 = arith.constant 16 : i32
        %mul3A_1163 = arith.muli %select_n3A_1161, %mul3A_1162 : i32
        %get3A_1164 = arith.index_cast %mul3A_1163 : i32 to index
        %get3A_1165 = tpu.vector_load %arg13[%get3A_1164] {strides = array<i32>} : memref<10240xi32, #tpu.memory_space<vmem>>, vector<16xi32>,
        %jit3A_1166 = arith.constant 16 : i32
        %eq3A_1167 = arith.constant 0 : i32
        %eq3A_1168 = arith.cmpi eq, %jit3A_1166, %eq3A_1167 : i32
        %jit3A_1169 = arith.constant 1 : i32
        %select_n3A_1170 = arith.select %eq3A_1168, %jit3A_1169, %jit3A_1166 : i32
        %rem3A_1171 = arith.remsi %add3A_1137, %select_n3A_1170 : i32
        %ne3A_1172 = arith.constant 0 : i32
        %ne3A_1173 = arith.cmpi ne, %rem3A_1171, %ne3A_1172 : i32
        %lt3A_1174 = arith.constant 0 : i32
        %lt3A_1175 = arith.cmpi slt, %rem3A_1171, %lt3A_1174 : i32
        %lt3A_1176 = arith.constant 0 : i32
        %lt3A_1177 = arith.cmpi slt, %select_n3A_1170, %lt3A_1176 : i32
        %ne3A_1178 = arith.xori %lt3A_1175, %lt3A_1177 : i1
        %and3A_1179 = arith.andi %ne3A_1178, %ne3A_1173 : i1
        %add3A_1180 = arith.addi %rem3A_1171, %select_n3A_1170 : i32
        %select_n3A_1181 = arith.select %and3A_1179, %add3A_1180, %rem3A_1171 : i32
        %broadcast_in_dim3A_1182 = vector.broadcast %select_n3A_1181 : i32 to vector<16xi32>
        %broadcast_in_dim3A_1183 = vector.shape_cast %broadcast_in_dim3A_1182 : vector<16xi32> to vector<16x1xi32>
        %gather3A_1184 = vector.shape_cast %broadcast_in_dim3A_1183 : vector<16x1xi32> to vector<16xi32>
        %gather3A_1185 = tpu.dynamic_gather %get3A_1165[%gather3A_1184] in [0] : vector<16xi32>, vector<16xi32> -> vector<16xi32>
        %mul3A_1186 = arith.constant 21 : i32
        %mul3A_1187 = arith.muli %scan3A_348, %mul3A_1186 : i32
        %add3A_1188 = arith.constant 8 : i32
        %add3A_1189 = arith.addi %mul3A_1187, %add3A_1188 : i32
        %add3A_1190 = arith.addi %gather3A_1185, %iota3A : vector<16xi32>
        %broadcast_in_dim3A_1191 = vector.broadcast %add3A_1134 : i32 to vector<16xi32>
        %add3A_1192 = arith.constant 0 : i32
        %add3A_1193 = vector.broadcast %add3A_1192 : i32 to vector<16xi32>
        %add3A_1194 = arith.addi %add3A_1190, %add3A_1193 : vector<16xi32>
        %gather3A_1195 = tpu.vector_load_idx %arg16[%broadcast_in_dim3A_1191, %add3A_1194] : memref<320x128xf32, #tpu.memory_space<vmem>>[vector<16xi32>, vector<16xi32>], vector<16xf32>,
        %broadcast_in_dim3A_1196 = vector.broadcast %add3A_1134 : i32 to vector<16xi32>
        %add3A_1197 = arith.constant 16 : i32
        %add3A_1198 = vector.broadcast %add3A_1197 : i32 to vector<16xi32>
        %add3A_1199 = arith.addi %add3A_1190, %add3A_1198 : vector<16xi32>
        %gather3A_1200 = tpu.vector_load_idx %arg16[%broadcast_in_dim3A_1196, %add3A_1199] : memref<320x128xf32, #tpu.memory_space<vmem>>[vector<16xi32>, vector<16xi32>], vector<16xf32>,
        %broadcast_in_dim3A_1201 = vector.broadcast %add3A_1134 : i32 to vector<16xi32>
        %add3A_1202 = arith.constant 32 : i32
        %add3A_1203 = vector.broadcast %add3A_1202 : i32 to vector<16xi32>
        %add3A_1204 = arith.addi %add3A_1190, %add3A_1203 : vector<16xi32>
        %gather3A_1205 = tpu.vector_load_idx %arg16[%broadcast_in_dim3A_1201, %add3A_1204] : memref<320x128xf32, #tpu.memory_space<vmem>>[vector<16xi32>, vector<16xi32>], vector<16xf32>,
        %broadcast_in_dim3A_1206 = vector.broadcast %add3A_1134 : i32 to vector<16xi32>
        %add3A_1207 = arith.constant 48 : i32
        %add3A_1208 = vector.broadcast %add3A_1207 : i32 to vector<16xi32>
        %add3A_1209 = arith.addi %add3A_1190, %add3A_1208 : vector<16xi32>
        %gather3A_1210 = tpu.vector_load_idx %arg16[%broadcast_in_dim3A_1206, %add3A_1209] : memref<320x128xf32, #tpu.memory_space<vmem>>[vector<16xi32>, vector<16xi32>], vector<16xf32>,
        %mul3A_1211 = arith.mulf %gather3A_394, %gather3A_1195 : vector<16xf32>
        %mul3A_1212 = arith.mulf %gather3A_399, %gather3A_1200 : vector<16xf32>
        %add3A_1213 = arith.addf %mul3A_1211, %mul3A_1212 : vector<16xf32>
        %mul3A_1214 = arith.mulf %gather3A_404, %gather3A_1205 : vector<16xf32>
        %mul3A_1215 = arith.mulf %gather3A_409, %gather3A_1210 : vector<16xf32>
        %add3A_1216 = arith.addf %mul3A_1214, %mul3A_1215 : vector<16xf32>
        %add3A_1217 = arith.addf %add3A_1213, %add3A_1216 : vector<16xf32>
        %broadcast_in_dim3A_1218 = arith.constant true
        %broadcast_in_dim3A_1219 = vector.broadcast %broadcast_in_dim3A_1218 : i1 to vector<16xi1>
        %masked_cumsum3A_1220 = tpu.scan <sum>, %add3A_1217 masked %broadcast_in_dim3A_1219 : vector<16xf32>, vector<16xi1> -> vector<16xf32>
        %broadcast_in_dim3A_1221 = vector.broadcast %add3A_1189 : i32 to vector<16xi32>
        tpu.vector_store_idx %arg20[%broadcast_in_dim3A_1221], %masked_cumsum3A_1220 masked %eq3A_28 : memref<336xf32, #tpu.memory_space<vmem>>[vector<16xi32>], vector<16xf32>, vector<16xi1>
        %mul3A_1222 = arith.constant 20 : i32
        %mul3A_1223 = arith.muli %scan3A_348, %mul3A_1222 : i32
        %add3A_1224 = arith.constant 8 : i32
        %add3A_1225 = arith.addi %mul3A_1223, %add3A_1224 : i32
        %mul3A_1226 = arith.constant 320 : i32
        %mul3A_1227 = arith.muli %add3A_121, %mul3A_1226 : i32
        %add3A_1228 = arith.addi %mul3A_1227, %add3A_1225 : i32
        %jit3A_1229 = arith.constant 16 : i32
        %div3A_1230 = arith.divsi %add3A_1228, %jit3A_1229 : i32
        %sign3A_1231 = arith.constant 0 : i32
        %sign3A_1232 = arith.cmpi sgt, %add3A_1228, %sign3A_1231 : i32
        %sign3A_1233 = arith.extui %sign3A_1232 : i1 to i32
        %sign3A_1234 = arith.constant 0 : i32
        %sign3A_1235 = arith.cmpi slt, %add3A_1228, %sign3A_1234 : i32
        %sign3A_1236 = arith.extui %sign3A_1235 : i1 to i32
        %sign3A_1237 = arith.subi %sign3A_1233, %sign3A_1236 : i32
        %sign3A_1238 = arith.constant 0 : i32
        %sign3A_1239 = arith.cmpi sgt, %jit3A_1229, %sign3A_1238 : i32
        %sign3A_1240 = arith.extui %sign3A_1239 : i1 to i32
        %sign3A_1241 = arith.constant 0 : i32
        %sign3A_1242 = arith.cmpi slt, %jit3A_1229, %sign3A_1241 : i32
        %sign3A_1243 = arith.extui %sign3A_1242 : i1 to i32
        %sign3A_1244 = arith.subi %sign3A_1240, %sign3A_1243 : i32
        %ne3A_1245 = arith.cmpi ne, %sign3A_1237, %sign3A_1244 : i32
        %rem3A_1246 = arith.remsi %add3A_1228, %jit3A_1229 : i32
        %ne3A_1247 = arith.constant 0 : i32
        %ne3A_1248 = arith.cmpi ne, %rem3A_1246, %ne3A_1247 : i32
        %and3A_1249 = arith.andi %ne3A_1245, %ne3A_1248 : i1
        %sub3A_1250 = arith.constant 1 : i32
        %sub3A_1251 = arith.subi %div3A_1230, %sub3A_1250 : i32
        %select_n3A_1252 = arith.select %and3A_1249, %sub3A_1251, %div3A_1230 : i32
        %mul3A_1253 = arith.constant 16 : i32
        %mul3A_1254 = arith.muli %select_n3A_1252, %mul3A_1253 : i32
        %get3A_1255 = arith.index_cast %mul3A_1254 : i32 to index
        %get3A_1256 = tpu.vector_load %arg13[%get3A_1255] {strides = array<i32>} : memref<10240xi32, #tpu.memory_space<vmem>>, vector<16xi32>,
        %jit3A_1257 = arith.constant 16 : i32
        %eq3A_1258 = arith.constant 0 : i32
        %eq3A_1259 = arith.cmpi eq, %jit3A_1257, %eq3A_1258 : i32
        %jit3A_1260 = arith.constant 1 : i32
        %select_n3A_1261 = arith.select %eq3A_1259, %jit3A_1260, %jit3A_1257 : i32
        %rem3A_1262 = arith.remsi %add3A_1228, %select_n3A_1261 : i32
        %ne3A_1263 = arith.constant 0 : i32
        %ne3A_1264 = arith.cmpi ne, %rem3A_1262, %ne3A_1263 : i32
        %lt3A_1265 = arith.constant 0 : i32
        %lt3A_1266 = arith.cmpi slt, %rem3A_1262, %lt3A_1265 : i32
        %lt3A_1267 = arith.constant 0 : i32
        %lt3A_1268 = arith.cmpi slt, %select_n3A_1261, %lt3A_1267 : i32
        %ne3A_1269 = arith.xori %lt3A_1266, %lt3A_1268 : i1
        %and3A_1270 = arith.andi %ne3A_1269, %ne3A_1264 : i1
        %add3A_1271 = arith.addi %rem3A_1262, %select_n3A_1261 : i32
        %select_n3A_1272 = arith.select %and3A_1270, %add3A_1271, %rem3A_1262 : i32
        %broadcast_in_dim3A_1273 = vector.broadcast %select_n3A_1272 : i32 to vector<16xi32>
        %broadcast_in_dim3A_1274 = vector.shape_cast %broadcast_in_dim3A_1273 : vector<16xi32> to vector<16x1xi32>
        %gather3A_1275 = vector.shape_cast %broadcast_in_dim3A_1274 : vector<16x1xi32> to vector<16xi32>
        %gather3A_1276 = tpu.dynamic_gather %get3A_1256[%gather3A_1275] in [0] : vector<16xi32>, vector<16xi32> -> vector<16xi32>
        %mul3A_1277 = arith.constant 21 : i32
        %mul3A_1278 = arith.muli %scan3A_348, %mul3A_1277 : i32
        %add3A_1279 = arith.constant 9 : i32
        %add3A_1280 = arith.addi %mul3A_1278, %add3A_1279 : i32
        %add3A_1281 = arith.addi %gather3A_1276, %iota3A : vector<16xi32>
        %broadcast_in_dim3A_1282 = vector.broadcast %add3A_1225 : i32 to vector<16xi32>
        %add3A_1283 = arith.constant 0 : i32
        %add3A_1284 = vector.broadcast %add3A_1283 : i32 to vector<16xi32>
        %add3A_1285 = arith.addi %add3A_1281, %add3A_1284 : vector<16xi32>
        %gather3A_1286 = tpu.vector_load_idx %arg16[%broadcast_in_dim3A_1282, %add3A_1285] : memref<320x128xf32, #tpu.memory_space<vmem>>[vector<16xi32>, vector<16xi32>], vector<16xf32>,
        %broadcast_in_dim3A_1287 = vector.broadcast %add3A_1225 : i32 to vector<16xi32>
        %add3A_1288 = arith.constant 16 : i32
        %add3A_1289 = vector.broadcast %add3A_1288 : i32 to vector<16xi32>
        %add3A_1290 = arith.addi %add3A_1281, %add3A_1289 : vector<16xi32>
        %gather3A_1291 = tpu.vector_load_idx %arg16[%broadcast_in_dim3A_1287, %add3A_1290] : memref<320x128xf32, #tpu.memory_space<vmem>>[vector<16xi32>, vector<16xi32>], vector<16xf32>,
        %broadcast_in_dim3A_1292 = vector.broadcast %add3A_1225 : i32 to vector<16xi32>
        %add3A_1293 = arith.constant 32 : i32
        %add3A_1294 = vector.broadcast %add3A_1293 : i32 to vector<16xi32>
        %add3A_1295 = arith.addi %add3A_1281, %add3A_1294 : vector<16xi32>
        %gather3A_1296 = tpu.vector_load_idx %arg16[%broadcast_in_dim3A_1292, %add3A_1295] : memref<320x128xf32, #tpu.memory_space<vmem>>[vector<16xi32>, vector<16xi32>], vector<16xf32>,
        %broadcast_in_dim3A_1297 = vector.broadcast %add3A_1225 : i32 to vector<16xi32>
        %add3A_1298 = arith.constant 48 : i32
        %add3A_1299 = vector.broadcast %add3A_1298 : i32 to vector<16xi32>
        %add3A_1300 = arith.addi %add3A_1281, %add3A_1299 : vector<16xi32>
        %gather3A_1301 = tpu.vector_load_idx %arg16[%broadcast_in_dim3A_1297, %add3A_1300] : memref<320x128xf32, #tpu.memory_space<vmem>>[vector<16xi32>, vector<16xi32>], vector<16xf32>,
        %mul3A_1302 = arith.mulf %gather3A_394, %gather3A_1286 : vector<16xf32>
        %mul3A_1303 = arith.mulf %gather3A_399, %gather3A_1291 : vector<16xf32>
        %add3A_1304 = arith.addf %mul3A_1302, %mul3A_1303 : vector<16xf32>
        %mul3A_1305 = arith.mulf %gather3A_404, %gather3A_1296 : vector<16xf32>
        %mul3A_1306 = arith.mulf %gather3A_409, %gather3A_1301 : vector<16xf32>
        %add3A_1307 = arith.addf %mul3A_1305, %mul3A_1306 : vector<16xf32>
        %add3A_1308 = arith.addf %add3A_1304, %add3A_1307 : vector<16xf32>
        %broadcast_in_dim3A_1309 = arith.constant true
        %broadcast_in_dim3A_1310 = vector.broadcast %broadcast_in_dim3A_1309 : i1 to vector<16xi1>
        %masked_cumsum3A_1311 = tpu.scan <sum>, %add3A_1308 masked %broadcast_in_dim3A_1310 : vector<16xf32>, vector<16xi1> -> vector<16xf32>
        %broadcast_in_dim3A_1312 = vector.broadcast %add3A_1280 : i32 to vector<16xi32>
        tpu.vector_store_idx %arg20[%broadcast_in_dim3A_1312], %masked_cumsum3A_1311 masked %eq3A_28 : memref<336xf32, #tpu.memory_space<vmem>>[vector<16xi32>], vector<16xf32>, vector<16xi1>
        %mul3A_1313 = arith.constant 20 : i32
        %mul3A_1314 = arith.muli %scan3A_348, %mul3A_1313 : i32
        %add3A_1315 = arith.constant 9 : i32
        %add3A_1316 = arith.addi %mul3A_1314, %add3A_1315 : i32
        %mul3A_1317 = arith.constant 320 : i32
        %mul3A_1318 = arith.muli %add3A_121, %mul3A_1317 : i32
        %add3A_1319 = arith.addi %mul3A_1318, %add3A_1316 : i32
        %jit3A_1320 = arith.constant 16 : i32
        %div3A_1321 = arith.divsi %add3A_1319, %jit3A_1320 : i32
        %sign3A_1322 = arith.constant 0 : i32
        %sign3A_1323 = arith.cmpi sgt, %add3A_1319, %sign3A_1322 : i32
        %sign3A_1324 = arith.extui %sign3A_1323 : i1 to i32
        %sign3A_1325 = arith.constant 0 : i32
        %sign3A_1326 = arith.cmpi slt, %add3A_1319, %sign3A_1325 : i32
        %sign3A_1327 = arith.extui %sign3A_1326 : i1 to i32
        %sign3A_1328 = arith.subi %sign3A_1324, %sign3A_1327 : i32
        %sign3A_1329 = arith.constant 0 : i32
        %sign3A_1330 = arith.cmpi sgt, %jit3A_1320, %sign3A_1329 : i32
        %sign3A_1331 = arith.extui %sign3A_1330 : i1 to i32
        %sign3A_1332 = arith.constant 0 : i32
        %sign3A_1333 = arith.cmpi slt, %jit3A_1320, %sign3A_1332 : i32
        %sign3A_1334 = arith.extui %sign3A_1333 : i1 to i32
        %sign3A_1335 = arith.subi %sign3A_1331, %sign3A_1334 : i32
        %ne3A_1336 = arith.cmpi ne, %sign3A_1328, %sign3A_1335 : i32
        %rem3A_1337 = arith.remsi %add3A_1319, %jit3A_1320 : i32
        %ne3A_1338 = arith.constant 0 : i32
        %ne3A_1339 = arith.cmpi ne, %rem3A_1337, %ne3A_1338 : i32
        %and3A_1340 = arith.andi %ne3A_1336, %ne3A_1339 : i1
        %sub3A_1341 = arith.constant 1 : i32
        %sub3A_1342 = arith.subi %div3A_1321, %sub3A_1341 : i32
        %select_n3A_1343 = arith.select %and3A_1340, %sub3A_1342, %div3A_1321 : i32
        %mul3A_1344 = arith.constant 16 : i32
        %mul3A_1345 = arith.muli %select_n3A_1343, %mul3A_1344 : i32
        %get3A_1346 = arith.index_cast %mul3A_1345 : i32 to index
        %get3A_1347 = tpu.vector_load %arg13[%get3A_1346] {strides = array<i32>} : memref<10240xi32, #tpu.memory_space<vmem>>, vector<16xi32>,
        %jit3A_1348 = arith.constant 16 : i32
        %eq3A_1349 = arith.constant 0 : i32
        %eq3A_1350 = arith.cmpi eq, %jit3A_1348, %eq3A_1349 : i32
        %jit3A_1351 = arith.constant 1 : i32
        %select_n3A_1352 = arith.select %eq3A_1350, %jit3A_1351, %jit3A_1348 : i32
        %rem3A_1353 = arith.remsi %add3A_1319, %select_n3A_1352 : i32
        %ne3A_1354 = arith.constant 0 : i32
        %ne3A_1355 = arith.cmpi ne, %rem3A_1353, %ne3A_1354 : i32
        %lt3A_1356 = arith.constant 0 : i32
        %lt3A_1357 = arith.cmpi slt, %rem3A_1353, %lt3A_1356 : i32
        %lt3A_1358 = arith.constant 0 : i32
        %lt3A_1359 = arith.cmpi slt, %select_n3A_1352, %lt3A_1358 : i32
        %ne3A_1360 = arith.xori %lt3A_1357, %lt3A_1359 : i1
        %and3A_1361 = arith.andi %ne3A_1360, %ne3A_1355 : i1
        %add3A_1362 = arith.addi %rem3A_1353, %select_n3A_1352 : i32
        %select_n3A_1363 = arith.select %and3A_1361, %add3A_1362, %rem3A_1353 : i32
        %broadcast_in_dim3A_1364 = vector.broadcast %select_n3A_1363 : i32 to vector<16xi32>
        %broadcast_in_dim3A_1365 = vector.shape_cast %broadcast_in_dim3A_1364 : vector<16xi32> to vector<16x1xi32>
        %gather3A_1366 = vector.shape_cast %broadcast_in_dim3A_1365 : vector<16x1xi32> to vector<16xi32>
        %gather3A_1367 = tpu.dynamic_gather %get3A_1347[%gather3A_1366] in [0] : vector<16xi32>, vector<16xi32> -> vector<16xi32>
        %mul3A_1368 = arith.constant 21 : i32
        %mul3A_1369 = arith.muli %scan3A_348, %mul3A_1368 : i32
        %add3A_1370 = arith.constant 10 : i32
        %add3A_1371 = arith.addi %mul3A_1369, %add3A_1370 : i32
        %add3A_1372 = arith.addi %gather3A_1367, %iota3A : vector<16xi32>
        %broadcast_in_dim3A_1373 = vector.broadcast %add3A_1316 : i32 to vector<16xi32>
        %add3A_1374 = arith.constant 0 : i32
        %add3A_1375 = vector.broadcast %add3A_1374 : i32 to vector<16xi32>
        %add3A_1376 = arith.addi %add3A_1372, %add3A_1375 : vector<16xi32>
        %gather3A_1377 = tpu.vector_load_idx %arg16[%broadcast_in_dim3A_1373, %add3A_1376] : memref<320x128xf32, #tpu.memory_space<vmem>>[vector<16xi32>, vector<16xi32>], vector<16xf32>,
        %broadcast_in_dim3A_1378 = vector.broadcast %add3A_1316 : i32 to vector<16xi32>
        %add3A_1379 = arith.constant 16 : i32
        %add3A_1380 = vector.broadcast %add3A_1379 : i32 to vector<16xi32>
        %add3A_1381 = arith.addi %add3A_1372, %add3A_1380 : vector<16xi32>
        %gather3A_1382 = tpu.vector_load_idx %arg16[%broadcast_in_dim3A_1378, %add3A_1381] : memref<320x128xf32, #tpu.memory_space<vmem>>[vector<16xi32>, vector<16xi32>], vector<16xf32>,
        %broadcast_in_dim3A_1383 = vector.broadcast %add3A_1316 : i32 to vector<16xi32>
        %add3A_1384 = arith.constant 32 : i32
        %add3A_1385 = vector.broadcast %add3A_1384 : i32 to vector<16xi32>
        %add3A_1386 = arith.addi %add3A_1372, %add3A_1385 : vector<16xi32>
        %gather3A_1387 = tpu.vector_load_idx %arg16[%broadcast_in_dim3A_1383, %add3A_1386] : memref<320x128xf32, #tpu.memory_space<vmem>>[vector<16xi32>, vector<16xi32>], vector<16xf32>,
        %broadcast_in_dim3A_1388 = vector.broadcast %add3A_1316 : i32 to vector<16xi32>
        %add3A_1389 = arith.constant 48 : i32
        %add3A_1390 = vector.broadcast %add3A_1389 : i32 to vector<16xi32>
        %add3A_1391 = arith.addi %add3A_1372, %add3A_1390 : vector<16xi32>
        %gather3A_1392 = tpu.vector_load_idx %arg16[%broadcast_in_dim3A_1388, %add3A_1391] : memref<320x128xf32, #tpu.memory_space<vmem>>[vector<16xi32>, vector<16xi32>], vector<16xf32>,
        %mul3A_1393 = arith.mulf %gather3A_394, %gather3A_1377 : vector<16xf32>
        %mul3A_1394 = arith.mulf %gather3A_399, %gather3A_1382 : vector<16xf32>
        %add3A_1395 = arith.addf %mul3A_1393, %mul3A_1394 : vector<16xf32>
        %mul3A_1396 = arith.mulf %gather3A_404, %gather3A_1387 : vector<16xf32>
        %mul3A_1397 = arith.mulf %gather3A_409, %gather3A_1392 : vector<16xf32>
        %add3A_1398 = arith.addf %mul3A_1396, %mul3A_1397 : vector<16xf32>
        %add3A_1399 = arith.addf %add3A_1395, %add3A_1398 : vector<16xf32>
        %broadcast_in_dim3A_1400 = arith.constant true
        %broadcast_in_dim3A_1401 = vector.broadcast %broadcast_in_dim3A_1400 : i1 to vector<16xi1>
        %masked_cumsum3A_1402 = tpu.scan <sum>, %add3A_1399 masked %broadcast_in_dim3A_1401 : vector<16xf32>, vector<16xi1> -> vector<16xf32>
        %broadcast_in_dim3A_1403 = vector.broadcast %add3A_1371 : i32 to vector<16xi32>
        tpu.vector_store_idx %arg20[%broadcast_in_dim3A_1403], %masked_cumsum3A_1402 masked %eq3A_28 : memref<336xf32, #tpu.memory_space<vmem>>[vector<16xi32>], vector<16xf32>, vector<16xi1>
        %mul3A_1404 = arith.constant 20 : i32
        %mul3A_1405 = arith.muli %scan3A_348, %mul3A_1404 : i32
        %add3A_1406 = arith.constant 10 : i32
        %add3A_1407 = arith.addi %mul3A_1405, %add3A_1406 : i32
        %mul3A_1408 = arith.constant 320 : i32
        %mul3A_1409 = arith.muli %add3A_121, %mul3A_1408 : i32
        %add3A_1410 = arith.addi %mul3A_1409, %add3A_1407 : i32
        %jit3A_1411 = arith.constant 16 : i32
        %div3A_1412 = arith.divsi %add3A_1410, %jit3A_1411 : i32
        %sign3A_1413 = arith.constant 0 : i32
        %sign3A_1414 = arith.cmpi sgt, %add3A_1410, %sign3A_1413 : i32
        %sign3A_1415 = arith.extui %sign3A_1414 : i1 to i32
        %sign3A_1416 = arith.constant 0 : i32
        %sign3A_1417 = arith.cmpi slt, %add3A_1410, %sign3A_1416 : i32
        %sign3A_1418 = arith.extui %sign3A_1417 : i1 to i32
        %sign3A_1419 = arith.subi %sign3A_1415, %sign3A_1418 : i32
        %sign3A_1420 = arith.constant 0 : i32
        %sign3A_1421 = arith.cmpi sgt, %jit3A_1411, %sign3A_1420 : i32
        %sign3A_1422 = arith.extui %sign3A_1421 : i1 to i32
        %sign3A_1423 = arith.constant 0 : i32
        %sign3A_1424 = arith.cmpi slt, %jit3A_1411, %sign3A_1423 : i32
        %sign3A_1425 = arith.extui %sign3A_1424 : i1 to i32
        %sign3A_1426 = arith.subi %sign3A_1422, %sign3A_1425 : i32
        %ne3A_1427 = arith.cmpi ne, %sign3A_1419, %sign3A_1426 : i32
        %rem3A_1428 = arith.remsi %add3A_1410, %jit3A_1411 : i32
        %ne3A_1429 = arith.constant 0 : i32
        %ne3A_1430 = arith.cmpi ne, %rem3A_1428, %ne3A_1429 : i32
        %and3A_1431 = arith.andi %ne3A_1427, %ne3A_1430 : i1
        %sub3A_1432 = arith.constant 1 : i32
        %sub3A_1433 = arith.subi %div3A_1412, %sub3A_1432 : i32
        %select_n3A_1434 = arith.select %and3A_1431, %sub3A_1433, %div3A_1412 : i32
        %mul3A_1435 = arith.constant 16 : i32
        %mul3A_1436 = arith.muli %select_n3A_1434, %mul3A_1435 : i32
        %get3A_1437 = arith.index_cast %mul3A_1436 : i32 to index
        %get3A_1438 = tpu.vector_load %arg13[%get3A_1437] {strides = array<i32>} : memref<10240xi32, #tpu.memory_space<vmem>>, vector<16xi32>,
        %jit3A_1439 = arith.constant 16 : i32
        %eq3A_1440 = arith.constant 0 : i32
        %eq3A_1441 = arith.cmpi eq, %jit3A_1439, %eq3A_1440 : i32
        %jit3A_1442 = arith.constant 1 : i32
        %select_n3A_1443 = arith.select %eq3A_1441, %jit3A_1442, %jit3A_1439 : i32
        %rem3A_1444 = arith.remsi %add3A_1410, %select_n3A_1443 : i32
        %ne3A_1445 = arith.constant 0 : i32
        %ne3A_1446 = arith.cmpi ne, %rem3A_1444, %ne3A_1445 : i32
        %lt3A_1447 = arith.constant 0 : i32
        %lt3A_1448 = arith.cmpi slt, %rem3A_1444, %lt3A_1447 : i32
        %lt3A_1449 = arith.constant 0 : i32
        %lt3A_1450 = arith.cmpi slt, %select_n3A_1443, %lt3A_1449 : i32
        %ne3A_1451 = arith.xori %lt3A_1448, %lt3A_1450 : i1
        %and3A_1452 = arith.andi %ne3A_1451, %ne3A_1446 : i1
        %add3A_1453 = arith.addi %rem3A_1444, %select_n3A_1443 : i32
        %select_n3A_1454 = arith.select %and3A_1452, %add3A_1453, %rem3A_1444 : i32
        %broadcast_in_dim3A_1455 = vector.broadcast %select_n3A_1454 : i32 to vector<16xi32>
        %broadcast_in_dim3A_1456 = vector.shape_cast %broadcast_in_dim3A_1455 : vector<16xi32> to vector<16x1xi32>
        %gather3A_1457 = vector.shape_cast %broadcast_in_dim3A_1456 : vector<16x1xi32> to vector<16xi32>
        %gather3A_1458 = tpu.dynamic_gather %get3A_1438[%gather3A_1457] in [0] : vector<16xi32>, vector<16xi32> -> vector<16xi32>
        %mul3A_1459 = arith.constant 21 : i32
        %mul3A_1460 = arith.muli %scan3A_348, %mul3A_1459 : i32
        %add3A_1461 = arith.constant 11 : i32
        %add3A_1462 = arith.addi %mul3A_1460, %add3A_1461 : i32
        %add3A_1463 = arith.addi %gather3A_1458, %iota3A : vector<16xi32>
        %broadcast_in_dim3A_1464 = vector.broadcast %add3A_1407 : i32 to vector<16xi32>
        %add3A_1465 = arith.constant 0 : i32
        %add3A_1466 = vector.broadcast %add3A_1465 : i32 to vector<16xi32>
        %add3A_1467 = arith.addi %add3A_1463, %add3A_1466 : vector<16xi32>
        %gather3A_1468 = tpu.vector_load_idx %arg16[%broadcast_in_dim3A_1464, %add3A_1467] : memref<320x128xf32, #tpu.memory_space<vmem>>[vector<16xi32>, vector<16xi32>], vector<16xf32>,
        %broadcast_in_dim3A_1469 = vector.broadcast %add3A_1407 : i32 to vector<16xi32>
        %add3A_1470 = arith.constant 16 : i32
        %add3A_1471 = vector.broadcast %add3A_1470 : i32 to vector<16xi32>
        %add3A_1472 = arith.addi %add3A_1463, %add3A_1471 : vector<16xi32>
        %gather3A_1473 = tpu.vector_load_idx %arg16[%broadcast_in_dim3A_1469, %add3A_1472] : memref<320x128xf32, #tpu.memory_space<vmem>>[vector<16xi32>, vector<16xi32>], vector<16xf32>,
        %broadcast_in_dim3A_1474 = vector.broadcast %add3A_1407 : i32 to vector<16xi32>
        %add3A_1475 = arith.constant 32 : i32
        %add3A_1476 = vector.broadcast %add3A_1475 : i32 to vector<16xi32>
        %add3A_1477 = arith.addi %add3A_1463, %add3A_1476 : vector<16xi32>
        %gather3A_1478 = tpu.vector_load_idx %arg16[%broadcast_in_dim3A_1474, %add3A_1477] : memref<320x128xf32, #tpu.memory_space<vmem>>[vector<16xi32>, vector<16xi32>], vector<16xf32>,
        %broadcast_in_dim3A_1479 = vector.broadcast %add3A_1407 : i32 to vector<16xi32>
        %add3A_1480 = arith.constant 48 : i32
        %add3A_1481 = vector.broadcast %add3A_1480 : i32 to vector<16xi32>
        %add3A_1482 = arith.addi %add3A_1463, %add3A_1481 : vector<16xi32>
        %gather3A_1483 = tpu.vector_load_idx %arg16[%broadcast_in_dim3A_1479, %add3A_1482] : memref<320x128xf32, #tpu.memory_space<vmem>>[vector<16xi32>, vector<16xi32>], vector<16xf32>,
        %mul3A_1484 = arith.mulf %gather3A_394, %gather3A_1468 : vector<16xf32>
        %mul3A_1485 = arith.mulf %gather3A_399, %gather3A_1473 : vector<16xf32>
        %add3A_1486 = arith.addf %mul3A_1484, %mul3A_1485 : vector<16xf32>
        %mul3A_1487 = arith.mulf %gather3A_404, %gather3A_1478 : vector<16xf32>
        %mul3A_1488 = arith.mulf %gather3A_409, %gather3A_1483 : vector<16xf32>
        %add3A_1489 = arith.addf %mul3A_1487, %mul3A_1488 : vector<16xf32>
        %add3A_1490 = arith.addf %add3A_1486, %add3A_1489 : vector<16xf32>
        %broadcast_in_dim3A_1491 = arith.constant true
        %broadcast_in_dim3A_1492 = vector.broadcast %broadcast_in_dim3A_1491 : i1 to vector<16xi1>
        %masked_cumsum3A_1493 = tpu.scan <sum>, %add3A_1490 masked %broadcast_in_dim3A_1492 : vector<16xf32>, vector<16xi1> -> vector<16xf32>
        %broadcast_in_dim3A_1494 = vector.broadcast %add3A_1462 : i32 to vector<16xi32>
        tpu.vector_store_idx %arg20[%broadcast_in_dim3A_1494], %masked_cumsum3A_1493 masked %eq3A_28 : memref<336xf32, #tpu.memory_space<vmem>>[vector<16xi32>], vector<16xf32>, vector<16xi1>
        %mul3A_1495 = arith.constant 20 : i32
        %mul3A_1496 = arith.muli %scan3A_348, %mul3A_1495 : i32
        %add3A_1497 = arith.constant 11 : i32
        %add3A_1498 = arith.addi %mul3A_1496, %add3A_1497 : i32
        %mul3A_1499 = arith.constant 320 : i32
        %mul3A_1500 = arith.muli %add3A_121, %mul3A_1499 : i32
        %add3A_1501 = arith.addi %mul3A_1500, %add3A_1498 : i32
        %jit3A_1502 = arith.constant 16 : i32
        %div3A_1503 = arith.divsi %add3A_1501, %jit3A_1502 : i32
        %sign3A_1504 = arith.constant 0 : i32
        %sign3A_1505 = arith.cmpi sgt, %add3A_1501, %sign3A_1504 : i32
        %sign3A_1506 = arith.extui %sign3A_1505 : i1 to i32
        %sign3A_1507 = arith.constant 0 : i32
        %sign3A_1508 = arith.cmpi slt, %add3A_1501, %sign3A_1507 : i32
        %sign3A_1509 = arith.extui %sign3A_1508 : i1 to i32
        %sign3A_1510 = arith.subi %sign3A_1506, %sign3A_1509 : i32
        %sign3A_1511 = arith.constant 0 : i32
        %sign3A_1512 = arith.cmpi sgt, %jit3A_1502, %sign3A_1511 : i32
        %sign3A_1513 = arith.extui %sign3A_1512 : i1 to i32
        %sign3A_1514 = arith.constant 0 : i32
        %sign3A_1515 = arith.cmpi slt, %jit3A_1502, %sign3A_1514 : i32
        %sign3A_1516 = arith.extui %sign3A_1515 : i1 to i32
        %sign3A_1517 = arith.subi %sign3A_1513, %sign3A_1516 : i32
        %ne3A_1518 = arith.cmpi ne, %sign3A_1510, %sign3A_1517 : i32
        %rem3A_1519 = arith.remsi %add3A_1501, %jit3A_1502 : i32
        %ne3A_1520 = arith.constant 0 : i32
        %ne3A_1521 = arith.cmpi ne, %rem3A_1519, %ne3A_1520 : i32
        %and3A_1522 = arith.andi %ne3A_1518, %ne3A_1521 : i1
        %sub3A_1523 = arith.constant 1 : i32
        %sub3A_1524 = arith.subi %div3A_1503, %sub3A_1523 : i32
        %select_n3A_1525 = arith.select %and3A_1522, %sub3A_1524, %div3A_1503 : i32
        %mul3A_1526 = arith.constant 16 : i32
        %mul3A_1527 = arith.muli %select_n3A_1525, %mul3A_1526 : i32
        %get3A_1528 = arith.index_cast %mul3A_1527 : i32 to index
        %get3A_1529 = tpu.vector_load %arg13[%get3A_1528] {strides = array<i32>} : memref<10240xi32, #tpu.memory_space<vmem>>, vector<16xi32>,
        %jit3A_1530 = arith.constant 16 : i32
        %eq3A_1531 = arith.constant 0 : i32
        %eq3A_1532 = arith.cmpi eq, %jit3A_1530, %eq3A_1531 : i32
        %jit3A_1533 = arith.constant 1 : i32
        %select_n3A_1534 = arith.select %eq3A_1532, %jit3A_1533, %jit3A_1530 : i32
        %rem3A_1535 = arith.remsi %add3A_1501, %select_n3A_1534 : i32
        %ne3A_1536 = arith.constant 0 : i32
        %ne3A_1537 = arith.cmpi ne, %rem3A_1535, %ne3A_1536 : i32
        %lt3A_1538 = arith.constant 0 : i32
        %lt3A_1539 = arith.cmpi slt, %rem3A_1535, %lt3A_1538 : i32
        %lt3A_1540 = arith.constant 0 : i32
        %lt3A_1541 = arith.cmpi slt, %select_n3A_1534, %lt3A_1540 : i32
        %ne3A_1542 = arith.xori %lt3A_1539, %lt3A_1541 : i1
        %and3A_1543 = arith.andi %ne3A_1542, %ne3A_1537 : i1
        %add3A_1544 = arith.addi %rem3A_1535, %select_n3A_1534 : i32
        %select_n3A_1545 = arith.select %and3A_1543, %add3A_1544, %rem3A_1535 : i32
        %broadcast_in_dim3A_1546 = vector.broadcast %select_n3A_1545 : i32 to vector<16xi32>
        %broadcast_in_dim3A_1547 = vector.shape_cast %broadcast_in_dim3A_1546 : vector<16xi32> to vector<16x1xi32>
        %gather3A_1548 = vector.shape_cast %broadcast_in_dim3A_1547 : vector<16x1xi32> to vector<16xi32>
        %gather3A_1549 = tpu.dynamic_gather %get3A_1529[%gather3A_1548] in [0] : vector<16xi32>, vector<16xi32> -> vector<16xi32>
        %mul3A_1550 = arith.constant 21 : i32
        %mul3A_1551 = arith.muli %scan3A_348, %mul3A_1550 : i32
        %add3A_1552 = arith.constant 12 : i32
        %add3A_1553 = arith.addi %mul3A_1551, %add3A_1552 : i32
        %add3A_1554 = arith.addi %gather3A_1549, %iota3A : vector<16xi32>
        %broadcast_in_dim3A_1555 = vector.broadcast %add3A_1498 : i32 to vector<16xi32>
        %add3A_1556 = arith.constant 0 : i32
        %add3A_1557 = vector.broadcast %add3A_1556 : i32 to vector<16xi32>
        %add3A_1558 = arith.addi %add3A_1554, %add3A_1557 : vector<16xi32>
        %gather3A_1559 = tpu.vector_load_idx %arg16[%broadcast_in_dim3A_1555, %add3A_1558] : memref<320x128xf32, #tpu.memory_space<vmem>>[vector<16xi32>, vector<16xi32>], vector<16xf32>,
        %broadcast_in_dim3A_1560 = vector.broadcast %add3A_1498 : i32 to vector<16xi32>
        %add3A_1561 = arith.constant 16 : i32
        %add3A_1562 = vector.broadcast %add3A_1561 : i32 to vector<16xi32>
        %add3A_1563 = arith.addi %add3A_1554, %add3A_1562 : vector<16xi32>
        %gather3A_1564 = tpu.vector_load_idx %arg16[%broadcast_in_dim3A_1560, %add3A_1563] : memref<320x128xf32, #tpu.memory_space<vmem>>[vector<16xi32>, vector<16xi32>], vector<16xf32>,
        %broadcast_in_dim3A_1565 = vector.broadcast %add3A_1498 : i32 to vector<16xi32>
        %add3A_1566 = arith.constant 32 : i32
        %add3A_1567 = vector.broadcast %add3A_1566 : i32 to vector<16xi32>
        %add3A_1568 = arith.addi %add3A_1554, %add3A_1567 : vector<16xi32>
        %gather3A_1569 = tpu.vector_load_idx %arg16[%broadcast_in_dim3A_1565, %add3A_1568] : memref<320x128xf32, #tpu.memory_space<vmem>>[vector<16xi32>, vector<16xi32>], vector<16xf32>,
        %broadcast_in_dim3A_1570 = vector.broadcast %add3A_1498 : i32 to vector<16xi32>
        %add3A_1571 = arith.constant 48 : i32
        %add3A_1572 = vector.broadcast %add3A_1571 : i32 to vector<16xi32>
        %add3A_1573 = arith.addi %add3A_1554, %add3A_1572 : vector<16xi32>
        %gather3A_1574 = tpu.vector_load_idx %arg16[%broadcast_in_dim3A_1570, %add3A_1573] : memref<320x128xf32, #tpu.memory_space<vmem>>[vector<16xi32>, vector<16xi32>], vector<16xf32>,
        %mul3A_1575 = arith.mulf %gather3A_394, %gather3A_1559 : vector<16xf32>
        %mul3A_1576 = arith.mulf %gather3A_399, %gather3A_1564 : vector<16xf32>
        %add3A_1577 = arith.addf %mul3A_1575, %mul3A_1576 : vector<16xf32>
        %mul3A_1578 = arith.mulf %gather3A_404, %gather3A_1569 : vector<16xf32>
        %mul3A_1579 = arith.mulf %gather3A_409, %gather3A_1574 : vector<16xf32>
        %add3A_1580 = arith.addf %mul3A_1578, %mul3A_1579 : vector<16xf32>
        %add3A_1581 = arith.addf %add3A_1577, %add3A_1580 : vector<16xf32>
        %broadcast_in_dim3A_1582 = arith.constant true
        %broadcast_in_dim3A_1583 = vector.broadcast %broadcast_in_dim3A_1582 : i1 to vector<16xi1>
        %masked_cumsum3A_1584 = tpu.scan <sum>, %add3A_1581 masked %broadcast_in_dim3A_1583 : vector<16xf32>, vector<16xi1> -> vector<16xf32>
        %broadcast_in_dim3A_1585 = vector.broadcast %add3A_1553 : i32 to vector<16xi32>
        tpu.vector_store_idx %arg20[%broadcast_in_dim3A_1585], %masked_cumsum3A_1584 masked %eq3A_28 : memref<336xf32, #tpu.memory_space<vmem>>[vector<16xi32>], vector<16xf32>, vector<16xi1>
        %mul3A_1586 = arith.constant 20 : i32
        %mul3A_1587 = arith.muli %scan3A_348, %mul3A_1586 : i32
        %add3A_1588 = arith.constant 12 : i32
        %add3A_1589 = arith.addi %mul3A_1587, %add3A_1588 : i32
        %mul3A_1590 = arith.constant 320 : i32
        %mul3A_1591 = arith.muli %add3A_121, %mul3A_1590 : i32
        %add3A_1592 = arith.addi %mul3A_1591, %add3A_1589 : i32
        %jit3A_1593 = arith.constant 16 : i32
        %div3A_1594 = arith.divsi %add3A_1592, %jit3A_1593 : i32
        %sign3A_1595 = arith.constant 0 : i32
        %sign3A_1596 = arith.cmpi sgt, %add3A_1592, %sign3A_1595 : i32
        %sign3A_1597 = arith.extui %sign3A_1596 : i1 to i32
        %sign3A_1598 = arith.constant 0 : i32
        %sign3A_1599 = arith.cmpi slt, %add3A_1592, %sign3A_1598 : i32
        %sign3A_1600 = arith.extui %sign3A_1599 : i1 to i32
        %sign3A_1601 = arith.subi %sign3A_1597, %sign3A_1600 : i32
        %sign3A_1602 = arith.constant 0 : i32
        %sign3A_1603 = arith.cmpi sgt, %jit3A_1593, %sign3A_1602 : i32
        %sign3A_1604 = arith.extui %sign3A_1603 : i1 to i32
        %sign3A_1605 = arith.constant 0 : i32
        %sign3A_1606 = arith.cmpi slt, %jit3A_1593, %sign3A_1605 : i32
        %sign3A_1607 = arith.extui %sign3A_1606 : i1 to i32
        %sign3A_1608 = arith.subi %sign3A_1604, %sign3A_1607 : i32
        %ne3A_1609 = arith.cmpi ne, %sign3A_1601, %sign3A_1608 : i32
        %rem3A_1610 = arith.remsi %add3A_1592, %jit3A_1593 : i32
        %ne3A_1611 = arith.constant 0 : i32
        %ne3A_1612 = arith.cmpi ne, %rem3A_1610, %ne3A_1611 : i32
        %and3A_1613 = arith.andi %ne3A_1609, %ne3A_1612 : i1
        %sub3A_1614 = arith.constant 1 : i32
        %sub3A_1615 = arith.subi %div3A_1594, %sub3A_1614 : i32
        %select_n3A_1616 = arith.select %and3A_1613, %sub3A_1615, %div3A_1594 : i32
        %mul3A_1617 = arith.constant 16 : i32
        %mul3A_1618 = arith.muli %select_n3A_1616, %mul3A_1617 : i32
        %get3A_1619 = arith.index_cast %mul3A_1618 : i32 to index
        %get3A_1620 = tpu.vector_load %arg13[%get3A_1619] {strides = array<i32>} : memref<10240xi32, #tpu.memory_space<vmem>>, vector<16xi32>,
        %jit3A_1621 = arith.constant 16 : i32
        %eq3A_1622 = arith.constant 0 : i32
        %eq3A_1623 = arith.cmpi eq, %jit3A_1621, %eq3A_1622 : i32
        %jit3A_1624 = arith.constant 1 : i32
        %select_n3A_1625 = arith.select %eq3A_1623, %jit3A_1624, %jit3A_1621 : i32
        %rem3A_1626 = arith.remsi %add3A_1592, %select_n3A_1625 : i32
        %ne3A_1627 = arith.constant 0 : i32
        %ne3A_1628 = arith.cmpi ne, %rem3A_1626, %ne3A_1627 : i32
        %lt3A_1629 = arith.constant 0 : i32
        %lt3A_1630 = arith.cmpi slt, %rem3A_1626, %lt3A_1629 : i32
        %lt3A_1631 = arith.constant 0 : i32
        %lt3A_1632 = arith.cmpi slt, %select_n3A_1625, %lt3A_1631 : i32
        %ne3A_1633 = arith.xori %lt3A_1630, %lt3A_1632 : i1
        %and3A_1634 = arith.andi %ne3A_1633, %ne3A_1628 : i1
        %add3A_1635 = arith.addi %rem3A_1626, %select_n3A_1625 : i32
        %select_n3A_1636 = arith.select %and3A_1634, %add3A_1635, %rem3A_1626 : i32
        %broadcast_in_dim3A_1637 = vector.broadcast %select_n3A_1636 : i32 to vector<16xi32>
        %broadcast_in_dim3A_1638 = vector.shape_cast %broadcast_in_dim3A_1637 : vector<16xi32> to vector<16x1xi32>
        %gather3A_1639 = vector.shape_cast %broadcast_in_dim3A_1638 : vector<16x1xi32> to vector<16xi32>
        %gather3A_1640 = tpu.dynamic_gather %get3A_1620[%gather3A_1639] in [0] : vector<16xi32>, vector<16xi32> -> vector<16xi32>
        %mul3A_1641 = arith.constant 21 : i32
        %mul3A_1642 = arith.muli %scan3A_348, %mul3A_1641 : i32
        %add3A_1643 = arith.constant 13 : i32
        %add3A_1644 = arith.addi %mul3A_1642, %add3A_1643 : i32
        %add3A_1645 = arith.addi %gather3A_1640, %iota3A : vector<16xi32>
        %broadcast_in_dim3A_1646 = vector.broadcast %add3A_1589 : i32 to vector<16xi32>
        %add3A_1647 = arith.constant 0 : i32
        %add3A_1648 = vector.broadcast %add3A_1647 : i32 to vector<16xi32>
        %add3A_1649 = arith.addi %add3A_1645, %add3A_1648 : vector<16xi32>
        %gather3A_1650 = tpu.vector_load_idx %arg16[%broadcast_in_dim3A_1646, %add3A_1649] : memref<320x128xf32, #tpu.memory_space<vmem>>[vector<16xi32>, vector<16xi32>], vector<16xf32>,
        %broadcast_in_dim3A_1651 = vector.broadcast %add3A_1589 : i32 to vector<16xi32>
        %add3A_1652 = arith.constant 16 : i32
        %add3A_1653 = vector.broadcast %add3A_1652 : i32 to vector<16xi32>
        %add3A_1654 = arith.addi %add3A_1645, %add3A_1653 : vector<16xi32>
        %gather3A_1655 = tpu.vector_load_idx %arg16[%broadcast_in_dim3A_1651, %add3A_1654] : memref<320x128xf32, #tpu.memory_space<vmem>>[vector<16xi32>, vector<16xi32>], vector<16xf32>,
        %broadcast_in_dim3A_1656 = vector.broadcast %add3A_1589 : i32 to vector<16xi32>
        %add3A_1657 = arith.constant 32 : i32
        %add3A_1658 = vector.broadcast %add3A_1657 : i32 to vector<16xi32>
        %add3A_1659 = arith.addi %add3A_1645, %add3A_1658 : vector<16xi32>
        %gather3A_1660 = tpu.vector_load_idx %arg16[%broadcast_in_dim3A_1656, %add3A_1659] : memref<320x128xf32, #tpu.memory_space<vmem>>[vector<16xi32>, vector<16xi32>], vector<16xf32>,
        %broadcast_in_dim3A_1661 = vector.broadcast %add3A_1589 : i32 to vector<16xi32>
        %add3A_1662 = arith.constant 48 : i32
        %add3A_1663 = vector.broadcast %add3A_1662 : i32 to vector<16xi32>
        %add3A_1664 = arith.addi %add3A_1645, %add3A_1663 : vector<16xi32>
        %gather3A_1665 = tpu.vector_load_idx %arg16[%broadcast_in_dim3A_1661, %add3A_1664] : memref<320x128xf32, #tpu.memory_space<vmem>>[vector<16xi32>, vector<16xi32>], vector<16xf32>,
        %mul3A_1666 = arith.mulf %gather3A_394, %gather3A_1650 : vector<16xf32>
        %mul3A_1667 = arith.mulf %gather3A_399, %gather3A_1655 : vector<16xf32>
        %add3A_1668 = arith.addf %mul3A_1666, %mul3A_1667 : vector<16xf32>
        %mul3A_1669 = arith.mulf %gather3A_404, %gather3A_1660 : vector<16xf32>
        %mul3A_1670 = arith.mulf %gather3A_409, %gather3A_1665 : vector<16xf32>
        %add3A_1671 = arith.addf %mul3A_1669, %mul3A_1670 : vector<16xf32>
        %add3A_1672 = arith.addf %add3A_1668, %add3A_1671 : vector<16xf32>
        %broadcast_in_dim3A_1673 = arith.constant true
        %broadcast_in_dim3A_1674 = vector.broadcast %broadcast_in_dim3A_1673 : i1 to vector<16xi1>
        %masked_cumsum3A_1675 = tpu.scan <sum>, %add3A_1672 masked %broadcast_in_dim3A_1674 : vector<16xf32>, vector<16xi1> -> vector<16xf32>
        %broadcast_in_dim3A_1676 = vector.broadcast %add3A_1644 : i32 to vector<16xi32>
        tpu.vector_store_idx %arg20[%broadcast_in_dim3A_1676], %masked_cumsum3A_1675 masked %eq3A_28 : memref<336xf32, #tpu.memory_space<vmem>>[vector<16xi32>], vector<16xf32>, vector<16xi1>
        %mul3A_1677 = arith.constant 20 : i32
        %mul3A_1678 = arith.muli %scan3A_348, %mul3A_1677 : i32
        %add3A_1679 = arith.constant 13 : i32
        %add3A_1680 = arith.addi %mul3A_1678, %add3A_1679 : i32
        %mul3A_1681 = arith.constant 320 : i32
        %mul3A_1682 = arith.muli %add3A_121, %mul3A_1681 : i32
        %add3A_1683 = arith.addi %mul3A_1682, %add3A_1680 : i32
        %jit3A_1684 = arith.constant 16 : i32
        %div3A_1685 = arith.divsi %add3A_1683, %jit3A_1684 : i32
        %sign3A_1686 = arith.constant 0 : i32
        %sign3A_1687 = arith.cmpi sgt, %add3A_1683, %sign3A_1686 : i32
        %sign3A_1688 = arith.extui %sign3A_1687 : i1 to i32
        %sign3A_1689 = arith.constant 0 : i32
        %sign3A_1690 = arith.cmpi slt, %add3A_1683, %sign3A_1689 : i32
        %sign3A_1691 = arith.extui %sign3A_1690 : i1 to i32
        %sign3A_1692 = arith.subi %sign3A_1688, %sign3A_1691 : i32
        %sign3A_1693 = arith.constant 0 : i32
        %sign3A_1694 = arith.cmpi sgt, %jit3A_1684, %sign3A_1693 : i32
        %sign3A_1695 = arith.extui %sign3A_1694 : i1 to i32
        %sign3A_1696 = arith.constant 0 : i32
        %sign3A_1697 = arith.cmpi slt, %jit3A_1684, %sign3A_1696 : i32
        %sign3A_1698 = arith.extui %sign3A_1697 : i1 to i32
        %sign3A_1699 = arith.subi %sign3A_1695, %sign3A_1698 : i32
        %ne3A_1700 = arith.cmpi ne, %sign3A_1692, %sign3A_1699 : i32
        %rem3A_1701 = arith.remsi %add3A_1683, %jit3A_1684 : i32
        %ne3A_1702 = arith.constant 0 : i32
        %ne3A_1703 = arith.cmpi ne, %rem3A_1701, %ne3A_1702 : i32
        %and3A_1704 = arith.andi %ne3A_1700, %ne3A_1703 : i1
        %sub3A_1705 = arith.constant 1 : i32
        %sub3A_1706 = arith.subi %div3A_1685, %sub3A_1705 : i32
        %select_n3A_1707 = arith.select %and3A_1704, %sub3A_1706, %div3A_1685 : i32
        %mul3A_1708 = arith.constant 16 : i32
        %mul3A_1709 = arith.muli %select_n3A_1707, %mul3A_1708 : i32
        %get3A_1710 = arith.index_cast %mul3A_1709 : i32 to index
        %get3A_1711 = tpu.vector_load %arg13[%get3A_1710] {strides = array<i32>} : memref<10240xi32, #tpu.memory_space<vmem>>, vector<16xi32>,
        %jit3A_1712 = arith.constant 16 : i32
        %eq3A_1713 = arith.constant 0 : i32
        %eq3A_1714 = arith.cmpi eq, %jit3A_1712, %eq3A_1713 : i32
        %jit3A_1715 = arith.constant 1 : i32
        %select_n3A_1716 = arith.select %eq3A_1714, %jit3A_1715, %jit3A_1712 : i32
        %rem3A_1717 = arith.remsi %add3A_1683, %select_n3A_1716 : i32
        %ne3A_1718 = arith.constant 0 : i32
        %ne3A_1719 = arith.cmpi ne, %rem3A_1717, %ne3A_1718 : i32
        %lt3A_1720 = arith.constant 0 : i32
        %lt3A_1721 = arith.cmpi slt, %rem3A_1717, %lt3A_1720 : i32
        %lt3A_1722 = arith.constant 0 : i32
        %lt3A_1723 = arith.cmpi slt, %select_n3A_1716, %lt3A_1722 : i32
        %ne3A_1724 = arith.xori %lt3A_1721, %lt3A_1723 : i1
        %and3A_1725 = arith.andi %ne3A_1724, %ne3A_1719 : i1
        %add3A_1726 = arith.addi %rem3A_1717, %select_n3A_1716 : i32
        %select_n3A_1727 = arith.select %and3A_1725, %add3A_1726, %rem3A_1717 : i32
        %broadcast_in_dim3A_1728 = vector.broadcast %select_n3A_1727 : i32 to vector<16xi32>
        %broadcast_in_dim3A_1729 = vector.shape_cast %broadcast_in_dim3A_1728 : vector<16xi32> to vector<16x1xi32>
        %gather3A_1730 = vector.shape_cast %broadcast_in_dim3A_1729 : vector<16x1xi32> to vector<16xi32>
        %gather3A_1731 = tpu.dynamic_gather %get3A_1711[%gather3A_1730] in [0] : vector<16xi32>, vector<16xi32> -> vector<16xi32>
        %mul3A_1732 = arith.constant 21 : i32
        %mul3A_1733 = arith.muli %scan3A_348, %mul3A_1732 : i32
        %add3A_1734 = arith.constant 14 : i32
        %add3A_1735 = arith.addi %mul3A_1733, %add3A_1734 : i32
        %add3A_1736 = arith.addi %gather3A_1731, %iota3A : vector<16xi32>
        %broadcast_in_dim3A_1737 = vector.broadcast %add3A_1680 : i32 to vector<16xi32>
        %add3A_1738 = arith.constant 0 : i32
        %add3A_1739 = vector.broadcast %add3A_1738 : i32 to vector<16xi32>
        %add3A_1740 = arith.addi %add3A_1736, %add3A_1739 : vector<16xi32>
        %gather3A_1741 = tpu.vector_load_idx %arg16[%broadcast_in_dim3A_1737, %add3A_1740] : memref<320x128xf32, #tpu.memory_space<vmem>>[vector<16xi32>, vector<16xi32>], vector<16xf32>,
        %broadcast_in_dim3A_1742 = vector.broadcast %add3A_1680 : i32 to vector<16xi32>
        %add3A_1743 = arith.constant 16 : i32
        %add3A_1744 = vector.broadcast %add3A_1743 : i32 to vector<16xi32>
        %add3A_1745 = arith.addi %add3A_1736, %add3A_1744 : vector<16xi32>
        %gather3A_1746 = tpu.vector_load_idx %arg16[%broadcast_in_dim3A_1742, %add3A_1745] : memref<320x128xf32, #tpu.memory_space<vmem>>[vector<16xi32>, vector<16xi32>], vector<16xf32>,
        %broadcast_in_dim3A_1747 = vector.broadcast %add3A_1680 : i32 to vector<16xi32>
        %add3A_1748 = arith.constant 32 : i32
        %add3A_1749 = vector.broadcast %add3A_1748 : i32 to vector<16xi32>
        %add3A_1750 = arith.addi %add3A_1736, %add3A_1749 : vector<16xi32>
        %gather3A_1751 = tpu.vector_load_idx %arg16[%broadcast_in_dim3A_1747, %add3A_1750] : memref<320x128xf32, #tpu.memory_space<vmem>>[vector<16xi32>, vector<16xi32>], vector<16xf32>,
        %broadcast_in_dim3A_1752 = vector.broadcast %add3A_1680 : i32 to vector<16xi32>
        %add3A_1753 = arith.constant 48 : i32
        %add3A_1754 = vector.broadcast %add3A_1753 : i32 to vector<16xi32>
        %add3A_1755 = arith.addi %add3A_1736, %add3A_1754 : vector<16xi32>
        %gather3A_1756 = tpu.vector_load_idx %arg16[%broadcast_in_dim3A_1752, %add3A_1755] : memref<320x128xf32, #tpu.memory_space<vmem>>[vector<16xi32>, vector<16xi32>], vector<16xf32>,
        %mul3A_1757 = arith.mulf %gather3A_394, %gather3A_1741 : vector<16xf32>
        %mul3A_1758 = arith.mulf %gather3A_399, %gather3A_1746 : vector<16xf32>
        %add3A_1759 = arith.addf %mul3A_1757, %mul3A_1758 : vector<16xf32>
        %mul3A_1760 = arith.mulf %gather3A_404, %gather3A_1751 : vector<16xf32>
        %mul3A_1761 = arith.mulf %gather3A_409, %gather3A_1756 : vector<16xf32>
        %add3A_1762 = arith.addf %mul3A_1760, %mul3A_1761 : vector<16xf32>
        %add3A_1763 = arith.addf %add3A_1759, %add3A_1762 : vector<16xf32>
        %broadcast_in_dim3A_1764 = arith.constant true
        %broadcast_in_dim3A_1765 = vector.broadcast %broadcast_in_dim3A_1764 : i1 to vector<16xi1>
        %masked_cumsum3A_1766 = tpu.scan <sum>, %add3A_1763 masked %broadcast_in_dim3A_1765 : vector<16xf32>, vector<16xi1> -> vector<16xf32>
        %broadcast_in_dim3A_1767 = vector.broadcast %add3A_1735 : i32 to vector<16xi32>
        tpu.vector_store_idx %arg20[%broadcast_in_dim3A_1767], %masked_cumsum3A_1766 masked %eq3A_28 : memref<336xf32, #tpu.memory_space<vmem>>[vector<16xi32>], vector<16xf32>, vector<16xi1>
        %mul3A_1768 = arith.constant 20 : i32
        %mul3A_1769 = arith.muli %scan3A_348, %mul3A_1768 : i32
        %add3A_1770 = arith.constant 14 : i32
        %add3A_1771 = arith.addi %mul3A_1769, %add3A_1770 : i32
        %mul3A_1772 = arith.constant 320 : i32
        %mul3A_1773 = arith.muli %add3A_121, %mul3A_1772 : i32
        %add3A_1774 = arith.addi %mul3A_1773, %add3A_1771 : i32
        %jit3A_1775 = arith.constant 16 : i32
        %div3A_1776 = arith.divsi %add3A_1774, %jit3A_1775 : i32
        %sign3A_1777 = arith.constant 0 : i32
        %sign3A_1778 = arith.cmpi sgt, %add3A_1774, %sign3A_1777 : i32
        %sign3A_1779 = arith.extui %sign3A_1778 : i1 to i32
        %sign3A_1780 = arith.constant 0 : i32
        %sign3A_1781 = arith.cmpi slt, %add3A_1774, %sign3A_1780 : i32
        %sign3A_1782 = arith.extui %sign3A_1781 : i1 to i32
        %sign3A_1783 = arith.subi %sign3A_1779, %sign3A_1782 : i32
        %sign3A_1784 = arith.constant 0 : i32
        %sign3A_1785 = arith.cmpi sgt, %jit3A_1775, %sign3A_1784 : i32
        %sign3A_1786 = arith.extui %sign3A_1785 : i1 to i32
        %sign3A_1787 = arith.constant 0 : i32
        %sign3A_1788 = arith.cmpi slt, %jit3A_1775, %sign3A_1787 : i32
        %sign3A_1789 = arith.extui %sign3A_1788 : i1 to i32
        %sign3A_1790 = arith.subi %sign3A_1786, %sign3A_1789 : i32
        %ne3A_1791 = arith.cmpi ne, %sign3A_1783, %sign3A_1790 : i32
        %rem3A_1792 = arith.remsi %add3A_1774, %jit3A_1775 : i32
        %ne3A_1793 = arith.constant 0 : i32
        %ne3A_1794 = arith.cmpi ne, %rem3A_1792, %ne3A_1793 : i32
        %and3A_1795 = arith.andi %ne3A_1791, %ne3A_1794 : i1
        %sub3A_1796 = arith.constant 1 : i32
        %sub3A_1797 = arith.subi %div3A_1776, %sub3A_1796 : i32
        %select_n3A_1798 = arith.select %and3A_1795, %sub3A_1797, %div3A_1776 : i32
        %mul3A_1799 = arith.constant 16 : i32
        %mul3A_1800 = arith.muli %select_n3A_1798, %mul3A_1799 : i32
        %get3A_1801 = arith.index_cast %mul3A_1800 : i32 to index
        %get3A_1802 = tpu.vector_load %arg13[%get3A_1801] {strides = array<i32>} : memref<10240xi32, #tpu.memory_space<vmem>>, vector<16xi32>,
        %jit3A_1803 = arith.constant 16 : i32
        %eq3A_1804 = arith.constant 0 : i32
        %eq3A_1805 = arith.cmpi eq, %jit3A_1803, %eq3A_1804 : i32
        %jit3A_1806 = arith.constant 1 : i32
        %select_n3A_1807 = arith.select %eq3A_1805, %jit3A_1806, %jit3A_1803 : i32
        %rem3A_1808 = arith.remsi %add3A_1774, %select_n3A_1807 : i32
        %ne3A_1809 = arith.constant 0 : i32
        %ne3A_1810 = arith.cmpi ne, %rem3A_1808, %ne3A_1809 : i32
        %lt3A_1811 = arith.constant 0 : i32
        %lt3A_1812 = arith.cmpi slt, %rem3A_1808, %lt3A_1811 : i32
        %lt3A_1813 = arith.constant 0 : i32
        %lt3A_1814 = arith.cmpi slt, %select_n3A_1807, %lt3A_1813 : i32
        %ne3A_1815 = arith.xori %lt3A_1812, %lt3A_1814 : i1
        %and3A_1816 = arith.andi %ne3A_1815, %ne3A_1810 : i1
        %add3A_1817 = arith.addi %rem3A_1808, %select_n3A_1807 : i32
        %select_n3A_1818 = arith.select %and3A_1816, %add3A_1817, %rem3A_1808 : i32
        %broadcast_in_dim3A_1819 = vector.broadcast %select_n3A_1818 : i32 to vector<16xi32>
        %broadcast_in_dim3A_1820 = vector.shape_cast %broadcast_in_dim3A_1819 : vector<16xi32> to vector<16x1xi32>
        %gather3A_1821 = vector.shape_cast %broadcast_in_dim3A_1820 : vector<16x1xi32> to vector<16xi32>
        %gather3A_1822 = tpu.dynamic_gather %get3A_1802[%gather3A_1821] in [0] : vector<16xi32>, vector<16xi32> -> vector<16xi32>
        %mul3A_1823 = arith.constant 21 : i32
        %mul3A_1824 = arith.muli %scan3A_348, %mul3A_1823 : i32
        %add3A_1825 = arith.constant 15 : i32
        %add3A_1826 = arith.addi %mul3A_1824, %add3A_1825 : i32
        %add3A_1827 = arith.addi %gather3A_1822, %iota3A : vector<16xi32>
        %broadcast_in_dim3A_1828 = vector.broadcast %add3A_1771 : i32 to vector<16xi32>
        %add3A_1829 = arith.constant 0 : i32
        %add3A_1830 = vector.broadcast %add3A_1829 : i32 to vector<16xi32>
        %add3A_1831 = arith.addi %add3A_1827, %add3A_1830 : vector<16xi32>
        %gather3A_1832 = tpu.vector_load_idx %arg16[%broadcast_in_dim3A_1828, %add3A_1831] : memref<320x128xf32, #tpu.memory_space<vmem>>[vector<16xi32>, vector<16xi32>], vector<16xf32>,
        %broadcast_in_dim3A_1833 = vector.broadcast %add3A_1771 : i32 to vector<16xi32>
        %add3A_1834 = arith.constant 16 : i32
        %add3A_1835 = vector.broadcast %add3A_1834 : i32 to vector<16xi32>
        %add3A_1836 = arith.addi %add3A_1827, %add3A_1835 : vector<16xi32>
        %gather3A_1837 = tpu.vector_load_idx %arg16[%broadcast_in_dim3A_1833, %add3A_1836] : memref<320x128xf32, #tpu.memory_space<vmem>>[vector<16xi32>, vector<16xi32>], vector<16xf32>,
        %broadcast_in_dim3A_1838 = vector.broadcast %add3A_1771 : i32 to vector<16xi32>
        %add3A_1839 = arith.constant 32 : i32
        %add3A_1840 = vector.broadcast %add3A_1839 : i32 to vector<16xi32>
        %add3A_1841 = arith.addi %add3A_1827, %add3A_1840 : vector<16xi32>
        %gather3A_1842 = tpu.vector_load_idx %arg16[%broadcast_in_dim3A_1838, %add3A_1841] : memref<320x128xf32, #tpu.memory_space<vmem>>[vector<16xi32>, vector<16xi32>], vector<16xf32>,
        %broadcast_in_dim3A_1843 = vector.broadcast %add3A_1771 : i32 to vector<16xi32>
        %add3A_1844 = arith.constant 48 : i32
        %add3A_1845 = vector.broadcast %add3A_1844 : i32 to vector<16xi32>
        %add3A_1846 = arith.addi %add3A_1827, %add3A_1845 : vector<16xi32>
        %gather3A_1847 = tpu.vector_load_idx %arg16[%broadcast_in_dim3A_1843, %add3A_1846] : memref<320x128xf32, #tpu.memory_space<vmem>>[vector<16xi32>, vector<16xi32>], vector<16xf32>,
        %mul3A_1848 = arith.mulf %gather3A_394, %gather3A_1832 : vector<16xf32>
        %mul3A_1849 = arith.mulf %gather3A_399, %gather3A_1837 : vector<16xf32>
        %add3A_1850 = arith.addf %mul3A_1848, %mul3A_1849 : vector<16xf32>
        %mul3A_1851 = arith.mulf %gather3A_404, %gather3A_1842 : vector<16xf32>
        %mul3A_1852 = arith.mulf %gather3A_409, %gather3A_1847 : vector<16xf32>
        %add3A_1853 = arith.addf %mul3A_1851, %mul3A_1852 : vector<16xf32>
        %add3A_1854 = arith.addf %add3A_1850, %add3A_1853 : vector<16xf32>
        %broadcast_in_dim3A_1855 = arith.constant true
        %broadcast_in_dim3A_1856 = vector.broadcast %broadcast_in_dim3A_1855 : i1 to vector<16xi1>
        %masked_cumsum3A_1857 = tpu.scan <sum>, %add3A_1854 masked %broadcast_in_dim3A_1856 : vector<16xf32>, vector<16xi1> -> vector<16xf32>
        %broadcast_in_dim3A_1858 = vector.broadcast %add3A_1826 : i32 to vector<16xi32>
        tpu.vector_store_idx %arg20[%broadcast_in_dim3A_1858], %masked_cumsum3A_1857 masked %eq3A_28 : memref<336xf32, #tpu.memory_space<vmem>>[vector<16xi32>], vector<16xf32>, vector<16xi1>
        %mul3A_1859 = arith.constant 20 : i32
        %mul3A_1860 = arith.muli %scan3A_348, %mul3A_1859 : i32
        %add3A_1861 = arith.constant 15 : i32
        %add3A_1862 = arith.addi %mul3A_1860, %add3A_1861 : i32
        %mul3A_1863 = arith.constant 320 : i32
        %mul3A_1864 = arith.muli %add3A_121, %mul3A_1863 : i32
        %add3A_1865 = arith.addi %mul3A_1864, %add3A_1862 : i32
        %jit3A_1866 = arith.constant 16 : i32
        %div3A_1867 = arith.divsi %add3A_1865, %jit3A_1866 : i32
        %sign3A_1868 = arith.constant 0 : i32
        %sign3A_1869 = arith.cmpi sgt, %add3A_1865, %sign3A_1868 : i32
        %sign3A_1870 = arith.extui %sign3A_1869 : i1 to i32
        %sign3A_1871 = arith.constant 0 : i32
        %sign3A_1872 = arith.cmpi slt, %add3A_1865, %sign3A_1871 : i32
        %sign3A_1873 = arith.extui %sign3A_1872 : i1 to i32
        %sign3A_1874 = arith.subi %sign3A_1870, %sign3A_1873 : i32
        %sign3A_1875 = arith.constant 0 : i32
        %sign3A_1876 = arith.cmpi sgt, %jit3A_1866, %sign3A_1875 : i32
        %sign3A_1877 = arith.extui %sign3A_1876 : i1 to i32
        %sign3A_1878 = arith.constant 0 : i32
        %sign3A_1879 = arith.cmpi slt, %jit3A_1866, %sign3A_1878 : i32
        %sign3A_1880 = arith.extui %sign3A_1879 : i1 to i32
        %sign3A_1881 = arith.subi %sign3A_1877, %sign3A_1880 : i32
        %ne3A_1882 = arith.cmpi ne, %sign3A_1874, %sign3A_1881 : i32
        %rem3A_1883 = arith.remsi %add3A_1865, %jit3A_1866 : i32
        %ne3A_1884 = arith.constant 0 : i32
        %ne3A_1885 = arith.cmpi ne, %rem3A_1883, %ne3A_1884 : i32
        %and3A_1886 = arith.andi %ne3A_1882, %ne3A_1885 : i1
        %sub3A_1887 = arith.constant 1 : i32
        %sub3A_1888 = arith.subi %div3A_1867, %sub3A_1887 : i32
        %select_n3A_1889 = arith.select %and3A_1886, %sub3A_1888, %div3A_1867 : i32
        %mul3A_1890 = arith.constant 16 : i32
        %mul3A_1891 = arith.muli %select_n3A_1889, %mul3A_1890 : i32
        %get3A_1892 = arith.index_cast %mul3A_1891 : i32 to index
        %get3A_1893 = tpu.vector_load %arg13[%get3A_1892] {strides = array<i32>} : memref<10240xi32, #tpu.memory_space<vmem>>, vector<16xi32>,
        %jit3A_1894 = arith.constant 16 : i32
        %eq3A_1895 = arith.constant 0 : i32
        %eq3A_1896 = arith.cmpi eq, %jit3A_1894, %eq3A_1895 : i32
        %jit3A_1897 = arith.constant 1 : i32
        %select_n3A_1898 = arith.select %eq3A_1896, %jit3A_1897, %jit3A_1894 : i32
        %rem3A_1899 = arith.remsi %add3A_1865, %select_n3A_1898 : i32
        %ne3A_1900 = arith.constant 0 : i32
        %ne3A_1901 = arith.cmpi ne, %rem3A_1899, %ne3A_1900 : i32
        %lt3A_1902 = arith.constant 0 : i32
        %lt3A_1903 = arith.cmpi slt, %rem3A_1899, %lt3A_1902 : i32
        %lt3A_1904 = arith.constant 0 : i32
        %lt3A_1905 = arith.cmpi slt, %select_n3A_1898, %lt3A_1904 : i32
        %ne3A_1906 = arith.xori %lt3A_1903, %lt3A_1905 : i1
        %and3A_1907 = arith.andi %ne3A_1906, %ne3A_1901 : i1
        %add3A_1908 = arith.addi %rem3A_1899, %select_n3A_1898 : i32
        %select_n3A_1909 = arith.select %and3A_1907, %add3A_1908, %rem3A_1899 : i32
        %broadcast_in_dim3A_1910 = vector.broadcast %select_n3A_1909 : i32 to vector<16xi32>
        %broadcast_in_dim3A_1911 = vector.shape_cast %broadcast_in_dim3A_1910 : vector<16xi32> to vector<16x1xi32>
        %gather3A_1912 = vector.shape_cast %broadcast_in_dim3A_1911 : vector<16x1xi32> to vector<16xi32>
        %gather3A_1913 = tpu.dynamic_gather %get3A_1893[%gather3A_1912] in [0] : vector<16xi32>, vector<16xi32> -> vector<16xi32>
        %mul3A_1914 = arith.constant 21 : i32
        %mul3A_1915 = arith.muli %scan3A_348, %mul3A_1914 : i32
        %add3A_1916 = arith.constant 16 : i32
        %add3A_1917 = arith.addi %mul3A_1915, %add3A_1916 : i32
        %add3A_1918 = arith.addi %gather3A_1913, %iota3A : vector<16xi32>
        %broadcast_in_dim3A_1919 = vector.broadcast %add3A_1862 : i32 to vector<16xi32>
        %add3A_1920 = arith.constant 0 : i32
        %add3A_1921 = vector.broadcast %add3A_1920 : i32 to vector<16xi32>
        %add3A_1922 = arith.addi %add3A_1918, %add3A_1921 : vector<16xi32>
        %gather3A_1923 = tpu.vector_load_idx %arg16[%broadcast_in_dim3A_1919, %add3A_1922] : memref<320x128xf32, #tpu.memory_space<vmem>>[vector<16xi32>, vector<16xi32>], vector<16xf32>,
        %broadcast_in_dim3A_1924 = vector.broadcast %add3A_1862 : i32 to vector<16xi32>
        %add3A_1925 = arith.constant 16 : i32
        %add3A_1926 = vector.broadcast %add3A_1925 : i32 to vector<16xi32>
        %add3A_1927 = arith.addi %add3A_1918, %add3A_1926 : vector<16xi32>
        %gather3A_1928 = tpu.vector_load_idx %arg16[%broadcast_in_dim3A_1924, %add3A_1927] : memref<320x128xf32, #tpu.memory_space<vmem>>[vector<16xi32>, vector<16xi32>], vector<16xf32>,
        %broadcast_in_dim3A_1929 = vector.broadcast %add3A_1862 : i32 to vector<16xi32>
        %add3A_1930 = arith.constant 32 : i32
        %add3A_1931 = vector.broadcast %add3A_1930 : i32 to vector<16xi32>
        %add3A_1932 = arith.addi %add3A_1918, %add3A_1931 : vector<16xi32>
        %gather3A_1933 = tpu.vector_load_idx %arg16[%broadcast_in_dim3A_1929, %add3A_1932] : memref<320x128xf32, #tpu.memory_space<vmem>>[vector<16xi32>, vector<16xi32>], vector<16xf32>,
        %broadcast_in_dim3A_1934 = vector.broadcast %add3A_1862 : i32 to vector<16xi32>
        %add3A_1935 = arith.constant 48 : i32
        %add3A_1936 = vector.broadcast %add3A_1935 : i32 to vector<16xi32>
        %add3A_1937 = arith.addi %add3A_1918, %add3A_1936 : vector<16xi32>
        %gather3A_1938 = tpu.vector_load_idx %arg16[%broadcast_in_dim3A_1934, %add3A_1937] : memref<320x128xf32, #tpu.memory_space<vmem>>[vector<16xi32>, vector<16xi32>], vector<16xf32>,
        %mul3A_1939 = arith.mulf %gather3A_394, %gather3A_1923 : vector<16xf32>
        %mul3A_1940 = arith.mulf %gather3A_399, %gather3A_1928 : vector<16xf32>
        %add3A_1941 = arith.addf %mul3A_1939, %mul3A_1940 : vector<16xf32>
        %mul3A_1942 = arith.mulf %gather3A_404, %gather3A_1933 : vector<16xf32>
        %mul3A_1943 = arith.mulf %gather3A_409, %gather3A_1938 : vector<16xf32>
        %add3A_1944 = arith.addf %mul3A_1942, %mul3A_1943 : vector<16xf32>
        %add3A_1945 = arith.addf %add3A_1941, %add3A_1944 : vector<16xf32>
        %broadcast_in_dim3A_1946 = arith.constant true
        %broadcast_in_dim3A_1947 = vector.broadcast %broadcast_in_dim3A_1946 : i1 to vector<16xi1>
        %masked_cumsum3A_1948 = tpu.scan <sum>, %add3A_1945 masked %broadcast_in_dim3A_1947 : vector<16xf32>, vector<16xi1> -> vector<16xf32>
        %broadcast_in_dim3A_1949 = vector.broadcast %add3A_1917 : i32 to vector<16xi32>
        tpu.vector_store_idx %arg20[%broadcast_in_dim3A_1949], %masked_cumsum3A_1948 masked %eq3A_28 : memref<336xf32, #tpu.memory_space<vmem>>[vector<16xi32>], vector<16xf32>, vector<16xi1>
        %mul3A_1950 = arith.constant 20 : i32
        %mul3A_1951 = arith.muli %scan3A_348, %mul3A_1950 : i32
        %add3A_1952 = arith.constant 16 : i32
        %add3A_1953 = arith.addi %mul3A_1951, %add3A_1952 : i32
        %mul3A_1954 = arith.constant 320 : i32
        %mul3A_1955 = arith.muli %add3A_121, %mul3A_1954 : i32
        %add3A_1956 = arith.addi %mul3A_1955, %add3A_1953 : i32
        %jit3A_1957 = arith.constant 16 : i32
        %div3A_1958 = arith.divsi %add3A_1956, %jit3A_1957 : i32
        %sign3A_1959 = arith.constant 0 : i32
        %sign3A_1960 = arith.cmpi sgt, %add3A_1956, %sign3A_1959 : i32
        %sign3A_1961 = arith.extui %sign3A_1960 : i1 to i32
        %sign3A_1962 = arith.constant 0 : i32
        %sign3A_1963 = arith.cmpi slt, %add3A_1956, %sign3A_1962 : i32
        %sign3A_1964 = arith.extui %sign3A_1963 : i1 to i32
        %sign3A_1965 = arith.subi %sign3A_1961, %sign3A_1964 : i32
        %sign3A_1966 = arith.constant 0 : i32
        %sign3A_1967 = arith.cmpi sgt, %jit3A_1957, %sign3A_1966 : i32
        %sign3A_1968 = arith.extui %sign3A_1967 : i1 to i32
        %sign3A_1969 = arith.constant 0 : i32
        %sign3A_1970 = arith.cmpi slt, %jit3A_1957, %sign3A_1969 : i32
        %sign3A_1971 = arith.extui %sign3A_1970 : i1 to i32
        %sign3A_1972 = arith.subi %sign3A_1968, %sign3A_1971 : i32
        %ne3A_1973 = arith.cmpi ne, %sign3A_1965, %sign3A_1972 : i32
        %rem3A_1974 = arith.remsi %add3A_1956, %jit3A_1957 : i32
        %ne3A_1975 = arith.constant 0 : i32
        %ne3A_1976 = arith.cmpi ne, %rem3A_1974, %ne3A_1975 : i32
        %and3A_1977 = arith.andi %ne3A_1973, %ne3A_1976 : i1
        %sub3A_1978 = arith.constant 1 : i32
        %sub3A_1979 = arith.subi %div3A_1958, %sub3A_1978 : i32
        %select_n3A_1980 = arith.select %and3A_1977, %sub3A_1979, %div3A_1958 : i32
        %mul3A_1981 = arith.constant 16 : i32
        %mul3A_1982 = arith.muli %select_n3A_1980, %mul3A_1981 : i32
        %get3A_1983 = arith.index_cast %mul3A_1982 : i32 to index
        %get3A_1984 = tpu.vector_load %arg13[%get3A_1983] {strides = array<i32>} : memref<10240xi32, #tpu.memory_space<vmem>>, vector<16xi32>,
        %jit3A_1985 = arith.constant 16 : i32
        %eq3A_1986 = arith.constant 0 : i32
        %eq3A_1987 = arith.cmpi eq, %jit3A_1985, %eq3A_1986 : i32
        %jit3A_1988 = arith.constant 1 : i32
        %select_n3A_1989 = arith.select %eq3A_1987, %jit3A_1988, %jit3A_1985 : i32
        %rem3A_1990 = arith.remsi %add3A_1956, %select_n3A_1989 : i32
        %ne3A_1991 = arith.constant 0 : i32
        %ne3A_1992 = arith.cmpi ne, %rem3A_1990, %ne3A_1991 : i32
        %lt3A_1993 = arith.constant 0 : i32
        %lt3A_1994 = arith.cmpi slt, %rem3A_1990, %lt3A_1993 : i32
        %lt3A_1995 = arith.constant 0 : i32
        %lt3A_1996 = arith.cmpi slt, %select_n3A_1989, %lt3A_1995 : i32
        %ne3A_1997 = arith.xori %lt3A_1994, %lt3A_1996 : i1
        %and3A_1998 = arith.andi %ne3A_1997, %ne3A_1992 : i1
        %add3A_1999 = arith.addi %rem3A_1990, %select_n3A_1989 : i32
        %select_n3A_2000 = arith.select %and3A_1998, %add3A_1999, %rem3A_1990 : i32
        %broadcast_in_dim3A_2001 = vector.broadcast %select_n3A_2000 : i32 to vector<16xi32>
        %broadcast_in_dim3A_2002 = vector.shape_cast %broadcast_in_dim3A_2001 : vector<16xi32> to vector<16x1xi32>
        %gather3A_2003 = vector.shape_cast %broadcast_in_dim3A_2002 : vector<16x1xi32> to vector<16xi32>
        %gather3A_2004 = tpu.dynamic_gather %get3A_1984[%gather3A_2003] in [0] : vector<16xi32>, vector<16xi32> -> vector<16xi32>
        %mul3A_2005 = arith.constant 21 : i32
        %mul3A_2006 = arith.muli %scan3A_348, %mul3A_2005 : i32
        %add3A_2007 = arith.constant 17 : i32
        %add3A_2008 = arith.addi %mul3A_2006, %add3A_2007 : i32
        %add3A_2009 = arith.addi %gather3A_2004, %iota3A : vector<16xi32>
        %broadcast_in_dim3A_2010 = vector.broadcast %add3A_1953 : i32 to vector<16xi32>
        %add3A_2011 = arith.constant 0 : i32
        %add3A_2012 = vector.broadcast %add3A_2011 : i32 to vector<16xi32>
        %add3A_2013 = arith.addi %add3A_2009, %add3A_2012 : vector<16xi32>
        %gather3A_2014 = tpu.vector_load_idx %arg16[%broadcast_in_dim3A_2010, %add3A_2013] : memref<320x128xf32, #tpu.memory_space<vmem>>[vector<16xi32>, vector<16xi32>], vector<16xf32>,
        %broadcast_in_dim3A_2015 = vector.broadcast %add3A_1953 : i32 to vector<16xi32>
        %add3A_2016 = arith.constant 16 : i32
        %add3A_2017 = vector.broadcast %add3A_2016 : i32 to vector<16xi32>
        %add3A_2018 = arith.addi %add3A_2009, %add3A_2017 : vector<16xi32>
        %gather3A_2019 = tpu.vector_load_idx %arg16[%broadcast_in_dim3A_2015, %add3A_2018] : memref<320x128xf32, #tpu.memory_space<vmem>>[vector<16xi32>, vector<16xi32>], vector<16xf32>,
        %broadcast_in_dim3A_2020 = vector.broadcast %add3A_1953 : i32 to vector<16xi32>
        %add3A_2021 = arith.constant 32 : i32
        %add3A_2022 = vector.broadcast %add3A_2021 : i32 to vector<16xi32>
        %add3A_2023 = arith.addi %add3A_2009, %add3A_2022 : vector<16xi32>
        %gather3A_2024 = tpu.vector_load_idx %arg16[%broadcast_in_dim3A_2020, %add3A_2023] : memref<320x128xf32, #tpu.memory_space<vmem>>[vector<16xi32>, vector<16xi32>], vector<16xf32>,
        %broadcast_in_dim3A_2025 = vector.broadcast %add3A_1953 : i32 to vector<16xi32>
        %add3A_2026 = arith.constant 48 : i32
        %add3A_2027 = vector.broadcast %add3A_2026 : i32 to vector<16xi32>
        %add3A_2028 = arith.addi %add3A_2009, %add3A_2027 : vector<16xi32>
        %gather3A_2029 = tpu.vector_load_idx %arg16[%broadcast_in_dim3A_2025, %add3A_2028] : memref<320x128xf32, #tpu.memory_space<vmem>>[vector<16xi32>, vector<16xi32>], vector<16xf32>,
        %mul3A_2030 = arith.mulf %gather3A_394, %gather3A_2014 : vector<16xf32>
        %mul3A_2031 = arith.mulf %gather3A_399, %gather3A_2019 : vector<16xf32>
        %add3A_2032 = arith.addf %mul3A_2030, %mul3A_2031 : vector<16xf32>
        %mul3A_2033 = arith.mulf %gather3A_404, %gather3A_2024 : vector<16xf32>
        %mul3A_2034 = arith.mulf %gather3A_409, %gather3A_2029 : vector<16xf32>
        %add3A_2035 = arith.addf %mul3A_2033, %mul3A_2034 : vector<16xf32>
        %add3A_2036 = arith.addf %add3A_2032, %add3A_2035 : vector<16xf32>
        %broadcast_in_dim3A_2037 = arith.constant true
        %broadcast_in_dim3A_2038 = vector.broadcast %broadcast_in_dim3A_2037 : i1 to vector<16xi1>
        %masked_cumsum3A_2039 = tpu.scan <sum>, %add3A_2036 masked %broadcast_in_dim3A_2038 : vector<16xf32>, vector<16xi1> -> vector<16xf32>
        %broadcast_in_dim3A_2040 = vector.broadcast %add3A_2008 : i32 to vector<16xi32>
        tpu.vector_store_idx %arg20[%broadcast_in_dim3A_2040], %masked_cumsum3A_2039 masked %eq3A_28 : memref<336xf32, #tpu.memory_space<vmem>>[vector<16xi32>], vector<16xf32>, vector<16xi1>
        %mul3A_2041 = arith.constant 20 : i32
        %mul3A_2042 = arith.muli %scan3A_348, %mul3A_2041 : i32
        %add3A_2043 = arith.constant 17 : i32
        %add3A_2044 = arith.addi %mul3A_2042, %add3A_2043 : i32
        %mul3A_2045 = arith.constant 320 : i32
        %mul3A_2046 = arith.muli %add3A_121, %mul3A_2045 : i32
        %add3A_2047 = arith.addi %mul3A_2046, %add3A_2044 : i32
        %jit3A_2048 = arith.constant 16 : i32
        %div3A_2049 = arith.divsi %add3A_2047, %jit3A_2048 : i32
        %sign3A_2050 = arith.constant 0 : i32
        %sign3A_2051 = arith.cmpi sgt, %add3A_2047, %sign3A_2050 : i32
        %sign3A_2052 = arith.extui %sign3A_2051 : i1 to i32
        %sign3A_2053 = arith.constant 0 : i32
        %sign3A_2054 = arith.cmpi slt, %add3A_2047, %sign3A_2053 : i32
        %sign3A_2055 = arith.extui %sign3A_2054 : i1 to i32
        %sign3A_2056 = arith.subi %sign3A_2052, %sign3A_2055 : i32
        %sign3A_2057 = arith.constant 0 : i32
        %sign3A_2058 = arith.cmpi sgt, %jit3A_2048, %sign3A_2057 : i32
        %sign3A_2059 = arith.extui %sign3A_2058 : i1 to i32
        %sign3A_2060 = arith.constant 0 : i32
        %sign3A_2061 = arith.cmpi slt, %jit3A_2048, %sign3A_2060 : i32
        %sign3A_2062 = arith.extui %sign3A_2061 : i1 to i32
        %sign3A_2063 = arith.subi %sign3A_2059, %sign3A_2062 : i32
        %ne3A_2064 = arith.cmpi ne, %sign3A_2056, %sign3A_2063 : i32
        %rem3A_2065 = arith.remsi %add3A_2047, %jit3A_2048 : i32
        %ne3A_2066 = arith.constant 0 : i32
        %ne3A_2067 = arith.cmpi ne, %rem3A_2065, %ne3A_2066 : i32
        %and3A_2068 = arith.andi %ne3A_2064, %ne3A_2067 : i1
        %sub3A_2069 = arith.constant 1 : i32
        %sub3A_2070 = arith.subi %div3A_2049, %sub3A_2069 : i32
        %select_n3A_2071 = arith.select %and3A_2068, %sub3A_2070, %div3A_2049 : i32
        %mul3A_2072 = arith.constant 16 : i32
        %mul3A_2073 = arith.muli %select_n3A_2071, %mul3A_2072 : i32
        %get3A_2074 = arith.index_cast %mul3A_2073 : i32 to index
        %get3A_2075 = tpu.vector_load %arg13[%get3A_2074] {strides = array<i32>} : memref<10240xi32, #tpu.memory_space<vmem>>, vector<16xi32>,
        %jit3A_2076 = arith.constant 16 : i32
        %eq3A_2077 = arith.constant 0 : i32
        %eq3A_2078 = arith.cmpi eq, %jit3A_2076, %eq3A_2077 : i32
        %jit3A_2079 = arith.constant 1 : i32
        %select_n3A_2080 = arith.select %eq3A_2078, %jit3A_2079, %jit3A_2076 : i32
        %rem3A_2081 = arith.remsi %add3A_2047, %select_n3A_2080 : i32
        %ne3A_2082 = arith.constant 0 : i32
        %ne3A_2083 = arith.cmpi ne, %rem3A_2081, %ne3A_2082 : i32
        %lt3A_2084 = arith.constant 0 : i32
        %lt3A_2085 = arith.cmpi slt, %rem3A_2081, %lt3A_2084 : i32
        %lt3A_2086 = arith.constant 0 : i32
        %lt3A_2087 = arith.cmpi slt, %select_n3A_2080, %lt3A_2086 : i32
        %ne3A_2088 = arith.xori %lt3A_2085, %lt3A_2087 : i1
        %and3A_2089 = arith.andi %ne3A_2088, %ne3A_2083 : i1
        %add3A_2090 = arith.addi %rem3A_2081, %select_n3A_2080 : i32
        %select_n3A_2091 = arith.select %and3A_2089, %add3A_2090, %rem3A_2081 : i32
        %broadcast_in_dim3A_2092 = vector.broadcast %select_n3A_2091 : i32 to vector<16xi32>
        %broadcast_in_dim3A_2093 = vector.shape_cast %broadcast_in_dim3A_2092 : vector<16xi32> to vector<16x1xi32>
        %gather3A_2094 = vector.shape_cast %broadcast_in_dim3A_2093 : vector<16x1xi32> to vector<16xi32>
        %gather3A_2095 = tpu.dynamic_gather %get3A_2075[%gather3A_2094] in [0] : vector<16xi32>, vector<16xi32> -> vector<16xi32>
        %mul3A_2096 = arith.constant 21 : i32
        %mul3A_2097 = arith.muli %scan3A_348, %mul3A_2096 : i32
        %add3A_2098 = arith.constant 18 : i32
        %add3A_2099 = arith.addi %mul3A_2097, %add3A_2098 : i32
        %add3A_2100 = arith.addi %gather3A_2095, %iota3A : vector<16xi32>
        %broadcast_in_dim3A_2101 = vector.broadcast %add3A_2044 : i32 to vector<16xi32>
        %add3A_2102 = arith.constant 0 : i32
        %add3A_2103 = vector.broadcast %add3A_2102 : i32 to vector<16xi32>
        %add3A_2104 = arith.addi %add3A_2100, %add3A_2103 : vector<16xi32>
        %gather3A_2105 = tpu.vector_load_idx %arg16[%broadcast_in_dim3A_2101, %add3A_2104] : memref<320x128xf32, #tpu.memory_space<vmem>>[vector<16xi32>, vector<16xi32>], vector<16xf32>,
        %broadcast_in_dim3A_2106 = vector.broadcast %add3A_2044 : i32 to vector<16xi32>
        %add3A_2107 = arith.constant 16 : i32
        %add3A_2108 = vector.broadcast %add3A_2107 : i32 to vector<16xi32>
        %add3A_2109 = arith.addi %add3A_2100, %add3A_2108 : vector<16xi32>
        %gather3A_2110 = tpu.vector_load_idx %arg16[%broadcast_in_dim3A_2106, %add3A_2109] : memref<320x128xf32, #tpu.memory_space<vmem>>[vector<16xi32>, vector<16xi32>], vector<16xf32>,
        %broadcast_in_dim3A_2111 = vector.broadcast %add3A_2044 : i32 to vector<16xi32>
        %add3A_2112 = arith.constant 32 : i32
        %add3A_2113 = vector.broadcast %add3A_2112 : i32 to vector<16xi32>
        %add3A_2114 = arith.addi %add3A_2100, %add3A_2113 : vector<16xi32>
        %gather3A_2115 = tpu.vector_load_idx %arg16[%broadcast_in_dim3A_2111, %add3A_2114] : memref<320x128xf32, #tpu.memory_space<vmem>>[vector<16xi32>, vector<16xi32>], vector<16xf32>,
        %broadcast_in_dim3A_2116 = vector.broadcast %add3A_2044 : i32 to vector<16xi32>
        %add3A_2117 = arith.constant 48 : i32
        %add3A_2118 = vector.broadcast %add3A_2117 : i32 to vector<16xi32>
        %add3A_2119 = arith.addi %add3A_2100, %add3A_2118 : vector<16xi32>
        %gather3A_2120 = tpu.vector_load_idx %arg16[%broadcast_in_dim3A_2116, %add3A_2119] : memref<320x128xf32, #tpu.memory_space<vmem>>[vector<16xi32>, vector<16xi32>], vector<16xf32>,
        %mul3A_2121 = arith.mulf %gather3A_394, %gather3A_2105 : vector<16xf32>
        %mul3A_2122 = arith.mulf %gather3A_399, %gather3A_2110 : vector<16xf32>
        %add3A_2123 = arith.addf %mul3A_2121, %mul3A_2122 : vector<16xf32>
        %mul3A_2124 = arith.mulf %gather3A_404, %gather3A_2115 : vector<16xf32>
        %mul3A_2125 = arith.mulf %gather3A_409, %gather3A_2120 : vector<16xf32>
        %add3A_2126 = arith.addf %mul3A_2124, %mul3A_2125 : vector<16xf32>
        %add3A_2127 = arith.addf %add3A_2123, %add3A_2126 : vector<16xf32>
        %broadcast_in_dim3A_2128 = arith.constant true
        %broadcast_in_dim3A_2129 = vector.broadcast %broadcast_in_dim3A_2128 : i1 to vector<16xi1>
        %masked_cumsum3A_2130 = tpu.scan <sum>, %add3A_2127 masked %broadcast_in_dim3A_2129 : vector<16xf32>, vector<16xi1> -> vector<16xf32>
        %broadcast_in_dim3A_2131 = vector.broadcast %add3A_2099 : i32 to vector<16xi32>
        tpu.vector_store_idx %arg20[%broadcast_in_dim3A_2131], %masked_cumsum3A_2130 masked %eq3A_28 : memref<336xf32, #tpu.memory_space<vmem>>[vector<16xi32>], vector<16xf32>, vector<16xi1>
        %mul3A_2132 = arith.constant 20 : i32
        %mul3A_2133 = arith.muli %scan3A_348, %mul3A_2132 : i32
        %add3A_2134 = arith.constant 18 : i32
        %add3A_2135 = arith.addi %mul3A_2133, %add3A_2134 : i32
        %mul3A_2136 = arith.constant 320 : i32
        %mul3A_2137 = arith.muli %add3A_121, %mul3A_2136 : i32
        %add3A_2138 = arith.addi %mul3A_2137, %add3A_2135 : i32
        %jit3A_2139 = arith.constant 16 : i32
        %div3A_2140 = arith.divsi %add3A_2138, %jit3A_2139 : i32
        %sign3A_2141 = arith.constant 0 : i32
        %sign3A_2142 = arith.cmpi sgt, %add3A_2138, %sign3A_2141 : i32
        %sign3A_2143 = arith.extui %sign3A_2142 : i1 to i32
        %sign3A_2144 = arith.constant 0 : i32
        %sign3A_2145 = arith.cmpi slt, %add3A_2138, %sign3A_2144 : i32
        %sign3A_2146 = arith.extui %sign3A_2145 : i1 to i32
        %sign3A_2147 = arith.subi %sign3A_2143, %sign3A_2146 : i32
        %sign3A_2148 = arith.constant 0 : i32
        %sign3A_2149 = arith.cmpi sgt, %jit3A_2139, %sign3A_2148 : i32
        %sign3A_2150 = arith.extui %sign3A_2149 : i1 to i32
        %sign3A_2151 = arith.constant 0 : i32
        %sign3A_2152 = arith.cmpi slt, %jit3A_2139, %sign3A_2151 : i32
        %sign3A_2153 = arith.extui %sign3A_2152 : i1 to i32
        %sign3A_2154 = arith.subi %sign3A_2150, %sign3A_2153 : i32
        %ne3A_2155 = arith.cmpi ne, %sign3A_2147, %sign3A_2154 : i32
        %rem3A_2156 = arith.remsi %add3A_2138, %jit3A_2139 : i32
        %ne3A_2157 = arith.constant 0 : i32
        %ne3A_2158 = arith.cmpi ne, %rem3A_2156, %ne3A_2157 : i32
        %and3A_2159 = arith.andi %ne3A_2155, %ne3A_2158 : i1
        %sub3A_2160 = arith.constant 1 : i32
        %sub3A_2161 = arith.subi %div3A_2140, %sub3A_2160 : i32
        %select_n3A_2162 = arith.select %and3A_2159, %sub3A_2161, %div3A_2140 : i32
        %mul3A_2163 = arith.constant 16 : i32
        %mul3A_2164 = arith.muli %select_n3A_2162, %mul3A_2163 : i32
        %get3A_2165 = arith.index_cast %mul3A_2164 : i32 to index
        %get3A_2166 = tpu.vector_load %arg13[%get3A_2165] {strides = array<i32>} : memref<10240xi32, #tpu.memory_space<vmem>>, vector<16xi32>,
        %jit3A_2167 = arith.constant 16 : i32
        %eq3A_2168 = arith.constant 0 : i32
        %eq3A_2169 = arith.cmpi eq, %jit3A_2167, %eq3A_2168 : i32
        %jit3A_2170 = arith.constant 1 : i32
        %select_n3A_2171 = arith.select %eq3A_2169, %jit3A_2170, %jit3A_2167 : i32
        %rem3A_2172 = arith.remsi %add3A_2138, %select_n3A_2171 : i32
        %ne3A_2173 = arith.constant 0 : i32
        %ne3A_2174 = arith.cmpi ne, %rem3A_2172, %ne3A_2173 : i32
        %lt3A_2175 = arith.constant 0 : i32
        %lt3A_2176 = arith.cmpi slt, %rem3A_2172, %lt3A_2175 : i32
        %lt3A_2177 = arith.constant 0 : i32
        %lt3A_2178 = arith.cmpi slt, %select_n3A_2171, %lt3A_2177 : i32
        %ne3A_2179 = arith.xori %lt3A_2176, %lt3A_2178 : i1
        %and3A_2180 = arith.andi %ne3A_2179, %ne3A_2174 : i1
        %add3A_2181 = arith.addi %rem3A_2172, %select_n3A_2171 : i32
        %select_n3A_2182 = arith.select %and3A_2180, %add3A_2181, %rem3A_2172 : i32
        %broadcast_in_dim3A_2183 = vector.broadcast %select_n3A_2182 : i32 to vector<16xi32>
        %broadcast_in_dim3A_2184 = vector.shape_cast %broadcast_in_dim3A_2183 : vector<16xi32> to vector<16x1xi32>
        %gather3A_2185 = vector.shape_cast %broadcast_in_dim3A_2184 : vector<16x1xi32> to vector<16xi32>
        %gather3A_2186 = tpu.dynamic_gather %get3A_2166[%gather3A_2185] in [0] : vector<16xi32>, vector<16xi32> -> vector<16xi32>
        %mul3A_2187 = arith.constant 21 : i32
        %mul3A_2188 = arith.muli %scan3A_348, %mul3A_2187 : i32
        %add3A_2189 = arith.constant 19 : i32
        %add3A_2190 = arith.addi %mul3A_2188, %add3A_2189 : i32
        %add3A_2191 = arith.addi %gather3A_2186, %iota3A : vector<16xi32>
        %broadcast_in_dim3A_2192 = vector.broadcast %add3A_2135 : i32 to vector<16xi32>
        %add3A_2193 = arith.constant 0 : i32
        %add3A_2194 = vector.broadcast %add3A_2193 : i32 to vector<16xi32>
        %add3A_2195 = arith.addi %add3A_2191, %add3A_2194 : vector<16xi32>
        %gather3A_2196 = tpu.vector_load_idx %arg16[%broadcast_in_dim3A_2192, %add3A_2195] : memref<320x128xf32, #tpu.memory_space<vmem>>[vector<16xi32>, vector<16xi32>], vector<16xf32>,
        %broadcast_in_dim3A_2197 = vector.broadcast %add3A_2135 : i32 to vector<16xi32>
        %add3A_2198 = arith.constant 16 : i32
        %add3A_2199 = vector.broadcast %add3A_2198 : i32 to vector<16xi32>
        %add3A_2200 = arith.addi %add3A_2191, %add3A_2199 : vector<16xi32>
        %gather3A_2201 = tpu.vector_load_idx %arg16[%broadcast_in_dim3A_2197, %add3A_2200] : memref<320x128xf32, #tpu.memory_space<vmem>>[vector<16xi32>, vector<16xi32>], vector<16xf32>,
        %broadcast_in_dim3A_2202 = vector.broadcast %add3A_2135 : i32 to vector<16xi32>
        %add3A_2203 = arith.constant 32 : i32
        %add3A_2204 = vector.broadcast %add3A_2203 : i32 to vector<16xi32>
        %add3A_2205 = arith.addi %add3A_2191, %add3A_2204 : vector<16xi32>
        %gather3A_2206 = tpu.vector_load_idx %arg16[%broadcast_in_dim3A_2202, %add3A_2205] : memref<320x128xf32, #tpu.memory_space<vmem>>[vector<16xi32>, vector<16xi32>], vector<16xf32>,
        %broadcast_in_dim3A_2207 = vector.broadcast %add3A_2135 : i32 to vector<16xi32>
        %add3A_2208 = arith.constant 48 : i32
        %add3A_2209 = vector.broadcast %add3A_2208 : i32 to vector<16xi32>
        %add3A_2210 = arith.addi %add3A_2191, %add3A_2209 : vector<16xi32>
        %gather3A_2211 = tpu.vector_load_idx %arg16[%broadcast_in_dim3A_2207, %add3A_2210] : memref<320x128xf32, #tpu.memory_space<vmem>>[vector<16xi32>, vector<16xi32>], vector<16xf32>,
        %mul3A_2212 = arith.mulf %gather3A_394, %gather3A_2196 : vector<16xf32>
        %mul3A_2213 = arith.mulf %gather3A_399, %gather3A_2201 : vector<16xf32>
        %add3A_2214 = arith.addf %mul3A_2212, %mul3A_2213 : vector<16xf32>
        %mul3A_2215 = arith.mulf %gather3A_404, %gather3A_2206 : vector<16xf32>
        %mul3A_2216 = arith.mulf %gather3A_409, %gather3A_2211 : vector<16xf32>
        %add3A_2217 = arith.addf %mul3A_2215, %mul3A_2216 : vector<16xf32>
        %add3A_2218 = arith.addf %add3A_2214, %add3A_2217 : vector<16xf32>
        %broadcast_in_dim3A_2219 = arith.constant true
        %broadcast_in_dim3A_2220 = vector.broadcast %broadcast_in_dim3A_2219 : i1 to vector<16xi1>
        %masked_cumsum3A_2221 = tpu.scan <sum>, %add3A_2218 masked %broadcast_in_dim3A_2220 : vector<16xf32>, vector<16xi1> -> vector<16xf32>
        %broadcast_in_dim3A_2222 = vector.broadcast %add3A_2190 : i32 to vector<16xi32>
        tpu.vector_store_idx %arg20[%broadcast_in_dim3A_2222], %masked_cumsum3A_2221 masked %eq3A_28 : memref<336xf32, #tpu.memory_space<vmem>>[vector<16xi32>], vector<16xf32>, vector<16xi1>
        %mul3A_2223 = arith.constant 20 : i32
        %mul3A_2224 = arith.muli %scan3A_348, %mul3A_2223 : i32
        %add3A_2225 = arith.constant 19 : i32
        %add3A_2226 = arith.addi %mul3A_2224, %add3A_2225 : i32
        %mul3A_2227 = arith.constant 320 : i32
        %mul3A_2228 = arith.muli %add3A_121, %mul3A_2227 : i32
        %add3A_2229 = arith.addi %mul3A_2228, %add3A_2226 : i32
        %jit3A_2230 = arith.constant 16 : i32
        %div3A_2231 = arith.divsi %add3A_2229, %jit3A_2230 : i32
        %sign3A_2232 = arith.constant 0 : i32
        %sign3A_2233 = arith.cmpi sgt, %add3A_2229, %sign3A_2232 : i32
        %sign3A_2234 = arith.extui %sign3A_2233 : i1 to i32
        %sign3A_2235 = arith.constant 0 : i32
        %sign3A_2236 = arith.cmpi slt, %add3A_2229, %sign3A_2235 : i32
        %sign3A_2237 = arith.extui %sign3A_2236 : i1 to i32
        %sign3A_2238 = arith.subi %sign3A_2234, %sign3A_2237 : i32
        %sign3A_2239 = arith.constant 0 : i32
        %sign3A_2240 = arith.cmpi sgt, %jit3A_2230, %sign3A_2239 : i32
        %sign3A_2241 = arith.extui %sign3A_2240 : i1 to i32
        %sign3A_2242 = arith.constant 0 : i32
        %sign3A_2243 = arith.cmpi slt, %jit3A_2230, %sign3A_2242 : i32
        %sign3A_2244 = arith.extui %sign3A_2243 : i1 to i32
        %sign3A_2245 = arith.subi %sign3A_2241, %sign3A_2244 : i32
        %ne3A_2246 = arith.cmpi ne, %sign3A_2238, %sign3A_2245 : i32
        %rem3A_2247 = arith.remsi %add3A_2229, %jit3A_2230 : i32
        %ne3A_2248 = arith.constant 0 : i32
        %ne3A_2249 = arith.cmpi ne, %rem3A_2247, %ne3A_2248 : i32
        %and3A_2250 = arith.andi %ne3A_2246, %ne3A_2249 : i1
        %sub3A_2251 = arith.constant 1 : i32
        %sub3A_2252 = arith.subi %div3A_2231, %sub3A_2251 : i32
        %select_n3A_2253 = arith.select %and3A_2250, %sub3A_2252, %div3A_2231 : i32
        %mul3A_2254 = arith.constant 16 : i32
        %mul3A_2255 = arith.muli %select_n3A_2253, %mul3A_2254 : i32
        %get3A_2256 = arith.index_cast %mul3A_2255 : i32 to index
        %get3A_2257 = tpu.vector_load %arg13[%get3A_2256] {strides = array<i32>} : memref<10240xi32, #tpu.memory_space<vmem>>, vector<16xi32>,
        %jit3A_2258 = arith.constant 16 : i32
        %eq3A_2259 = arith.constant 0 : i32
        %eq3A_2260 = arith.cmpi eq, %jit3A_2258, %eq3A_2259 : i32
        %jit3A_2261 = arith.constant 1 : i32
        %select_n3A_2262 = arith.select %eq3A_2260, %jit3A_2261, %jit3A_2258 : i32
        %rem3A_2263 = arith.remsi %add3A_2229, %select_n3A_2262 : i32
        %ne3A_2264 = arith.constant 0 : i32
        %ne3A_2265 = arith.cmpi ne, %rem3A_2263, %ne3A_2264 : i32
        %lt3A_2266 = arith.constant 0 : i32
        %lt3A_2267 = arith.cmpi slt, %rem3A_2263, %lt3A_2266 : i32
        %lt3A_2268 = arith.constant 0 : i32
        %lt3A_2269 = arith.cmpi slt, %select_n3A_2262, %lt3A_2268 : i32
        %ne3A_2270 = arith.xori %lt3A_2267, %lt3A_2269 : i1
        %and3A_2271 = arith.andi %ne3A_2270, %ne3A_2265 : i1
        %add3A_2272 = arith.addi %rem3A_2263, %select_n3A_2262 : i32
        %select_n3A_2273 = arith.select %and3A_2271, %add3A_2272, %rem3A_2263 : i32
        %broadcast_in_dim3A_2274 = vector.broadcast %select_n3A_2273 : i32 to vector<16xi32>
        %broadcast_in_dim3A_2275 = vector.shape_cast %broadcast_in_dim3A_2274 : vector<16xi32> to vector<16x1xi32>
        %gather3A_2276 = vector.shape_cast %broadcast_in_dim3A_2275 : vector<16x1xi32> to vector<16xi32>
        %gather3A_2277 = tpu.dynamic_gather %get3A_2257[%gather3A_2276] in [0] : vector<16xi32>, vector<16xi32> -> vector<16xi32>
        %mul3A_2278 = arith.constant 21 : i32
        %mul3A_2279 = arith.muli %scan3A_348, %mul3A_2278 : i32
        %add3A_2280 = arith.constant 20 : i32
        %add3A_2281 = arith.addi %mul3A_2279, %add3A_2280 : i32
        %add3A_2282 = arith.addi %gather3A_2277, %iota3A : vector<16xi32>
        %broadcast_in_dim3A_2283 = vector.broadcast %add3A_2226 : i32 to vector<16xi32>
        %add3A_2284 = arith.constant 0 : i32
        %add3A_2285 = vector.broadcast %add3A_2284 : i32 to vector<16xi32>
        %add3A_2286 = arith.addi %add3A_2282, %add3A_2285 : vector<16xi32>
        %gather3A_2287 = tpu.vector_load_idx %arg16[%broadcast_in_dim3A_2283, %add3A_2286] : memref<320x128xf32, #tpu.memory_space<vmem>>[vector<16xi32>, vector<16xi32>], vector<16xf32>,
        %broadcast_in_dim3A_2288 = vector.broadcast %add3A_2226 : i32 to vector<16xi32>
        %add3A_2289 = arith.constant 16 : i32
        %add3A_2290 = vector.broadcast %add3A_2289 : i32 to vector<16xi32>
        %add3A_2291 = arith.addi %add3A_2282, %add3A_2290 : vector<16xi32>
        %gather3A_2292 = tpu.vector_load_idx %arg16[%broadcast_in_dim3A_2288, %add3A_2291] : memref<320x128xf32, #tpu.memory_space<vmem>>[vector<16xi32>, vector<16xi32>], vector<16xf32>,
        %broadcast_in_dim3A_2293 = vector.broadcast %add3A_2226 : i32 to vector<16xi32>
        %add3A_2294 = arith.constant 32 : i32
        %add3A_2295 = vector.broadcast %add3A_2294 : i32 to vector<16xi32>
        %add3A_2296 = arith.addi %add3A_2282, %add3A_2295 : vector<16xi32>
        %gather3A_2297 = tpu.vector_load_idx %arg16[%broadcast_in_dim3A_2293, %add3A_2296] : memref<320x128xf32, #tpu.memory_space<vmem>>[vector<16xi32>, vector<16xi32>], vector<16xf32>,
        %broadcast_in_dim3A_2298 = vector.broadcast %add3A_2226 : i32 to vector<16xi32>
        %add3A_2299 = arith.constant 48 : i32
        %add3A_2300 = vector.broadcast %add3A_2299 : i32 to vector<16xi32>
        %add3A_2301 = arith.addi %add3A_2282, %add3A_2300 : vector<16xi32>
        %gather3A_2302 = tpu.vector_load_idx %arg16[%broadcast_in_dim3A_2298, %add3A_2301] : memref<320x128xf32, #tpu.memory_space<vmem>>[vector<16xi32>, vector<16xi32>], vector<16xf32>,
        %mul3A_2303 = arith.mulf %gather3A_394, %gather3A_2287 : vector<16xf32>
        %mul3A_2304 = arith.mulf %gather3A_399, %gather3A_2292 : vector<16xf32>
        %add3A_2305 = arith.addf %mul3A_2303, %mul3A_2304 : vector<16xf32>
        %mul3A_2306 = arith.mulf %gather3A_404, %gather3A_2297 : vector<16xf32>
        %mul3A_2307 = arith.mulf %gather3A_409, %gather3A_2302 : vector<16xf32>
        %add3A_2308 = arith.addf %mul3A_2306, %mul3A_2307 : vector<16xf32>
        %add3A_2309 = arith.addf %add3A_2305, %add3A_2308 : vector<16xf32>
        %broadcast_in_dim3A_2310 = arith.constant true
        %broadcast_in_dim3A_2311 = vector.broadcast %broadcast_in_dim3A_2310 : i1 to vector<16xi1>
        %masked_cumsum3A_2312 = tpu.scan <sum>, %add3A_2309 masked %broadcast_in_dim3A_2311 : vector<16xf32>, vector<16xi1> -> vector<16xf32>
        %broadcast_in_dim3A_2313 = vector.broadcast %add3A_2281 : i32 to vector<16xi32>
        tpu.vector_store_idx %arg20[%broadcast_in_dim3A_2313], %masked_cumsum3A_2312 masked %eq3A_28 : memref<336xf32, #tpu.memory_space<vmem>>[vector<16xi32>], vector<16xf32>, vector<16xi1>
        %scan3A_2314 = arith.constant 0 : i32
        scf.yield %scan3A_2314 : i32
      }
      %scan3A_229 = arith.constant 16 : i32
      %mul3A_230 = arith.constant 21 : i32
      %mul3A_231 = arith.muli %add3A_222, %mul3A_230 : i32
      "tpu.region"() ({
        %run_scoped3A = tpu.sem_alloc : memref<!tpu.dma_semaphore, #tpu.memory_space<semaphore_mem>>
        %dma_start3A_348 = tpu.memref_slice %arg7[%mul3A_231] : memref<344064xf32, #tpu.memory_space<hbm>> -> memref<336xf32, #tpu.memory_space<hbm>>
        %dma_start3A_349 = tpu.memref_slice %arg7[%mul3A_231] : memref<344064xf32, #tpu.memory_space<hbm>> -> memref<336xf32, #tpu.memory_space<hbm>>
        tpu.enqueue_dma source(%arg20 : memref<336xf32, #tpu.memory_space<vmem>>) target(%dma_start3A_349 : memref<336xf32, #tpu.memory_space<hbm>>) target_semaphore(%run_scoped3A : memref<!tpu.dma_semaphore, #tpu.memory_space<semaphore_mem>>)
        %dma_wait3A_350 = tpu.memref_slice %arg7[%mul3A_231] : memref<344064xf32, #tpu.memory_space<hbm>> -> memref<336xf32, #tpu.memory_space<hbm>>
        %dma_wait3A_351 = tpu.memref_slice %arg7[%mul3A_231] : memref<344064xf32, #tpu.memory_space<hbm>> -> memref<336xf32, #tpu.memory_space<hbm>>
        tpu.wait_dma2 semaphore(%run_scoped3A : memref<!tpu.dma_semaphore, #tpu.memory_space<semaphore_mem>>) src(%arg20 : memref<336xf32, #tpu.memory_space<vmem>>) dst(%dma_wait3A_351 : memref<336xf32, #tpu.memory_space<hbm>>)
        tpu.yield
      }) : () -> ()
      %mul3A_232 = arith.constant 2 : i32
      %mul3A_233 = arith.muli %scan3A_116, %mul3A_232 : i32
      %add3A_234 = arith.constant 1 : i32
      %add3A_235 = arith.addi %mul3A_233, %add3A_234 : i32
      %dma_wait3A_236 = arith.constant 0 : i32
      %dma_wait3A_237 = arith.constant 0 : i32
      %dma_wait3A_238 = tpu.memref_slice %arg5[%dma_wait3A_236, %dma_wait3A_237] : memref<524288x128xf32, #tpu.memory_space<hbm>> -> memref<16x128xf32, #tpu.memory_space<hbm>>
      %dma_wait3A_239 = arith.constant 0 : i32
      %dma_wait3A_240 = arith.constant 0 : i32
      %dma_wait3A_241 = tpu.memref_slice %arg5[%dma_wait3A_239, %dma_wait3A_240] : memref<524288x128xf32, #tpu.memory_space<hbm>> -> memref<16x128xf32, #tpu.memory_space<hbm>>
      tpu.wait_dma2 semaphore(%arg22 : memref<!tpu.dma_semaphore, #tpu.memory_space<semaphore_mem>>) src(%dma_wait3A_241 : memref<16x128xf32, #tpu.memory_space<hbm>>) dst(%arg17 : memref<16x128xf32, #tpu.memory_space<vmem>>)
      %dma_wait3A_242 = arith.constant 0 : i32
      %dma_wait3A_243 = arith.constant 0 : i32
      %dma_wait3A_244 = tpu.memref_slice %arg6[%dma_wait3A_242, %dma_wait3A_243] : memref<524288x128xf32, #tpu.memory_space<hbm>> -> memref<16x128xf32, #tpu.memory_space<hbm>>
      %dma_wait3A_245 = arith.constant 0 : i32
      %dma_wait3A_246 = arith.constant 0 : i32
      %dma_wait3A_247 = tpu.memref_slice %arg6[%dma_wait3A_245, %dma_wait3A_246] : memref<524288x128xf32, #tpu.memory_space<hbm>> -> memref<16x128xf32, #tpu.memory_space<hbm>>
      tpu.wait_dma2 semaphore(%arg22 : memref<!tpu.dma_semaphore, #tpu.memory_space<semaphore_mem>>) src(%dma_wait3A_247 : memref<16x128xf32, #tpu.memory_space<hbm>>) dst(%arg18 : memref<16x128xf32, #tpu.memory_space<vmem>>)
      %dma_wait3A_248 = arith.constant 0 : i32
      %dma_wait3A_249 = arith.constant 0 : i32
      %dma_wait3A_250 = tpu.memref_slice %arg19[%dma_wait3A_248, %dma_wait3A_249] : memref<320x128xf32, #tpu.memory_space<vmem>> -> memref<128x128xf32, #tpu.memory_space<vmem>>
      %dma_wait3A_251 = arith.constant 0 : i32
      %dma_wait3A_252 = arith.constant 0 : i32
      %dma_wait3A_253 = tpu.memref_slice %arg6[%dma_wait3A_251, %dma_wait3A_252] : memref<524288x128xf32, #tpu.memory_space<hbm>> -> memref<128x128xf32, #tpu.memory_space<hbm>>
      %dma_wait3A_254 = arith.constant 0 : i32
      %dma_wait3A_255 = arith.constant 0 : i32
      %dma_wait3A_256 = tpu.memref_slice %arg19[%dma_wait3A_254, %dma_wait3A_255] : memref<320x128xf32, #tpu.memory_space<vmem>> -> memref<128x128xf32, #tpu.memory_space<vmem>>
      %dma_wait3A_257 = arith.constant 0 : i32
      %dma_wait3A_258 = arith.constant 0 : i32
      %dma_wait3A_259 = tpu.memref_slice %arg6[%dma_wait3A_257, %dma_wait3A_258] : memref<524288x128xf32, #tpu.memory_space<hbm>> -> memref<128x128xf32, #tpu.memory_space<hbm>>
      tpu.wait_dma2 semaphore(%arg22 : memref<!tpu.dma_semaphore, #tpu.memory_space<semaphore_mem>>) src(%dma_wait3A_259 : memref<128x128xf32, #tpu.memory_space<hbm>>) dst(%dma_wait3A_256 : memref<128x128xf32, #tpu.memory_space<vmem>>)
      %dma_wait3A_260 = arith.constant 128 : i32
      %dma_wait3A_261 = arith.constant 0 : i32
      %dma_wait3A_262 = tpu.memref_slice %arg19[%dma_wait3A_260, %dma_wait3A_261] : memref<320x128xf32, #tpu.memory_space<vmem>> -> memref<128x128xf32, #tpu.memory_space<vmem>>
      %dma_wait3A_263 = arith.constant 0 : i32
      %dma_wait3A_264 = arith.constant 0 : i32
      %dma_wait3A_265 = tpu.memref_slice %arg6[%dma_wait3A_263, %dma_wait3A_264] : memref<524288x128xf32, #tpu.memory_space<hbm>> -> memref<128x128xf32, #tpu.memory_space<hbm>>
      %dma_wait3A_266 = arith.constant 128 : i32
      %dma_wait3A_267 = arith.constant 0 : i32
      %dma_wait3A_268 = tpu.memref_slice %arg19[%dma_wait3A_266, %dma_wait3A_267] : memref<320x128xf32, #tpu.memory_space<vmem>> -> memref<128x128xf32, #tpu.memory_space<vmem>>
      %dma_wait3A_269 = arith.constant 0 : i32
      %dma_wait3A_270 = arith.constant 0 : i32
      %dma_wait3A_271 = tpu.memref_slice %arg6[%dma_wait3A_269, %dma_wait3A_270] : memref<524288x128xf32, #tpu.memory_space<hbm>> -> memref<128x128xf32, #tpu.memory_space<hbm>>
      tpu.wait_dma2 semaphore(%arg22 : memref<!tpu.dma_semaphore, #tpu.memory_space<semaphore_mem>>) src(%dma_wait3A_271 : memref<128x128xf32, #tpu.memory_space<hbm>>) dst(%dma_wait3A_268 : memref<128x128xf32, #tpu.memory_space<vmem>>)
      %dma_wait3A_272 = arith.constant 256 : i32
      %dma_wait3A_273 = arith.constant 0 : i32
      %dma_wait3A_274 = tpu.memref_slice %arg19[%dma_wait3A_272, %dma_wait3A_273] : memref<320x128xf32, #tpu.memory_space<vmem>> -> memref<64x128xf32, #tpu.memory_space<vmem>>
      %dma_wait3A_275 = arith.constant 0 : i32
      %dma_wait3A_276 = arith.constant 0 : i32
      %dma_wait3A_277 = tpu.memref_slice %arg6[%dma_wait3A_275, %dma_wait3A_276] : memref<524288x128xf32, #tpu.memory_space<hbm>> -> memref<64x128xf32, #tpu.memory_space<hbm>>
      %dma_wait3A_278 = arith.constant 256 : i32
      %dma_wait3A_279 = arith.constant 0 : i32
      %dma_wait3A_280 = tpu.memref_slice %arg19[%dma_wait3A_278, %dma_wait3A_279] : memref<320x128xf32, #tpu.memory_space<vmem>> -> memref<64x128xf32, #tpu.memory_space<vmem>>
      %dma_wait3A_281 = arith.constant 0 : i32
      %dma_wait3A_282 = arith.constant 0 : i32
      %dma_wait3A_283 = tpu.memref_slice %arg6[%dma_wait3A_281, %dma_wait3A_282] : memref<524288x128xf32, #tpu.memory_space<hbm>> -> memref<64x128xf32, #tpu.memory_space<hbm>>
      tpu.wait_dma2 semaphore(%arg22 : memref<!tpu.dma_semaphore, #tpu.memory_space<semaphore_mem>>) src(%dma_wait3A_283 : memref<64x128xf32, #tpu.memory_space<hbm>>) dst(%dma_wait3A_280 : memref<64x128xf32, #tpu.memory_space<vmem>>)
      %add3A_284 = arith.constant 1 : i32
      %add3A_285 = arith.addi %add3A_235, %add3A_284 : i32
      %min3A_286 = arith.constant 31 : i32
      %min3A_287 = arith.minsi %add3A_285, %min3A_286 : i32
      %mul3A_288 = arith.constant 16 : i32
      %mul3A_289 = arith.muli %min3A_287, %mul3A_288 : i32
      %dma_start3A_290 = tpu.memref_slice %arg8[%mul3A_289] : memref<512xi32, #tpu.memory_space<vmem>> -> memref<16xi32, #tpu.memory_space<vmem>>
      %dma_start3A_291 = arith.constant 0 : i32
      %dma_start3A_292 = arith.constant 0 : i32
      %dma_start3A_293 = tpu.memref_slice %arg5[%dma_start3A_291, %dma_start3A_292] : memref<524288x128xf32, #tpu.memory_space<hbm>> -> memref<524288x128xf32, #tpu.memory_space<hbm>>
      tpu.enqueue_indirect_dma source(%dma_start3A_293 : memref<524288x128xf32, #tpu.memory_space<hbm>>) target(%arg14 : memref<16x128xf32, #tpu.memory_space<vmem>>) offsets(%dma_start3A_290 : memref<16xi32, #tpu.memory_space<vmem>>) semaphore(%arg21 : memref<!tpu.dma_semaphore, #tpu.memory_space<semaphore_mem>>)
      %mul3A_294 = arith.constant 16 : i32
      %mul3A_295 = arith.muli %min3A_287, %mul3A_294 : i32
      %dma_start3A_296 = tpu.memref_slice %arg9[%mul3A_295] : memref<512xi32, #tpu.memory_space<vmem>> -> memref<16xi32, #tpu.memory_space<vmem>>
      %dma_start3A_297 = arith.constant 0 : i32
      %dma_start3A_298 = arith.constant 0 : i32
      %dma_start3A_299 = tpu.memref_slice %arg6[%dma_start3A_297, %dma_start3A_298] : memref<524288x128xf32, #tpu.memory_space<hbm>> -> memref<524288x128xf32, #tpu.memory_space<hbm>>
      tpu.enqueue_indirect_dma source(%dma_start3A_299 : memref<524288x128xf32, #tpu.memory_space<hbm>>) target(%arg15 : memref<16x128xf32, #tpu.memory_space<vmem>>) offsets(%dma_start3A_296 : memref<16xi32, #tpu.memory_space<vmem>>) semaphore(%arg21 : memref<!tpu.dma_semaphore, #tpu.memory_space<semaphore_mem>>)
      %mul3A_300 = arith.constant 320 : i32
      %mul3A_301 = arith.muli %min3A_287, %mul3A_300 : i32
      %add3A_302 = arith.constant 0 : i32
      %add3A_303 = arith.addi %mul3A_301, %add3A_302 : i32
      %dma_start3A_304 = arith.constant 0 : i32
      %dma_start3A_305 = arith.constant 0 : i32
      %dma_start3A_306 = tpu.memref_slice %arg16[%dma_start3A_304, %dma_start3A_305] : memref<320x128xf32, #tpu.memory_space<vmem>> -> memref<128x128xf32, #tpu.memory_space<vmem>>
      %dma_start3A_307 = tpu.memref_slice %arg10[%add3A_303] : memref<10240xi32, #tpu.memory_space<vmem>> -> memref<128xi32, #tpu.memory_space<vmem>>
      %dma_start3A_308 = arith.constant 0 : i32
      %dma_start3A_309 = arith.constant 0 : i32
      %dma_start3A_310 = tpu.memref_slice %arg6[%dma_start3A_308, %dma_start3A_309] : memref<524288x128xf32, #tpu.memory_space<hbm>> -> memref<524288x128xf32, #tpu.memory_space<hbm>>
      tpu.enqueue_indirect_dma source(%dma_start3A_310 : memref<524288x128xf32, #tpu.memory_space<hbm>>) target(%dma_start3A_306 : memref<128x128xf32, #tpu.memory_space<vmem>>) offsets(%dma_start3A_307 : memref<128xi32, #tpu.memory_space<vmem>>) semaphore(%arg21 : memref<!tpu.dma_semaphore, #tpu.memory_space<semaphore_mem>>)
      %mul3A_311 = arith.constant 320 : i32
      %mul3A_312 = arith.muli %min3A_287, %mul3A_311 : i32
      %add3A_313 = arith.constant 128 : i32
      %add3A_314 = arith.addi %mul3A_312, %add3A_313 : i32
      %dma_start3A_315 = arith.constant 128 : i32
      %dma_start3A_316 = arith.constant 0 : i32
      %dma_start3A_317 = tpu.memref_slice %arg16[%dma_start3A_315, %dma_start3A_316] : memref<320x128xf32, #tpu.memory_space<vmem>> -> memref<128x128xf32, #tpu.memory_space<vmem>>
      %dma_start3A_318 = tpu.memref_slice %arg10[%add3A_314] : memref<10240xi32, #tpu.memory_space<vmem>> -> memref<128xi32, #tpu.memory_space<vmem>>
      %dma_start3A_319 = arith.constant 0 : i32
      %dma_start3A_320 = arith.constant 0 : i32
      %dma_start3A_321 = tpu.memref_slice %arg6[%dma_start3A_319, %dma_start3A_320] : memref<524288x128xf32, #tpu.memory_space<hbm>> -> memref<524288x128xf32, #tpu.memory_space<hbm>>
      tpu.enqueue_indirect_dma source(%dma_start3A_321 : memref<524288x128xf32, #tpu.memory_space<hbm>>) target(%dma_start3A_317 : memref<128x128xf32, #tpu.memory_space<vmem>>) offsets(%dma_start3A_318 : memref<128xi32, #tpu.memory_space<vmem>>) semaphore(%arg21 : memref<!tpu.dma_semaphore, #tpu.memory_space<semaphore_mem>>)
      %mul3A_322 = arith.constant 320 : i32
      %mul3A_323 = arith.muli %min3A_287, %mul3A_322 : i32
      %add3A_324 = arith.constant 256 : i32
      %add3A_325 = arith.addi %mul3A_323, %add3A_324 : i32
      %dma_start3A_326 = arith.constant 256 : i32
      %dma_start3A_327 = arith.constant 0 : i32
      %dma_start3A_328 = tpu.memref_slice %arg16[%dma_start3A_326, %dma_start3A_327] : memref<320x128xf32, #tpu.memory_space<vmem>> -> memref<64x128xf32, #tpu.memory_space<vmem>>
      %dma_start3A_329 = tpu.memref_slice %arg10[%add3A_325] : memref<10240xi32, #tpu.memory_space<vmem>> -> memref<64xi32, #tpu.memory_space<vmem>>
      %dma_start3A_330 = arith.constant 0 : i32
      %dma_start3A_331 = arith.constant 0 : i32
      %dma_start3A_332 = tpu.memref_slice %arg6[%dma_start3A_330, %dma_start3A_331] : memref<524288x128xf32, #tpu.memory_space<hbm>> -> memref<524288x128xf32, #tpu.memory_space<hbm>>
      tpu.enqueue_indirect_dma source(%dma_start3A_332 : memref<524288x128xf32, #tpu.memory_space<hbm>>) target(%dma_start3A_328 : memref<64x128xf32, #tpu.memory_space<vmem>>) offsets(%dma_start3A_329 : memref<64xi32, #tpu.memory_space<vmem>>) semaphore(%arg21 : memref<!tpu.dma_semaphore, #tpu.memory_space<semaphore_mem>>)
      %mul3A_333 = arith.constant 512 : i32
      %mul3A_334 = arith.muli %add3A, %mul3A_333 : i32
      %mul3A_335 = arith.constant 16 : i32
      %mul3A_336 = arith.muli %add3A_235, %mul3A_335 : i32
      %add3A_337 = arith.addi %mul3A_334, %mul3A_336 : i32
      %scan3A_338 = arith.constant 0 : i32
      %scan3A_339 = arith.constant 0 : i32
      %scan3A_340 = arith.constant 16 : i32
      %scan3A_341 = arith.addi %scan3A_339, %scan3A_340 : i32
      %scan3A_342 = arith.constant 1 : i32
      %scan3A_343 = scf.for %scan3A_348 = %scan3A_339 to %scan3A_341 step %scan3A_342 iter_args(%scan3A_349 = %scan3A_338) -> (i32)  : i32 {
        %mul3A_350 = arith.constant 16 : i32
        %mul3A_351 = arith.muli %add3A_235, %mul3A_350 : i32
        %add3A_352 = arith.addi %mul3A_351, %scan3A_348 : i32
        %jit3A = arith.constant 16 : i32
        %div3A = arith.divsi %add3A_352, %jit3A : i32
        %sign3A = arith.constant 0 : i32
        %sign3A_353 = arith.cmpi sgt, %add3A_352, %sign3A : i32
        %sign3A_354 = arith.extui %sign3A_353 : i1 to i32
        %sign3A_355 = arith.constant 0 : i32
        %sign3A_356 = arith.cmpi slt, %add3A_352, %sign3A_355 : i32
        %sign3A_357 = arith.extui %sign3A_356 : i1 to i32
        %sign3A_358 = arith.subi %sign3A_354, %sign3A_357 : i32
        %sign3A_359 = arith.constant 0 : i32
        %sign3A_360 = arith.cmpi sgt, %jit3A, %sign3A_359 : i32
        %sign3A_361 = arith.extui %sign3A_360 : i1 to i32
        %sign3A_362 = arith.constant 0 : i32
        %sign3A_363 = arith.cmpi slt, %jit3A, %sign3A_362 : i32
        %sign3A_364 = arith.extui %sign3A_363 : i1 to i32
        %sign3A_365 = arith.subi %sign3A_361, %sign3A_364 : i32
        %ne3A = arith.cmpi ne, %sign3A_358, %sign3A_365 : i32
        %rem3A = arith.remsi %add3A_352, %jit3A : i32
        %ne3A_366 = arith.constant 0 : i32
        %ne3A_367 = arith.cmpi ne, %rem3A, %ne3A_366 : i32
        %and3A = arith.andi %ne3A, %ne3A_367 : i1
        %sub3A = arith.constant 1 : i32
        %sub3A_368 = arith.subi %div3A, %sub3A : i32
        %select_n3A = arith.select %and3A, %sub3A_368, %div3A : i32
        %mul3A_369 = arith.constant 16 : i32
        %mul3A_370 = arith.muli %select_n3A, %mul3A_369 : i32
        %get3A = arith.index_cast %mul3A_370 : i32 to index
        %get3A_371 = tpu.vector_load %arg11[%get3A] {strides = array<i32>} : memref<512xi32, #tpu.memory_space<vmem>>, vector<16xi32>,
        %jit3A_372 = arith.constant 16 : i32
        %eq3A_373 = arith.constant 0 : i32
        %eq3A_374 = arith.cmpi eq, %jit3A_372, %eq3A_373 : i32
        %jit3A_375 = arith.constant 1 : i32
        %select_n3A_376 = arith.select %eq3A_374, %jit3A_375, %jit3A_372 : i32
        %rem3A_377 = arith.remsi %add3A_352, %select_n3A_376 : i32
        %ne3A_378 = arith.constant 0 : i32
        %ne3A_379 = arith.cmpi ne, %rem3A_377, %ne3A_378 : i32
        %lt3A = arith.constant 0 : i32
        %lt3A_380 = arith.cmpi slt, %rem3A_377, %lt3A : i32
        %lt3A_381 = arith.constant 0 : i32
        %lt3A_382 = arith.cmpi slt, %select_n3A_376, %lt3A_381 : i32
        %ne3A_383 = arith.xori %lt3A_380, %lt3A_382 : i1
        %and3A_384 = arith.andi %ne3A_383, %ne3A_379 : i1
        %add3A_385 = arith.addi %rem3A_377, %select_n3A_376 : i32
        %select_n3A_386 = arith.select %and3A_384, %add3A_385, %rem3A_377 : i32
        %broadcast_in_dim3A = vector.broadcast %select_n3A_386 : i32 to vector<16xi32>
        %broadcast_in_dim3A_387 = vector.shape_cast %broadcast_in_dim3A : vector<16xi32> to vector<16x1xi32>
        %gather3A = vector.shape_cast %broadcast_in_dim3A_387 : vector<16x1xi32> to vector<16xi32>
        %gather3A_388 = tpu.dynamic_gather %get3A_371[%gather3A] in [0] : vector<16xi32>, vector<16xi32> -> vector<16xi32>
        %add3A_389 = arith.addi %gather3A_388, %iota3A : vector<16xi32>
        %broadcast_in_dim3A_390 = vector.broadcast %scan3A_348 : i32 to vector<16xi32>
        %add3A_391 = arith.constant 0 : i32
        %add3A_392 = vector.broadcast %add3A_391 : i32 to vector<16xi32>
        %add3A_393 = arith.addi %add3A_389, %add3A_392 : vector<16xi32>
        %gather3A_394 = tpu.vector_load_idx %arg17[%broadcast_in_dim3A_390, %add3A_393] : memref<16x128xf32, #tpu.memory_space<vmem>>[vector<16xi32>, vector<16xi32>], vector<16xf32>,
        %broadcast_in_dim3A_395 = vector.broadcast %scan3A_348 : i32 to vector<16xi32>
        %add3A_396 = arith.constant 16 : i32
        %add3A_397 = vector.broadcast %add3A_396 : i32 to vector<16xi32>
        %add3A_398 = arith.addi %add3A_389, %add3A_397 : vector<16xi32>
        %gather3A_399 = tpu.vector_load_idx %arg17[%broadcast_in_dim3A_395, %add3A_398] : memref<16x128xf32, #tpu.memory_space<vmem>>[vector<16xi32>, vector<16xi32>], vector<16xf32>,
        %broadcast_in_dim3A_400 = vector.broadcast %scan3A_348 : i32 to vector<16xi32>
        %add3A_401 = arith.constant 32 : i32
        %add3A_402 = vector.broadcast %add3A_401 : i32 to vector<16xi32>
        %add3A_403 = arith.addi %add3A_389, %add3A_402 : vector<16xi32>
        %gather3A_404 = tpu.vector_load_idx %arg17[%broadcast_in_dim3A_400, %add3A_403] : memref<16x128xf32, #tpu.memory_space<vmem>>[vector<16xi32>, vector<16xi32>], vector<16xf32>,
        %broadcast_in_dim3A_405 = vector.broadcast %scan3A_348 : i32 to vector<16xi32>
        %add3A_406 = arith.constant 48 : i32
        %add3A_407 = vector.broadcast %add3A_406 : i32 to vector<16xi32>
        %add3A_408 = arith.addi %add3A_389, %add3A_407 : vector<16xi32>
        %gather3A_409 = tpu.vector_load_idx %arg17[%broadcast_in_dim3A_405, %add3A_408] : memref<16x128xf32, #tpu.memory_space<vmem>>[vector<16xi32>, vector<16xi32>], vector<16xf32>,
        %mul3A_410 = arith.constant 16 : i32
        %mul3A_411 = arith.muli %add3A_235, %mul3A_410 : i32
        %add3A_412 = arith.addi %mul3A_411, %scan3A_348 : i32
        %jit3A_413 = arith.constant 16 : i32
        %div3A_414 = arith.divsi %add3A_412, %jit3A_413 : i32
        %sign3A_415 = arith.constant 0 : i32
        %sign3A_416 = arith.cmpi sgt, %add3A_412, %sign3A_415 : i32
        %sign3A_417 = arith.extui %sign3A_416 : i1 to i32
        %sign3A_418 = arith.constant 0 : i32
        %sign3A_419 = arith.cmpi slt, %add3A_412, %sign3A_418 : i32
        %sign3A_420 = arith.extui %sign3A_419 : i1 to i32
        %sign3A_421 = arith.subi %sign3A_417, %sign3A_420 : i32
        %sign3A_422 = arith.constant 0 : i32
        %sign3A_423 = arith.cmpi sgt, %jit3A_413, %sign3A_422 : i32
        %sign3A_424 = arith.extui %sign3A_423 : i1 to i32
        %sign3A_425 = arith.constant 0 : i32
        %sign3A_426 = arith.cmpi slt, %jit3A_413, %sign3A_425 : i32
        %sign3A_427 = arith.extui %sign3A_426 : i1 to i32
        %sign3A_428 = arith.subi %sign3A_424, %sign3A_427 : i32
        %ne3A_429 = arith.cmpi ne, %sign3A_421, %sign3A_428 : i32
        %rem3A_430 = arith.remsi %add3A_412, %jit3A_413 : i32
        %ne3A_431 = arith.constant 0 : i32
        %ne3A_432 = arith.cmpi ne, %rem3A_430, %ne3A_431 : i32
        %and3A_433 = arith.andi %ne3A_429, %ne3A_432 : i1
        %sub3A_434 = arith.constant 1 : i32
        %sub3A_435 = arith.subi %div3A_414, %sub3A_434 : i32
        %select_n3A_436 = arith.select %and3A_433, %sub3A_435, %div3A_414 : i32
        %mul3A_437 = arith.constant 16 : i32
        %mul3A_438 = arith.muli %select_n3A_436, %mul3A_437 : i32
        %get3A_439 = arith.index_cast %mul3A_438 : i32 to index
        %get3A_440 = tpu.vector_load %arg12[%get3A_439] {strides = array<i32>} : memref<512xi32, #tpu.memory_space<vmem>>, vector<16xi32>,
        %jit3A_441 = arith.constant 16 : i32
        %eq3A_442 = arith.constant 0 : i32
        %eq3A_443 = arith.cmpi eq, %jit3A_441, %eq3A_442 : i32
        %jit3A_444 = arith.constant 1 : i32
        %select_n3A_445 = arith.select %eq3A_443, %jit3A_444, %jit3A_441 : i32
        %rem3A_446 = arith.remsi %add3A_412, %select_n3A_445 : i32
        %ne3A_447 = arith.constant 0 : i32
        %ne3A_448 = arith.cmpi ne, %rem3A_446, %ne3A_447 : i32
        %lt3A_449 = arith.constant 0 : i32
        %lt3A_450 = arith.cmpi slt, %rem3A_446, %lt3A_449 : i32
        %lt3A_451 = arith.constant 0 : i32
        %lt3A_452 = arith.cmpi slt, %select_n3A_445, %lt3A_451 : i32
        %ne3A_453 = arith.xori %lt3A_450, %lt3A_452 : i1
        %and3A_454 = arith.andi %ne3A_453, %ne3A_448 : i1
        %add3A_455 = arith.addi %rem3A_446, %select_n3A_445 : i32
        %select_n3A_456 = arith.select %and3A_454, %add3A_455, %rem3A_446 : i32
        %broadcast_in_dim3A_457 = vector.broadcast %select_n3A_456 : i32 to vector<16xi32>
        %broadcast_in_dim3A_458 = vector.shape_cast %broadcast_in_dim3A_457 : vector<16xi32> to vector<16x1xi32>
        %gather3A_459 = vector.shape_cast %broadcast_in_dim3A_458 : vector<16x1xi32> to vector<16xi32>
        %gather3A_460 = tpu.dynamic_gather %get3A_440[%gather3A_459] in [0] : vector<16xi32>, vector<16xi32> -> vector<16xi32>
        %mul3A_461 = arith.constant 21 : i32
        %mul3A_462 = arith.muli %scan3A_348, %mul3A_461 : i32
        %add3A_463 = arith.addi %gather3A_460, %iota3A : vector<16xi32>
        %broadcast_in_dim3A_464 = vector.broadcast %scan3A_348 : i32 to vector<16xi32>
        %add3A_465 = arith.constant 0 : i32
        %add3A_466 = vector.broadcast %add3A_465 : i32 to vector<16xi32>
        %add3A_467 = arith.addi %add3A_463, %add3A_466 : vector<16xi32>
        %gather3A_468 = tpu.vector_load_idx %arg18[%broadcast_in_dim3A_464, %add3A_467] : memref<16x128xf32, #tpu.memory_space<vmem>>[vector<16xi32>, vector<16xi32>], vector<16xf32>,
        %broadcast_in_dim3A_469 = vector.broadcast %scan3A_348 : i32 to vector<16xi32>
        %add3A_470 = arith.constant 16 : i32
        %add3A_471 = vector.broadcast %add3A_470 : i32 to vector<16xi32>
        %add3A_472 = arith.addi %add3A_463, %add3A_471 : vector<16xi32>
        %gather3A_473 = tpu.vector_load_idx %arg18[%broadcast_in_dim3A_469, %add3A_472] : memref<16x128xf32, #tpu.memory_space<vmem>>[vector<16xi32>, vector<16xi32>], vector<16xf32>,
        %broadcast_in_dim3A_474 = vector.broadcast %scan3A_348 : i32 to vector<16xi32>
        %add3A_475 = arith.constant 32 : i32
        %add3A_476 = vector.broadcast %add3A_475 : i32 to vector<16xi32>
        %add3A_477 = arith.addi %add3A_463, %add3A_476 : vector<16xi32>
        %gather3A_478 = tpu.vector_load_idx %arg18[%broadcast_in_dim3A_474, %add3A_477] : memref<16x128xf32, #tpu.memory_space<vmem>>[vector<16xi32>, vector<16xi32>], vector<16xf32>,
        %broadcast_in_dim3A_479 = vector.broadcast %scan3A_348 : i32 to vector<16xi32>
        %add3A_480 = arith.constant 48 : i32
        %add3A_481 = vector.broadcast %add3A_480 : i32 to vector<16xi32>
        %add3A_482 = arith.addi %add3A_463, %add3A_481 : vector<16xi32>
        %gather3A_483 = tpu.vector_load_idx %arg18[%broadcast_in_dim3A_479, %add3A_482] : memref<16x128xf32, #tpu.memory_space<vmem>>[vector<16xi32>, vector<16xi32>], vector<16xf32>,
        %mul3A_484 = arith.mulf %gather3A_394, %gather3A_468 : vector<16xf32>
        %mul3A_485 = arith.mulf %gather3A_399, %gather3A_473 : vector<16xf32>
        %add3A_486 = arith.addf %mul3A_484, %mul3A_485 : vector<16xf32>
        %mul3A_487 = arith.mulf %gather3A_404, %gather3A_478 : vector<16xf32>
        %mul3A_488 = arith.mulf %gather3A_409, %gather3A_483 : vector<16xf32>
        %add3A_489 = arith.addf %mul3A_487, %mul3A_488 : vector<16xf32>
        %add3A_490 = arith.addf %add3A_486, %add3A_489 : vector<16xf32>
        %broadcast_in_dim3A_491 = arith.constant true
        %broadcast_in_dim3A_492 = vector.broadcast %broadcast_in_dim3A_491 : i1 to vector<16xi1>
        %masked_cumsum3A = tpu.scan <sum>, %add3A_490 masked %broadcast_in_dim3A_492 : vector<16xf32>, vector<16xi1> -> vector<16xf32>
        %broadcast_in_dim3A_493 = vector.broadcast %mul3A_462 : i32 to vector<16xi32>
        tpu.vector_store_idx %arg20[%broadcast_in_dim3A_493], %masked_cumsum3A masked %eq3A_28 : memref<336xf32, #tpu.memory_space<vmem>>[vector<16xi32>], vector<16xf32>, vector<16xi1>
        %mul3A_494 = arith.constant 20 : i32
        %mul3A_495 = arith.muli %scan3A_348, %mul3A_494 : i32
        %add3A_496 = arith.constant 0 : i32
        %add3A_497 = arith.addi %mul3A_495, %add3A_496 : i32
        %mul3A_498 = arith.constant 320 : i32
        %mul3A_499 = arith.muli %add3A_235, %mul3A_498 : i32
        %add3A_500 = arith.addi %mul3A_499, %add3A_497 : i32
        %jit3A_501 = arith.constant 16 : i32
        %div3A_502 = arith.divsi %add3A_500, %jit3A_501 : i32
        %sign3A_503 = arith.constant 0 : i32
        %sign3A_504 = arith.cmpi sgt, %add3A_500, %sign3A_503 : i32
        %sign3A_505 = arith.extui %sign3A_504 : i1 to i32
        %sign3A_506 = arith.constant 0 : i32
        %sign3A_507 = arith.cmpi slt, %add3A_500, %sign3A_506 : i32
        %sign3A_508 = arith.extui %sign3A_507 : i1 to i32
        %sign3A_509 = arith.subi %sign3A_505, %sign3A_508 : i32
        %sign3A_510 = arith.constant 0 : i32
        %sign3A_511 = arith.cmpi sgt, %jit3A_501, %sign3A_510 : i32
        %sign3A_512 = arith.extui %sign3A_511 : i1 to i32
        %sign3A_513 = arith.constant 0 : i32
        %sign3A_514 = arith.cmpi slt, %jit3A_501, %sign3A_513 : i32
        %sign3A_515 = arith.extui %sign3A_514 : i1 to i32
        %sign3A_516 = arith.subi %sign3A_512, %sign3A_515 : i32
        %ne3A_517 = arith.cmpi ne, %sign3A_509, %sign3A_516 : i32
        %rem3A_518 = arith.remsi %add3A_500, %jit3A_501 : i32
        %ne3A_519 = arith.constant 0 : i32
        %ne3A_520 = arith.cmpi ne, %rem3A_518, %ne3A_519 : i32
        %and3A_521 = arith.andi %ne3A_517, %ne3A_520 : i1
        %sub3A_522 = arith.constant 1 : i32
        %sub3A_523 = arith.subi %div3A_502, %sub3A_522 : i32
        %select_n3A_524 = arith.select %and3A_521, %sub3A_523, %div3A_502 : i32
        %mul3A_525 = arith.constant 16 : i32
        %mul3A_526 = arith.muli %select_n3A_524, %mul3A_525 : i32
        %get3A_527 = arith.index_cast %mul3A_526 : i32 to index
        %get3A_528 = tpu.vector_load %arg13[%get3A_527] {strides = array<i32>} : memref<10240xi32, #tpu.memory_space<vmem>>, vector<16xi32>,
        %jit3A_529 = arith.constant 16 : i32
        %eq3A_530 = arith.constant 0 : i32
        %eq3A_531 = arith.cmpi eq, %jit3A_529, %eq3A_530 : i32
        %jit3A_532 = arith.constant 1 : i32
        %select_n3A_533 = arith.select %eq3A_531, %jit3A_532, %jit3A_529 : i32
        %rem3A_534 = arith.remsi %add3A_500, %select_n3A_533 : i32
        %ne3A_535 = arith.constant 0 : i32
        %ne3A_536 = arith.cmpi ne, %rem3A_534, %ne3A_535 : i32
        %lt3A_537 = arith.constant 0 : i32
        %lt3A_538 = arith.cmpi slt, %rem3A_534, %lt3A_537 : i32
        %lt3A_539 = arith.constant 0 : i32
        %lt3A_540 = arith.cmpi slt, %select_n3A_533, %lt3A_539 : i32
        %ne3A_541 = arith.xori %lt3A_538, %lt3A_540 : i1
        %and3A_542 = arith.andi %ne3A_541, %ne3A_536 : i1
        %add3A_543 = arith.addi %rem3A_534, %select_n3A_533 : i32
        %select_n3A_544 = arith.select %and3A_542, %add3A_543, %rem3A_534 : i32
        %broadcast_in_dim3A_545 = vector.broadcast %select_n3A_544 : i32 to vector<16xi32>
        %broadcast_in_dim3A_546 = vector.shape_cast %broadcast_in_dim3A_545 : vector<16xi32> to vector<16x1xi32>
        %gather3A_547 = vector.shape_cast %broadcast_in_dim3A_546 : vector<16x1xi32> to vector<16xi32>
        %gather3A_548 = tpu.dynamic_gather %get3A_528[%gather3A_547] in [0] : vector<16xi32>, vector<16xi32> -> vector<16xi32>
        %mul3A_549 = arith.constant 21 : i32
        %mul3A_550 = arith.muli %scan3A_348, %mul3A_549 : i32
        %add3A_551 = arith.constant 1 : i32
        %add3A_552 = arith.addi %mul3A_550, %add3A_551 : i32
        %add3A_553 = arith.addi %gather3A_548, %iota3A : vector<16xi32>
        %broadcast_in_dim3A_554 = vector.broadcast %add3A_497 : i32 to vector<16xi32>
        %add3A_555 = arith.constant 0 : i32
        %add3A_556 = vector.broadcast %add3A_555 : i32 to vector<16xi32>
        %add3A_557 = arith.addi %add3A_553, %add3A_556 : vector<16xi32>
        %gather3A_558 = tpu.vector_load_idx %arg19[%broadcast_in_dim3A_554, %add3A_557] : memref<320x128xf32, #tpu.memory_space<vmem>>[vector<16xi32>, vector<16xi32>], vector<16xf32>,
        %broadcast_in_dim3A_559 = vector.broadcast %add3A_497 : i32 to vector<16xi32>
        %add3A_560 = arith.constant 16 : i32
        %add3A_561 = vector.broadcast %add3A_560 : i32 to vector<16xi32>
        %add3A_562 = arith.addi %add3A_553, %add3A_561 : vector<16xi32>
        %gather3A_563 = tpu.vector_load_idx %arg19[%broadcast_in_dim3A_559, %add3A_562] : memref<320x128xf32, #tpu.memory_space<vmem>>[vector<16xi32>, vector<16xi32>], vector<16xf32>,
        %broadcast_in_dim3A_564 = vector.broadcast %add3A_497 : i32 to vector<16xi32>
        %add3A_565 = arith.constant 32 : i32
        %add3A_566 = vector.broadcast %add3A_565 : i32 to vector<16xi32>
        %add3A_567 = arith.addi %add3A_553, %add3A_566 : vector<16xi32>
        %gather3A_568 = tpu.vector_load_idx %arg19[%broadcast_in_dim3A_564, %add3A_567] : memref<320x128xf32, #tpu.memory_space<vmem>>[vector<16xi32>, vector<16xi32>], vector<16xf32>,
        %broadcast_in_dim3A_569 = vector.broadcast %add3A_497 : i32 to vector<16xi32>
        %add3A_570 = arith.constant 48 : i32
        %add3A_571 = vector.broadcast %add3A_570 : i32 to vector<16xi32>
        %add3A_572 = arith.addi %add3A_553, %add3A_571 : vector<16xi32>
        %gather3A_573 = tpu.vector_load_idx %arg19[%broadcast_in_dim3A_569, %add3A_572] : memref<320x128xf32, #tpu.memory_space<vmem>>[vector<16xi32>, vector<16xi32>], vector<16xf32>,
        %mul3A_574 = arith.mulf %gather3A_394, %gather3A_558 : vector<16xf32>
        %mul3A_575 = arith.mulf %gather3A_399, %gather3A_563 : vector<16xf32>
        %add3A_576 = arith.addf %mul3A_574, %mul3A_575 : vector<16xf32>
        %mul3A_577 = arith.mulf %gather3A_404, %gather3A_568 : vector<16xf32>
        %mul3A_578 = arith.mulf %gather3A_409, %gather3A_573 : vector<16xf32>
        %add3A_579 = arith.addf %mul3A_577, %mul3A_578 : vector<16xf32>
        %add3A_580 = arith.addf %add3A_576, %add3A_579 : vector<16xf32>
        %broadcast_in_dim3A_581 = arith.constant true
        %broadcast_in_dim3A_582 = vector.broadcast %broadcast_in_dim3A_581 : i1 to vector<16xi1>
        %masked_cumsum3A_583 = tpu.scan <sum>, %add3A_580 masked %broadcast_in_dim3A_582 : vector<16xf32>, vector<16xi1> -> vector<16xf32>
        %broadcast_in_dim3A_584 = vector.broadcast %add3A_552 : i32 to vector<16xi32>
        tpu.vector_store_idx %arg20[%broadcast_in_dim3A_584], %masked_cumsum3A_583 masked %eq3A_28 : memref<336xf32, #tpu.memory_space<vmem>>[vector<16xi32>], vector<16xf32>, vector<16xi1>
        %mul3A_585 = arith.constant 20 : i32
        %mul3A_586 = arith.muli %scan3A_348, %mul3A_585 : i32
        %add3A_587 = arith.constant 1 : i32
        %add3A_588 = arith.addi %mul3A_586, %add3A_587 : i32
        %mul3A_589 = arith.constant 320 : i32
        %mul3A_590 = arith.muli %add3A_235, %mul3A_589 : i32
        %add3A_591 = arith.addi %mul3A_590, %add3A_588 : i32
        %jit3A_592 = arith.constant 16 : i32
        %div3A_593 = arith.divsi %add3A_591, %jit3A_592 : i32
        %sign3A_594 = arith.constant 0 : i32
        %sign3A_595 = arith.cmpi sgt, %add3A_591, %sign3A_594 : i32
        %sign3A_596 = arith.extui %sign3A_595 : i1 to i32
        %sign3A_597 = arith.constant 0 : i32
        %sign3A_598 = arith.cmpi slt, %add3A_591, %sign3A_597 : i32
        %sign3A_599 = arith.extui %sign3A_598 : i1 to i32
        %sign3A_600 = arith.subi %sign3A_596, %sign3A_599 : i32
        %sign3A_601 = arith.constant 0 : i32
        %sign3A_602 = arith.cmpi sgt, %jit3A_592, %sign3A_601 : i32
        %sign3A_603 = arith.extui %sign3A_602 : i1 to i32
        %sign3A_604 = arith.constant 0 : i32
        %sign3A_605 = arith.cmpi slt, %jit3A_592, %sign3A_604 : i32
        %sign3A_606 = arith.extui %sign3A_605 : i1 to i32
        %sign3A_607 = arith.subi %sign3A_603, %sign3A_606 : i32
        %ne3A_608 = arith.cmpi ne, %sign3A_600, %sign3A_607 : i32
        %rem3A_609 = arith.remsi %add3A_591, %jit3A_592 : i32
        %ne3A_610 = arith.constant 0 : i32
        %ne3A_611 = arith.cmpi ne, %rem3A_609, %ne3A_610 : i32
        %and3A_612 = arith.andi %ne3A_608, %ne3A_611 : i1
        %sub3A_613 = arith.constant 1 : i32
        %sub3A_614 = arith.subi %div3A_593, %sub3A_613 : i32
        %select_n3A_615 = arith.select %and3A_612, %sub3A_614, %div3A_593 : i32
        %mul3A_616 = arith.constant 16 : i32
        %mul3A_617 = arith.muli %select_n3A_615, %mul3A_616 : i32
        %get3A_618 = arith.index_cast %mul3A_617 : i32 to index
        %get3A_619 = tpu.vector_load %arg13[%get3A_618] {strides = array<i32>} : memref<10240xi32, #tpu.memory_space<vmem>>, vector<16xi32>,
        %jit3A_620 = arith.constant 16 : i32
        %eq3A_621 = arith.constant 0 : i32
        %eq3A_622 = arith.cmpi eq, %jit3A_620, %eq3A_621 : i32
        %jit3A_623 = arith.constant 1 : i32
        %select_n3A_624 = arith.select %eq3A_622, %jit3A_623, %jit3A_620 : i32
        %rem3A_625 = arith.remsi %add3A_591, %select_n3A_624 : i32
        %ne3A_626 = arith.constant 0 : i32
        %ne3A_627 = arith.cmpi ne, %rem3A_625, %ne3A_626 : i32
        %lt3A_628 = arith.constant 0 : i32
        %lt3A_629 = arith.cmpi slt, %rem3A_625, %lt3A_628 : i32
        %lt3A_630 = arith.constant 0 : i32
        %lt3A_631 = arith.cmpi slt, %select_n3A_624, %lt3A_630 : i32
        %ne3A_632 = arith.xori %lt3A_629, %lt3A_631 : i1
        %and3A_633 = arith.andi %ne3A_632, %ne3A_627 : i1
        %add3A_634 = arith.addi %rem3A_625, %select_n3A_624 : i32
        %select_n3A_635 = arith.select %and3A_633, %add3A_634, %rem3A_625 : i32
        %broadcast_in_dim3A_636 = vector.broadcast %select_n3A_635 : i32 to vector<16xi32>
        %broadcast_in_dim3A_637 = vector.shape_cast %broadcast_in_dim3A_636 : vector<16xi32> to vector<16x1xi32>
        %gather3A_638 = vector.shape_cast %broadcast_in_dim3A_637 : vector<16x1xi32> to vector<16xi32>
        %gather3A_639 = tpu.dynamic_gather %get3A_619[%gather3A_638] in [0] : vector<16xi32>, vector<16xi32> -> vector<16xi32>
        %mul3A_640 = arith.constant 21 : i32
        %mul3A_641 = arith.muli %scan3A_348, %mul3A_640 : i32
        %add3A_642 = arith.constant 2 : i32
        %add3A_643 = arith.addi %mul3A_641, %add3A_642 : i32
        %add3A_644 = arith.addi %gather3A_639, %iota3A : vector<16xi32>
        %broadcast_in_dim3A_645 = vector.broadcast %add3A_588 : i32 to vector<16xi32>
        %add3A_646 = arith.constant 0 : i32
        %add3A_647 = vector.broadcast %add3A_646 : i32 to vector<16xi32>
        %add3A_648 = arith.addi %add3A_644, %add3A_647 : vector<16xi32>
        %gather3A_649 = tpu.vector_load_idx %arg19[%broadcast_in_dim3A_645, %add3A_648] : memref<320x128xf32, #tpu.memory_space<vmem>>[vector<16xi32>, vector<16xi32>], vector<16xf32>,
        %broadcast_in_dim3A_650 = vector.broadcast %add3A_588 : i32 to vector<16xi32>
        %add3A_651 = arith.constant 16 : i32
        %add3A_652 = vector.broadcast %add3A_651 : i32 to vector<16xi32>
        %add3A_653 = arith.addi %add3A_644, %add3A_652 : vector<16xi32>
        %gather3A_654 = tpu.vector_load_idx %arg19[%broadcast_in_dim3A_650, %add3A_653] : memref<320x128xf32, #tpu.memory_space<vmem>>[vector<16xi32>, vector<16xi32>], vector<16xf32>,
        %broadcast_in_dim3A_655 = vector.broadcast %add3A_588 : i32 to vector<16xi32>
        %add3A_656 = arith.constant 32 : i32
        %add3A_657 = vector.broadcast %add3A_656 : i32 to vector<16xi32>
        %add3A_658 = arith.addi %add3A_644, %add3A_657 : vector<16xi32>
        %gather3A_659 = tpu.vector_load_idx %arg19[%broadcast_in_dim3A_655, %add3A_658] : memref<320x128xf32, #tpu.memory_space<vmem>>[vector<16xi32>, vector<16xi32>], vector<16xf32>,
        %broadcast_in_dim3A_660 = vector.broadcast %add3A_588 : i32 to vector<16xi32>
        %add3A_661 = arith.constant 48 : i32
        %add3A_662 = vector.broadcast %add3A_661 : i32 to vector<16xi32>
        %add3A_663 = arith.addi %add3A_644, %add3A_662 : vector<16xi32>
        %gather3A_664 = tpu.vector_load_idx %arg19[%broadcast_in_dim3A_660, %add3A_663] : memref<320x128xf32, #tpu.memory_space<vmem>>[vector<16xi32>, vector<16xi32>], vector<16xf32>,
        %mul3A_665 = arith.mulf %gather3A_394, %gather3A_649 : vector<16xf32>
        %mul3A_666 = arith.mulf %gather3A_399, %gather3A_654 : vector<16xf32>
        %add3A_667 = arith.addf %mul3A_665, %mul3A_666 : vector<16xf32>
        %mul3A_668 = arith.mulf %gather3A_404, %gather3A_659 : vector<16xf32>
        %mul3A_669 = arith.mulf %gather3A_409, %gather3A_664 : vector<16xf32>
        %add3A_670 = arith.addf %mul3A_668, %mul3A_669 : vector<16xf32>
        %add3A_671 = arith.addf %add3A_667, %add3A_670 : vector<16xf32>
        %broadcast_in_dim3A_672 = arith.constant true
        %broadcast_in_dim3A_673 = vector.broadcast %broadcast_in_dim3A_672 : i1 to vector<16xi1>
        %masked_cumsum3A_674 = tpu.scan <sum>, %add3A_671 masked %broadcast_in_dim3A_673 : vector<16xf32>, vector<16xi1> -> vector<16xf32>
        %broadcast_in_dim3A_675 = vector.broadcast %add3A_643 : i32 to vector<16xi32>
        tpu.vector_store_idx %arg20[%broadcast_in_dim3A_675], %masked_cumsum3A_674 masked %eq3A_28 : memref<336xf32, #tpu.memory_space<vmem>>[vector<16xi32>], vector<16xf32>, vector<16xi1>
        %mul3A_676 = arith.constant 20 : i32
        %mul3A_677 = arith.muli %scan3A_348, %mul3A_676 : i32
        %add3A_678 = arith.constant 2 : i32
        %add3A_679 = arith.addi %mul3A_677, %add3A_678 : i32
        %mul3A_680 = arith.constant 320 : i32
        %mul3A_681 = arith.muli %add3A_235, %mul3A_680 : i32
        %add3A_682 = arith.addi %mul3A_681, %add3A_679 : i32
        %jit3A_683 = arith.constant 16 : i32
        %div3A_684 = arith.divsi %add3A_682, %jit3A_683 : i32
        %sign3A_685 = arith.constant 0 : i32
        %sign3A_686 = arith.cmpi sgt, %add3A_682, %sign3A_685 : i32
        %sign3A_687 = arith.extui %sign3A_686 : i1 to i32
        %sign3A_688 = arith.constant 0 : i32
        %sign3A_689 = arith.cmpi slt, %add3A_682, %sign3A_688 : i32
        %sign3A_690 = arith.extui %sign3A_689 : i1 to i32
        %sign3A_691 = arith.subi %sign3A_687, %sign3A_690 : i32
        %sign3A_692 = arith.constant 0 : i32
        %sign3A_693 = arith.cmpi sgt, %jit3A_683, %sign3A_692 : i32
        %sign3A_694 = arith.extui %sign3A_693 : i1 to i32
        %sign3A_695 = arith.constant 0 : i32
        %sign3A_696 = arith.cmpi slt, %jit3A_683, %sign3A_695 : i32
        %sign3A_697 = arith.extui %sign3A_696 : i1 to i32
        %sign3A_698 = arith.subi %sign3A_694, %sign3A_697 : i32
        %ne3A_699 = arith.cmpi ne, %sign3A_691, %sign3A_698 : i32
        %rem3A_700 = arith.remsi %add3A_682, %jit3A_683 : i32
        %ne3A_701 = arith.constant 0 : i32
        %ne3A_702 = arith.cmpi ne, %rem3A_700, %ne3A_701 : i32
        %and3A_703 = arith.andi %ne3A_699, %ne3A_702 : i1
        %sub3A_704 = arith.constant 1 : i32
        %sub3A_705 = arith.subi %div3A_684, %sub3A_704 : i32
        %select_n3A_706 = arith.select %and3A_703, %sub3A_705, %div3A_684 : i32
        %mul3A_707 = arith.constant 16 : i32
        %mul3A_708 = arith.muli %select_n3A_706, %mul3A_707 : i32
        %get3A_709 = arith.index_cast %mul3A_708 : i32 to index
        %get3A_710 = tpu.vector_load %arg13[%get3A_709] {strides = array<i32>} : memref<10240xi32, #tpu.memory_space<vmem>>, vector<16xi32>,
        %jit3A_711 = arith.constant 16 : i32
        %eq3A_712 = arith.constant 0 : i32
        %eq3A_713 = arith.cmpi eq, %jit3A_711, %eq3A_712 : i32
        %jit3A_714 = arith.constant 1 : i32
        %select_n3A_715 = arith.select %eq3A_713, %jit3A_714, %jit3A_711 : i32
        %rem3A_716 = arith.remsi %add3A_682, %select_n3A_715 : i32
        %ne3A_717 = arith.constant 0 : i32
        %ne3A_718 = arith.cmpi ne, %rem3A_716, %ne3A_717 : i32
        %lt3A_719 = arith.constant 0 : i32
        %lt3A_720 = arith.cmpi slt, %rem3A_716, %lt3A_719 : i32
        %lt3A_721 = arith.constant 0 : i32
        %lt3A_722 = arith.cmpi slt, %select_n3A_715, %lt3A_721 : i32
        %ne3A_723 = arith.xori %lt3A_720, %lt3A_722 : i1
        %and3A_724 = arith.andi %ne3A_723, %ne3A_718 : i1
        %add3A_725 = arith.addi %rem3A_716, %select_n3A_715 : i32
        %select_n3A_726 = arith.select %and3A_724, %add3A_725, %rem3A_716 : i32
        %broadcast_in_dim3A_727 = vector.broadcast %select_n3A_726 : i32 to vector<16xi32>
        %broadcast_in_dim3A_728 = vector.shape_cast %broadcast_in_dim3A_727 : vector<16xi32> to vector<16x1xi32>
        %gather3A_729 = vector.shape_cast %broadcast_in_dim3A_728 : vector<16x1xi32> to vector<16xi32>
        %gather3A_730 = tpu.dynamic_gather %get3A_710[%gather3A_729] in [0] : vector<16xi32>, vector<16xi32> -> vector<16xi32>
        %mul3A_731 = arith.constant 21 : i32
        %mul3A_732 = arith.muli %scan3A_348, %mul3A_731 : i32
        %add3A_733 = arith.constant 3 : i32
        %add3A_734 = arith.addi %mul3A_732, %add3A_733 : i32
        %add3A_735 = arith.addi %gather3A_730, %iota3A : vector<16xi32>
        %broadcast_in_dim3A_736 = vector.broadcast %add3A_679 : i32 to vector<16xi32>
        %add3A_737 = arith.constant 0 : i32
        %add3A_738 = vector.broadcast %add3A_737 : i32 to vector<16xi32>
        %add3A_739 = arith.addi %add3A_735, %add3A_738 : vector<16xi32>
        %gather3A_740 = tpu.vector_load_idx %arg19[%broadcast_in_dim3A_736, %add3A_739] : memref<320x128xf32, #tpu.memory_space<vmem>>[vector<16xi32>, vector<16xi32>], vector<16xf32>,
        %broadcast_in_dim3A_741 = vector.broadcast %add3A_679 : i32 to vector<16xi32>
        %add3A_742 = arith.constant 16 : i32
        %add3A_743 = vector.broadcast %add3A_742 : i32 to vector<16xi32>
        %add3A_744 = arith.addi %add3A_735, %add3A_743 : vector<16xi32>
        %gather3A_745 = tpu.vector_load_idx %arg19[%broadcast_in_dim3A_741, %add3A_744] : memref<320x128xf32, #tpu.memory_space<vmem>>[vector<16xi32>, vector<16xi32>], vector<16xf32>,
        %broadcast_in_dim3A_746 = vector.broadcast %add3A_679 : i32 to vector<16xi32>
        %add3A_747 = arith.constant 32 : i32
        %add3A_748 = vector.broadcast %add3A_747 : i32 to vector<16xi32>
        %add3A_749 = arith.addi %add3A_735, %add3A_748 : vector<16xi32>
        %gather3A_750 = tpu.vector_load_idx %arg19[%broadcast_in_dim3A_746, %add3A_749] : memref<320x128xf32, #tpu.memory_space<vmem>>[vector<16xi32>, vector<16xi32>], vector<16xf32>,
        %broadcast_in_dim3A_751 = vector.broadcast %add3A_679 : i32 to vector<16xi32>
        %add3A_752 = arith.constant 48 : i32
        %add3A_753 = vector.broadcast %add3A_752 : i32 to vector<16xi32>
        %add3A_754 = arith.addi %add3A_735, %add3A_753 : vector<16xi32>
        %gather3A_755 = tpu.vector_load_idx %arg19[%broadcast_in_dim3A_751, %add3A_754] : memref<320x128xf32, #tpu.memory_space<vmem>>[vector<16xi32>, vector<16xi32>], vector<16xf32>,
        %mul3A_756 = arith.mulf %gather3A_394, %gather3A_740 : vector<16xf32>
        %mul3A_757 = arith.mulf %gather3A_399, %gather3A_745 : vector<16xf32>
        %add3A_758 = arith.addf %mul3A_756, %mul3A_757 : vector<16xf32>
        %mul3A_759 = arith.mulf %gather3A_404, %gather3A_750 : vector<16xf32>
        %mul3A_760 = arith.mulf %gather3A_409, %gather3A_755 : vector<16xf32>
        %add3A_761 = arith.addf %mul3A_759, %mul3A_760 : vector<16xf32>
        %add3A_762 = arith.addf %add3A_758, %add3A_761 : vector<16xf32>
        %broadcast_in_dim3A_763 = arith.constant true
        %broadcast_in_dim3A_764 = vector.broadcast %broadcast_in_dim3A_763 : i1 to vector<16xi1>
        %masked_cumsum3A_765 = tpu.scan <sum>, %add3A_762 masked %broadcast_in_dim3A_764 : vector<16xf32>, vector<16xi1> -> vector<16xf32>
        %broadcast_in_dim3A_766 = vector.broadcast %add3A_734 : i32 to vector<16xi32>
        tpu.vector_store_idx %arg20[%broadcast_in_dim3A_766], %masked_cumsum3A_765 masked %eq3A_28 : memref<336xf32, #tpu.memory_space<vmem>>[vector<16xi32>], vector<16xf32>, vector<16xi1>
        %mul3A_767 = arith.constant 20 : i32
        %mul3A_768 = arith.muli %scan3A_348, %mul3A_767 : i32
        %add3A_769 = arith.constant 3 : i32
        %add3A_770 = arith.addi %mul3A_768, %add3A_769 : i32
        %mul3A_771 = arith.constant 320 : i32
        %mul3A_772 = arith.muli %add3A_235, %mul3A_771 : i32
        %add3A_773 = arith.addi %mul3A_772, %add3A_770 : i32
        %jit3A_774 = arith.constant 16 : i32
        %div3A_775 = arith.divsi %add3A_773, %jit3A_774 : i32
        %sign3A_776 = arith.constant 0 : i32
        %sign3A_777 = arith.cmpi sgt, %add3A_773, %sign3A_776 : i32
        %sign3A_778 = arith.extui %sign3A_777 : i1 to i32
        %sign3A_779 = arith.constant 0 : i32
        %sign3A_780 = arith.cmpi slt, %add3A_773, %sign3A_779 : i32
        %sign3A_781 = arith.extui %sign3A_780 : i1 to i32
        %sign3A_782 = arith.subi %sign3A_778, %sign3A_781 : i32
        %sign3A_783 = arith.constant 0 : i32
        %sign3A_784 = arith.cmpi sgt, %jit3A_774, %sign3A_783 : i32
        %sign3A_785 = arith.extui %sign3A_784 : i1 to i32
        %sign3A_786 = arith.constant 0 : i32
        %sign3A_787 = arith.cmpi slt, %jit3A_774, %sign3A_786 : i32
        %sign3A_788 = arith.extui %sign3A_787 : i1 to i32
        %sign3A_789 = arith.subi %sign3A_785, %sign3A_788 : i32
        %ne3A_790 = arith.cmpi ne, %sign3A_782, %sign3A_789 : i32
        %rem3A_791 = arith.remsi %add3A_773, %jit3A_774 : i32
        %ne3A_792 = arith.constant 0 : i32
        %ne3A_793 = arith.cmpi ne, %rem3A_791, %ne3A_792 : i32
        %and3A_794 = arith.andi %ne3A_790, %ne3A_793 : i1
        %sub3A_795 = arith.constant 1 : i32
        %sub3A_796 = arith.subi %div3A_775, %sub3A_795 : i32
        %select_n3A_797 = arith.select %and3A_794, %sub3A_796, %div3A_775 : i32
        %mul3A_798 = arith.constant 16 : i32
        %mul3A_799 = arith.muli %select_n3A_797, %mul3A_798 : i32
        %get3A_800 = arith.index_cast %mul3A_799 : i32 to index
        %get3A_801 = tpu.vector_load %arg13[%get3A_800] {strides = array<i32>} : memref<10240xi32, #tpu.memory_space<vmem>>, vector<16xi32>,
        %jit3A_802 = arith.constant 16 : i32
        %eq3A_803 = arith.constant 0 : i32
        %eq3A_804 = arith.cmpi eq, %jit3A_802, %eq3A_803 : i32
        %jit3A_805 = arith.constant 1 : i32
        %select_n3A_806 = arith.select %eq3A_804, %jit3A_805, %jit3A_802 : i32
        %rem3A_807 = arith.remsi %add3A_773, %select_n3A_806 : i32
        %ne3A_808 = arith.constant 0 : i32
        %ne3A_809 = arith.cmpi ne, %rem3A_807, %ne3A_808 : i32
        %lt3A_810 = arith.constant 0 : i32
        %lt3A_811 = arith.cmpi slt, %rem3A_807, %lt3A_810 : i32
        %lt3A_812 = arith.constant 0 : i32
        %lt3A_813 = arith.cmpi slt, %select_n3A_806, %lt3A_812 : i32
        %ne3A_814 = arith.xori %lt3A_811, %lt3A_813 : i1
        %and3A_815 = arith.andi %ne3A_814, %ne3A_809 : i1
        %add3A_816 = arith.addi %rem3A_807, %select_n3A_806 : i32
        %select_n3A_817 = arith.select %and3A_815, %add3A_816, %rem3A_807 : i32
        %broadcast_in_dim3A_818 = vector.broadcast %select_n3A_817 : i32 to vector<16xi32>
        %broadcast_in_dim3A_819 = vector.shape_cast %broadcast_in_dim3A_818 : vector<16xi32> to vector<16x1xi32>
        %gather3A_820 = vector.shape_cast %broadcast_in_dim3A_819 : vector<16x1xi32> to vector<16xi32>
        %gather3A_821 = tpu.dynamic_gather %get3A_801[%gather3A_820] in [0] : vector<16xi32>, vector<16xi32> -> vector<16xi32>
        %mul3A_822 = arith.constant 21 : i32
        %mul3A_823 = arith.muli %scan3A_348, %mul3A_822 : i32
        %add3A_824 = arith.constant 4 : i32
        %add3A_825 = arith.addi %mul3A_823, %add3A_824 : i32
        %add3A_826 = arith.addi %gather3A_821, %iota3A : vector<16xi32>
        %broadcast_in_dim3A_827 = vector.broadcast %add3A_770 : i32 to vector<16xi32>
        %add3A_828 = arith.constant 0 : i32
        %add3A_829 = vector.broadcast %add3A_828 : i32 to vector<16xi32>
        %add3A_830 = arith.addi %add3A_826, %add3A_829 : vector<16xi32>
        %gather3A_831 = tpu.vector_load_idx %arg19[%broadcast_in_dim3A_827, %add3A_830] : memref<320x128xf32, #tpu.memory_space<vmem>>[vector<16xi32>, vector<16xi32>], vector<16xf32>,
        %broadcast_in_dim3A_832 = vector.broadcast %add3A_770 : i32 to vector<16xi32>
        %add3A_833 = arith.constant 16 : i32
        %add3A_834 = vector.broadcast %add3A_833 : i32 to vector<16xi32>
        %add3A_835 = arith.addi %add3A_826, %add3A_834 : vector<16xi32>
        %gather3A_836 = tpu.vector_load_idx %arg19[%broadcast_in_dim3A_832, %add3A_835] : memref<320x128xf32, #tpu.memory_space<vmem>>[vector<16xi32>, vector<16xi32>], vector<16xf32>,
        %broadcast_in_dim3A_837 = vector.broadcast %add3A_770 : i32 to vector<16xi32>
        %add3A_838 = arith.constant 32 : i32
        %add3A_839 = vector.broadcast %add3A_838 : i32 to vector<16xi32>
        %add3A_840 = arith.addi %add3A_826, %add3A_839 : vector<16xi32>
        %gather3A_841 = tpu.vector_load_idx %arg19[%broadcast_in_dim3A_837, %add3A_840] : memref<320x128xf32, #tpu.memory_space<vmem>>[vector<16xi32>, vector<16xi32>], vector<16xf32>,
        %broadcast_in_dim3A_842 = vector.broadcast %add3A_770 : i32 to vector<16xi32>
        %add3A_843 = arith.constant 48 : i32
        %add3A_844 = vector.broadcast %add3A_843 : i32 to vector<16xi32>
        %add3A_845 = arith.addi %add3A_826, %add3A_844 : vector<16xi32>
        %gather3A_846 = tpu.vector_load_idx %arg19[%broadcast_in_dim3A_842, %add3A_845] : memref<320x128xf32, #tpu.memory_space<vmem>>[vector<16xi32>, vector<16xi32>], vector<16xf32>,
        %mul3A_847 = arith.mulf %gather3A_394, %gather3A_831 : vector<16xf32>
        %mul3A_848 = arith.mulf %gather3A_399, %gather3A_836 : vector<16xf32>
        %add3A_849 = arith.addf %mul3A_847, %mul3A_848 : vector<16xf32>
        %mul3A_850 = arith.mulf %gather3A_404, %gather3A_841 : vector<16xf32>
        %mul3A_851 = arith.mulf %gather3A_409, %gather3A_846 : vector<16xf32>
        %add3A_852 = arith.addf %mul3A_850, %mul3A_851 : vector<16xf32>
        %add3A_853 = arith.addf %add3A_849, %add3A_852 : vector<16xf32>
        %broadcast_in_dim3A_854 = arith.constant true
        %broadcast_in_dim3A_855 = vector.broadcast %broadcast_in_dim3A_854 : i1 to vector<16xi1>
        %masked_cumsum3A_856 = tpu.scan <sum>, %add3A_853 masked %broadcast_in_dim3A_855 : vector<16xf32>, vector<16xi1> -> vector<16xf32>
        %broadcast_in_dim3A_857 = vector.broadcast %add3A_825 : i32 to vector<16xi32>
        tpu.vector_store_idx %arg20[%broadcast_in_dim3A_857], %masked_cumsum3A_856 masked %eq3A_28 : memref<336xf32, #tpu.memory_space<vmem>>[vector<16xi32>], vector<16xf32>, vector<16xi1>
        %mul3A_858 = arith.constant 20 : i32
        %mul3A_859 = arith.muli %scan3A_348, %mul3A_858 : i32
        %add3A_860 = arith.constant 4 : i32
        %add3A_861 = arith.addi %mul3A_859, %add3A_860 : i32
        %mul3A_862 = arith.constant 320 : i32
        %mul3A_863 = arith.muli %add3A_235, %mul3A_862 : i32
        %add3A_864 = arith.addi %mul3A_863, %add3A_861 : i32
        %jit3A_865 = arith.constant 16 : i32
        %div3A_866 = arith.divsi %add3A_864, %jit3A_865 : i32
        %sign3A_867 = arith.constant 0 : i32
        %sign3A_868 = arith.cmpi sgt, %add3A_864, %sign3A_867 : i32
        %sign3A_869 = arith.extui %sign3A_868 : i1 to i32
        %sign3A_870 = arith.constant 0 : i32
        %sign3A_871 = arith.cmpi slt, %add3A_864, %sign3A_870 : i32
        %sign3A_872 = arith.extui %sign3A_871 : i1 to i32
        %sign3A_873 = arith.subi %sign3A_869, %sign3A_872 : i32
        %sign3A_874 = arith.constant 0 : i32
        %sign3A_875 = arith.cmpi sgt, %jit3A_865, %sign3A_874 : i32
        %sign3A_876 = arith.extui %sign3A_875 : i1 to i32
        %sign3A_877 = arith.constant 0 : i32
        %sign3A_878 = arith.cmpi slt, %jit3A_865, %sign3A_877 : i32
        %sign3A_879 = arith.extui %sign3A_878 : i1 to i32
        %sign3A_880 = arith.subi %sign3A_876, %sign3A_879 : i32
        %ne3A_881 = arith.cmpi ne, %sign3A_873, %sign3A_880 : i32
        %rem3A_882 = arith.remsi %add3A_864, %jit3A_865 : i32
        %ne3A_883 = arith.constant 0 : i32
        %ne3A_884 = arith.cmpi ne, %rem3A_882, %ne3A_883 : i32
        %and3A_885 = arith.andi %ne3A_881, %ne3A_884 : i1
        %sub3A_886 = arith.constant 1 : i32
        %sub3A_887 = arith.subi %div3A_866, %sub3A_886 : i32
        %select_n3A_888 = arith.select %and3A_885, %sub3A_887, %div3A_866 : i32
        %mul3A_889 = arith.constant 16 : i32
        %mul3A_890 = arith.muli %select_n3A_888, %mul3A_889 : i32
        %get3A_891 = arith.index_cast %mul3A_890 : i32 to index
        %get3A_892 = tpu.vector_load %arg13[%get3A_891] {strides = array<i32>} : memref<10240xi32, #tpu.memory_space<vmem>>, vector<16xi32>,
        %jit3A_893 = arith.constant 16 : i32
        %eq3A_894 = arith.constant 0 : i32
        %eq3A_895 = arith.cmpi eq, %jit3A_893, %eq3A_894 : i32
        %jit3A_896 = arith.constant 1 : i32
        %select_n3A_897 = arith.select %eq3A_895, %jit3A_896, %jit3A_893 : i32
        %rem3A_898 = arith.remsi %add3A_864, %select_n3A_897 : i32
        %ne3A_899 = arith.constant 0 : i32
        %ne3A_900 = arith.cmpi ne, %rem3A_898, %ne3A_899 : i32
        %lt3A_901 = arith.constant 0 : i32
        %lt3A_902 = arith.cmpi slt, %rem3A_898, %lt3A_901 : i32
        %lt3A_903 = arith.constant 0 : i32
        %lt3A_904 = arith.cmpi slt, %select_n3A_897, %lt3A_903 : i32
        %ne3A_905 = arith.xori %lt3A_902, %lt3A_904 : i1
        %and3A_906 = arith.andi %ne3A_905, %ne3A_900 : i1
        %add3A_907 = arith.addi %rem3A_898, %select_n3A_897 : i32
        %select_n3A_908 = arith.select %and3A_906, %add3A_907, %rem3A_898 : i32
        %broadcast_in_dim3A_909 = vector.broadcast %select_n3A_908 : i32 to vector<16xi32>
        %broadcast_in_dim3A_910 = vector.shape_cast %broadcast_in_dim3A_909 : vector<16xi32> to vector<16x1xi32>
        %gather3A_911 = vector.shape_cast %broadcast_in_dim3A_910 : vector<16x1xi32> to vector<16xi32>
        %gather3A_912 = tpu.dynamic_gather %get3A_892[%gather3A_911] in [0] : vector<16xi32>, vector<16xi32> -> vector<16xi32>
        %mul3A_913 = arith.constant 21 : i32
        %mul3A_914 = arith.muli %scan3A_348, %mul3A_913 : i32
        %add3A_915 = arith.constant 5 : i32
        %add3A_916 = arith.addi %mul3A_914, %add3A_915 : i32
        %add3A_917 = arith.addi %gather3A_912, %iota3A : vector<16xi32>
        %broadcast_in_dim3A_918 = vector.broadcast %add3A_861 : i32 to vector<16xi32>
        %add3A_919 = arith.constant 0 : i32
        %add3A_920 = vector.broadcast %add3A_919 : i32 to vector<16xi32>
        %add3A_921 = arith.addi %add3A_917, %add3A_920 : vector<16xi32>
        %gather3A_922 = tpu.vector_load_idx %arg19[%broadcast_in_dim3A_918, %add3A_921] : memref<320x128xf32, #tpu.memory_space<vmem>>[vector<16xi32>, vector<16xi32>], vector<16xf32>,
        %broadcast_in_dim3A_923 = vector.broadcast %add3A_861 : i32 to vector<16xi32>
        %add3A_924 = arith.constant 16 : i32
        %add3A_925 = vector.broadcast %add3A_924 : i32 to vector<16xi32>
        %add3A_926 = arith.addi %add3A_917, %add3A_925 : vector<16xi32>
        %gather3A_927 = tpu.vector_load_idx %arg19[%broadcast_in_dim3A_923, %add3A_926] : memref<320x128xf32, #tpu.memory_space<vmem>>[vector<16xi32>, vector<16xi32>], vector<16xf32>,
        %broadcast_in_dim3A_928 = vector.broadcast %add3A_861 : i32 to vector<16xi32>
        %add3A_929 = arith.constant 32 : i32
        %add3A_930 = vector.broadcast %add3A_929 : i32 to vector<16xi32>
        %add3A_931 = arith.addi %add3A_917, %add3A_930 : vector<16xi32>
        %gather3A_932 = tpu.vector_load_idx %arg19[%broadcast_in_dim3A_928, %add3A_931] : memref<320x128xf32, #tpu.memory_space<vmem>>[vector<16xi32>, vector<16xi32>], vector<16xf32>,
        %broadcast_in_dim3A_933 = vector.broadcast %add3A_861 : i32 to vector<16xi32>
        %add3A_934 = arith.constant 48 : i32
        %add3A_935 = vector.broadcast %add3A_934 : i32 to vector<16xi32>
        %add3A_936 = arith.addi %add3A_917, %add3A_935 : vector<16xi32>
        %gather3A_937 = tpu.vector_load_idx %arg19[%broadcast_in_dim3A_933, %add3A_936] : memref<320x128xf32, #tpu.memory_space<vmem>>[vector<16xi32>, vector<16xi32>], vector<16xf32>,
        %mul3A_938 = arith.mulf %gather3A_394, %gather3A_922 : vector<16xf32>
        %mul3A_939 = arith.mulf %gather3A_399, %gather3A_927 : vector<16xf32>
        %add3A_940 = arith.addf %mul3A_938, %mul3A_939 : vector<16xf32>
        %mul3A_941 = arith.mulf %gather3A_404, %gather3A_932 : vector<16xf32>
        %mul3A_942 = arith.mulf %gather3A_409, %gather3A_937 : vector<16xf32>
        %add3A_943 = arith.addf %mul3A_941, %mul3A_942 : vector<16xf32>
        %add3A_944 = arith.addf %add3A_940, %add3A_943 : vector<16xf32>
        %broadcast_in_dim3A_945 = arith.constant true
        %broadcast_in_dim3A_946 = vector.broadcast %broadcast_in_dim3A_945 : i1 to vector<16xi1>
        %masked_cumsum3A_947 = tpu.scan <sum>, %add3A_944 masked %broadcast_in_dim3A_946 : vector<16xf32>, vector<16xi1> -> vector<16xf32>
        %broadcast_in_dim3A_948 = vector.broadcast %add3A_916 : i32 to vector<16xi32>
        tpu.vector_store_idx %arg20[%broadcast_in_dim3A_948], %masked_cumsum3A_947 masked %eq3A_28 : memref<336xf32, #tpu.memory_space<vmem>>[vector<16xi32>], vector<16xf32>, vector<16xi1>
        %mul3A_949 = arith.constant 20 : i32
        %mul3A_950 = arith.muli %scan3A_348, %mul3A_949 : i32
        %add3A_951 = arith.constant 5 : i32
        %add3A_952 = arith.addi %mul3A_950, %add3A_951 : i32
        %mul3A_953 = arith.constant 320 : i32
        %mul3A_954 = arith.muli %add3A_235, %mul3A_953 : i32
        %add3A_955 = arith.addi %mul3A_954, %add3A_952 : i32
        %jit3A_956 = arith.constant 16 : i32
        %div3A_957 = arith.divsi %add3A_955, %jit3A_956 : i32
        %sign3A_958 = arith.constant 0 : i32
        %sign3A_959 = arith.cmpi sgt, %add3A_955, %sign3A_958 : i32
        %sign3A_960 = arith.extui %sign3A_959 : i1 to i32
        %sign3A_961 = arith.constant 0 : i32
        %sign3A_962 = arith.cmpi slt, %add3A_955, %sign3A_961 : i32
        %sign3A_963 = arith.extui %sign3A_962 : i1 to i32
        %sign3A_964 = arith.subi %sign3A_960, %sign3A_963 : i32
        %sign3A_965 = arith.constant 0 : i32
        %sign3A_966 = arith.cmpi sgt, %jit3A_956, %sign3A_965 : i32
        %sign3A_967 = arith.extui %sign3A_966 : i1 to i32
        %sign3A_968 = arith.constant 0 : i32
        %sign3A_969 = arith.cmpi slt, %jit3A_956, %sign3A_968 : i32
        %sign3A_970 = arith.extui %sign3A_969 : i1 to i32
        %sign3A_971 = arith.subi %sign3A_967, %sign3A_970 : i32
        %ne3A_972 = arith.cmpi ne, %sign3A_964, %sign3A_971 : i32
        %rem3A_973 = arith.remsi %add3A_955, %jit3A_956 : i32
        %ne3A_974 = arith.constant 0 : i32
        %ne3A_975 = arith.cmpi ne, %rem3A_973, %ne3A_974 : i32
        %and3A_976 = arith.andi %ne3A_972, %ne3A_975 : i1
        %sub3A_977 = arith.constant 1 : i32
        %sub3A_978 = arith.subi %div3A_957, %sub3A_977 : i32
        %select_n3A_979 = arith.select %and3A_976, %sub3A_978, %div3A_957 : i32
        %mul3A_980 = arith.constant 16 : i32
        %mul3A_981 = arith.muli %select_n3A_979, %mul3A_980 : i32
        %get3A_982 = arith.index_cast %mul3A_981 : i32 to index
        %get3A_983 = tpu.vector_load %arg13[%get3A_982] {strides = array<i32>} : memref<10240xi32, #tpu.memory_space<vmem>>, vector<16xi32>,
        %jit3A_984 = arith.constant 16 : i32
        %eq3A_985 = arith.constant 0 : i32
        %eq3A_986 = arith.cmpi eq, %jit3A_984, %eq3A_985 : i32
        %jit3A_987 = arith.constant 1 : i32
        %select_n3A_988 = arith.select %eq3A_986, %jit3A_987, %jit3A_984 : i32
        %rem3A_989 = arith.remsi %add3A_955, %select_n3A_988 : i32
        %ne3A_990 = arith.constant 0 : i32
        %ne3A_991 = arith.cmpi ne, %rem3A_989, %ne3A_990 : i32
        %lt3A_992 = arith.constant 0 : i32
        %lt3A_993 = arith.cmpi slt, %rem3A_989, %lt3A_992 : i32
        %lt3A_994 = arith.constant 0 : i32
        %lt3A_995 = arith.cmpi slt, %select_n3A_988, %lt3A_994 : i32
        %ne3A_996 = arith.xori %lt3A_993, %lt3A_995 : i1
        %and3A_997 = arith.andi %ne3A_996, %ne3A_991 : i1
        %add3A_998 = arith.addi %rem3A_989, %select_n3A_988 : i32
        %select_n3A_999 = arith.select %and3A_997, %add3A_998, %rem3A_989 : i32
        %broadcast_in_dim3A_1000 = vector.broadcast %select_n3A_999 : i32 to vector<16xi32>
        %broadcast_in_dim3A_1001 = vector.shape_cast %broadcast_in_dim3A_1000 : vector<16xi32> to vector<16x1xi32>
        %gather3A_1002 = vector.shape_cast %broadcast_in_dim3A_1001 : vector<16x1xi32> to vector<16xi32>
        %gather3A_1003 = tpu.dynamic_gather %get3A_983[%gather3A_1002] in [0] : vector<16xi32>, vector<16xi32> -> vector<16xi32>
        %mul3A_1004 = arith.constant 21 : i32
        %mul3A_1005 = arith.muli %scan3A_348, %mul3A_1004 : i32
        %add3A_1006 = arith.constant 6 : i32
        %add3A_1007 = arith.addi %mul3A_1005, %add3A_1006 : i32
        %add3A_1008 = arith.addi %gather3A_1003, %iota3A : vector<16xi32>
        %broadcast_in_dim3A_1009 = vector.broadcast %add3A_952 : i32 to vector<16xi32>
        %add3A_1010 = arith.constant 0 : i32
        %add3A_1011 = vector.broadcast %add3A_1010 : i32 to vector<16xi32>
        %add3A_1012 = arith.addi %add3A_1008, %add3A_1011 : vector<16xi32>
        %gather3A_1013 = tpu.vector_load_idx %arg19[%broadcast_in_dim3A_1009, %add3A_1012] : memref<320x128xf32, #tpu.memory_space<vmem>>[vector<16xi32>, vector<16xi32>], vector<16xf32>,
        %broadcast_in_dim3A_1014 = vector.broadcast %add3A_952 : i32 to vector<16xi32>
        %add3A_1015 = arith.constant 16 : i32
        %add3A_1016 = vector.broadcast %add3A_1015 : i32 to vector<16xi32>
        %add3A_1017 = arith.addi %add3A_1008, %add3A_1016 : vector<16xi32>
        %gather3A_1018 = tpu.vector_load_idx %arg19[%broadcast_in_dim3A_1014, %add3A_1017] : memref<320x128xf32, #tpu.memory_space<vmem>>[vector<16xi32>, vector<16xi32>], vector<16xf32>,
        %broadcast_in_dim3A_1019 = vector.broadcast %add3A_952 : i32 to vector<16xi32>
        %add3A_1020 = arith.constant 32 : i32
        %add3A_1021 = vector.broadcast %add3A_1020 : i32 to vector<16xi32>
        %add3A_1022 = arith.addi %add3A_1008, %add3A_1021 : vector<16xi32>
        %gather3A_1023 = tpu.vector_load_idx %arg19[%broadcast_in_dim3A_1019, %add3A_1022] : memref<320x128xf32, #tpu.memory_space<vmem>>[vector<16xi32>, vector<16xi32>], vector<16xf32>,
        %broadcast_in_dim3A_1024 = vector.broadcast %add3A_952 : i32 to vector<16xi32>
        %add3A_1025 = arith.constant 48 : i32
        %add3A_1026 = vector.broadcast %add3A_1025 : i32 to vector<16xi32>
        %add3A_1027 = arith.addi %add3A_1008, %add3A_1026 : vector<16xi32>
        %gather3A_1028 = tpu.vector_load_idx %arg19[%broadcast_in_dim3A_1024, %add3A_1027] : memref<320x128xf32, #tpu.memory_space<vmem>>[vector<16xi32>, vector<16xi32>], vector<16xf32>,
        %mul3A_1029 = arith.mulf %gather3A_394, %gather3A_1013 : vector<16xf32>
        %mul3A_1030 = arith.mulf %gather3A_399, %gather3A_1018 : vector<16xf32>
        %add3A_1031 = arith.addf %mul3A_1029, %mul3A_1030 : vector<16xf32>
        %mul3A_1032 = arith.mulf %gather3A_404, %gather3A_1023 : vector<16xf32>
        %mul3A_1033 = arith.mulf %gather3A_409, %gather3A_1028 : vector<16xf32>
        %add3A_1034 = arith.addf %mul3A_1032, %mul3A_1033 : vector<16xf32>
        %add3A_1035 = arith.addf %add3A_1031, %add3A_1034 : vector<16xf32>
        %broadcast_in_dim3A_1036 = arith.constant true
        %broadcast_in_dim3A_1037 = vector.broadcast %broadcast_in_dim3A_1036 : i1 to vector<16xi1>
        %masked_cumsum3A_1038 = tpu.scan <sum>, %add3A_1035 masked %broadcast_in_dim3A_1037 : vector<16xf32>, vector<16xi1> -> vector<16xf32>
        %broadcast_in_dim3A_1039 = vector.broadcast %add3A_1007 : i32 to vector<16xi32>
        tpu.vector_store_idx %arg20[%broadcast_in_dim3A_1039], %masked_cumsum3A_1038 masked %eq3A_28 : memref<336xf32, #tpu.memory_space<vmem>>[vector<16xi32>], vector<16xf32>, vector<16xi1>
        %mul3A_1040 = arith.constant 20 : i32
        %mul3A_1041 = arith.muli %scan3A_348, %mul3A_1040 : i32
        %add3A_1042 = arith.constant 6 : i32
        %add3A_1043 = arith.addi %mul3A_1041, %add3A_1042 : i32
        %mul3A_1044 = arith.constant 320 : i32
        %mul3A_1045 = arith.muli %add3A_235, %mul3A_1044 : i32
        %add3A_1046 = arith.addi %mul3A_1045, %add3A_1043 : i32
        %jit3A_1047 = arith.constant 16 : i32
        %div3A_1048 = arith.divsi %add3A_1046, %jit3A_1047 : i32
        %sign3A_1049 = arith.constant 0 : i32
        %sign3A_1050 = arith.cmpi sgt, %add3A_1046, %sign3A_1049 : i32
        %sign3A_1051 = arith.extui %sign3A_1050 : i1 to i32
        %sign3A_1052 = arith.constant 0 : i32
        %sign3A_1053 = arith.cmpi slt, %add3A_1046, %sign3A_1052 : i32
        %sign3A_1054 = arith.extui %sign3A_1053 : i1 to i32
        %sign3A_1055 = arith.subi %sign3A_1051, %sign3A_1054 : i32
        %sign3A_1056 = arith.constant 0 : i32
        %sign3A_1057 = arith.cmpi sgt, %jit3A_1047, %sign3A_1056 : i32
        %sign3A_1058 = arith.extui %sign3A_1057 : i1 to i32
        %sign3A_1059 = arith.constant 0 : i32
        %sign3A_1060 = arith.cmpi slt, %jit3A_1047, %sign3A_1059 : i32
        %sign3A_1061 = arith.extui %sign3A_1060 : i1 to i32
        %sign3A_1062 = arith.subi %sign3A_1058, %sign3A_1061 : i32
        %ne3A_1063 = arith.cmpi ne, %sign3A_1055, %sign3A_1062 : i32
        %rem3A_1064 = arith.remsi %add3A_1046, %jit3A_1047 : i32
        %ne3A_1065 = arith.constant 0 : i32
        %ne3A_1066 = arith.cmpi ne, %rem3A_1064, %ne3A_1065 : i32
        %and3A_1067 = arith.andi %ne3A_1063, %ne3A_1066 : i1
        %sub3A_1068 = arith.constant 1 : i32
        %sub3A_1069 = arith.subi %div3A_1048, %sub3A_1068 : i32
        %select_n3A_1070 = arith.select %and3A_1067, %sub3A_1069, %div3A_1048 : i32
        %mul3A_1071 = arith.constant 16 : i32
        %mul3A_1072 = arith.muli %select_n3A_1070, %mul3A_1071 : i32
        %get3A_1073 = arith.index_cast %mul3A_1072 : i32 to index
        %get3A_1074 = tpu.vector_load %arg13[%get3A_1073] {strides = array<i32>} : memref<10240xi32, #tpu.memory_space<vmem>>, vector<16xi32>,
        %jit3A_1075 = arith.constant 16 : i32
        %eq3A_1076 = arith.constant 0 : i32
        %eq3A_1077 = arith.cmpi eq, %jit3A_1075, %eq3A_1076 : i32
        %jit3A_1078 = arith.constant 1 : i32
        %select_n3A_1079 = arith.select %eq3A_1077, %jit3A_1078, %jit3A_1075 : i32
        %rem3A_1080 = arith.remsi %add3A_1046, %select_n3A_1079 : i32
        %ne3A_1081 = arith.constant 0 : i32
        %ne3A_1082 = arith.cmpi ne, %rem3A_1080, %ne3A_1081 : i32
        %lt3A_1083 = arith.constant 0 : i32
        %lt3A_1084 = arith.cmpi slt, %rem3A_1080, %lt3A_1083 : i32
        %lt3A_1085 = arith.constant 0 : i32
        %lt3A_1086 = arith.cmpi slt, %select_n3A_1079, %lt3A_1085 : i32
        %ne3A_1087 = arith.xori %lt3A_1084, %lt3A_1086 : i1
        %and3A_1088 = arith.andi %ne3A_1087, %ne3A_1082 : i1
        %add3A_1089 = arith.addi %rem3A_1080, %select_n3A_1079 : i32
        %select_n3A_1090 = arith.select %and3A_1088, %add3A_1089, %rem3A_1080 : i32
        %broadcast_in_dim3A_1091 = vector.broadcast %select_n3A_1090 : i32 to vector<16xi32>
        %broadcast_in_dim3A_1092 = vector.shape_cast %broadcast_in_dim3A_1091 : vector<16xi32> to vector<16x1xi32>
        %gather3A_1093 = vector.shape_cast %broadcast_in_dim3A_1092 : vector<16x1xi32> to vector<16xi32>
        %gather3A_1094 = tpu.dynamic_gather %get3A_1074[%gather3A_1093] in [0] : vector<16xi32>, vector<16xi32> -> vector<16xi32>
        %mul3A_1095 = arith.constant 21 : i32
        %mul3A_1096 = arith.muli %scan3A_348, %mul3A_1095 : i32
        %add3A_1097 = arith.constant 7 : i32
        %add3A_1098 = arith.addi %mul3A_1096, %add3A_1097 : i32
        %add3A_1099 = arith.addi %gather3A_1094, %iota3A : vector<16xi32>
        %broadcast_in_dim3A_1100 = vector.broadcast %add3A_1043 : i32 to vector<16xi32>
        %add3A_1101 = arith.constant 0 : i32
        %add3A_1102 = vector.broadcast %add3A_1101 : i32 to vector<16xi32>
        %add3A_1103 = arith.addi %add3A_1099, %add3A_1102 : vector<16xi32>
        %gather3A_1104 = tpu.vector_load_idx %arg19[%broadcast_in_dim3A_1100, %add3A_1103] : memref<320x128xf32, #tpu.memory_space<vmem>>[vector<16xi32>, vector<16xi32>], vector<16xf32>,
        %broadcast_in_dim3A_1105 = vector.broadcast %add3A_1043 : i32 to vector<16xi32>
        %add3A_1106 = arith.constant 16 : i32
        %add3A_1107 = vector.broadcast %add3A_1106 : i32 to vector<16xi32>
        %add3A_1108 = arith.addi %add3A_1099, %add3A_1107 : vector<16xi32>
        %gather3A_1109 = tpu.vector_load_idx %arg19[%broadcast_in_dim3A_1105, %add3A_1108] : memref<320x128xf32, #tpu.memory_space<vmem>>[vector<16xi32>, vector<16xi32>], vector<16xf32>,
        %broadcast_in_dim3A_1110 = vector.broadcast %add3A_1043 : i32 to vector<16xi32>
        %add3A_1111 = arith.constant 32 : i32
        %add3A_1112 = vector.broadcast %add3A_1111 : i32 to vector<16xi32>
        %add3A_1113 = arith.addi %add3A_1099, %add3A_1112 : vector<16xi32>
        %gather3A_1114 = tpu.vector_load_idx %arg19[%broadcast_in_dim3A_1110, %add3A_1113] : memref<320x128xf32, #tpu.memory_space<vmem>>[vector<16xi32>, vector<16xi32>], vector<16xf32>,
        %broadcast_in_dim3A_1115 = vector.broadcast %add3A_1043 : i32 to vector<16xi32>
        %add3A_1116 = arith.constant 48 : i32
        %add3A_1117 = vector.broadcast %add3A_1116 : i32 to vector<16xi32>
        %add3A_1118 = arith.addi %add3A_1099, %add3A_1117 : vector<16xi32>
        %gather3A_1119 = tpu.vector_load_idx %arg19[%broadcast_in_dim3A_1115, %add3A_1118] : memref<320x128xf32, #tpu.memory_space<vmem>>[vector<16xi32>, vector<16xi32>], vector<16xf32>,
        %mul3A_1120 = arith.mulf %gather3A_394, %gather3A_1104 : vector<16xf32>
        %mul3A_1121 = arith.mulf %gather3A_399, %gather3A_1109 : vector<16xf32>
        %add3A_1122 = arith.addf %mul3A_1120, %mul3A_1121 : vector<16xf32>
        %mul3A_1123 = arith.mulf %gather3A_404, %gather3A_1114 : vector<16xf32>
        %mul3A_1124 = arith.mulf %gather3A_409, %gather3A_1119 : vector<16xf32>
        %add3A_1125 = arith.addf %mul3A_1123, %mul3A_1124 : vector<16xf32>
        %add3A_1126 = arith.addf %add3A_1122, %add3A_1125 : vector<16xf32>
        %broadcast_in_dim3A_1127 = arith.constant true
        %broadcast_in_dim3A_1128 = vector.broadcast %broadcast_in_dim3A_1127 : i1 to vector<16xi1>
        %masked_cumsum3A_1129 = tpu.scan <sum>, %add3A_1126 masked %broadcast_in_dim3A_1128 : vector<16xf32>, vector<16xi1> -> vector<16xf32>
        %broadcast_in_dim3A_1130 = vector.broadcast %add3A_1098 : i32 to vector<16xi32>
        tpu.vector_store_idx %arg20[%broadcast_in_dim3A_1130], %masked_cumsum3A_1129 masked %eq3A_28 : memref<336xf32, #tpu.memory_space<vmem>>[vector<16xi32>], vector<16xf32>, vector<16xi1>
        %mul3A_1131 = arith.constant 20 : i32
        %mul3A_1132 = arith.muli %scan3A_348, %mul3A_1131 : i32
        %add3A_1133 = arith.constant 7 : i32
        %add3A_1134 = arith.addi %mul3A_1132, %add3A_1133 : i32
        %mul3A_1135 = arith.constant 320 : i32
        %mul3A_1136 = arith.muli %add3A_235, %mul3A_1135 : i32
        %add3A_1137 = arith.addi %mul3A_1136, %add3A_1134 : i32
        %jit3A_1138 = arith.constant 16 : i32
        %div3A_1139 = arith.divsi %add3A_1137, %jit3A_1138 : i32
        %sign3A_1140 = arith.constant 0 : i32
        %sign3A_1141 = arith.cmpi sgt, %add3A_1137, %sign3A_1140 : i32
        %sign3A_1142 = arith.extui %sign3A_1141 : i1 to i32
        %sign3A_1143 = arith.constant 0 : i32
        %sign3A_1144 = arith.cmpi slt, %add3A_1137, %sign3A_1143 : i32
        %sign3A_1145 = arith.extui %sign3A_1144 : i1 to i32
        %sign3A_1146 = arith.subi %sign3A_1142, %sign3A_1145 : i32
        %sign3A_1147 = arith.constant 0 : i32
        %sign3A_1148 = arith.cmpi sgt, %jit3A_1138, %sign3A_1147 : i32
        %sign3A_1149 = arith.extui %sign3A_1148 : i1 to i32
        %sign3A_1150 = arith.constant 0 : i32
        %sign3A_1151 = arith.cmpi slt, %jit3A_1138, %sign3A_1150 : i32
        %sign3A_1152 = arith.extui %sign3A_1151 : i1 to i32
        %sign3A_1153 = arith.subi %sign3A_1149, %sign3A_1152 : i32
        %ne3A_1154 = arith.cmpi ne, %sign3A_1146, %sign3A_1153 : i32
        %rem3A_1155 = arith.remsi %add3A_1137, %jit3A_1138 : i32
        %ne3A_1156 = arith.constant 0 : i32
        %ne3A_1157 = arith.cmpi ne, %rem3A_1155, %ne3A_1156 : i32
        %and3A_1158 = arith.andi %ne3A_1154, %ne3A_1157 : i1
        %sub3A_1159 = arith.constant 1 : i32
        %sub3A_1160 = arith.subi %div3A_1139, %sub3A_1159 : i32
        %select_n3A_1161 = arith.select %and3A_1158, %sub3A_1160, %div3A_1139 : i32
        %mul3A_1162 = arith.constant 16 : i32
        %mul3A_1163 = arith.muli %select_n3A_1161, %mul3A_1162 : i32
        %get3A_1164 = arith.index_cast %mul3A_1163 : i32 to index
        %get3A_1165 = tpu.vector_load %arg13[%get3A_1164] {strides = array<i32>} : memref<10240xi32, #tpu.memory_space<vmem>>, vector<16xi32>,
        %jit3A_1166 = arith.constant 16 : i32
        %eq3A_1167 = arith.constant 0 : i32
        %eq3A_1168 = arith.cmpi eq, %jit3A_1166, %eq3A_1167 : i32
        %jit3A_1169 = arith.constant 1 : i32
        %select_n3A_1170 = arith.select %eq3A_1168, %jit3A_1169, %jit3A_1166 : i32
        %rem3A_1171 = arith.remsi %add3A_1137, %select_n3A_1170 : i32
        %ne3A_1172 = arith.constant 0 : i32
        %ne3A_1173 = arith.cmpi ne, %rem3A_1171, %ne3A_1172 : i32
        %lt3A_1174 = arith.constant 0 : i32
        %lt3A_1175 = arith.cmpi slt, %rem3A_1171, %lt3A_1174 : i32
        %lt3A_1176 = arith.constant 0 : i32
        %lt3A_1177 = arith.cmpi slt, %select_n3A_1170, %lt3A_1176 : i32
        %ne3A_1178 = arith.xori %lt3A_1175, %lt3A_1177 : i1
        %and3A_1179 = arith.andi %ne3A_1178, %ne3A_1173 : i1
        %add3A_1180 = arith.addi %rem3A_1171, %select_n3A_1170 : i32
        %select_n3A_1181 = arith.select %and3A_1179, %add3A_1180, %rem3A_1171 : i32
        %broadcast_in_dim3A_1182 = vector.broadcast %select_n3A_1181 : i32 to vector<16xi32>
        %broadcast_in_dim3A_1183 = vector.shape_cast %broadcast_in_dim3A_1182 : vector<16xi32> to vector<16x1xi32>
        %gather3A_1184 = vector.shape_cast %broadcast_in_dim3A_1183 : vector<16x1xi32> to vector<16xi32>
        %gather3A_1185 = tpu.dynamic_gather %get3A_1165[%gather3A_1184] in [0] : vector<16xi32>, vector<16xi32> -> vector<16xi32>
        %mul3A_1186 = arith.constant 21 : i32
        %mul3A_1187 = arith.muli %scan3A_348, %mul3A_1186 : i32
        %add3A_1188 = arith.constant 8 : i32
        %add3A_1189 = arith.addi %mul3A_1187, %add3A_1188 : i32
        %add3A_1190 = arith.addi %gather3A_1185, %iota3A : vector<16xi32>
        %broadcast_in_dim3A_1191 = vector.broadcast %add3A_1134 : i32 to vector<16xi32>
        %add3A_1192 = arith.constant 0 : i32
        %add3A_1193 = vector.broadcast %add3A_1192 : i32 to vector<16xi32>
        %add3A_1194 = arith.addi %add3A_1190, %add3A_1193 : vector<16xi32>
        %gather3A_1195 = tpu.vector_load_idx %arg19[%broadcast_in_dim3A_1191, %add3A_1194] : memref<320x128xf32, #tpu.memory_space<vmem>>[vector<16xi32>, vector<16xi32>], vector<16xf32>,
        %broadcast_in_dim3A_1196 = vector.broadcast %add3A_1134 : i32 to vector<16xi32>
        %add3A_1197 = arith.constant 16 : i32
        %add3A_1198 = vector.broadcast %add3A_1197 : i32 to vector<16xi32>
        %add3A_1199 = arith.addi %add3A_1190, %add3A_1198 : vector<16xi32>
        %gather3A_1200 = tpu.vector_load_idx %arg19[%broadcast_in_dim3A_1196, %add3A_1199] : memref<320x128xf32, #tpu.memory_space<vmem>>[vector<16xi32>, vector<16xi32>], vector<16xf32>,
        %broadcast_in_dim3A_1201 = vector.broadcast %add3A_1134 : i32 to vector<16xi32>
        %add3A_1202 = arith.constant 32 : i32
        %add3A_1203 = vector.broadcast %add3A_1202 : i32 to vector<16xi32>
        %add3A_1204 = arith.addi %add3A_1190, %add3A_1203 : vector<16xi32>
        %gather3A_1205 = tpu.vector_load_idx %arg19[%broadcast_in_dim3A_1201, %add3A_1204] : memref<320x128xf32, #tpu.memory_space<vmem>>[vector<16xi32>, vector<16xi32>], vector<16xf32>,
        %broadcast_in_dim3A_1206 = vector.broadcast %add3A_1134 : i32 to vector<16xi32>
        %add3A_1207 = arith.constant 48 : i32
        %add3A_1208 = vector.broadcast %add3A_1207 : i32 to vector<16xi32>
        %add3A_1209 = arith.addi %add3A_1190, %add3A_1208 : vector<16xi32>
        %gather3A_1210 = tpu.vector_load_idx %arg19[%broadcast_in_dim3A_1206, %add3A_1209] : memref<320x128xf32, #tpu.memory_space<vmem>>[vector<16xi32>, vector<16xi32>], vector<16xf32>,
        %mul3A_1211 = arith.mulf %gather3A_394, %gather3A_1195 : vector<16xf32>
        %mul3A_1212 = arith.mulf %gather3A_399, %gather3A_1200 : vector<16xf32>
        %add3A_1213 = arith.addf %mul3A_1211, %mul3A_1212 : vector<16xf32>
        %mul3A_1214 = arith.mulf %gather3A_404, %gather3A_1205 : vector<16xf32>
        %mul3A_1215 = arith.mulf %gather3A_409, %gather3A_1210 : vector<16xf32>
        %add3A_1216 = arith.addf %mul3A_1214, %mul3A_1215 : vector<16xf32>
        %add3A_1217 = arith.addf %add3A_1213, %add3A_1216 : vector<16xf32>
        %broadcast_in_dim3A_1218 = arith.constant true
        %broadcast_in_dim3A_1219 = vector.broadcast %broadcast_in_dim3A_1218 : i1 to vector<16xi1>
        %masked_cumsum3A_1220 = tpu.scan <sum>, %add3A_1217 masked %broadcast_in_dim3A_1219 : vector<16xf32>, vector<16xi1> -> vector<16xf32>
        %broadcast_in_dim3A_1221 = vector.broadcast %add3A_1189 : i32 to vector<16xi32>
        tpu.vector_store_idx %arg20[%broadcast_in_dim3A_1221], %masked_cumsum3A_1220 masked %eq3A_28 : memref<336xf32, #tpu.memory_space<vmem>>[vector<16xi32>], vector<16xf32>, vector<16xi1>
        %mul3A_1222 = arith.constant 20 : i32
        %mul3A_1223 = arith.muli %scan3A_348, %mul3A_1222 : i32
        %add3A_1224 = arith.constant 8 : i32
        %add3A_1225 = arith.addi %mul3A_1223, %add3A_1224 : i32
        %mul3A_1226 = arith.constant 320 : i32
        %mul3A_1227 = arith.muli %add3A_235, %mul3A_1226 : i32
        %add3A_1228 = arith.addi %mul3A_1227, %add3A_1225 : i32
        %jit3A_1229 = arith.constant 16 : i32
        %div3A_1230 = arith.divsi %add3A_1228, %jit3A_1229 : i32
        %sign3A_1231 = arith.constant 0 : i32
        %sign3A_1232 = arith.cmpi sgt, %add3A_1228, %sign3A_1231 : i32
        %sign3A_1233 = arith.extui %sign3A_1232 : i1 to i32
        %sign3A_1234 = arith.constant 0 : i32
        %sign3A_1235 = arith.cmpi slt, %add3A_1228, %sign3A_1234 : i32
        %sign3A_1236 = arith.extui %sign3A_1235 : i1 to i32
        %sign3A_1237 = arith.subi %sign3A_1233, %sign3A_1236 : i32
        %sign3A_1238 = arith.constant 0 : i32
        %sign3A_1239 = arith.cmpi sgt, %jit3A_1229, %sign3A_1238 : i32
        %sign3A_1240 = arith.extui %sign3A_1239 : i1 to i32
        %sign3A_1241 = arith.constant 0 : i32
        %sign3A_1242 = arith.cmpi slt, %jit3A_1229, %sign3A_1241 : i32
        %sign3A_1243 = arith.extui %sign3A_1242 : i1 to i32
        %sign3A_1244 = arith.subi %sign3A_1240, %sign3A_1243 : i32
        %ne3A_1245 = arith.cmpi ne, %sign3A_1237, %sign3A_1244 : i32
        %rem3A_1246 = arith.remsi %add3A_1228, %jit3A_1229 : i32
        %ne3A_1247 = arith.constant 0 : i32
        %ne3A_1248 = arith.cmpi ne, %rem3A_1246, %ne3A_1247 : i32
        %and3A_1249 = arith.andi %ne3A_1245, %ne3A_1248 : i1
        %sub3A_1250 = arith.constant 1 : i32
        %sub3A_1251 = arith.subi %div3A_1230, %sub3A_1250 : i32
        %select_n3A_1252 = arith.select %and3A_1249, %sub3A_1251, %div3A_1230 : i32
        %mul3A_1253 = arith.constant 16 : i32
        %mul3A_1254 = arith.muli %select_n3A_1252, %mul3A_1253 : i32
        %get3A_1255 = arith.index_cast %mul3A_1254 : i32 to index
        %get3A_1256 = tpu.vector_load %arg13[%get3A_1255] {strides = array<i32>} : memref<10240xi32, #tpu.memory_space<vmem>>, vector<16xi32>,
        %jit3A_1257 = arith.constant 16 : i32
        %eq3A_1258 = arith.constant 0 : i32
        %eq3A_1259 = arith.cmpi eq, %jit3A_1257, %eq3A_1258 : i32
        %jit3A_1260 = arith.constant 1 : i32
        %select_n3A_1261 = arith.select %eq3A_1259, %jit3A_1260, %jit3A_1257 : i32
        %rem3A_1262 = arith.remsi %add3A_1228, %select_n3A_1261 : i32
        %ne3A_1263 = arith.constant 0 : i32
        %ne3A_1264 = arith.cmpi ne, %rem3A_1262, %ne3A_1263 : i32
        %lt3A_1265 = arith.constant 0 : i32
        %lt3A_1266 = arith.cmpi slt, %rem3A_1262, %lt3A_1265 : i32
        %lt3A_1267 = arith.constant 0 : i32
        %lt3A_1268 = arith.cmpi slt, %select_n3A_1261, %lt3A_1267 : i32
        %ne3A_1269 = arith.xori %lt3A_1266, %lt3A_1268 : i1
        %and3A_1270 = arith.andi %ne3A_1269, %ne3A_1264 : i1
        %add3A_1271 = arith.addi %rem3A_1262, %select_n3A_1261 : i32
        %select_n3A_1272 = arith.select %and3A_1270, %add3A_1271, %rem3A_1262 : i32
        %broadcast_in_dim3A_1273 = vector.broadcast %select_n3A_1272 : i32 to vector<16xi32>
        %broadcast_in_dim3A_1274 = vector.shape_cast %broadcast_in_dim3A_1273 : vector<16xi32> to vector<16x1xi32>
        %gather3A_1275 = vector.shape_cast %broadcast_in_dim3A_1274 : vector<16x1xi32> to vector<16xi32>
        %gather3A_1276 = tpu.dynamic_gather %get3A_1256[%gather3A_1275] in [0] : vector<16xi32>, vector<16xi32> -> vector<16xi32>
        %mul3A_1277 = arith.constant 21 : i32
        %mul3A_1278 = arith.muli %scan3A_348, %mul3A_1277 : i32
        %add3A_1279 = arith.constant 9 : i32
        %add3A_1280 = arith.addi %mul3A_1278, %add3A_1279 : i32
        %add3A_1281 = arith.addi %gather3A_1276, %iota3A : vector<16xi32>
        %broadcast_in_dim3A_1282 = vector.broadcast %add3A_1225 : i32 to vector<16xi32>
        %add3A_1283 = arith.constant 0 : i32
        %add3A_1284 = vector.broadcast %add3A_1283 : i32 to vector<16xi32>
        %add3A_1285 = arith.addi %add3A_1281, %add3A_1284 : vector<16xi32>
        %gather3A_1286 = tpu.vector_load_idx %arg19[%broadcast_in_dim3A_1282, %add3A_1285] : memref<320x128xf32, #tpu.memory_space<vmem>>[vector<16xi32>, vector<16xi32>], vector<16xf32>,
        %broadcast_in_dim3A_1287 = vector.broadcast %add3A_1225 : i32 to vector<16xi32>
        %add3A_1288 = arith.constant 16 : i32
        %add3A_1289 = vector.broadcast %add3A_1288 : i32 to vector<16xi32>
        %add3A_1290 = arith.addi %add3A_1281, %add3A_1289 : vector<16xi32>
        %gather3A_1291 = tpu.vector_load_idx %arg19[%broadcast_in_dim3A_1287, %add3A_1290] : memref<320x128xf32, #tpu.memory_space<vmem>>[vector<16xi32>, vector<16xi32>], vector<16xf32>,
        %broadcast_in_dim3A_1292 = vector.broadcast %add3A_1225 : i32 to vector<16xi32>
        %add3A_1293 = arith.constant 32 : i32
        %add3A_1294 = vector.broadcast %add3A_1293 : i32 to vector<16xi32>
        %add3A_1295 = arith.addi %add3A_1281, %add3A_1294 : vector<16xi32>
        %gather3A_1296 = tpu.vector_load_idx %arg19[%broadcast_in_dim3A_1292, %add3A_1295] : memref<320x128xf32, #tpu.memory_space<vmem>>[vector<16xi32>, vector<16xi32>], vector<16xf32>,
        %broadcast_in_dim3A_1297 = vector.broadcast %add3A_1225 : i32 to vector<16xi32>
        %add3A_1298 = arith.constant 48 : i32
        %add3A_1299 = vector.broadcast %add3A_1298 : i32 to vector<16xi32>
        %add3A_1300 = arith.addi %add3A_1281, %add3A_1299 : vector<16xi32>
        %gather3A_1301 = tpu.vector_load_idx %arg19[%broadcast_in_dim3A_1297, %add3A_1300] : memref<320x128xf32, #tpu.memory_space<vmem>>[vector<16xi32>, vector<16xi32>], vector<16xf32>,
        %mul3A_1302 = arith.mulf %gather3A_394, %gather3A_1286 : vector<16xf32>
        %mul3A_1303 = arith.mulf %gather3A_399, %gather3A_1291 : vector<16xf32>
        %add3A_1304 = arith.addf %mul3A_1302, %mul3A_1303 : vector<16xf32>
        %mul3A_1305 = arith.mulf %gather3A_404, %gather3A_1296 : vector<16xf32>
        %mul3A_1306 = arith.mulf %gather3A_409, %gather3A_1301 : vector<16xf32>
        %add3A_1307 = arith.addf %mul3A_1305, %mul3A_1306 : vector<16xf32>
        %add3A_1308 = arith.addf %add3A_1304, %add3A_1307 : vector<16xf32>
        %broadcast_in_dim3A_1309 = arith.constant true
        %broadcast_in_dim3A_1310 = vector.broadcast %broadcast_in_dim3A_1309 : i1 to vector<16xi1>
        %masked_cumsum3A_1311 = tpu.scan <sum>, %add3A_1308 masked %broadcast_in_dim3A_1310 : vector<16xf32>, vector<16xi1> -> vector<16xf32>
        %broadcast_in_dim3A_1312 = vector.broadcast %add3A_1280 : i32 to vector<16xi32>
        tpu.vector_store_idx %arg20[%broadcast_in_dim3A_1312], %masked_cumsum3A_1311 masked %eq3A_28 : memref<336xf32, #tpu.memory_space<vmem>>[vector<16xi32>], vector<16xf32>, vector<16xi1>
        %mul3A_1313 = arith.constant 20 : i32
        %mul3A_1314 = arith.muli %scan3A_348, %mul3A_1313 : i32
        %add3A_1315 = arith.constant 9 : i32
        %add3A_1316 = arith.addi %mul3A_1314, %add3A_1315 : i32
        %mul3A_1317 = arith.constant 320 : i32
        %mul3A_1318 = arith.muli %add3A_235, %mul3A_1317 : i32
        %add3A_1319 = arith.addi %mul3A_1318, %add3A_1316 : i32
        %jit3A_1320 = arith.constant 16 : i32
        %div3A_1321 = arith.divsi %add3A_1319, %jit3A_1320 : i32
        %sign3A_1322 = arith.constant 0 : i32
        %sign3A_1323 = arith.cmpi sgt, %add3A_1319, %sign3A_1322 : i32
        %sign3A_1324 = arith.extui %sign3A_1323 : i1 to i32
        %sign3A_1325 = arith.constant 0 : i32
        %sign3A_1326 = arith.cmpi slt, %add3A_1319, %sign3A_1325 : i32
        %sign3A_1327 = arith.extui %sign3A_1326 : i1 to i32
        %sign3A_1328 = arith.subi %sign3A_1324, %sign3A_1327 : i32
        %sign3A_1329 = arith.constant 0 : i32
        %sign3A_1330 = arith.cmpi sgt, %jit3A_1320, %sign3A_1329 : i32
        %sign3A_1331 = arith.extui %sign3A_1330 : i1 to i32
        %sign3A_1332 = arith.constant 0 : i32
        %sign3A_1333 = arith.cmpi slt, %jit3A_1320, %sign3A_1332 : i32
        %sign3A_1334 = arith.extui %sign3A_1333 : i1 to i32
        %sign3A_1335 = arith.subi %sign3A_1331, %sign3A_1334 : i32
        %ne3A_1336 = arith.cmpi ne, %sign3A_1328, %sign3A_1335 : i32
        %rem3A_1337 = arith.remsi %add3A_1319, %jit3A_1320 : i32
        %ne3A_1338 = arith.constant 0 : i32
        %ne3A_1339 = arith.cmpi ne, %rem3A_1337, %ne3A_1338 : i32
        %and3A_1340 = arith.andi %ne3A_1336, %ne3A_1339 : i1
        %sub3A_1341 = arith.constant 1 : i32
        %sub3A_1342 = arith.subi %div3A_1321, %sub3A_1341 : i32
        %select_n3A_1343 = arith.select %and3A_1340, %sub3A_1342, %div3A_1321 : i32
        %mul3A_1344 = arith.constant 16 : i32
        %mul3A_1345 = arith.muli %select_n3A_1343, %mul3A_1344 : i32
        %get3A_1346 = arith.index_cast %mul3A_1345 : i32 to index
        %get3A_1347 = tpu.vector_load %arg13[%get3A_1346] {strides = array<i32>} : memref<10240xi32, #tpu.memory_space<vmem>>, vector<16xi32>,
        %jit3A_1348 = arith.constant 16 : i32
        %eq3A_1349 = arith.constant 0 : i32
        %eq3A_1350 = arith.cmpi eq, %jit3A_1348, %eq3A_1349 : i32
        %jit3A_1351 = arith.constant 1 : i32
        %select_n3A_1352 = arith.select %eq3A_1350, %jit3A_1351, %jit3A_1348 : i32
        %rem3A_1353 = arith.remsi %add3A_1319, %select_n3A_1352 : i32
        %ne3A_1354 = arith.constant 0 : i32
        %ne3A_1355 = arith.cmpi ne, %rem3A_1353, %ne3A_1354 : i32
        %lt3A_1356 = arith.constant 0 : i32
        %lt3A_1357 = arith.cmpi slt, %rem3A_1353, %lt3A_1356 : i32
        %lt3A_1358 = arith.constant 0 : i32
        %lt3A_1359 = arith.cmpi slt, %select_n3A_1352, %lt3A_1358 : i32
        %ne3A_1360 = arith.xori %lt3A_1357, %lt3A_1359 : i1
        %and3A_1361 = arith.andi %ne3A_1360, %ne3A_1355 : i1
        %add3A_1362 = arith.addi %rem3A_1353, %select_n3A_1352 : i32
        %select_n3A_1363 = arith.select %and3A_1361, %add3A_1362, %rem3A_1353 : i32
        %broadcast_in_dim3A_1364 = vector.broadcast %select_n3A_1363 : i32 to vector<16xi32>
        %broadcast_in_dim3A_1365 = vector.shape_cast %broadcast_in_dim3A_1364 : vector<16xi32> to vector<16x1xi32>
        %gather3A_1366 = vector.shape_cast %broadcast_in_dim3A_1365 : vector<16x1xi32> to vector<16xi32>
        %gather3A_1367 = tpu.dynamic_gather %get3A_1347[%gather3A_1366] in [0] : vector<16xi32>, vector<16xi32> -> vector<16xi32>
        %mul3A_1368 = arith.constant 21 : i32
        %mul3A_1369 = arith.muli %scan3A_348, %mul3A_1368 : i32
        %add3A_1370 = arith.constant 10 : i32
        %add3A_1371 = arith.addi %mul3A_1369, %add3A_1370 : i32
        %add3A_1372 = arith.addi %gather3A_1367, %iota3A : vector<16xi32>
        %broadcast_in_dim3A_1373 = vector.broadcast %add3A_1316 : i32 to vector<16xi32>
        %add3A_1374 = arith.constant 0 : i32
        %add3A_1375 = vector.broadcast %add3A_1374 : i32 to vector<16xi32>
        %add3A_1376 = arith.addi %add3A_1372, %add3A_1375 : vector<16xi32>
        %gather3A_1377 = tpu.vector_load_idx %arg19[%broadcast_in_dim3A_1373, %add3A_1376] : memref<320x128xf32, #tpu.memory_space<vmem>>[vector<16xi32>, vector<16xi32>], vector<16xf32>,
        %broadcast_in_dim3A_1378 = vector.broadcast %add3A_1316 : i32 to vector<16xi32>
        %add3A_1379 = arith.constant 16 : i32
        %add3A_1380 = vector.broadcast %add3A_1379 : i32 to vector<16xi32>
        %add3A_1381 = arith.addi %add3A_1372, %add3A_1380 : vector<16xi32>
        %gather3A_1382 = tpu.vector_load_idx %arg19[%broadcast_in_dim3A_1378, %add3A_1381] : memref<320x128xf32, #tpu.memory_space<vmem>>[vector<16xi32>, vector<16xi32>], vector<16xf32>,
        %broadcast_in_dim3A_1383 = vector.broadcast %add3A_1316 : i32 to vector<16xi32>
        %add3A_1384 = arith.constant 32 : i32
        %add3A_1385 = vector.broadcast %add3A_1384 : i32 to vector<16xi32>
        %add3A_1386 = arith.addi %add3A_1372, %add3A_1385 : vector<16xi32>
        %gather3A_1387 = tpu.vector_load_idx %arg19[%broadcast_in_dim3A_1383, %add3A_1386] : memref<320x128xf32, #tpu.memory_space<vmem>>[vector<16xi32>, vector<16xi32>], vector<16xf32>,
        %broadcast_in_dim3A_1388 = vector.broadcast %add3A_1316 : i32 to vector<16xi32>
        %add3A_1389 = arith.constant 48 : i32
        %add3A_1390 = vector.broadcast %add3A_1389 : i32 to vector<16xi32>
        %add3A_1391 = arith.addi %add3A_1372, %add3A_1390 : vector<16xi32>
        %gather3A_1392 = tpu.vector_load_idx %arg19[%broadcast_in_dim3A_1388, %add3A_1391] : memref<320x128xf32, #tpu.memory_space<vmem>>[vector<16xi32>, vector<16xi32>], vector<16xf32>,
        %mul3A_1393 = arith.mulf %gather3A_394, %gather3A_1377 : vector<16xf32>
        %mul3A_1394 = arith.mulf %gather3A_399, %gather3A_1382 : vector<16xf32>
        %add3A_1395 = arith.addf %mul3A_1393, %mul3A_1394 : vector<16xf32>
        %mul3A_1396 = arith.mulf %gather3A_404, %gather3A_1387 : vector<16xf32>
        %mul3A_1397 = arith.mulf %gather3A_409, %gather3A_1392 : vector<16xf32>
        %add3A_1398 = arith.addf %mul3A_1396, %mul3A_1397 : vector<16xf32>
        %add3A_1399 = arith.addf %add3A_1395, %add3A_1398 : vector<16xf32>
        %broadcast_in_dim3A_1400 = arith.constant true
        %broadcast_in_dim3A_1401 = vector.broadcast %broadcast_in_dim3A_1400 : i1 to vector<16xi1>
        %masked_cumsum3A_1402 = tpu.scan <sum>, %add3A_1399 masked %broadcast_in_dim3A_1401 : vector<16xf32>, vector<16xi1> -> vector<16xf32>
        %broadcast_in_dim3A_1403 = vector.broadcast %add3A_1371 : i32 to vector<16xi32>
        tpu.vector_store_idx %arg20[%broadcast_in_dim3A_1403], %masked_cumsum3A_1402 masked %eq3A_28 : memref<336xf32, #tpu.memory_space<vmem>>[vector<16xi32>], vector<16xf32>, vector<16xi1>
        %mul3A_1404 = arith.constant 20 : i32
        %mul3A_1405 = arith.muli %scan3A_348, %mul3A_1404 : i32
        %add3A_1406 = arith.constant 10 : i32
        %add3A_1407 = arith.addi %mul3A_1405, %add3A_1406 : i32
        %mul3A_1408 = arith.constant 320 : i32
        %mul3A_1409 = arith.muli %add3A_235, %mul3A_1408 : i32
        %add3A_1410 = arith.addi %mul3A_1409, %add3A_1407 : i32
        %jit3A_1411 = arith.constant 16 : i32
        %div3A_1412 = arith.divsi %add3A_1410, %jit3A_1411 : i32
        %sign3A_1413 = arith.constant 0 : i32
        %sign3A_1414 = arith.cmpi sgt, %add3A_1410, %sign3A_1413 : i32
        %sign3A_1415 = arith.extui %sign3A_1414 : i1 to i32
        %sign3A_1416 = arith.constant 0 : i32
        %sign3A_1417 = arith.cmpi slt, %add3A_1410, %sign3A_1416 : i32
        %sign3A_1418 = arith.extui %sign3A_1417 : i1 to i32
        %sign3A_1419 = arith.subi %sign3A_1415, %sign3A_1418 : i32
        %sign3A_1420 = arith.constant 0 : i32
        %sign3A_1421 = arith.cmpi sgt, %jit3A_1411, %sign3A_1420 : i32
        %sign3A_1422 = arith.extui %sign3A_1421 : i1 to i32
        %sign3A_1423 = arith.constant 0 : i32
        %sign3A_1424 = arith.cmpi slt, %jit3A_1411, %sign3A_1423 : i32
        %sign3A_1425 = arith.extui %sign3A_1424 : i1 to i32
        %sign3A_1426 = arith.subi %sign3A_1422, %sign3A_1425 : i32
        %ne3A_1427 = arith.cmpi ne, %sign3A_1419, %sign3A_1426 : i32
        %rem3A_1428 = arith.remsi %add3A_1410, %jit3A_1411 : i32
        %ne3A_1429 = arith.constant 0 : i32
        %ne3A_1430 = arith.cmpi ne, %rem3A_1428, %ne3A_1429 : i32
        %and3A_1431 = arith.andi %ne3A_1427, %ne3A_1430 : i1
        %sub3A_1432 = arith.constant 1 : i32
        %sub3A_1433 = arith.subi %div3A_1412, %sub3A_1432 : i32
        %select_n3A_1434 = arith.select %and3A_1431, %sub3A_1433, %div3A_1412 : i32
        %mul3A_1435 = arith.constant 16 : i32
        %mul3A_1436 = arith.muli %select_n3A_1434, %mul3A_1435 : i32
        %get3A_1437 = arith.index_cast %mul3A_1436 : i32 to index
        %get3A_1438 = tpu.vector_load %arg13[%get3A_1437] {strides = array<i32>} : memref<10240xi32, #tpu.memory_space<vmem>>, vector<16xi32>,
        %jit3A_1439 = arith.constant 16 : i32
        %eq3A_1440 = arith.constant 0 : i32
        %eq3A_1441 = arith.cmpi eq, %jit3A_1439, %eq3A_1440 : i32
        %jit3A_1442 = arith.constant 1 : i32
        %select_n3A_1443 = arith.select %eq3A_1441, %jit3A_1442, %jit3A_1439 : i32
        %rem3A_1444 = arith.remsi %add3A_1410, %select_n3A_1443 : i32
        %ne3A_1445 = arith.constant 0 : i32
        %ne3A_1446 = arith.cmpi ne, %rem3A_1444, %ne3A_1445 : i32
        %lt3A_1447 = arith.constant 0 : i32
        %lt3A_1448 = arith.cmpi slt, %rem3A_1444, %lt3A_1447 : i32
        %lt3A_1449 = arith.constant 0 : i32
        %lt3A_1450 = arith.cmpi slt, %select_n3A_1443, %lt3A_1449 : i32
        %ne3A_1451 = arith.xori %lt3A_1448, %lt3A_1450 : i1
        %and3A_1452 = arith.andi %ne3A_1451, %ne3A_1446 : i1
        %add3A_1453 = arith.addi %rem3A_1444, %select_n3A_1443 : i32
        %select_n3A_1454 = arith.select %and3A_1452, %add3A_1453, %rem3A_1444 : i32
        %broadcast_in_dim3A_1455 = vector.broadcast %select_n3A_1454 : i32 to vector<16xi32>
        %broadcast_in_dim3A_1456 = vector.shape_cast %broadcast_in_dim3A_1455 : vector<16xi32> to vector<16x1xi32>
        %gather3A_1457 = vector.shape_cast %broadcast_in_dim3A_1456 : vector<16x1xi32> to vector<16xi32>
        %gather3A_1458 = tpu.dynamic_gather %get3A_1438[%gather3A_1457] in [0] : vector<16xi32>, vector<16xi32> -> vector<16xi32>
        %mul3A_1459 = arith.constant 21 : i32
        %mul3A_1460 = arith.muli %scan3A_348, %mul3A_1459 : i32
        %add3A_1461 = arith.constant 11 : i32
        %add3A_1462 = arith.addi %mul3A_1460, %add3A_1461 : i32
        %add3A_1463 = arith.addi %gather3A_1458, %iota3A : vector<16xi32>
        %broadcast_in_dim3A_1464 = vector.broadcast %add3A_1407 : i32 to vector<16xi32>
        %add3A_1465 = arith.constant 0 : i32
        %add3A_1466 = vector.broadcast %add3A_1465 : i32 to vector<16xi32>
        %add3A_1467 = arith.addi %add3A_1463, %add3A_1466 : vector<16xi32>
        %gather3A_1468 = tpu.vector_load_idx %arg19[%broadcast_in_dim3A_1464, %add3A_1467] : memref<320x128xf32, #tpu.memory_space<vmem>>[vector<16xi32>, vector<16xi32>], vector<16xf32>,
        %broadcast_in_dim3A_1469 = vector.broadcast %add3A_1407 : i32 to vector<16xi32>
        %add3A_1470 = arith.constant 16 : i32
        %add3A_1471 = vector.broadcast %add3A_1470 : i32 to vector<16xi32>
        %add3A_1472 = arith.addi %add3A_1463, %add3A_1471 : vector<16xi32>
        %gather3A_1473 = tpu.vector_load_idx %arg19[%broadcast_in_dim3A_1469, %add3A_1472] : memref<320x128xf32, #tpu.memory_space<vmem>>[vector<16xi32>, vector<16xi32>], vector<16xf32>,
        %broadcast_in_dim3A_1474 = vector.broadcast %add3A_1407 : i32 to vector<16xi32>
        %add3A_1475 = arith.constant 32 : i32
        %add3A_1476 = vector.broadcast %add3A_1475 : i32 to vector<16xi32>
        %add3A_1477 = arith.addi %add3A_1463, %add3A_1476 : vector<16xi32>
        %gather3A_1478 = tpu.vector_load_idx %arg19[%broadcast_in_dim3A_1474, %add3A_1477] : memref<320x128xf32, #tpu.memory_space<vmem>>[vector<16xi32>, vector<16xi32>], vector<16xf32>,
        %broadcast_in_dim3A_1479 = vector.broadcast %add3A_1407 : i32 to vector<16xi32>
        %add3A_1480 = arith.constant 48 : i32
        %add3A_1481 = vector.broadcast %add3A_1480 : i32 to vector<16xi32>
        %add3A_1482 = arith.addi %add3A_1463, %add3A_1481 : vector<16xi32>
        %gather3A_1483 = tpu.vector_load_idx %arg19[%broadcast_in_dim3A_1479, %add3A_1482] : memref<320x128xf32, #tpu.memory_space<vmem>>[vector<16xi32>, vector<16xi32>], vector<16xf32>,
        %mul3A_1484 = arith.mulf %gather3A_394, %gather3A_1468 : vector<16xf32>
        %mul3A_1485 = arith.mulf %gather3A_399, %gather3A_1473 : vector<16xf32>
        %add3A_1486 = arith.addf %mul3A_1484, %mul3A_1485 : vector<16xf32>
        %mul3A_1487 = arith.mulf %gather3A_404, %gather3A_1478 : vector<16xf32>
        %mul3A_1488 = arith.mulf %gather3A_409, %gather3A_1483 : vector<16xf32>
        %add3A_1489 = arith.addf %mul3A_1487, %mul3A_1488 : vector<16xf32>
        %add3A_1490 = arith.addf %add3A_1486, %add3A_1489 : vector<16xf32>
        %broadcast_in_dim3A_1491 = arith.constant true
        %broadcast_in_dim3A_1492 = vector.broadcast %broadcast_in_dim3A_1491 : i1 to vector<16xi1>
        %masked_cumsum3A_1493 = tpu.scan <sum>, %add3A_1490 masked %broadcast_in_dim3A_1492 : vector<16xf32>, vector<16xi1> -> vector<16xf32>
        %broadcast_in_dim3A_1494 = vector.broadcast %add3A_1462 : i32 to vector<16xi32>
        tpu.vector_store_idx %arg20[%broadcast_in_dim3A_1494], %masked_cumsum3A_1493 masked %eq3A_28 : memref<336xf32, #tpu.memory_space<vmem>>[vector<16xi32>], vector<16xf32>, vector<16xi1>
        %mul3A_1495 = arith.constant 20 : i32
        %mul3A_1496 = arith.muli %scan3A_348, %mul3A_1495 : i32
        %add3A_1497 = arith.constant 11 : i32
        %add3A_1498 = arith.addi %mul3A_1496, %add3A_1497 : i32
        %mul3A_1499 = arith.constant 320 : i32
        %mul3A_1500 = arith.muli %add3A_235, %mul3A_1499 : i32
        %add3A_1501 = arith.addi %mul3A_1500, %add3A_1498 : i32
        %jit3A_1502 = arith.constant 16 : i32
        %div3A_1503 = arith.divsi %add3A_1501, %jit3A_1502 : i32
        %sign3A_1504 = arith.constant 0 : i32
        %sign3A_1505 = arith.cmpi sgt, %add3A_1501, %sign3A_1504 : i32
        %sign3A_1506 = arith.extui %sign3A_1505 : i1 to i32
        %sign3A_1507 = arith.constant 0 : i32
        %sign3A_1508 = arith.cmpi slt, %add3A_1501, %sign3A_1507 : i32
        %sign3A_1509 = arith.extui %sign3A_1508 : i1 to i32
        %sign3A_1510 = arith.subi %sign3A_1506, %sign3A_1509 : i32
        %sign3A_1511 = arith.constant 0 : i32
        %sign3A_1512 = arith.cmpi sgt, %jit3A_1502, %sign3A_1511 : i32
        %sign3A_1513 = arith.extui %sign3A_1512 : i1 to i32
        %sign3A_1514 = arith.constant 0 : i32
        %sign3A_1515 = arith.cmpi slt, %jit3A_1502, %sign3A_1514 : i32
        %sign3A_1516 = arith.extui %sign3A_1515 : i1 to i32
        %sign3A_1517 = arith.subi %sign3A_1513, %sign3A_1516 : i32
        %ne3A_1518 = arith.cmpi ne, %sign3A_1510, %sign3A_1517 : i32
        %rem3A_1519 = arith.remsi %add3A_1501, %jit3A_1502 : i32
        %ne3A_1520 = arith.constant 0 : i32
        %ne3A_1521 = arith.cmpi ne, %rem3A_1519, %ne3A_1520 : i32
        %and3A_1522 = arith.andi %ne3A_1518, %ne3A_1521 : i1
        %sub3A_1523 = arith.constant 1 : i32
        %sub3A_1524 = arith.subi %div3A_1503, %sub3A_1523 : i32
        %select_n3A_1525 = arith.select %and3A_1522, %sub3A_1524, %div3A_1503 : i32
        %mul3A_1526 = arith.constant 16 : i32
        %mul3A_1527 = arith.muli %select_n3A_1525, %mul3A_1526 : i32
        %get3A_1528 = arith.index_cast %mul3A_1527 : i32 to index
        %get3A_1529 = tpu.vector_load %arg13[%get3A_1528] {strides = array<i32>} : memref<10240xi32, #tpu.memory_space<vmem>>, vector<16xi32>,
        %jit3A_1530 = arith.constant 16 : i32
        %eq3A_1531 = arith.constant 0 : i32
        %eq3A_1532 = arith.cmpi eq, %jit3A_1530, %eq3A_1531 : i32
        %jit3A_1533 = arith.constant 1 : i32
        %select_n3A_1534 = arith.select %eq3A_1532, %jit3A_1533, %jit3A_1530 : i32
        %rem3A_1535 = arith.remsi %add3A_1501, %select_n3A_1534 : i32
        %ne3A_1536 = arith.constant 0 : i32
        %ne3A_1537 = arith.cmpi ne, %rem3A_1535, %ne3A_1536 : i32
        %lt3A_1538 = arith.constant 0 : i32
        %lt3A_1539 = arith.cmpi slt, %rem3A_1535, %lt3A_1538 : i32
        %lt3A_1540 = arith.constant 0 : i32
        %lt3A_1541 = arith.cmpi slt, %select_n3A_1534, %lt3A_1540 : i32
        %ne3A_1542 = arith.xori %lt3A_1539, %lt3A_1541 : i1
        %and3A_1543 = arith.andi %ne3A_1542, %ne3A_1537 : i1
        %add3A_1544 = arith.addi %rem3A_1535, %select_n3A_1534 : i32
        %select_n3A_1545 = arith.select %and3A_1543, %add3A_1544, %rem3A_1535 : i32
        %broadcast_in_dim3A_1546 = vector.broadcast %select_n3A_1545 : i32 to vector<16xi32>
        %broadcast_in_dim3A_1547 = vector.shape_cast %broadcast_in_dim3A_1546 : vector<16xi32> to vector<16x1xi32>
        %gather3A_1548 = vector.shape_cast %broadcast_in_dim3A_1547 : vector<16x1xi32> to vector<16xi32>
        %gather3A_1549 = tpu.dynamic_gather %get3A_1529[%gather3A_1548] in [0] : vector<16xi32>, vector<16xi32> -> vector<16xi32>
        %mul3A_1550 = arith.constant 21 : i32
        %mul3A_1551 = arith.muli %scan3A_348, %mul3A_1550 : i32
        %add3A_1552 = arith.constant 12 : i32
        %add3A_1553 = arith.addi %mul3A_1551, %add3A_1552 : i32
        %add3A_1554 = arith.addi %gather3A_1549, %iota3A : vector<16xi32>
        %broadcast_in_dim3A_1555 = vector.broadcast %add3A_1498 : i32 to vector<16xi32>
        %add3A_1556 = arith.constant 0 : i32
        %add3A_1557 = vector.broadcast %add3A_1556 : i32 to vector<16xi32>
        %add3A_1558 = arith.addi %add3A_1554, %add3A_1557 : vector<16xi32>
        %gather3A_1559 = tpu.vector_load_idx %arg19[%broadcast_in_dim3A_1555, %add3A_1558] : memref<320x128xf32, #tpu.memory_space<vmem>>[vector<16xi32>, vector<16xi32>], vector<16xf32>,
        %broadcast_in_dim3A_1560 = vector.broadcast %add3A_1498 : i32 to vector<16xi32>
        %add3A_1561 = arith.constant 16 : i32
        %add3A_1562 = vector.broadcast %add3A_1561 : i32 to vector<16xi32>
        %add3A_1563 = arith.addi %add3A_1554, %add3A_1562 : vector<16xi32>
        %gather3A_1564 = tpu.vector_load_idx %arg19[%broadcast_in_dim3A_1560, %add3A_1563] : memref<320x128xf32, #tpu.memory_space<vmem>>[vector<16xi32>, vector<16xi32>], vector<16xf32>,
        %broadcast_in_dim3A_1565 = vector.broadcast %add3A_1498 : i32 to vector<16xi32>
        %add3A_1566 = arith.constant 32 : i32
        %add3A_1567 = vector.broadcast %add3A_1566 : i32 to vector<16xi32>
        %add3A_1568 = arith.addi %add3A_1554, %add3A_1567 : vector<16xi32>
        %gather3A_1569 = tpu.vector_load_idx %arg19[%broadcast_in_dim3A_1565, %add3A_1568] : memref<320x128xf32, #tpu.memory_space<vmem>>[vector<16xi32>, vector<16xi32>], vector<16xf32>,
        %broadcast_in_dim3A_1570 = vector.broadcast %add3A_1498 : i32 to vector<16xi32>
        %add3A_1571 = arith.constant 48 : i32
        %add3A_1572 = vector.broadcast %add3A_1571 : i32 to vector<16xi32>
        %add3A_1573 = arith.addi %add3A_1554, %add3A_1572 : vector<16xi32>
        %gather3A_1574 = tpu.vector_load_idx %arg19[%broadcast_in_dim3A_1570, %add3A_1573] : memref<320x128xf32, #tpu.memory_space<vmem>>[vector<16xi32>, vector<16xi32>], vector<16xf32>,
        %mul3A_1575 = arith.mulf %gather3A_394, %gather3A_1559 : vector<16xf32>
        %mul3A_1576 = arith.mulf %gather3A_399, %gather3A_1564 : vector<16xf32>
        %add3A_1577 = arith.addf %mul3A_1575, %mul3A_1576 : vector<16xf32>
        %mul3A_1578 = arith.mulf %gather3A_404, %gather3A_1569 : vector<16xf32>
        %mul3A_1579 = arith.mulf %gather3A_409, %gather3A_1574 : vector<16xf32>
        %add3A_1580 = arith.addf %mul3A_1578, %mul3A_1579 : vector<16xf32>
        %add3A_1581 = arith.addf %add3A_1577, %add3A_1580 : vector<16xf32>
        %broadcast_in_dim3A_1582 = arith.constant true
        %broadcast_in_dim3A_1583 = vector.broadcast %broadcast_in_dim3A_1582 : i1 to vector<16xi1>
        %masked_cumsum3A_1584 = tpu.scan <sum>, %add3A_1581 masked %broadcast_in_dim3A_1583 : vector<16xf32>, vector<16xi1> -> vector<16xf32>
        %broadcast_in_dim3A_1585 = vector.broadcast %add3A_1553 : i32 to vector<16xi32>
        tpu.vector_store_idx %arg20[%broadcast_in_dim3A_1585], %masked_cumsum3A_1584 masked %eq3A_28 : memref<336xf32, #tpu.memory_space<vmem>>[vector<16xi32>], vector<16xf32>, vector<16xi1>
        %mul3A_1586 = arith.constant 20 : i32
        %mul3A_1587 = arith.muli %scan3A_348, %mul3A_1586 : i32
        %add3A_1588 = arith.constant 12 : i32
        %add3A_1589 = arith.addi %mul3A_1587, %add3A_1588 : i32
        %mul3A_1590 = arith.constant 320 : i32
        %mul3A_1591 = arith.muli %add3A_235, %mul3A_1590 : i32
        %add3A_1592 = arith.addi %mul3A_1591, %add3A_1589 : i32
        %jit3A_1593 = arith.constant 16 : i32
        %div3A_1594 = arith.divsi %add3A_1592, %jit3A_1593 : i32
        %sign3A_1595 = arith.constant 0 : i32
        %sign3A_1596 = arith.cmpi sgt, %add3A_1592, %sign3A_1595 : i32
        %sign3A_1597 = arith.extui %sign3A_1596 : i1 to i32
        %sign3A_1598 = arith.constant 0 : i32
        %sign3A_1599 = arith.cmpi slt, %add3A_1592, %sign3A_1598 : i32
        %sign3A_1600 = arith.extui %sign3A_1599 : i1 to i32
        %sign3A_1601 = arith.subi %sign3A_1597, %sign3A_1600 : i32
        %sign3A_1602 = arith.constant 0 : i32
        %sign3A_1603 = arith.cmpi sgt, %jit3A_1593, %sign3A_1602 : i32
        %sign3A_1604 = arith.extui %sign3A_1603 : i1 to i32
        %sign3A_1605 = arith.constant 0 : i32
        %sign3A_1606 = arith.cmpi slt, %jit3A_1593, %sign3A_1605 : i32
        %sign3A_1607 = arith.extui %sign3A_1606 : i1 to i32
        %sign3A_1608 = arith.subi %sign3A_1604, %sign3A_1607 : i32
        %ne3A_1609 = arith.cmpi ne, %sign3A_1601, %sign3A_1608 : i32
        %rem3A_1610 = arith.remsi %add3A_1592, %jit3A_1593 : i32
        %ne3A_1611 = arith.constant 0 : i32
        %ne3A_1612 = arith.cmpi ne, %rem3A_1610, %ne3A_1611 : i32
        %and3A_1613 = arith.andi %ne3A_1609, %ne3A_1612 : i1
        %sub3A_1614 = arith.constant 1 : i32
        %sub3A_1615 = arith.subi %div3A_1594, %sub3A_1614 : i32
        %select_n3A_1616 = arith.select %and3A_1613, %sub3A_1615, %div3A_1594 : i32
        %mul3A_1617 = arith.constant 16 : i32
        %mul3A_1618 = arith.muli %select_n3A_1616, %mul3A_1617 : i32
        %get3A_1619 = arith.index_cast %mul3A_1618 : i32 to index
        %get3A_1620 = tpu.vector_load %arg13[%get3A_1619] {strides = array<i32>} : memref<10240xi32, #tpu.memory_space<vmem>>, vector<16xi32>,
        %jit3A_1621 = arith.constant 16 : i32
        %eq3A_1622 = arith.constant 0 : i32
        %eq3A_1623 = arith.cmpi eq, %jit3A_1621, %eq3A_1622 : i32
        %jit3A_1624 = arith.constant 1 : i32
        %select_n3A_1625 = arith.select %eq3A_1623, %jit3A_1624, %jit3A_1621 : i32
        %rem3A_1626 = arith.remsi %add3A_1592, %select_n3A_1625 : i32
        %ne3A_1627 = arith.constant 0 : i32
        %ne3A_1628 = arith.cmpi ne, %rem3A_1626, %ne3A_1627 : i32
        %lt3A_1629 = arith.constant 0 : i32
        %lt3A_1630 = arith.cmpi slt, %rem3A_1626, %lt3A_1629 : i32
        %lt3A_1631 = arith.constant 0 : i32
        %lt3A_1632 = arith.cmpi slt, %select_n3A_1625, %lt3A_1631 : i32
        %ne3A_1633 = arith.xori %lt3A_1630, %lt3A_1632 : i1
        %and3A_1634 = arith.andi %ne3A_1633, %ne3A_1628 : i1
        %add3A_1635 = arith.addi %rem3A_1626, %select_n3A_1625 : i32
        %select_n3A_1636 = arith.select %and3A_1634, %add3A_1635, %rem3A_1626 : i32
        %broadcast_in_dim3A_1637 = vector.broadcast %select_n3A_1636 : i32 to vector<16xi32>
        %broadcast_in_dim3A_1638 = vector.shape_cast %broadcast_in_dim3A_1637 : vector<16xi32> to vector<16x1xi32>
        %gather3A_1639 = vector.shape_cast %broadcast_in_dim3A_1638 : vector<16x1xi32> to vector<16xi32>
        %gather3A_1640 = tpu.dynamic_gather %get3A_1620[%gather3A_1639] in [0] : vector<16xi32>, vector<16xi32> -> vector<16xi32>
        %mul3A_1641 = arith.constant 21 : i32
        %mul3A_1642 = arith.muli %scan3A_348, %mul3A_1641 : i32
        %add3A_1643 = arith.constant 13 : i32
        %add3A_1644 = arith.addi %mul3A_1642, %add3A_1643 : i32
        %add3A_1645 = arith.addi %gather3A_1640, %iota3A : vector<16xi32>
        %broadcast_in_dim3A_1646 = vector.broadcast %add3A_1589 : i32 to vector<16xi32>
        %add3A_1647 = arith.constant 0 : i32
        %add3A_1648 = vector.broadcast %add3A_1647 : i32 to vector<16xi32>
        %add3A_1649 = arith.addi %add3A_1645, %add3A_1648 : vector<16xi32>
        %gather3A_1650 = tpu.vector_load_idx %arg19[%broadcast_in_dim3A_1646, %add3A_1649] : memref<320x128xf32, #tpu.memory_space<vmem>>[vector<16xi32>, vector<16xi32>], vector<16xf32>,
        %broadcast_in_dim3A_1651 = vector.broadcast %add3A_1589 : i32 to vector<16xi32>
        %add3A_1652 = arith.constant 16 : i32
        %add3A_1653 = vector.broadcast %add3A_1652 : i32 to vector<16xi32>
        %add3A_1654 = arith.addi %add3A_1645, %add3A_1653 : vector<16xi32>
        %gather3A_1655 = tpu.vector_load_idx %arg19[%broadcast_in_dim3A_1651, %add3A_1654] : memref<320x128xf32, #tpu.memory_space<vmem>>[vector<16xi32>, vector<16xi32>], vector<16xf32>,
        %broadcast_in_dim3A_1656 = vector.broadcast %add3A_1589 : i32 to vector<16xi32>
        %add3A_1657 = arith.constant 32 : i32
        %add3A_1658 = vector.broadcast %add3A_1657 : i32 to vector<16xi32>
        %add3A_1659 = arith.addi %add3A_1645, %add3A_1658 : vector<16xi32>
        %gather3A_1660 = tpu.vector_load_idx %arg19[%broadcast_in_dim3A_1656, %add3A_1659] : memref<320x128xf32, #tpu.memory_space<vmem>>[vector<16xi32>, vector<16xi32>], vector<16xf32>,
        %broadcast_in_dim3A_1661 = vector.broadcast %add3A_1589 : i32 to vector<16xi32>
        %add3A_1662 = arith.constant 48 : i32
        %add3A_1663 = vector.broadcast %add3A_1662 : i32 to vector<16xi32>
        %add3A_1664 = arith.addi %add3A_1645, %add3A_1663 : vector<16xi32>
        %gather3A_1665 = tpu.vector_load_idx %arg19[%broadcast_in_dim3A_1661, %add3A_1664] : memref<320x128xf32, #tpu.memory_space<vmem>>[vector<16xi32>, vector<16xi32>], vector<16xf32>,
        %mul3A_1666 = arith.mulf %gather3A_394, %gather3A_1650 : vector<16xf32>
        %mul3A_1667 = arith.mulf %gather3A_399, %gather3A_1655 : vector<16xf32>
        %add3A_1668 = arith.addf %mul3A_1666, %mul3A_1667 : vector<16xf32>
        %mul3A_1669 = arith.mulf %gather3A_404, %gather3A_1660 : vector<16xf32>
        %mul3A_1670 = arith.mulf %gather3A_409, %gather3A_1665 : vector<16xf32>
        %add3A_1671 = arith.addf %mul3A_1669, %mul3A_1670 : vector<16xf32>
        %add3A_1672 = arith.addf %add3A_1668, %add3A_1671 : vector<16xf32>
        %broadcast_in_dim3A_1673 = arith.constant true
        %broadcast_in_dim3A_1674 = vector.broadcast %broadcast_in_dim3A_1673 : i1 to vector<16xi1>
        %masked_cumsum3A_1675 = tpu.scan <sum>, %add3A_1672 masked %broadcast_in_dim3A_1674 : vector<16xf32>, vector<16xi1> -> vector<16xf32>
        %broadcast_in_dim3A_1676 = vector.broadcast %add3A_1644 : i32 to vector<16xi32>
        tpu.vector_store_idx %arg20[%broadcast_in_dim3A_1676], %masked_cumsum3A_1675 masked %eq3A_28 : memref<336xf32, #tpu.memory_space<vmem>>[vector<16xi32>], vector<16xf32>, vector<16xi1>
        %mul3A_1677 = arith.constant 20 : i32
        %mul3A_1678 = arith.muli %scan3A_348, %mul3A_1677 : i32
        %add3A_1679 = arith.constant 13 : i32
        %add3A_1680 = arith.addi %mul3A_1678, %add3A_1679 : i32
        %mul3A_1681 = arith.constant 320 : i32
        %mul3A_1682 = arith.muli %add3A_235, %mul3A_1681 : i32
        %add3A_1683 = arith.addi %mul3A_1682, %add3A_1680 : i32
        %jit3A_1684 = arith.constant 16 : i32
        %div3A_1685 = arith.divsi %add3A_1683, %jit3A_1684 : i32
        %sign3A_1686 = arith.constant 0 : i32
        %sign3A_1687 = arith.cmpi sgt, %add3A_1683, %sign3A_1686 : i32
        %sign3A_1688 = arith.extui %sign3A_1687 : i1 to i32
        %sign3A_1689 = arith.constant 0 : i32
        %sign3A_1690 = arith.cmpi slt, %add3A_1683, %sign3A_1689 : i32
        %sign3A_1691 = arith.extui %sign3A_1690 : i1 to i32
        %sign3A_1692 = arith.subi %sign3A_1688, %sign3A_1691 : i32
        %sign3A_1693 = arith.constant 0 : i32
        %sign3A_1694 = arith.cmpi sgt, %jit3A_1684, %sign3A_1693 : i32
        %sign3A_1695 = arith.extui %sign3A_1694 : i1 to i32
        %sign3A_1696 = arith.constant 0 : i32
        %sign3A_1697 = arith.cmpi slt, %jit3A_1684, %sign3A_1696 : i32
        %sign3A_1698 = arith.extui %sign3A_1697 : i1 to i32
        %sign3A_1699 = arith.subi %sign3A_1695, %sign3A_1698 : i32
        %ne3A_1700 = arith.cmpi ne, %sign3A_1692, %sign3A_1699 : i32
        %rem3A_1701 = arith.remsi %add3A_1683, %jit3A_1684 : i32
        %ne3A_1702 = arith.constant 0 : i32
        %ne3A_1703 = arith.cmpi ne, %rem3A_1701, %ne3A_1702 : i32
        %and3A_1704 = arith.andi %ne3A_1700, %ne3A_1703 : i1
        %sub3A_1705 = arith.constant 1 : i32
        %sub3A_1706 = arith.subi %div3A_1685, %sub3A_1705 : i32
        %select_n3A_1707 = arith.select %and3A_1704, %sub3A_1706, %div3A_1685 : i32
        %mul3A_1708 = arith.constant 16 : i32
        %mul3A_1709 = arith.muli %select_n3A_1707, %mul3A_1708 : i32
        %get3A_1710 = arith.index_cast %mul3A_1709 : i32 to index
        %get3A_1711 = tpu.vector_load %arg13[%get3A_1710] {strides = array<i32>} : memref<10240xi32, #tpu.memory_space<vmem>>, vector<16xi32>,
        %jit3A_1712 = arith.constant 16 : i32
        %eq3A_1713 = arith.constant 0 : i32
        %eq3A_1714 = arith.cmpi eq, %jit3A_1712, %eq3A_1713 : i32
        %jit3A_1715 = arith.constant 1 : i32
        %select_n3A_1716 = arith.select %eq3A_1714, %jit3A_1715, %jit3A_1712 : i32
        %rem3A_1717 = arith.remsi %add3A_1683, %select_n3A_1716 : i32
        %ne3A_1718 = arith.constant 0 : i32
        %ne3A_1719 = arith.cmpi ne, %rem3A_1717, %ne3A_1718 : i32
        %lt3A_1720 = arith.constant 0 : i32
        %lt3A_1721 = arith.cmpi slt, %rem3A_1717, %lt3A_1720 : i32
        %lt3A_1722 = arith.constant 0 : i32
        %lt3A_1723 = arith.cmpi slt, %select_n3A_1716, %lt3A_1722 : i32
        %ne3A_1724 = arith.xori %lt3A_1721, %lt3A_1723 : i1
        %and3A_1725 = arith.andi %ne3A_1724, %ne3A_1719 : i1
        %add3A_1726 = arith.addi %rem3A_1717, %select_n3A_1716 : i32
        %select_n3A_1727 = arith.select %and3A_1725, %add3A_1726, %rem3A_1717 : i32
        %broadcast_in_dim3A_1728 = vector.broadcast %select_n3A_1727 : i32 to vector<16xi32>
        %broadcast_in_dim3A_1729 = vector.shape_cast %broadcast_in_dim3A_1728 : vector<16xi32> to vector<16x1xi32>
        %gather3A_1730 = vector.shape_cast %broadcast_in_dim3A_1729 : vector<16x1xi32> to vector<16xi32>
        %gather3A_1731 = tpu.dynamic_gather %get3A_1711[%gather3A_1730] in [0] : vector<16xi32>, vector<16xi32> -> vector<16xi32>
        %mul3A_1732 = arith.constant 21 : i32
        %mul3A_1733 = arith.muli %scan3A_348, %mul3A_1732 : i32
        %add3A_1734 = arith.constant 14 : i32
        %add3A_1735 = arith.addi %mul3A_1733, %add3A_1734 : i32
        %add3A_1736 = arith.addi %gather3A_1731, %iota3A : vector<16xi32>
        %broadcast_in_dim3A_1737 = vector.broadcast %add3A_1680 : i32 to vector<16xi32>
        %add3A_1738 = arith.constant 0 : i32
        %add3A_1739 = vector.broadcast %add3A_1738 : i32 to vector<16xi32>
        %add3A_1740 = arith.addi %add3A_1736, %add3A_1739 : vector<16xi32>
        %gather3A_1741 = tpu.vector_load_idx %arg19[%broadcast_in_dim3A_1737, %add3A_1740] : memref<320x128xf32, #tpu.memory_space<vmem>>[vector<16xi32>, vector<16xi32>], vector<16xf32>,
        %broadcast_in_dim3A_1742 = vector.broadcast %add3A_1680 : i32 to vector<16xi32>
        %add3A_1743 = arith.constant 16 : i32
        %add3A_1744 = vector.broadcast %add3A_1743 : i32 to vector<16xi32>
        %add3A_1745 = arith.addi %add3A_1736, %add3A_1744 : vector<16xi32>
        %gather3A_1746 = tpu.vector_load_idx %arg19[%broadcast_in_dim3A_1742, %add3A_1745] : memref<320x128xf32, #tpu.memory_space<vmem>>[vector<16xi32>, vector<16xi32>], vector<16xf32>,
        %broadcast_in_dim3A_1747 = vector.broadcast %add3A_1680 : i32 to vector<16xi32>
        %add3A_1748 = arith.constant 32 : i32
        %add3A_1749 = vector.broadcast %add3A_1748 : i32 to vector<16xi32>
        %add3A_1750 = arith.addi %add3A_1736, %add3A_1749 : vector<16xi32>
        %gather3A_1751 = tpu.vector_load_idx %arg19[%broadcast_in_dim3A_1747, %add3A_1750] : memref<320x128xf32, #tpu.memory_space<vmem>>[vector<16xi32>, vector<16xi32>], vector<16xf32>,
        %broadcast_in_dim3A_1752 = vector.broadcast %add3A_1680 : i32 to vector<16xi32>
        %add3A_1753 = arith.constant 48 : i32
        %add3A_1754 = vector.broadcast %add3A_1753 : i32 to vector<16xi32>
        %add3A_1755 = arith.addi %add3A_1736, %add3A_1754 : vector<16xi32>
        %gather3A_1756 = tpu.vector_load_idx %arg19[%broadcast_in_dim3A_1752, %add3A_1755] : memref<320x128xf32, #tpu.memory_space<vmem>>[vector<16xi32>, vector<16xi32>], vector<16xf32>,
        %mul3A_1757 = arith.mulf %gather3A_394, %gather3A_1741 : vector<16xf32>
        %mul3A_1758 = arith.mulf %gather3A_399, %gather3A_1746 : vector<16xf32>
        %add3A_1759 = arith.addf %mul3A_1757, %mul3A_1758 : vector<16xf32>
        %mul3A_1760 = arith.mulf %gather3A_404, %gather3A_1751 : vector<16xf32>
        %mul3A_1761 = arith.mulf %gather3A_409, %gather3A_1756 : vector<16xf32>
        %add3A_1762 = arith.addf %mul3A_1760, %mul3A_1761 : vector<16xf32>
        %add3A_1763 = arith.addf %add3A_1759, %add3A_1762 : vector<16xf32>
        %broadcast_in_dim3A_1764 = arith.constant true
        %broadcast_in_dim3A_1765 = vector.broadcast %broadcast_in_dim3A_1764 : i1 to vector<16xi1>
        %masked_cumsum3A_1766 = tpu.scan <sum>, %add3A_1763 masked %broadcast_in_dim3A_1765 : vector<16xf32>, vector<16xi1> -> vector<16xf32>
        %broadcast_in_dim3A_1767 = vector.broadcast %add3A_1735 : i32 to vector<16xi32>
        tpu.vector_store_idx %arg20[%broadcast_in_dim3A_1767], %masked_cumsum3A_1766 masked %eq3A_28 : memref<336xf32, #tpu.memory_space<vmem>>[vector<16xi32>], vector<16xf32>, vector<16xi1>
        %mul3A_1768 = arith.constant 20 : i32
        %mul3A_1769 = arith.muli %scan3A_348, %mul3A_1768 : i32
        %add3A_1770 = arith.constant 14 : i32
        %add3A_1771 = arith.addi %mul3A_1769, %add3A_1770 : i32
        %mul3A_1772 = arith.constant 320 : i32
        %mul3A_1773 = arith.muli %add3A_235, %mul3A_1772 : i32
        %add3A_1774 = arith.addi %mul3A_1773, %add3A_1771 : i32
        %jit3A_1775 = arith.constant 16 : i32
        %div3A_1776 = arith.divsi %add3A_1774, %jit3A_1775 : i32
        %sign3A_1777 = arith.constant 0 : i32
        %sign3A_1778 = arith.cmpi sgt, %add3A_1774, %sign3A_1777 : i32
        %sign3A_1779 = arith.extui %sign3A_1778 : i1 to i32
        %sign3A_1780 = arith.constant 0 : i32
        %sign3A_1781 = arith.cmpi slt, %add3A_1774, %sign3A_1780 : i32
        %sign3A_1782 = arith.extui %sign3A_1781 : i1 to i32
        %sign3A_1783 = arith.subi %sign3A_1779, %sign3A_1782 : i32
        %sign3A_1784 = arith.constant 0 : i32
        %sign3A_1785 = arith.cmpi sgt, %jit3A_1775, %sign3A_1784 : i32
        %sign3A_1786 = arith.extui %sign3A_1785 : i1 to i32
        %sign3A_1787 = arith.constant 0 : i32
        %sign3A_1788 = arith.cmpi slt, %jit3A_1775, %sign3A_1787 : i32
        %sign3A_1789 = arith.extui %sign3A_1788 : i1 to i32
        %sign3A_1790 = arith.subi %sign3A_1786, %sign3A_1789 : i32
        %ne3A_1791 = arith.cmpi ne, %sign3A_1783, %sign3A_1790 : i32
        %rem3A_1792 = arith.remsi %add3A_1774, %jit3A_1775 : i32
        %ne3A_1793 = arith.constant 0 : i32
        %ne3A_1794 = arith.cmpi ne, %rem3A_1792, %ne3A_1793 : i32
        %and3A_1795 = arith.andi %ne3A_1791, %ne3A_1794 : i1
        %sub3A_1796 = arith.constant 1 : i32
        %sub3A_1797 = arith.subi %div3A_1776, %sub3A_1796 : i32
        %select_n3A_1798 = arith.select %and3A_1795, %sub3A_1797, %div3A_1776 : i32
        %mul3A_1799 = arith.constant 16 : i32
        %mul3A_1800 = arith.muli %select_n3A_1798, %mul3A_1799 : i32
        %get3A_1801 = arith.index_cast %mul3A_1800 : i32 to index
        %get3A_1802 = tpu.vector_load %arg13[%get3A_1801] {strides = array<i32>} : memref<10240xi32, #tpu.memory_space<vmem>>, vector<16xi32>,
        %jit3A_1803 = arith.constant 16 : i32
        %eq3A_1804 = arith.constant 0 : i32
        %eq3A_1805 = arith.cmpi eq, %jit3A_1803, %eq3A_1804 : i32
        %jit3A_1806 = arith.constant 1 : i32
        %select_n3A_1807 = arith.select %eq3A_1805, %jit3A_1806, %jit3A_1803 : i32
        %rem3A_1808 = arith.remsi %add3A_1774, %select_n3A_1807 : i32
        %ne3A_1809 = arith.constant 0 : i32
        %ne3A_1810 = arith.cmpi ne, %rem3A_1808, %ne3A_1809 : i32
        %lt3A_1811 = arith.constant 0 : i32
        %lt3A_1812 = arith.cmpi slt, %rem3A_1808, %lt3A_1811 : i32
        %lt3A_1813 = arith.constant 0 : i32
        %lt3A_1814 = arith.cmpi slt, %select_n3A_1807, %lt3A_1813 : i32
        %ne3A_1815 = arith.xori %lt3A_1812, %lt3A_1814 : i1
        %and3A_1816 = arith.andi %ne3A_1815, %ne3A_1810 : i1
        %add3A_1817 = arith.addi %rem3A_1808, %select_n3A_1807 : i32
        %select_n3A_1818 = arith.select %and3A_1816, %add3A_1817, %rem3A_1808 : i32
        %broadcast_in_dim3A_1819 = vector.broadcast %select_n3A_1818 : i32 to vector<16xi32>
        %broadcast_in_dim3A_1820 = vector.shape_cast %broadcast_in_dim3A_1819 : vector<16xi32> to vector<16x1xi32>
        %gather3A_1821 = vector.shape_cast %broadcast_in_dim3A_1820 : vector<16x1xi32> to vector<16xi32>
        %gather3A_1822 = tpu.dynamic_gather %get3A_1802[%gather3A_1821] in [0] : vector<16xi32>, vector<16xi32> -> vector<16xi32>
        %mul3A_1823 = arith.constant 21 : i32
        %mul3A_1824 = arith.muli %scan3A_348, %mul3A_1823 : i32
        %add3A_1825 = arith.constant 15 : i32
        %add3A_1826 = arith.addi %mul3A_1824, %add3A_1825 : i32
        %add3A_1827 = arith.addi %gather3A_1822, %iota3A : vector<16xi32>
        %broadcast_in_dim3A_1828 = vector.broadcast %add3A_1771 : i32 to vector<16xi32>
        %add3A_1829 = arith.constant 0 : i32
        %add3A_1830 = vector.broadcast %add3A_1829 : i32 to vector<16xi32>
        %add3A_1831 = arith.addi %add3A_1827, %add3A_1830 : vector<16xi32>
        %gather3A_1832 = tpu.vector_load_idx %arg19[%broadcast_in_dim3A_1828, %add3A_1831] : memref<320x128xf32, #tpu.memory_space<vmem>>[vector<16xi32>, vector<16xi32>], vector<16xf32>,
        %broadcast_in_dim3A_1833 = vector.broadcast %add3A_1771 : i32 to vector<16xi32>
        %add3A_1834 = arith.constant 16 : i32
        %add3A_1835 = vector.broadcast %add3A_1834 : i32 to vector<16xi32>
        %add3A_1836 = arith.addi %add3A_1827, %add3A_1835 : vector<16xi32>
        %gather3A_1837 = tpu.vector_load_idx %arg19[%broadcast_in_dim3A_1833, %add3A_1836] : memref<320x128xf32, #tpu.memory_space<vmem>>[vector<16xi32>, vector<16xi32>], vector<16xf32>,
        %broadcast_in_dim3A_1838 = vector.broadcast %add3A_1771 : i32 to vector<16xi32>
        %add3A_1839 = arith.constant 32 : i32
        %add3A_1840 = vector.broadcast %add3A_1839 : i32 to vector<16xi32>
        %add3A_1841 = arith.addi %add3A_1827, %add3A_1840 : vector<16xi32>
        %gather3A_1842 = tpu.vector_load_idx %arg19[%broadcast_in_dim3A_1838, %add3A_1841] : memref<320x128xf32, #tpu.memory_space<vmem>>[vector<16xi32>, vector<16xi32>], vector<16xf32>,
        %broadcast_in_dim3A_1843 = vector.broadcast %add3A_1771 : i32 to vector<16xi32>
        %add3A_1844 = arith.constant 48 : i32
        %add3A_1845 = vector.broadcast %add3A_1844 : i32 to vector<16xi32>
        %add3A_1846 = arith.addi %add3A_1827, %add3A_1845 : vector<16xi32>
        %gather3A_1847 = tpu.vector_load_idx %arg19[%broadcast_in_dim3A_1843, %add3A_1846] : memref<320x128xf32, #tpu.memory_space<vmem>>[vector<16xi32>, vector<16xi32>], vector<16xf32>,
        %mul3A_1848 = arith.mulf %gather3A_394, %gather3A_1832 : vector<16xf32>
        %mul3A_1849 = arith.mulf %gather3A_399, %gather3A_1837 : vector<16xf32>
        %add3A_1850 = arith.addf %mul3A_1848, %mul3A_1849 : vector<16xf32>
        %mul3A_1851 = arith.mulf %gather3A_404, %gather3A_1842 : vector<16xf32>
        %mul3A_1852 = arith.mulf %gather3A_409, %gather3A_1847 : vector<16xf32>
        %add3A_1853 = arith.addf %mul3A_1851, %mul3A_1852 : vector<16xf32>
        %add3A_1854 = arith.addf %add3A_1850, %add3A_1853 : vector<16xf32>
        %broadcast_in_dim3A_1855 = arith.constant true
        %broadcast_in_dim3A_1856 = vector.broadcast %broadcast_in_dim3A_1855 : i1 to vector<16xi1>
        %masked_cumsum3A_1857 = tpu.scan <sum>, %add3A_1854 masked %broadcast_in_dim3A_1856 : vector<16xf32>, vector<16xi1> -> vector<16xf32>
        %broadcast_in_dim3A_1858 = vector.broadcast %add3A_1826 : i32 to vector<16xi32>
        tpu.vector_store_idx %arg20[%broadcast_in_dim3A_1858], %masked_cumsum3A_1857 masked %eq3A_28 : memref<336xf32, #tpu.memory_space<vmem>>[vector<16xi32>], vector<16xf32>, vector<16xi1>
        %mul3A_1859 = arith.constant 20 : i32
        %mul3A_1860 = arith.muli %scan3A_348, %mul3A_1859 : i32
        %add3A_1861 = arith.constant 15 : i32
        %add3A_1862 = arith.addi %mul3A_1860, %add3A_1861 : i32
        %mul3A_1863 = arith.constant 320 : i32
        %mul3A_1864 = arith.muli %add3A_235, %mul3A_1863 : i32
        %add3A_1865 = arith.addi %mul3A_1864, %add3A_1862 : i32
        %jit3A_1866 = arith.constant 16 : i32
        %div3A_1867 = arith.divsi %add3A_1865, %jit3A_1866 : i32
        %sign3A_1868 = arith.constant 0 : i32
        %sign3A_1869 = arith.cmpi sgt, %add3A_1865, %sign3A_1868 : i32
        %sign3A_1870 = arith.extui %sign3A_1869 : i1 to i32
        %sign3A_1871 = arith.constant 0 : i32
        %sign3A_1872 = arith.cmpi slt, %add3A_1865, %sign3A_1871 : i32
        %sign3A_1873 = arith.extui %sign3A_1872 : i1 to i32
        %sign3A_1874 = arith.subi %sign3A_1870, %sign3A_1873 : i32
        %sign3A_1875 = arith.constant 0 : i32
        %sign3A_1876 = arith.cmpi sgt, %jit3A_1866, %sign3A_1875 : i32
        %sign3A_1877 = arith.extui %sign3A_1876 : i1 to i32
        %sign3A_1878 = arith.constant 0 : i32
        %sign3A_1879 = arith.cmpi slt, %jit3A_1866, %sign3A_1878 : i32
        %sign3A_1880 = arith.extui %sign3A_1879 : i1 to i32
        %sign3A_1881 = arith.subi %sign3A_1877, %sign3A_1880 : i32
        %ne3A_1882 = arith.cmpi ne, %sign3A_1874, %sign3A_1881 : i32
        %rem3A_1883 = arith.remsi %add3A_1865, %jit3A_1866 : i32
        %ne3A_1884 = arith.constant 0 : i32
        %ne3A_1885 = arith.cmpi ne, %rem3A_1883, %ne3A_1884 : i32
        %and3A_1886 = arith.andi %ne3A_1882, %ne3A_1885 : i1
        %sub3A_1887 = arith.constant 1 : i32
        %sub3A_1888 = arith.subi %div3A_1867, %sub3A_1887 : i32
        %select_n3A_1889 = arith.select %and3A_1886, %sub3A_1888, %div3A_1867 : i32
        %mul3A_1890 = arith.constant 16 : i32
        %mul3A_1891 = arith.muli %select_n3A_1889, %mul3A_1890 : i32
        %get3A_1892 = arith.index_cast %mul3A_1891 : i32 to index
        %get3A_1893 = tpu.vector_load %arg13[%get3A_1892] {strides = array<i32>} : memref<10240xi32, #tpu.memory_space<vmem>>, vector<16xi32>,
        %jit3A_1894 = arith.constant 16 : i32
        %eq3A_1895 = arith.constant 0 : i32
        %eq3A_1896 = arith.cmpi eq, %jit3A_1894, %eq3A_1895 : i32
        %jit3A_1897 = arith.constant 1 : i32
        %select_n3A_1898 = arith.select %eq3A_1896, %jit3A_1897, %jit3A_1894 : i32
        %rem3A_1899 = arith.remsi %add3A_1865, %select_n3A_1898 : i32
        %ne3A_1900 = arith.constant 0 : i32
        %ne3A_1901 = arith.cmpi ne, %rem3A_1899, %ne3A_1900 : i32
        %lt3A_1902 = arith.constant 0 : i32
        %lt3A_1903 = arith.cmpi slt, %rem3A_1899, %lt3A_1902 : i32
        %lt3A_1904 = arith.constant 0 : i32
        %lt3A_1905 = arith.cmpi slt, %select_n3A_1898, %lt3A_1904 : i32
        %ne3A_1906 = arith.xori %lt3A_1903, %lt3A_1905 : i1
        %and3A_1907 = arith.andi %ne3A_1906, %ne3A_1901 : i1
        %add3A_1908 = arith.addi %rem3A_1899, %select_n3A_1898 : i32
        %select_n3A_1909 = arith.select %and3A_1907, %add3A_1908, %rem3A_1899 : i32
        %broadcast_in_dim3A_1910 = vector.broadcast %select_n3A_1909 : i32 to vector<16xi32>
        %broadcast_in_dim3A_1911 = vector.shape_cast %broadcast_in_dim3A_1910 : vector<16xi32> to vector<16x1xi32>
        %gather3A_1912 = vector.shape_cast %broadcast_in_dim3A_1911 : vector<16x1xi32> to vector<16xi32>
        %gather3A_1913 = tpu.dynamic_gather %get3A_1893[%gather3A_1912] in [0] : vector<16xi32>, vector<16xi32> -> vector<16xi32>
        %mul3A_1914 = arith.constant 21 : i32
        %mul3A_1915 = arith.muli %scan3A_348, %mul3A_1914 : i32
        %add3A_1916 = arith.constant 16 : i32
        %add3A_1917 = arith.addi %mul3A_1915, %add3A_1916 : i32
        %add3A_1918 = arith.addi %gather3A_1913, %iota3A : vector<16xi32>
        %broadcast_in_dim3A_1919 = vector.broadcast %add3A_1862 : i32 to vector<16xi32>
        %add3A_1920 = arith.constant 0 : i32
        %add3A_1921 = vector.broadcast %add3A_1920 : i32 to vector<16xi32>
        %add3A_1922 = arith.addi %add3A_1918, %add3A_1921 : vector<16xi32>
        %gather3A_1923 = tpu.vector_load_idx %arg19[%broadcast_in_dim3A_1919, %add3A_1922] : memref<320x128xf32, #tpu.memory_space<vmem>>[vector<16xi32>, vector<16xi32>], vector<16xf32>,
        %broadcast_in_dim3A_1924 = vector.broadcast %add3A_1862 : i32 to vector<16xi32>
        %add3A_1925 = arith.constant 16 : i32
        %add3A_1926 = vector.broadcast %add3A_1925 : i32 to vector<16xi32>
        %add3A_1927 = arith.addi %add3A_1918, %add3A_1926 : vector<16xi32>
        %gather3A_1928 = tpu.vector_load_idx %arg19[%broadcast_in_dim3A_1924, %add3A_1927] : memref<320x128xf32, #tpu.memory_space<vmem>>[vector<16xi32>, vector<16xi32>], vector<16xf32>,
        %broadcast_in_dim3A_1929 = vector.broadcast %add3A_1862 : i32 to vector<16xi32>
        %add3A_1930 = arith.constant 32 : i32
        %add3A_1931 = vector.broadcast %add3A_1930 : i32 to vector<16xi32>
        %add3A_1932 = arith.addi %add3A_1918, %add3A_1931 : vector<16xi32>
        %gather3A_1933 = tpu.vector_load_idx %arg19[%broadcast_in_dim3A_1929, %add3A_1932] : memref<320x128xf32, #tpu.memory_space<vmem>>[vector<16xi32>, vector<16xi32>], vector<16xf32>,
        %broadcast_in_dim3A_1934 = vector.broadcast %add3A_1862 : i32 to vector<16xi32>
        %add3A_1935 = arith.constant 48 : i32
        %add3A_1936 = vector.broadcast %add3A_1935 : i32 to vector<16xi32>
        %add3A_1937 = arith.addi %add3A_1918, %add3A_1936 : vector<16xi32>
        %gather3A_1938 = tpu.vector_load_idx %arg19[%broadcast_in_dim3A_1934, %add3A_1937] : memref<320x128xf32, #tpu.memory_space<vmem>>[vector<16xi32>, vector<16xi32>], vector<16xf32>,
        %mul3A_1939 = arith.mulf %gather3A_394, %gather3A_1923 : vector<16xf32>
        %mul3A_1940 = arith.mulf %gather3A_399, %gather3A_1928 : vector<16xf32>
        %add3A_1941 = arith.addf %mul3A_1939, %mul3A_1940 : vector<16xf32>
        %mul3A_1942 = arith.mulf %gather3A_404, %gather3A_1933 : vector<16xf32>
        %mul3A_1943 = arith.mulf %gather3A_409, %gather3A_1938 : vector<16xf32>
        %add3A_1944 = arith.addf %mul3A_1942, %mul3A_1943 : vector<16xf32>
        %add3A_1945 = arith.addf %add3A_1941, %add3A_1944 : vector<16xf32>
        %broadcast_in_dim3A_1946 = arith.constant true
        %broadcast_in_dim3A_1947 = vector.broadcast %broadcast_in_dim3A_1946 : i1 to vector<16xi1>
        %masked_cumsum3A_1948 = tpu.scan <sum>, %add3A_1945 masked %broadcast_in_dim3A_1947 : vector<16xf32>, vector<16xi1> -> vector<16xf32>
        %broadcast_in_dim3A_1949 = vector.broadcast %add3A_1917 : i32 to vector<16xi32>
        tpu.vector_store_idx %arg20[%broadcast_in_dim3A_1949], %masked_cumsum3A_1948 masked %eq3A_28 : memref<336xf32, #tpu.memory_space<vmem>>[vector<16xi32>], vector<16xf32>, vector<16xi1>
        %mul3A_1950 = arith.constant 20 : i32
        %mul3A_1951 = arith.muli %scan3A_348, %mul3A_1950 : i32
        %add3A_1952 = arith.constant 16 : i32
        %add3A_1953 = arith.addi %mul3A_1951, %add3A_1952 : i32
        %mul3A_1954 = arith.constant 320 : i32
        %mul3A_1955 = arith.muli %add3A_235, %mul3A_1954 : i32
        %add3A_1956 = arith.addi %mul3A_1955, %add3A_1953 : i32
        %jit3A_1957 = arith.constant 16 : i32
        %div3A_1958 = arith.divsi %add3A_1956, %jit3A_1957 : i32
        %sign3A_1959 = arith.constant 0 : i32
        %sign3A_1960 = arith.cmpi sgt, %add3A_1956, %sign3A_1959 : i32
        %sign3A_1961 = arith.extui %sign3A_1960 : i1 to i32
        %sign3A_1962 = arith.constant 0 : i32
        %sign3A_1963 = arith.cmpi slt, %add3A_1956, %sign3A_1962 : i32
        %sign3A_1964 = arith.extui %sign3A_1963 : i1 to i32
        %sign3A_1965 = arith.subi %sign3A_1961, %sign3A_1964 : i32
        %sign3A_1966 = arith.constant 0 : i32
        %sign3A_1967 = arith.cmpi sgt, %jit3A_1957, %sign3A_1966 : i32
        %sign3A_1968 = arith.extui %sign3A_1967 : i1 to i32
        %sign3A_1969 = arith.constant 0 : i32
        %sign3A_1970 = arith.cmpi slt, %jit3A_1957, %sign3A_1969 : i32
        %sign3A_1971 = arith.extui %sign3A_1970 : i1 to i32
        %sign3A_1972 = arith.subi %sign3A_1968, %sign3A_1971 : i32
        %ne3A_1973 = arith.cmpi ne, %sign3A_1965, %sign3A_1972 : i32
        %rem3A_1974 = arith.remsi %add3A_1956, %jit3A_1957 : i32
        %ne3A_1975 = arith.constant 0 : i32
        %ne3A_1976 = arith.cmpi ne, %rem3A_1974, %ne3A_1975 : i32
        %and3A_1977 = arith.andi %ne3A_1973, %ne3A_1976 : i1
        %sub3A_1978 = arith.constant 1 : i32
        %sub3A_1979 = arith.subi %div3A_1958, %sub3A_1978 : i32
        %select_n3A_1980 = arith.select %and3A_1977, %sub3A_1979, %div3A_1958 : i32
        %mul3A_1981 = arith.constant 16 : i32
        %mul3A_1982 = arith.muli %select_n3A_1980, %mul3A_1981 : i32
        %get3A_1983 = arith.index_cast %mul3A_1982 : i32 to index
        %get3A_1984 = tpu.vector_load %arg13[%get3A_1983] {strides = array<i32>} : memref<10240xi32, #tpu.memory_space<vmem>>, vector<16xi32>,
        %jit3A_1985 = arith.constant 16 : i32
        %eq3A_1986 = arith.constant 0 : i32
        %eq3A_1987 = arith.cmpi eq, %jit3A_1985, %eq3A_1986 : i32
        %jit3A_1988 = arith.constant 1 : i32
        %select_n3A_1989 = arith.select %eq3A_1987, %jit3A_1988, %jit3A_1985 : i32
        %rem3A_1990 = arith.remsi %add3A_1956, %select_n3A_1989 : i32
        %ne3A_1991 = arith.constant 0 : i32
        %ne3A_1992 = arith.cmpi ne, %rem3A_1990, %ne3A_1991 : i32
        %lt3A_1993 = arith.constant 0 : i32
        %lt3A_1994 = arith.cmpi slt, %rem3A_1990, %lt3A_1993 : i32
        %lt3A_1995 = arith.constant 0 : i32
        %lt3A_1996 = arith.cmpi slt, %select_n3A_1989, %lt3A_1995 : i32
        %ne3A_1997 = arith.xori %lt3A_1994, %lt3A_1996 : i1
        %and3A_1998 = arith.andi %ne3A_1997, %ne3A_1992 : i1
        %add3A_1999 = arith.addi %rem3A_1990, %select_n3A_1989 : i32
        %select_n3A_2000 = arith.select %and3A_1998, %add3A_1999, %rem3A_1990 : i32
        %broadcast_in_dim3A_2001 = vector.broadcast %select_n3A_2000 : i32 to vector<16xi32>
        %broadcast_in_dim3A_2002 = vector.shape_cast %broadcast_in_dim3A_2001 : vector<16xi32> to vector<16x1xi32>
        %gather3A_2003 = vector.shape_cast %broadcast_in_dim3A_2002 : vector<16x1xi32> to vector<16xi32>
        %gather3A_2004 = tpu.dynamic_gather %get3A_1984[%gather3A_2003] in [0] : vector<16xi32>, vector<16xi32> -> vector<16xi32>
        %mul3A_2005 = arith.constant 21 : i32
        %mul3A_2006 = arith.muli %scan3A_348, %mul3A_2005 : i32
        %add3A_2007 = arith.constant 17 : i32
        %add3A_2008 = arith.addi %mul3A_2006, %add3A_2007 : i32
        %add3A_2009 = arith.addi %gather3A_2004, %iota3A : vector<16xi32>
        %broadcast_in_dim3A_2010 = vector.broadcast %add3A_1953 : i32 to vector<16xi32>
        %add3A_2011 = arith.constant 0 : i32
        %add3A_2012 = vector.broadcast %add3A_2011 : i32 to vector<16xi32>
        %add3A_2013 = arith.addi %add3A_2009, %add3A_2012 : vector<16xi32>
        %gather3A_2014 = tpu.vector_load_idx %arg19[%broadcast_in_dim3A_2010, %add3A_2013] : memref<320x128xf32, #tpu.memory_space<vmem>>[vector<16xi32>, vector<16xi32>], vector<16xf32>,
        %broadcast_in_dim3A_2015 = vector.broadcast %add3A_1953 : i32 to vector<16xi32>
        %add3A_2016 = arith.constant 16 : i32
        %add3A_2017 = vector.broadcast %add3A_2016 : i32 to vector<16xi32>
        %add3A_2018 = arith.addi %add3A_2009, %add3A_2017 : vector<16xi32>
        %gather3A_2019 = tpu.vector_load_idx %arg19[%broadcast_in_dim3A_2015, %add3A_2018] : memref<320x128xf32, #tpu.memory_space<vmem>>[vector<16xi32>, vector<16xi32>], vector<16xf32>,
        %broadcast_in_dim3A_2020 = vector.broadcast %add3A_1953 : i32 to vector<16xi32>
        %add3A_2021 = arith.constant 32 : i32
        %add3A_2022 = vector.broadcast %add3A_2021 : i32 to vector<16xi32>
        %add3A_2023 = arith.addi %add3A_2009, %add3A_2022 : vector<16xi32>
        %gather3A_2024 = tpu.vector_load_idx %arg19[%broadcast_in_dim3A_2020, %add3A_2023] : memref<320x128xf32, #tpu.memory_space<vmem>>[vector<16xi32>, vector<16xi32>], vector<16xf32>,
        %broadcast_in_dim3A_2025 = vector.broadcast %add3A_1953 : i32 to vector<16xi32>
        %add3A_2026 = arith.constant 48 : i32
        %add3A_2027 = vector.broadcast %add3A_2026 : i32 to vector<16xi32>
        %add3A_2028 = arith.addi %add3A_2009, %add3A_2027 : vector<16xi32>
        %gather3A_2029 = tpu.vector_load_idx %arg19[%broadcast_in_dim3A_2025, %add3A_2028] : memref<320x128xf32, #tpu.memory_space<vmem>>[vector<16xi32>, vector<16xi32>], vector<16xf32>,
        %mul3A_2030 = arith.mulf %gather3A_394, %gather3A_2014 : vector<16xf32>
        %mul3A_2031 = arith.mulf %gather3A_399, %gather3A_2019 : vector<16xf32>
        %add3A_2032 = arith.addf %mul3A_2030, %mul3A_2031 : vector<16xf32>
        %mul3A_2033 = arith.mulf %gather3A_404, %gather3A_2024 : vector<16xf32>
        %mul3A_2034 = arith.mulf %gather3A_409, %gather3A_2029 : vector<16xf32>
        %add3A_2035 = arith.addf %mul3A_2033, %mul3A_2034 : vector<16xf32>
        %add3A_2036 = arith.addf %add3A_2032, %add3A_2035 : vector<16xf32>
        %broadcast_in_dim3A_2037 = arith.constant true
        %broadcast_in_dim3A_2038 = vector.broadcast %broadcast_in_dim3A_2037 : i1 to vector<16xi1>
        %masked_cumsum3A_2039 = tpu.scan <sum>, %add3A_2036 masked %broadcast_in_dim3A_2038 : vector<16xf32>, vector<16xi1> -> vector<16xf32>
        %broadcast_in_dim3A_2040 = vector.broadcast %add3A_2008 : i32 to vector<16xi32>
        tpu.vector_store_idx %arg20[%broadcast_in_dim3A_2040], %masked_cumsum3A_2039 masked %eq3A_28 : memref<336xf32, #tpu.memory_space<vmem>>[vector<16xi32>], vector<16xf32>, vector<16xi1>
        %mul3A_2041 = arith.constant 20 : i32
        %mul3A_2042 = arith.muli %scan3A_348, %mul3A_2041 : i32
        %add3A_2043 = arith.constant 17 : i32
        %add3A_2044 = arith.addi %mul3A_2042, %add3A_2043 : i32
        %mul3A_2045 = arith.constant 320 : i32
        %mul3A_2046 = arith.muli %add3A_235, %mul3A_2045 : i32
        %add3A_2047 = arith.addi %mul3A_2046, %add3A_2044 : i32
        %jit3A_2048 = arith.constant 16 : i32
        %div3A_2049 = arith.divsi %add3A_2047, %jit3A_2048 : i32
        %sign3A_2050 = arith.constant 0 : i32
        %sign3A_2051 = arith.cmpi sgt, %add3A_2047, %sign3A_2050 : i32
        %sign3A_2052 = arith.extui %sign3A_2051 : i1 to i32
        %sign3A_2053 = arith.constant 0 : i32
        %sign3A_2054 = arith.cmpi slt, %add3A_2047, %sign3A_2053 : i32
        %sign3A_2055 = arith.extui %sign3A_2054 : i1 to i32
        %sign3A_2056 = arith.subi %sign3A_2052, %sign3A_2055 : i32
        %sign3A_2057 = arith.constant 0 : i32
        %sign3A_2058 = arith.cmpi sgt, %jit3A_2048, %sign3A_2057 : i32
        %sign3A_2059 = arith.extui %sign3A_2058 : i1 to i32
        %sign3A_2060 = arith.constant 0 : i32
        %sign3A_2061 = arith.cmpi slt, %jit3A_2048, %sign3A_2060 : i32
        %sign3A_2062 = arith.extui %sign3A_2061 : i1 to i32
        %sign3A_2063 = arith.subi %sign3A_2059, %sign3A_2062 : i32
        %ne3A_2064 = arith.cmpi ne, %sign3A_2056, %sign3A_2063 : i32
        %rem3A_2065 = arith.remsi %add3A_2047, %jit3A_2048 : i32
        %ne3A_2066 = arith.constant 0 : i32
        %ne3A_2067 = arith.cmpi ne, %rem3A_2065, %ne3A_2066 : i32
        %and3A_2068 = arith.andi %ne3A_2064, %ne3A_2067 : i1
        %sub3A_2069 = arith.constant 1 : i32
        %sub3A_2070 = arith.subi %div3A_2049, %sub3A_2069 : i32
        %select_n3A_2071 = arith.select %and3A_2068, %sub3A_2070, %div3A_2049 : i32
        %mul3A_2072 = arith.constant 16 : i32
        %mul3A_2073 = arith.muli %select_n3A_2071, %mul3A_2072 : i32
        %get3A_2074 = arith.index_cast %mul3A_2073 : i32 to index
        %get3A_2075 = tpu.vector_load %arg13[%get3A_2074] {strides = array<i32>} : memref<10240xi32, #tpu.memory_space<vmem>>, vector<16xi32>,
        %jit3A_2076 = arith.constant 16 : i32
        %eq3A_2077 = arith.constant 0 : i32
        %eq3A_2078 = arith.cmpi eq, %jit3A_2076, %eq3A_2077 : i32
        %jit3A_2079 = arith.constant 1 : i32
        %select_n3A_2080 = arith.select %eq3A_2078, %jit3A_2079, %jit3A_2076 : i32
        %rem3A_2081 = arith.remsi %add3A_2047, %select_n3A_2080 : i32
        %ne3A_2082 = arith.constant 0 : i32
        %ne3A_2083 = arith.cmpi ne, %rem3A_2081, %ne3A_2082 : i32
        %lt3A_2084 = arith.constant 0 : i32
        %lt3A_2085 = arith.cmpi slt, %rem3A_2081, %lt3A_2084 : i32
        %lt3A_2086 = arith.constant 0 : i32
        %lt3A_2087 = arith.cmpi slt, %select_n3A_2080, %lt3A_2086 : i32
        %ne3A_2088 = arith.xori %lt3A_2085, %lt3A_2087 : i1
        %and3A_2089 = arith.andi %ne3A_2088, %ne3A_2083 : i1
        %add3A_2090 = arith.addi %rem3A_2081, %select_n3A_2080 : i32
        %select_n3A_2091 = arith.select %and3A_2089, %add3A_2090, %rem3A_2081 : i32
        %broadcast_in_dim3A_2092 = vector.broadcast %select_n3A_2091 : i32 to vector<16xi32>
        %broadcast_in_dim3A_2093 = vector.shape_cast %broadcast_in_dim3A_2092 : vector<16xi32> to vector<16x1xi32>
        %gather3A_2094 = vector.shape_cast %broadcast_in_dim3A_2093 : vector<16x1xi32> to vector<16xi32>
        %gather3A_2095 = tpu.dynamic_gather %get3A_2075[%gather3A_2094] in [0] : vector<16xi32>, vector<16xi32> -> vector<16xi32>
        %mul3A_2096 = arith.constant 21 : i32
        %mul3A_2097 = arith.muli %scan3A_348, %mul3A_2096 : i32
        %add3A_2098 = arith.constant 18 : i32
        %add3A_2099 = arith.addi %mul3A_2097, %add3A_2098 : i32
        %add3A_2100 = arith.addi %gather3A_2095, %iota3A : vector<16xi32>
        %broadcast_in_dim3A_2101 = vector.broadcast %add3A_2044 : i32 to vector<16xi32>
        %add3A_2102 = arith.constant 0 : i32
        %add3A_2103 = vector.broadcast %add3A_2102 : i32 to vector<16xi32>
        %add3A_2104 = arith.addi %add3A_2100, %add3A_2103 : vector<16xi32>
        %gather3A_2105 = tpu.vector_load_idx %arg19[%broadcast_in_dim3A_2101, %add3A_2104] : memref<320x128xf32, #tpu.memory_space<vmem>>[vector<16xi32>, vector<16xi32>], vector<16xf32>,
        %broadcast_in_dim3A_2106 = vector.broadcast %add3A_2044 : i32 to vector<16xi32>
        %add3A_2107 = arith.constant 16 : i32
        %add3A_2108 = vector.broadcast %add3A_2107 : i32 to vector<16xi32>
        %add3A_2109 = arith.addi %add3A_2100, %add3A_2108 : vector<16xi32>
        %gather3A_2110 = tpu.vector_load_idx %arg19[%broadcast_in_dim3A_2106, %add3A_2109] : memref<320x128xf32, #tpu.memory_space<vmem>>[vector<16xi32>, vector<16xi32>], vector<16xf32>,
        %broadcast_in_dim3A_2111 = vector.broadcast %add3A_2044 : i32 to vector<16xi32>
        %add3A_2112 = arith.constant 32 : i32
        %add3A_2113 = vector.broadcast %add3A_2112 : i32 to vector<16xi32>
        %add3A_2114 = arith.addi %add3A_2100, %add3A_2113 : vector<16xi32>
        %gather3A_2115 = tpu.vector_load_idx %arg19[%broadcast_in_dim3A_2111, %add3A_2114] : memref<320x128xf32, #tpu.memory_space<vmem>>[vector<16xi32>, vector<16xi32>], vector<16xf32>,
        %broadcast_in_dim3A_2116 = vector.broadcast %add3A_2044 : i32 to vector<16xi32>
        %add3A_2117 = arith.constant 48 : i32
        %add3A_2118 = vector.broadcast %add3A_2117 : i32 to vector<16xi32>
        %add3A_2119 = arith.addi %add3A_2100, %add3A_2118 : vector<16xi32>
        %gather3A_2120 = tpu.vector_load_idx %arg19[%broadcast_in_dim3A_2116, %add3A_2119] : memref<320x128xf32, #tpu.memory_space<vmem>>[vector<16xi32>, vector<16xi32>], vector<16xf32>,
        %mul3A_2121 = arith.mulf %gather3A_394, %gather3A_2105 : vector<16xf32>
        %mul3A_2122 = arith.mulf %gather3A_399, %gather3A_2110 : vector<16xf32>
        %add3A_2123 = arith.addf %mul3A_2121, %mul3A_2122 : vector<16xf32>
        %mul3A_2124 = arith.mulf %gather3A_404, %gather3A_2115 : vector<16xf32>
        %mul3A_2125 = arith.mulf %gather3A_409, %gather3A_2120 : vector<16xf32>
        %add3A_2126 = arith.addf %mul3A_2124, %mul3A_2125 : vector<16xf32>
        %add3A_2127 = arith.addf %add3A_2123, %add3A_2126 : vector<16xf32>
        %broadcast_in_dim3A_2128 = arith.constant true
        %broadcast_in_dim3A_2129 = vector.broadcast %broadcast_in_dim3A_2128 : i1 to vector<16xi1>
        %masked_cumsum3A_2130 = tpu.scan <sum>, %add3A_2127 masked %broadcast_in_dim3A_2129 : vector<16xf32>, vector<16xi1> -> vector<16xf32>
        %broadcast_in_dim3A_2131 = vector.broadcast %add3A_2099 : i32 to vector<16xi32>
        tpu.vector_store_idx %arg20[%broadcast_in_dim3A_2131], %masked_cumsum3A_2130 masked %eq3A_28 : memref<336xf32, #tpu.memory_space<vmem>>[vector<16xi32>], vector<16xf32>, vector<16xi1>
        %mul3A_2132 = arith.constant 20 : i32
        %mul3A_2133 = arith.muli %scan3A_348, %mul3A_2132 : i32
        %add3A_2134 = arith.constant 18 : i32
        %add3A_2135 = arith.addi %mul3A_2133, %add3A_2134 : i32
        %mul3A_2136 = arith.constant 320 : i32
        %mul3A_2137 = arith.muli %add3A_235, %mul3A_2136 : i32
        %add3A_2138 = arith.addi %mul3A_2137, %add3A_2135 : i32
        %jit3A_2139 = arith.constant 16 : i32
        %div3A_2140 = arith.divsi %add3A_2138, %jit3A_2139 : i32
        %sign3A_2141 = arith.constant 0 : i32
        %sign3A_2142 = arith.cmpi sgt, %add3A_2138, %sign3A_2141 : i32
        %sign3A_2143 = arith.extui %sign3A_2142 : i1 to i32
        %sign3A_2144 = arith.constant 0 : i32
        %sign3A_2145 = arith.cmpi slt, %add3A_2138, %sign3A_2144 : i32
        %sign3A_2146 = arith.extui %sign3A_2145 : i1 to i32
        %sign3A_2147 = arith.subi %sign3A_2143, %sign3A_2146 : i32
        %sign3A_2148 = arith.constant 0 : i32
        %sign3A_2149 = arith.cmpi sgt, %jit3A_2139, %sign3A_2148 : i32
        %sign3A_2150 = arith.extui %sign3A_2149 : i1 to i32
        %sign3A_2151 = arith.constant 0 : i32
        %sign3A_2152 = arith.cmpi slt, %jit3A_2139, %sign3A_2151 : i32
        %sign3A_2153 = arith.extui %sign3A_2152 : i1 to i32
        %sign3A_2154 = arith.subi %sign3A_2150, %sign3A_2153 : i32
        %ne3A_2155 = arith.cmpi ne, %sign3A_2147, %sign3A_2154 : i32
        %rem3A_2156 = arith.remsi %add3A_2138, %jit3A_2139 : i32
        %ne3A_2157 = arith.constant 0 : i32
        %ne3A_2158 = arith.cmpi ne, %rem3A_2156, %ne3A_2157 : i32
        %and3A_2159 = arith.andi %ne3A_2155, %ne3A_2158 : i1
        %sub3A_2160 = arith.constant 1 : i32
        %sub3A_2161 = arith.subi %div3A_2140, %sub3A_2160 : i32
        %select_n3A_2162 = arith.select %and3A_2159, %sub3A_2161, %div3A_2140 : i32
        %mul3A_2163 = arith.constant 16 : i32
        %mul3A_2164 = arith.muli %select_n3A_2162, %mul3A_2163 : i32
        %get3A_2165 = arith.index_cast %mul3A_2164 : i32 to index
        %get3A_2166 = tpu.vector_load %arg13[%get3A_2165] {strides = array<i32>} : memref<10240xi32, #tpu.memory_space<vmem>>, vector<16xi32>,
        %jit3A_2167 = arith.constant 16 : i32
        %eq3A_2168 = arith.constant 0 : i32
        %eq3A_2169 = arith.cmpi eq, %jit3A_2167, %eq3A_2168 : i32
        %jit3A_2170 = arith.constant 1 : i32
        %select_n3A_2171 = arith.select %eq3A_2169, %jit3A_2170, %jit3A_2167 : i32
        %rem3A_2172 = arith.remsi %add3A_2138, %select_n3A_2171 : i32
        %ne3A_2173 = arith.constant 0 : i32
        %ne3A_2174 = arith.cmpi ne, %rem3A_2172, %ne3A_2173 : i32
        %lt3A_2175 = arith.constant 0 : i32
        %lt3A_2176 = arith.cmpi slt, %rem3A_2172, %lt3A_2175 : i32
        %lt3A_2177 = arith.constant 0 : i32
        %lt3A_2178 = arith.cmpi slt, %select_n3A_2171, %lt3A_2177 : i32
        %ne3A_2179 = arith.xori %lt3A_2176, %lt3A_2178 : i1
        %and3A_2180 = arith.andi %ne3A_2179, %ne3A_2174 : i1
        %add3A_2181 = arith.addi %rem3A_2172, %select_n3A_2171 : i32
        %select_n3A_2182 = arith.select %and3A_2180, %add3A_2181, %rem3A_2172 : i32
        %broadcast_in_dim3A_2183 = vector.broadcast %select_n3A_2182 : i32 to vector<16xi32>
        %broadcast_in_dim3A_2184 = vector.shape_cast %broadcast_in_dim3A_2183 : vector<16xi32> to vector<16x1xi32>
        %gather3A_2185 = vector.shape_cast %broadcast_in_dim3A_2184 : vector<16x1xi32> to vector<16xi32>
        %gather3A_2186 = tpu.dynamic_gather %get3A_2166[%gather3A_2185] in [0] : vector<16xi32>, vector<16xi32> -> vector<16xi32>
        %mul3A_2187 = arith.constant 21 : i32
        %mul3A_2188 = arith.muli %scan3A_348, %mul3A_2187 : i32
        %add3A_2189 = arith.constant 19 : i32
        %add3A_2190 = arith.addi %mul3A_2188, %add3A_2189 : i32
        %add3A_2191 = arith.addi %gather3A_2186, %iota3A : vector<16xi32>
        %broadcast_in_dim3A_2192 = vector.broadcast %add3A_2135 : i32 to vector<16xi32>
        %add3A_2193 = arith.constant 0 : i32
        %add3A_2194 = vector.broadcast %add3A_2193 : i32 to vector<16xi32>
        %add3A_2195 = arith.addi %add3A_2191, %add3A_2194 : vector<16xi32>
        %gather3A_2196 = tpu.vector_load_idx %arg19[%broadcast_in_dim3A_2192, %add3A_2195] : memref<320x128xf32, #tpu.memory_space<vmem>>[vector<16xi32>, vector<16xi32>], vector<16xf32>,
        %broadcast_in_dim3A_2197 = vector.broadcast %add3A_2135 : i32 to vector<16xi32>
        %add3A_2198 = arith.constant 16 : i32
        %add3A_2199 = vector.broadcast %add3A_2198 : i32 to vector<16xi32>
        %add3A_2200 = arith.addi %add3A_2191, %add3A_2199 : vector<16xi32>
        %gather3A_2201 = tpu.vector_load_idx %arg19[%broadcast_in_dim3A_2197, %add3A_2200] : memref<320x128xf32, #tpu.memory_space<vmem>>[vector<16xi32>, vector<16xi32>], vector<16xf32>,
        %broadcast_in_dim3A_2202 = vector.broadcast %add3A_2135 : i32 to vector<16xi32>
        %add3A_2203 = arith.constant 32 : i32
        %add3A_2204 = vector.broadcast %add3A_2203 : i32 to vector<16xi32>
        %add3A_2205 = arith.addi %add3A_2191, %add3A_2204 : vector<16xi32>
        %gather3A_2206 = tpu.vector_load_idx %arg19[%broadcast_in_dim3A_2202, %add3A_2205] : memref<320x128xf32, #tpu.memory_space<vmem>>[vector<16xi32>, vector<16xi32>], vector<16xf32>,
        %broadcast_in_dim3A_2207 = vector.broadcast %add3A_2135 : i32 to vector<16xi32>
        %add3A_2208 = arith.constant 48 : i32
        %add3A_2209 = vector.broadcast %add3A_2208 : i32 to vector<16xi32>
        %add3A_2210 = arith.addi %add3A_2191, %add3A_2209 : vector<16xi32>
        %gather3A_2211 = tpu.vector_load_idx %arg19[%broadcast_in_dim3A_2207, %add3A_2210] : memref<320x128xf32, #tpu.memory_space<vmem>>[vector<16xi32>, vector<16xi32>], vector<16xf32>,
        %mul3A_2212 = arith.mulf %gather3A_394, %gather3A_2196 : vector<16xf32>
        %mul3A_2213 = arith.mulf %gather3A_399, %gather3A_2201 : vector<16xf32>
        %add3A_2214 = arith.addf %mul3A_2212, %mul3A_2213 : vector<16xf32>
        %mul3A_2215 = arith.mulf %gather3A_404, %gather3A_2206 : vector<16xf32>
        %mul3A_2216 = arith.mulf %gather3A_409, %gather3A_2211 : vector<16xf32>
        %add3A_2217 = arith.addf %mul3A_2215, %mul3A_2216 : vector<16xf32>
        %add3A_2218 = arith.addf %add3A_2214, %add3A_2217 : vector<16xf32>
        %broadcast_in_dim3A_2219 = arith.constant true
        %broadcast_in_dim3A_2220 = vector.broadcast %broadcast_in_dim3A_2219 : i1 to vector<16xi1>
        %masked_cumsum3A_2221 = tpu.scan <sum>, %add3A_2218 masked %broadcast_in_dim3A_2220 : vector<16xf32>, vector<16xi1> -> vector<16xf32>
        %broadcast_in_dim3A_2222 = vector.broadcast %add3A_2190 : i32 to vector<16xi32>
        tpu.vector_store_idx %arg20[%broadcast_in_dim3A_2222], %masked_cumsum3A_2221 masked %eq3A_28 : memref<336xf32, #tpu.memory_space<vmem>>[vector<16xi32>], vector<16xf32>, vector<16xi1>
        %mul3A_2223 = arith.constant 20 : i32
        %mul3A_2224 = arith.muli %scan3A_348, %mul3A_2223 : i32
        %add3A_2225 = arith.constant 19 : i32
        %add3A_2226 = arith.addi %mul3A_2224, %add3A_2225 : i32
        %mul3A_2227 = arith.constant 320 : i32
        %mul3A_2228 = arith.muli %add3A_235, %mul3A_2227 : i32
        %add3A_2229 = arith.addi %mul3A_2228, %add3A_2226 : i32
        %jit3A_2230 = arith.constant 16 : i32
        %div3A_2231 = arith.divsi %add3A_2229, %jit3A_2230 : i32
        %sign3A_2232 = arith.constant 0 : i32
        %sign3A_2233 = arith.cmpi sgt, %add3A_2229, %sign3A_2232 : i32
        %sign3A_2234 = arith.extui %sign3A_2233 : i1 to i32
        %sign3A_2235 = arith.constant 0 : i32
        %sign3A_2236 = arith.cmpi slt, %add3A_2229, %sign3A_2235 : i32
        %sign3A_2237 = arith.extui %sign3A_2236 : i1 to i32
        %sign3A_2238 = arith.subi %sign3A_2234, %sign3A_2237 : i32
        %sign3A_2239 = arith.constant 0 : i32
        %sign3A_2240 = arith.cmpi sgt, %jit3A_2230, %sign3A_2239 : i32
        %sign3A_2241 = arith.extui %sign3A_2240 : i1 to i32
        %sign3A_2242 = arith.constant 0 : i32
        %sign3A_2243 = arith.cmpi slt, %jit3A_2230, %sign3A_2242 : i32
        %sign3A_2244 = arith.extui %sign3A_2243 : i1 to i32
        %sign3A_2245 = arith.subi %sign3A_2241, %sign3A_2244 : i32
        %ne3A_2246 = arith.cmpi ne, %sign3A_2238, %sign3A_2245 : i32
        %rem3A_2247 = arith.remsi %add3A_2229, %jit3A_2230 : i32
        %ne3A_2248 = arith.constant 0 : i32
        %ne3A_2249 = arith.cmpi ne, %rem3A_2247, %ne3A_2248 : i32
        %and3A_2250 = arith.andi %ne3A_2246, %ne3A_2249 : i1
        %sub3A_2251 = arith.constant 1 : i32
        %sub3A_2252 = arith.subi %div3A_2231, %sub3A_2251 : i32
        %select_n3A_2253 = arith.select %and3A_2250, %sub3A_2252, %div3A_2231 : i32
        %mul3A_2254 = arith.constant 16 : i32
        %mul3A_2255 = arith.muli %select_n3A_2253, %mul3A_2254 : i32
        %get3A_2256 = arith.index_cast %mul3A_2255 : i32 to index
        %get3A_2257 = tpu.vector_load %arg13[%get3A_2256] {strides = array<i32>} : memref<10240xi32, #tpu.memory_space<vmem>>, vector<16xi32>,
        %jit3A_2258 = arith.constant 16 : i32
        %eq3A_2259 = arith.constant 0 : i32
        %eq3A_2260 = arith.cmpi eq, %jit3A_2258, %eq3A_2259 : i32
        %jit3A_2261 = arith.constant 1 : i32
        %select_n3A_2262 = arith.select %eq3A_2260, %jit3A_2261, %jit3A_2258 : i32
        %rem3A_2263 = arith.remsi %add3A_2229, %select_n3A_2262 : i32
        %ne3A_2264 = arith.constant 0 : i32
        %ne3A_2265 = arith.cmpi ne, %rem3A_2263, %ne3A_2264 : i32
        %lt3A_2266 = arith.constant 0 : i32
        %lt3A_2267 = arith.cmpi slt, %rem3A_2263, %lt3A_2266 : i32
        %lt3A_2268 = arith.constant 0 : i32
        %lt3A_2269 = arith.cmpi slt, %select_n3A_2262, %lt3A_2268 : i32
        %ne3A_2270 = arith.xori %lt3A_2267, %lt3A_2269 : i1
        %and3A_2271 = arith.andi %ne3A_2270, %ne3A_2265 : i1
        %add3A_2272 = arith.addi %rem3A_2263, %select_n3A_2262 : i32
        %select_n3A_2273 = arith.select %and3A_2271, %add3A_2272, %rem3A_2263 : i32
        %broadcast_in_dim3A_2274 = vector.broadcast %select_n3A_2273 : i32 to vector<16xi32>
        %broadcast_in_dim3A_2275 = vector.shape_cast %broadcast_in_dim3A_2274 : vector<16xi32> to vector<16x1xi32>
        %gather3A_2276 = vector.shape_cast %broadcast_in_dim3A_2275 : vector<16x1xi32> to vector<16xi32>
        %gather3A_2277 = tpu.dynamic_gather %get3A_2257[%gather3A_2276] in [0] : vector<16xi32>, vector<16xi32> -> vector<16xi32>
        %mul3A_2278 = arith.constant 21 : i32
        %mul3A_2279 = arith.muli %scan3A_348, %mul3A_2278 : i32
        %add3A_2280 = arith.constant 20 : i32
        %add3A_2281 = arith.addi %mul3A_2279, %add3A_2280 : i32
        %add3A_2282 = arith.addi %gather3A_2277, %iota3A : vector<16xi32>
        %broadcast_in_dim3A_2283 = vector.broadcast %add3A_2226 : i32 to vector<16xi32>
        %add3A_2284 = arith.constant 0 : i32
        %add3A_2285 = vector.broadcast %add3A_2284 : i32 to vector<16xi32>
        %add3A_2286 = arith.addi %add3A_2282, %add3A_2285 : vector<16xi32>
        %gather3A_2287 = tpu.vector_load_idx %arg19[%broadcast_in_dim3A_2283, %add3A_2286] : memref<320x128xf32, #tpu.memory_space<vmem>>[vector<16xi32>, vector<16xi32>], vector<16xf32>,
        %broadcast_in_dim3A_2288 = vector.broadcast %add3A_2226 : i32 to vector<16xi32>
        %add3A_2289 = arith.constant 16 : i32
        %add3A_2290 = vector.broadcast %add3A_2289 : i32 to vector<16xi32>
        %add3A_2291 = arith.addi %add3A_2282, %add3A_2290 : vector<16xi32>
        %gather3A_2292 = tpu.vector_load_idx %arg19[%broadcast_in_dim3A_2288, %add3A_2291] : memref<320x128xf32, #tpu.memory_space<vmem>>[vector<16xi32>, vector<16xi32>], vector<16xf32>,
        %broadcast_in_dim3A_2293 = vector.broadcast %add3A_2226 : i32 to vector<16xi32>
        %add3A_2294 = arith.constant 32 : i32
        %add3A_2295 = vector.broadcast %add3A_2294 : i32 to vector<16xi32>
        %add3A_2296 = arith.addi %add3A_2282, %add3A_2295 : vector<16xi32>
        %gather3A_2297 = tpu.vector_load_idx %arg19[%broadcast_in_dim3A_2293, %add3A_2296] : memref<320x128xf32, #tpu.memory_space<vmem>>[vector<16xi32>, vector<16xi32>], vector<16xf32>,
        %broadcast_in_dim3A_2298 = vector.broadcast %add3A_2226 : i32 to vector<16xi32>
        %add3A_2299 = arith.constant 48 : i32
        %add3A_2300 = vector.broadcast %add3A_2299 : i32 to vector<16xi32>
        %add3A_2301 = arith.addi %add3A_2282, %add3A_2300 : vector<16xi32>
        %gather3A_2302 = tpu.vector_load_idx %arg19[%broadcast_in_dim3A_2298, %add3A_2301] : memref<320x128xf32, #tpu.memory_space<vmem>>[vector<16xi32>, vector<16xi32>], vector<16xf32>,
        %mul3A_2303 = arith.mulf %gather3A_394, %gather3A_2287 : vector<16xf32>
        %mul3A_2304 = arith.mulf %gather3A_399, %gather3A_2292 : vector<16xf32>
        %add3A_2305 = arith.addf %mul3A_2303, %mul3A_2304 : vector<16xf32>
        %mul3A_2306 = arith.mulf %gather3A_404, %gather3A_2297 : vector<16xf32>
        %mul3A_2307 = arith.mulf %gather3A_409, %gather3A_2302 : vector<16xf32>
        %add3A_2308 = arith.addf %mul3A_2306, %mul3A_2307 : vector<16xf32>
        %add3A_2309 = arith.addf %add3A_2305, %add3A_2308 : vector<16xf32>
        %broadcast_in_dim3A_2310 = arith.constant true
        %broadcast_in_dim3A_2311 = vector.broadcast %broadcast_in_dim3A_2310 : i1 to vector<16xi1>
        %masked_cumsum3A_2312 = tpu.scan <sum>, %add3A_2309 masked %broadcast_in_dim3A_2311 : vector<16xf32>, vector<16xi1> -> vector<16xf32>
        %broadcast_in_dim3A_2313 = vector.broadcast %add3A_2281 : i32 to vector<16xi32>
        tpu.vector_store_idx %arg20[%broadcast_in_dim3A_2313], %masked_cumsum3A_2312 masked %eq3A_28 : memref<336xf32, #tpu.memory_space<vmem>>[vector<16xi32>], vector<16xf32>, vector<16xi1>
        %scan3A_2314 = arith.constant 0 : i32
        scf.yield %scan3A_2314 : i32
      }
      %scan3A_344 = arith.constant 16 : i32
      %mul3A_345 = arith.constant 21 : i32
      %mul3A_346 = arith.muli %add3A_337, %mul3A_345 : i32
      "tpu.region"() ({
        %run_scoped3A = tpu.sem_alloc : memref<!tpu.dma_semaphore, #tpu.memory_space<semaphore_mem>>
        %dma_start3A_348 = tpu.memref_slice %arg7[%mul3A_346] : memref<344064xf32, #tpu.memory_space<hbm>> -> memref<336xf32, #tpu.memory_space<hbm>>
        %dma_start3A_349 = tpu.memref_slice %arg7[%mul3A_346] : memref<344064xf32, #tpu.memory_space<hbm>> -> memref<336xf32, #tpu.memory_space<hbm>>
        tpu.enqueue_dma source(%arg20 : memref<336xf32, #tpu.memory_space<vmem>>) target(%dma_start3A_349 : memref<336xf32, #tpu.memory_space<hbm>>) target_semaphore(%run_scoped3A : memref<!tpu.dma_semaphore, #tpu.memory_space<semaphore_mem>>)
        %dma_wait3A_350 = tpu.memref_slice %arg7[%mul3A_346] : memref<344064xf32, #tpu.memory_space<hbm>> -> memref<336xf32, #tpu.memory_space<hbm>>
        %dma_wait3A_351 = tpu.memref_slice %arg7[%mul3A_346] : memref<344064xf32, #tpu.memory_space<hbm>> -> memref<336xf32, #tpu.memory_space<hbm>>
        tpu.wait_dma2 semaphore(%run_scoped3A : memref<!tpu.dma_semaphore, #tpu.memory_space<semaphore_mem>>) src(%arg20 : memref<336xf32, #tpu.memory_space<vmem>>) dst(%dma_wait3A_351 : memref<336xf32, #tpu.memory_space<hbm>>)
        tpu.yield
      }) : () -> ()
      %scan3A_347 = arith.constant 0 : i32
      scf.yield %scan3A_347 : i32
    }
    %scan3A_68 = arith.constant 16 : i32
    %dma_wait3A = arith.constant 0 : i32
    %dma_wait3A_69 = arith.constant 0 : i32
    %dma_wait3A_70 = tpu.memref_slice %arg5[%dma_wait3A, %dma_wait3A_69] : memref<524288x128xf32, #tpu.memory_space<hbm>> -> memref<16x128xf32, #tpu.memory_space<hbm>>
    %dma_wait3A_71 = arith.constant 0 : i32
    %dma_wait3A_72 = arith.constant 0 : i32
    %dma_wait3A_73 = tpu.memref_slice %arg5[%dma_wait3A_71, %dma_wait3A_72] : memref<524288x128xf32, #tpu.memory_space<hbm>> -> memref<16x128xf32, #tpu.memory_space<hbm>>
    tpu.wait_dma2 semaphore(%arg21 : memref<!tpu.dma_semaphore, #tpu.memory_space<semaphore_mem>>) src(%dma_wait3A_73 : memref<16x128xf32, #tpu.memory_space<hbm>>) dst(%arg14 : memref<16x128xf32, #tpu.memory_space<vmem>>)
    %dma_wait3A_74 = arith.constant 0 : i32
    %dma_wait3A_75 = arith.constant 0 : i32
    %dma_wait3A_76 = tpu.memref_slice %arg6[%dma_wait3A_74, %dma_wait3A_75] : memref<524288x128xf32, #tpu.memory_space<hbm>> -> memref<16x128xf32, #tpu.memory_space<hbm>>
    %dma_wait3A_77 = arith.constant 0 : i32
    %dma_wait3A_78 = arith.constant 0 : i32
    %dma_wait3A_79 = tpu.memref_slice %arg6[%dma_wait3A_77, %dma_wait3A_78] : memref<524288x128xf32, #tpu.memory_space<hbm>> -> memref<16x128xf32, #tpu.memory_space<hbm>>
    tpu.wait_dma2 semaphore(%arg21 : memref<!tpu.dma_semaphore, #tpu.memory_space<semaphore_mem>>) src(%dma_wait3A_79 : memref<16x128xf32, #tpu.memory_space<hbm>>) dst(%arg15 : memref<16x128xf32, #tpu.memory_space<vmem>>)
    %dma_wait3A_80 = arith.constant 0 : i32
    %dma_wait3A_81 = arith.constant 0 : i32
    %dma_wait3A_82 = tpu.memref_slice %arg16[%dma_wait3A_80, %dma_wait3A_81] : memref<320x128xf32, #tpu.memory_space<vmem>> -> memref<128x128xf32, #tpu.memory_space<vmem>>
    %dma_wait3A_83 = arith.constant 0 : i32
    %dma_wait3A_84 = arith.constant 0 : i32
    %dma_wait3A_85 = tpu.memref_slice %arg6[%dma_wait3A_83, %dma_wait3A_84] : memref<524288x128xf32, #tpu.memory_space<hbm>> -> memref<128x128xf32, #tpu.memory_space<hbm>>
    %dma_wait3A_86 = arith.constant 0 : i32
    %dma_wait3A_87 = arith.constant 0 : i32
    %dma_wait3A_88 = tpu.memref_slice %arg16[%dma_wait3A_86, %dma_wait3A_87] : memref<320x128xf32, #tpu.memory_space<vmem>> -> memref<128x128xf32, #tpu.memory_space<vmem>>
    %dma_wait3A_89 = arith.constant 0 : i32
    %dma_wait3A_90 = arith.constant 0 : i32
    %dma_wait3A_91 = tpu.memref_slice %arg6[%dma_wait3A_89, %dma_wait3A_90] : memref<524288x128xf32, #tpu.memory_space<hbm>> -> memref<128x128xf32, #tpu.memory_space<hbm>>
    tpu.wait_dma2 semaphore(%arg21 : memref<!tpu.dma_semaphore, #tpu.memory_space<semaphore_mem>>) src(%dma_wait3A_91 : memref<128x128xf32, #tpu.memory_space<hbm>>) dst(%dma_wait3A_88 : memref<128x128xf32, #tpu.memory_space<vmem>>)
    %dma_wait3A_92 = arith.constant 128 : i32
    %dma_wait3A_93 = arith.constant 0 : i32
    %dma_wait3A_94 = tpu.memref_slice %arg16[%dma_wait3A_92, %dma_wait3A_93] : memref<320x128xf32, #tpu.memory_space<vmem>> -> memref<128x128xf32, #tpu.memory_space<vmem>>
    %dma_wait3A_95 = arith.constant 0 : i32
    %dma_wait3A_96 = arith.constant 0 : i32
    %dma_wait3A_97 = tpu.memref_slice %arg6[%dma_wait3A_95, %dma_wait3A_96] : memref<524288x128xf32, #tpu.memory_space<hbm>> -> memref<128x128xf32, #tpu.memory_space<hbm>>
    %dma_wait3A_98 = arith.constant 128 : i32
    %dma_wait3A_99 = arith.constant 0 : i32
    %dma_wait3A_100 = tpu.memref_slice %arg16[%dma_wait3A_98, %dma_wait3A_99] : memref<320x128xf32, #tpu.memory_space<vmem>> -> memref<128x128xf32, #tpu.memory_space<vmem>>
    %dma_wait3A_101 = arith.constant 0 : i32
    %dma_wait3A_102 = arith.constant 0 : i32
    %dma_wait3A_103 = tpu.memref_slice %arg6[%dma_wait3A_101, %dma_wait3A_102] : memref<524288x128xf32, #tpu.memory_space<hbm>> -> memref<128x128xf32, #tpu.memory_space<hbm>>
    tpu.wait_dma2 semaphore(%arg21 : memref<!tpu.dma_semaphore, #tpu.memory_space<semaphore_mem>>) src(%dma_wait3A_103 : memref<128x128xf32, #tpu.memory_space<hbm>>) dst(%dma_wait3A_100 : memref<128x128xf32, #tpu.memory_space<vmem>>)
    %dma_wait3A_104 = arith.constant 256 : i32
    %dma_wait3A_105 = arith.constant 0 : i32
    %dma_wait3A_106 = tpu.memref_slice %arg16[%dma_wait3A_104, %dma_wait3A_105] : memref<320x128xf32, #tpu.memory_space<vmem>> -> memref<64x128xf32, #tpu.memory_space<vmem>>
    %dma_wait3A_107 = arith.constant 0 : i32
    %dma_wait3A_108 = arith.constant 0 : i32
    %dma_wait3A_109 = tpu.memref_slice %arg6[%dma_wait3A_107, %dma_wait3A_108] : memref<524288x128xf32, #tpu.memory_space<hbm>> -> memref<64x128xf32, #tpu.memory_space<hbm>>
    %dma_wait3A_110 = arith.constant 256 : i32
    %dma_wait3A_111 = arith.constant 0 : i32
    %dma_wait3A_112 = tpu.memref_slice %arg16[%dma_wait3A_110, %dma_wait3A_111] : memref<320x128xf32, #tpu.memory_space<vmem>> -> memref<64x128xf32, #tpu.memory_space<vmem>>
    %dma_wait3A_113 = arith.constant 0 : i32
    %dma_wait3A_114 = arith.constant 0 : i32
    %dma_wait3A_115 = tpu.memref_slice %arg6[%dma_wait3A_113, %dma_wait3A_114] : memref<524288x128xf32, #tpu.memory_space<hbm>> -> memref<64x128xf32, #tpu.memory_space<hbm>>
    tpu.wait_dma2 semaphore(%arg21 : memref<!tpu.dma_semaphore, #tpu.memory_space<semaphore_mem>>) src(%dma_wait3A_115 : memref<64x128xf32, #tpu.memory_space<hbm>>) dst(%dma_wait3A_112 : memref<64x128xf32, #tpu.memory_space<vmem>>)
    return
  }
}

module attributes {stable_mosaic.version = 14 : i64} {
  func.func @_tc_transpose_body(%arg0: i32, %arg1: memref<64x8192xf32, #tpu.memory_space<vmem>>, %arg2: memref<64x8192xf32, #tpu.memory_space<vmem>>, %arg3: memref<8192x128xf32, #tpu.memory_space<vmem>>) attributes {dimension_semantics = [#tpu.dimension_semantics<arbitrary>], iteration_bounds = array<i64: 64>, scalar_prefetch = 0 : i64, scratch_operands = 0 : i64, tpu.core_type = #tpu.core_type<tc>, window_params = [{transform_indices = @transform_0, window_bounds = array<i64: 64, 8192>}, {transform_indices = @transform_1, window_bounds = array<i64: 64, 8192>}, {transform_indices = @transform_2, window_bounds = array<i64: 8192, 128>}]} {
    %get3A = arith.constant 0 : index
    %get3A_0 = arith.constant 0 : index
    %get3A_1 = vector.load %arg1[%get3A, %get3A_0] : memref<64x8192xf32, #tpu.memory_space<vmem>>, vector<64x8192xf32>
    %transpose3A = tpu.transpose %get3A_1, [1, 0] : vector<64x8192xf32> -> vector<8192x64xf32>
    %get3A_2 = arith.constant 0 : index
    %get3A_3 = arith.constant 0 : index
    %get3A_4 = vector.load %arg2[%get3A_2, %get3A_3] : memref<64x8192xf32, #tpu.memory_space<vmem>>, vector<64x8192xf32>
    %transpose3A_5 = tpu.transpose %get3A_4, [1, 0] : vector<64x8192xf32> -> vector<8192x64xf32>
    %concatenate3A = tpu.concatenate %transpose3A, %transpose3A_5 in 1 : vector<8192x64xf32>, vector<8192x64xf32> -> vector<8192x128xf32>
    %swap3A = arith.constant 0 : index
    %swap3A_6 = arith.constant 0 : index
    %swap3A_7 = vector.load %arg3[%swap3A, %swap3A_6] : memref<8192x128xf32, #tpu.memory_space<vmem>>, vector<8192x128xf32>
    tpu.vector_store %arg3[%swap3A, %swap3A_6], %concatenate3A {strides = array<i32>} : memref<8192x128xf32, #tpu.memory_space<vmem>>, vector<8192x128xf32>,
    return
  }
  func.func @transform_0(%arg0: i32) -> (i32, i32) {
    %c0_i32 = arith.constant 0 : i32
    %c0_i32_0 = arith.constant 0 : i32
    return %c0_i32, %arg0 : i32, i32
  }
  func.func @transform_1(%arg0: i32) -> (i32, i32) {
    %add3A = arith.constant 64 : i32
    %add3A_0 = arith.addi %arg0, %add3A : i32
    %min3A = arith.constant 122 : i32
    %min3A_1 = arith.minsi %add3A_0, %min3A : i32
    %c0_i32 = arith.constant 0 : i32
    %c0_i32_2 = arith.constant 0 : i32
    return %c0_i32, %min3A_1 : i32, i32
  }
  func.func @transform_2(%arg0: i32) -> (i32, i32) {
    %c0_i32 = arith.constant 0 : i32
    %c0_i32_0 = arith.constant 0 : i32
    return %arg0, %c0_i32 : i32, i32
  }
}

module attributes {stable_mosaic.version = 14 : i64} {
  func.func @_tc_loss_body(%arg0: memref<2688x128xf32, #tpu.memory_space<vmem>>, %arg1: memref<1x1xf32, #tpu.memory_space<vmem>>) attributes {dimension_semantics = [], scalar_prefetch = 0 : i64, scratch_operands = 0 : i64, tpu.core_type = #tpu.core_type<tc>} {
    %get3A = arith.constant 0 : index
    %get3A_0 = arith.constant 0 : index
    %get3A_1 = vector.load %arg0[%get3A, %get3A_0] : memref<2688x128xf32, #tpu.memory_space<vmem>>, vector<2688x128xf32>
    %iota3A = tpu.iota {dimensions = array<i32: 0>} : vector<2688x128xi32>
    %mul3A = arith.constant 128 : i32
    %mul3A_2 = vector.broadcast %mul3A : i32 to vector<2688x128xi32>
    %mul3A_3 = arith.muli %iota3A, %mul3A_2 : vector<2688x128xi32>
    %iota3A_4 = tpu.iota {dimensions = array<i32: 1>} : vector<2688x128xi32>
    %add3A = arith.addi %mul3A_3, %iota3A_4 : vector<2688x128xi32>
    %jit3A = arith.constant 21 : i32
    %eq3A = arith.constant 0 : i32
    %eq3A_5 = arith.cmpi eq, %jit3A, %eq3A : i32
    %jit3A_6 = arith.constant 1 : i32
    %select_n3A = arith.select %eq3A_5, %jit3A_6, %jit3A : i32
    %rem3A = vector.broadcast %select_n3A : i32 to vector<2688x128xi32>
    %rem3A_7 = arith.remsi %add3A, %rem3A : vector<2688x128xi32>
    %ne3A = arith.constant 0 : i32
    %ne3A_8 = vector.broadcast %ne3A : i32 to vector<2688x128xi32>
    %ne3A_9 = arith.cmpi ne, %rem3A_7, %ne3A_8 : vector<2688x128xi32>
    %lt3A = arith.constant 0 : i32
    %lt3A_10 = vector.broadcast %lt3A : i32 to vector<2688x128xi32>
    %lt3A_11 = arith.cmpi slt, %rem3A_7, %lt3A_10 : vector<2688x128xi32>
    %lt3A_12 = arith.constant 0 : i32
    %lt3A_13 = arith.cmpi slt, %select_n3A, %lt3A_12 : i32
    %ne3A_14 = vector.broadcast %lt3A_13 : i1 to vector<2688x128xi1>
    %ne3A_15 = vector.broadcast %ne3A_14 : vector<2688x128xi1> to vector<2688x128xi1>
    %ne3A_16 = arith.xori %lt3A_11, %ne3A_15 : vector<2688x128xi1>
    %and3A = arith.andi %ne3A_16, %ne3A_9 : vector<2688x128xi1>
    %add3A_17 = vector.broadcast %select_n3A : i32 to vector<2688x128xi32>
    %add3A_18 = arith.addi %rem3A_7, %add3A_17 : vector<2688x128xi32>
    %select_n3A_19 = arith.select %and3A, %add3A_18, %rem3A_7 : vector<2688x128xi1>, vector<2688x128xi32>
    %eq3A_20 = arith.constant 0 : i32
    %eq3A_21 = vector.broadcast %eq3A_20 : i32 to vector<2688x128xi32>
    %eq3A_22 = arith.cmpi eq, %select_n3A_19, %eq3A_21 : vector<2688x128xi32>
    %neg3A = arith.constant 0.000000e+00 : f32
    %neg3A_23 = vector.broadcast %neg3A : f32 to vector<2688x128xf32>
    %neg3A_24 = arith.subf %neg3A_23, %get3A_1 : vector<2688x128xf32>
    %select_n3A_25 = arith.select %eq3A_22, %get3A_1, %neg3A_24 : vector<2688x128xi1>, vector<2688x128xf32>
    %neg3A_26 = arith.constant 0.000000e+00 : f32
    %neg3A_27 = vector.broadcast %neg3A_26 : f32 to vector<2688x128xf32>
    %neg3A_28 = arith.subf %neg3A_27, %select_n3A_25 : vector<2688x128xf32>
    %max3A = arith.constant 0.000000e+00 : f32
    %max3A_29 = vector.broadcast %max3A : f32 to vector<2688x128xf32>
    %max3A_30 = arith.maximumf %neg3A_28, %max3A_29 : vector<2688x128xf32>
    %abs3A = math.absf %select_n3A_25 : vector<2688x128xf32>
    %neg3A_31 = arith.constant 0.000000e+00 : f32
    %neg3A_32 = vector.broadcast %neg3A_31 : f32 to vector<2688x128xf32>
    %neg3A_33 = arith.subf %neg3A_32, %abs3A : vector<2688x128xf32>
    %exp3A = math.exp %neg3A_33 : vector<2688x128xf32>
    %log1p3A = math.log1p %exp3A : vector<2688x128xf32>
    %add3A_34 = arith.addf %max3A_30, %log1p3A : vector<2688x128xf32>
    %neg3A_35 = arith.constant 0.000000e+00 : f32
    %neg3A_36 = vector.broadcast %neg3A_35 : f32 to vector<2688x128xf32>
    %neg3A_37 = arith.subf %neg3A_36, %add3A_34 : vector<2688x128xf32>
    %reduce_sum3A = vector.shape_cast %neg3A_37 : vector<2688x128xf32> to vector<1x2688x128xf32>
    %reduce_sum3A_38 = arith.constant dense<0.000000e+00> : vector<1xf32>
    %reduce_sum3A_39 = vector.multi_reduction <add>, %reduce_sum3A, %reduce_sum3A_38 [1, 2] : vector<1x2688x128xf32> to vector<1xf32>
    %reduce_sum3A_40 = vector.shape_cast %reduce_sum3A_39 : vector<1xf32> to vector<1x1x1xf32>
    %reduce_sum3A_41 = vector.extract %reduce_sum3A_40[0, 0, 0] : f32 from vector<1x1x1xf32>
    %neg3A_42 = arith.constant 0.000000e+00 : f32
    %neg3A_43 = arith.subf %neg3A_42, %reduce_sum3A_41 : f32
    %div3A = arith.constant 1.638400e+04 : f32
    %div3A_44 = arith.divf %neg3A_43, %div3A : f32
    %reshape3A = vector.broadcast %div3A_44 : f32 to vector<1x1xf32>
    %swap3A = arith.constant 0 : index
    %swap3A_45 = arith.constant 0 : index
    %swap3A_46 = vector.load %arg1[%swap3A, %swap3A_45] : memref<1x1xf32, #tpu.memory_space<vmem>>, vector<1x1xf32>
    tpu.vector_store %arg1[%swap3A, %swap3A_45], %reshape3A {strides = array<i32>} : memref<1x1xf32, #tpu.memory_space<vmem>>, vector<1x1xf32>,
    return
  }
}

</mosaic_0001>

<sc_bundles>
// kernel: kernel.6.cloned.1.call-start
scs
__scs_entry_jumppad:
0x0: {  	(pc) =	sbr.rel $0x88, $3  }
0x1: {  	(tag) =	ssettag $0x0;
	lr =	simm.s32 $0x1  }
0x2: {  	[smem:$0x3F9C] =	sst lr;
	_ =	strace $0xD0000000  }
0x3: {  	_ = 	snop  }
0x4: {  	_ = 	snop  }
0x5: {  	_ = 	snop  }
0x6: {  	_ = 	snop  }
0x7: {  	_ = 	snop  }
__scs_overlays_trampoline_lowered:
0x8: {  	[smem:$0x3FAB] =	sst s0  }
0x9: {  	[smem:$0x3FAC] =	sst s1  }
0xa: {  	[smem:$0x3FAD] =	sst s2  }
0xb: {  	[smem:$0x3FAE] =	sst s3  }
0xc: {  	[smem:$0x3FAF] =	sst s4  }
0xd: {  	[smem:$0x3FB0] =	sst s5  }
0xe: {  	[smem:$0x3FB1] =	sst s6  }
0xf: {  	[smem:$0x3FB2] =	sst s7  }
0x10: {  	[smem:$0x3FB3] =	sst s8  }
0x11: {  	[smem:$0x3FB4] =	sst s9;
	s0 =	simm.s32 @!p0 $0x0  }
0x12: {  	s1 =	sld [smem:$0x3F9A];
	s0 =	simm.s32 @p0 $0x1  }
0x13: {  	[smem:$0x3FB5] =	sst s0;
	s0 =	simm.s32 @!p1 $0x0  }
0x14: {  	s2 =	sld [smem:$0x3F99];
	s0 =	simm.s32 @p1 $0x1  }
0x15: {  	[smem:$0x3FB6] =	sst s0;
	s0 =	simm.s32 @!p2 $0x0  }
0x16: {  	s3 =	sld [smem:$0x3FDB];
	s0 =	simm.s32 @p2 $0x1  }
0x17: {  	s4 =	simm.s32 $0x1BF5;
	[smem:$0x3FB8] =	sst s0  }
0x18: {  	s0 =	sld [smem:$0x3F9B];
	_ =	swait.ge [sflag:s4], $0x0  }
0x19: {  	s7 =	sld [smem:$0x3F9C]  }
0x1a: {  	s8 =	sadd.s32 $0xFFFFE003, lr  }
0x1b: {  	s9 =	sadd.s32 $0xFFFFFEF7, lr;
	s5 =	simm.s32 $0xFFFFFFFF;
	p2 =	slt.u32 s8, $0xFFFFF086  }
0x1c: {  	p1 =	slt.u32 s9, $0xF7A;
	s5 =	simm.s32 @!p2 $0x0  }
0x1d: {  	s5 =	simm.s32 @p1 $0x1;
	p0 =	seq.s32 s7, s2  }
0x1e: {  	s7 =	smul.u32 @!p0 $0xF7A, s2;
	p2 =	seq.s32 @!p0 s5, $0x0  }
0x1f: {  	s9 =	smul.u32 $0xF7A, s1;
	s8 =	simm.s32 @!p0 $0x1BF5;
	p2 =	por !p2, p0  }
0x20: {  	[sflag:s8] =	ssyncset.s32 @!p0 $0xFFFFF086;
	s6 =	sadd.s32 @!p0 s3, s7;
	s7 =	simm.s32 @!p0 $0x108  }
0x21: {  	s3 =	sadd.s32 s3, s9;
	s6 =	sadd.s32 @!p0 $0x88, s6;
	s7 =	simm.s32 @p2 $0x1082  }
0x22: {  	[simem:s7], [sflag:s8] =	dma.local @!p0 [hbm:s6], $0xF7A  }
0x23: {  	s9 =	sor.u32 $0xD0000000, s2;
	s6 =	simm.s32 $0x108;
	_ =	swait.ge @!p0 [sflag:s8], $0x0  }
0x24: {  	s3 =	sadd.s32 $0x88, s3;
	s6 =	simm.s32 @!p1 $0x1082;
	[sflag:s4] =	ssyncset.s32 $0xFFFFF086  }
0x25: {  	[simem:s6], [sflag:s4] =	dma.local [hbm:s3], $0xF7A  }
0x26: {  	[smem:$0x3F9C] =	sst s1;
	(tag) =	ssettag s2;
	_ =	strace s9  }
0x27: {  	s1 =	sld [smem:$0x3FAC]  }
0x28: {  	s2 =	sld [smem:$0x3FAD]  }
0x29: {  	s4 =	sld [smem:$0x3FAF]  }
0x2a: {  	p0 =	seq.s32 s5, $0x0;
	s5 =	sld [smem:$0x3FB0]  }
0x2b: {  	s6 =	sld [smem:$0x3FB1]  }
0x2c: {  	s7 =	sld [smem:$0x3FB2]  }
0x2d: {  	s3 =	simm.s32 $0x108;
	s8 =	sld [smem:$0x3FB3]  }
0x2e: {  	s3 =	simm.s32 @!p0 $0x1082;
	s9 =	sld [smem:$0x3FB4]  }
0x2f: {  	lr =	sadd.s32 s0, s3;
	s0 =	sld [smem:$0x3FAB]  }
0x30: {  	s3 =	sld [smem:$0x3FAE]  }
0x31: {  	[smem:$0x3FB7] =	sst s10  }
0x32: {  	s10 =	sld [smem:$0x3FB5];
	_ =	sdelay $0x3  }
0x33: {  	p0 =	seq.s32 s10, $0x1;
	s10 =	sld [smem:$0x3FB7];
	_ =	sdelay $0x3  }
0x34: {  	[smem:$0x3FB7] =	sst s10  }
0x35: {  	s10 =	sld [smem:$0x3FB6];
	_ =	sdelay $0x3  }
0x36: {  	p1 =	seq.s32 s10, $0x1;
	s10 =	sld [smem:$0x3FB7];
	_ =	sdelay $0x3  }
0x37: {  	[smem:$0x3FB7] =	sst s10  }
0x38: {  	s10 =	sld [smem:$0x3FB8]  }
0x39: {  	_ = 	snop;
	(pc) =	sbr.ind lr, $3  }
0x3a: {  	_ = 	snop  }
0x3b: {  	_ = 	snop  }
0x3c: {  	p2 =	seq.s32 s10, $0x1;
	s10 =	sld [smem:$0x3FB7]  }
0x3d: {  	_ =	shalt  }
0x3e: {  	_ =	shalt  }
0x3f: {  	_ =	shalt  }
0x40: {  	_ =	shalt  }
0x41: {  	_ =	shalt  }
0x42: {  	_ =	shalt  }
0x43: {  	_ =	shalt  }
0x44: {  	_ =	shalt  }
0x45: {  	_ =	shalt  }
0x46: {  	_ =	shalt  }
0x47: {  	_ =	shalt  }
0x48: {  	_ =	shalt  }
0x49: {  	_ =	shalt  }
0x4a: {  	_ =	shalt  }
0x4b: {  	_ =	shalt  }
0x4c: {  	_ =	shalt  }
0x4d: {  	_ =	shalt  }
0x4e: {  	_ =	shalt  }
0x4f: {  	_ =	shalt  }
0x50: {  	_ =	shalt  }
0x51: {  	_ =	shalt  }
0x52: {  	_ =	shalt  }
0x53: {  	_ =	shalt  }
0x54: {  	_ =	shalt  }
0x55: {  	_ =	shalt  }
0x56: {  	_ =	shalt  }
0x57: {  	_ =	shalt  }
0x58: {  	_ =	shalt  }
0x59: {  	_ =	shalt  }
0x5a: {  	_ =	shalt  }
0x5b: {  	_ =	shalt  }
0x5c: {  	_ =	shalt  }
0x5d: {  	_ =	shalt  }
0x5e: {  	_ =	shalt  }
0x5f: {  	_ =	shalt  }
0x60: {  	_ =	shalt  }
0x61: {  	_ =	shalt  }
0x62: {  	_ =	shalt  }
0x63: {  	_ =	shalt  }
0x64: {  	_ =	shalt  }
0x65: {  	_ =	shalt  }
0x66: {  	_ =	shalt  }
0x67: {  	_ =	shalt  }
0x68: {  	_ =	shalt  }
0x69: {  	_ =	shalt  }
0x6a: {  	_ =	shalt  }
0x6b: {  	_ =	shalt  }
0x6c: {  	_ =	shalt  }
0x6d: {  	_ =	shalt  }
0x6e: {  	_ =	shalt  }
0x6f: {  	_ =	shalt  }
0x70: {  	_ =	shalt  }
0x71: {  	_ =	shalt  }
0x72: {  	_ =	shalt  }
0x73: {  	_ =	shalt  }
0x74: {  	_ =	shalt  }
0x75: {  	_ =	shalt  }
0x76: {  	_ =	shalt  }
0x77: {  	_ =	shalt  }
0x78: {  	_ =	shalt  }
0x79: {  	_ =	shalt  }
0x7a: {  	_ =	shalt  }
0x7b: {  	_ =	shalt  }
0x7c: {  	_ =	shalt  }
0x7d: {  	_ =	shalt  }
0x7e: {  	_ =	shalt  }
0x7f: {  	_ =	shalt  }
0x80: {  	_ =	shalt  }
0x81: {  	_ =	shalt  }
0x82: {  	_ =	shalt  }
0x83: {  	_ =	shalt  }
0x84: {  	_ =	shalt  }
0x85: {  	_ =	shalt  }
0x86: {  	_ =	shalt  }
0x87: {  	_ =	shalt  }
.Lfunc_end0:
.L_simem_size_0:
called_computation_lowered:
.L_overlay_start_0:
0x88: {  	s2 =	sld [smem:$0x3FD9]  }
0x89: {  	s3 =	sld [smem:$0x3FFE];
	_ =	sdelay $0x1  }
0x8a: {  	s1 =	srdreg.scid  }
0x8b: {  	s0 =	sand.u32 $0x1, s1  }
0x8c: {  	s17 =	sshll.u32 s0, $0xA;
	s2 =	sadd.s32 s3, s2  }
0x8d: {  	s2 =	sadd.s32 s2, s17  }
0x8e: {  	[smem:$0x3FC3] =	sst s2  }
0x8f: {  	_ = 	snop  }
0x90: {  	s2 =	sld [smem:$0x3FC9]  }
0x91: {  	s18 =	sld [smem:$0x3FC8];
	(tm) =	ssettm $0x1  }
0x92: {  	s4 =	sld [smem:$0x3FFB];
	_ =	sdelay $0x3  }
0x93: {  	_ =	strace s4  }
0x94: {  	s4 =	sld [smem:$0x3FFC];
	_ =	sdelay $0x3  }
0x95: {  	_ =	strace s4  }
0x96: {  	s4 =	sld [smem:$0x3FFD];
	_ =	sdelay $0x3  }
0x97: {  	_ =	strace s4  }
0x98: {  	_ =	strace $0x8FFFFFFF  }
0x99: {  	s19 =	sld [smem:$0x3FDB];
	_ =	sdelay $0x1  }
0x9a: {  	s5 =	simm.s32 $_scs_section_size  }
0x9b: {  	s6 =	simm.s32 $_size__tile_overlayer_lowered;
	s7 =	simm.s32 $_tile_overlayer_lowered  }
0x9c: {  	s22 =	simm.s32 $0x1BFF;
	s21 =	sshll.u32 s7, $0x1;
	s4 =	sadd.s32 s5, s19  }
0x9d: {  	s8 =	simm.s32 $0x0;
	s20 =	sshll.u32 s6, $0x1;
	s6 =	sadd.s32 s21, s4  }
0x9e: {  	[timem:s8], [sflag:s22] =	dma.local [hbm:s6], s20  }
0x9f: {  	_ =	swait.ge [sflag:s22], s20  }
0xa0: {  	s5 =	ssub.s32 $0x0, s20;
	[sflag:s22] =	ssyncset.done $0x0  }
0xa1: {  	[sflag:s22] =	ssyncadd.s32 s5;
	_ =	sdelay $0x1  }
0xa2: {  	s23 =	simm.s32 $0x1B8B  }
0xa3: {  	_ =	swait.ge [sflag:s23], $0x1  }
0xa4: {  	[sflag:s23] =	ssyncset.done $0x0  }
0xa5: {  	s25 =	simm.s32 $0x1B8E;
	s24 =	sld [smem:$0x3FFE];
	[sflag:s23] =	ssyncadd.s32 $0xFFFFFFFF  }
0xa6: {  	s26 =	simm.s32 $execute0_lowered;
	[smem:$0x3FD2] =	sst s25  }
0xa7: {  	s6 =	sshll.u32 s26, $0x1;
	_ =	strace $0x80000046;
	[dreg:$0x1] =	wrdreg $0xFFFFFFFF  }
0xa8: {  	s28 =	simm.s32 $_size_execute0_lowered;
	s4 =	sadd.s32 s4, s6;
	[dreg:$0x0] =	wrdreg $0x0  }
0xa9: {  	s6 =	sshll.u32 s28, $0x1;
	[dreg:$0x2] =	wrdreg s4  }
0xaa: {  	[dreg:$0x3] =	wrdreg s6  }
0xab: {  	[dreg:$0x4] =	wrdreg $0xC0  }
0xac: {  	_ =	task [dreg:s8], $0x5FFFF  }
0xad: {  	[dreg:$0x1] =	wrdreg $0xFFFFFFFF  }
0xae: {  	[dreg:$0x0] =	wrdreg $0x60  }
0xaf: {  	[dreg:$0x2] =	wrdreg s2  }
0xb0: {  	[dreg:$0x3] =	wrdreg s18  }
0xb1: {  	[dreg:$0x4] =	wrdreg s24  }
0xb2: {  	[dreg:$0x5] =	wrdreg $0x9  }
0xb3: {  	_ =	task.clear_ibuf [dreg:s8], $0x6FFFF;
	_ =	strace $0x90000046  }
0xb4: {  	s29 =	simm.s32 $0x9;
	_ =	strace $0x80000048  }
0xb5: {  	_ =	swait.ge [sflag:s29], $0x1  }
0xb6: {  	[sflag:s29] =	ssyncadd.s32 $0xFFFFFFFF  }
0xb7: {  	_ =	strace $0x90000048  }
0xb8: {  	_ =	sfence  }
0xb9: {  	s30 =	sld [smem:$0x0];
	_ =	sdelay $0x2  }
0xba: {  	s31 =	sshll.u32 s1, $0xD;
	s1 =	sshrl.u32 s1, $0x2  }
0xbb: {  	s3 =	sand.u32 $0x4000, s31;
	s1 =	sadd.s32 s1, s30  }
0xbc: {  	s0 =	sor.u32 s3, s0;
	s1 =	sshll.u32 s1, $0x11  }
0xbd: {  	s0 =	sor.u32 s1, s0  }
0xbe: {  	s0 =	sadd.s32 $0x8F2B, s0  }
0xbf: {  	[sflag:s0] =	ssyncadd.remote.s32 $0x1  }
0xc0: {  	_ =	sfence.sel $0xFFFF  }
0xc1: {  	[dreg:$0x0] =	wrdreg $0xFFFFFFFF;
	(pc) =	sbr.abs _section_cstart, $3  }
0xc2: {  	[dreg:$0x1] =	wrdreg $0xFFFFFFFF  }
0xc3: {  	_ =	task.clear_ibuf [dreg:s8], $0x2FFFF;
	_ =	strace $0x9FFFFFFF  }
0xc4: {  	(tm) =	ssettm $0x7FFFFFFF  }
0xc5: {  	_ =	shalt  }
tec
execute0_lowered:
.L_overlay_start_1:
0x0: {  	(tag) =	ssettag $0x1  }
0x1: {  	s0 =	rddreg [dreg:$0x0]  }
0x2: {  	s1 =	srdreg.scid;
	s7 =	rddreg [dreg:$0x1]  }
0x3: {  	s2 =	stileid.u32;
	s5 =	rddreg [dreg:$0x2]  }
0x4: {  	s24 =	simm.s32 $0x0;
	s11 =	simm.s32 $0x3;
	s13 =	simm.s32 $0x200  }
0x5: {  	s20 =	simm.s32 $0x400;
	s14 =	simm.s32 $0x10;
	s15 =	simm.s32 $0x5800  }
0x6: {  	s16 =	simm.s32 $0x6000;
	s17 =	simm.s32 $0x80;
	s18 =	simm.s32 $0x6800  }
0x7: {  	s23 =	simm.s32 $0x40;
	s30 =	simm.s32 $0xFFFFFFFF;
	s28 =	simm.s32 $0x11800  }
0x8: {  	s31 =	simm.s32 $0x1B800;
	s1 =	sand.u32 $0x1, s1;
	s2 =	sshll.u32 s2, $0x1  }
0x9: {  	[smem:$0x7FF] =	sst s24;
	s4 =	sadd.s32 $0x80A600, s5;
	s24 =	simm.s32 $0x1  }
0xa: {  	s6 =	sor.u32 s1, s2;
	_ =	strace $0x80000047;
	s1 =	ssub.s32 $0x2, s1  }
0xb: {  	[dreg:$0x4] =	wrdreg s30;
	s2 =	simm.s32 $0x0;
	s3 =	smul.u32 $0x500, s6  }
0xc: {  	s9 =	sshrl.u32 s1, $0x1;
	s10 =	sshll.u32 s6, $0x6;
	s6 =	sshll.u32 s6, $0x9  }
0xd: {  	s1 =	ssub.s32 s1, s9;
	s0 =	sadd.s32 s0, s10;
	s25 =	sadd.s32 s7, s10  }
0xe: {  	s8 =	sadd.s32 s3, s5;
	s3 =	sadd.s32 $0xA600, s5;
	[dreg:$0x5] =	wrdreg s0  }
0xf: {  	s5 =	sadd.s32 $0x100A600, s5;
	[dreg:$0x6] =	wrdreg s25;
	s29 =	smax.u32 s1, $0x1  }
0x10: {  	v0 =	vlaneseq.u32;
	vm0 =	vcmask $0x3F3C;
	s25 =	simm.s32 $0x10800;
	s26 =	sadd.s32 $0x600, s8;
	[dreg:$0x8] =	wrdreg s29  }
0x11: {  	v1 =	vor.u32 $0x10, v0;
	v2 =	vor.u32 $0x20, v0;
	v3 =	vor.u32 $0x30, v0;
	s1 =	simm.s32 $0x2;
	[dreg:$0x7] =	wrdreg s26;
	s26 =	simm.s32 $0x11000  }
.LBB2_1:
0x12: {  	[dreg:$0x9] =	wrdreg s2  }
0x13: {  	s0 =	simm.s32 $0x0;
	s22 =	rddreg [dreg:$0x5]  }
0x14: {  	[tilespmem:s0], [sflag:$0x3] =	stream.linear.gather [hbm4b:s22+s0], $0x200, $0x38;
	[tilespmem:$0x1B980] =	vst v63  }
0x15: {  	_ =	swait.ge [sflag:s11], $0x200  }
0x16: {  	[sflag:s11] =	ssyncset.done $0x0  }
0x17: {  	s29 =	rddreg [dreg:$0x6];
	[sflag:s11] =	ssyncadd.s32 $0xFFFFFE00  }
0x18: {  	[tilespmem:s13], [sflag:$0x3] =	stream.linear.gather [hbm4b:s29+s0], $0x200, $0x38;
	[tilespmem:$0x1B980] =	vst v63  }
0x19: {  	_ =	swait.ge [sflag:s11], $0x200  }
0x1a: {  	[sflag:s11] =	ssyncset.done $0x0  }
0x1b: {  	s30 =	rddreg [dreg:$0x7];
	[sflag:s11] =	ssyncadd.s32 $0xFFFFFE00  }
0x1c: {  	[tilespmem:s20], [sflag:$0x3] =	stream.linear.gather [hbm4b:s30+s0], $0x2800, $0x38;
	[tilespmem:$0x1B980] =	vst v63  }
0x1d: {  	_ =	swait.ge [sflag:s11], $0x2800  }
0x1e: {  	[sflag:s11] =	ssyncset.done $0x0  }
0x1f: {  	s0 =	simm.s32 $0x0;
	[sflag:s11] =	ssyncadd.s32 $0xFFFFD800  }
0x20: {  	v5 =	vld [tilespmem:s0+$0x0];
	_ =	sdelay $0x4  }
0x21: {  	s8 =	simm.s32 $0x40;
	s7 =	simm.s32 $0x80;
	v4 =	vshrl.u32 v5, $0xD;
	v5 =	vand.u32 $0x7FFFF, v5  }
.LBB2_2:
0x22: {  	p0 =	sne.s32 s7, $0x7C0;
	s8 =	sshra.s32 s8, $0x2;
	v4 =	vand.u32 $0x7FFC0, v4;
	[tilespmem:s0+$0x0] =	vst v5  }
0x23: {  	v5 =	vld [tilespmem:s8+$0x0];
	[tilespmem:s0+$0x2C00] =	vst v4;
	s0 =	smov.u32 s8;
	s8 =	smov.u32 s7  }
.Ltmp0:
0x24: {  	(pc) =	sbr.rel @p0 .LBB2_2-.Ltmp0, $2  }
0x25: {  	_ =	sdelay $0x2  }
0x26: {  	s7 =	sadd.s32 $0x40, s7;
	v4 =	vshrl.u32 v5, $0xD;
	v5 =	vand.u32 $0x7FFFF, v5  }
0x27: {  	s7 =	sshra.s32 s8, $0x2;
	[tilespmem:s0+$0x0] =	vst v5  }
0x28: {  	v5 =	vld [tilespmem:s7+$0x0];
	_ =	sdelay $0x3  }
0x29: {  	v4 =	vand.u32 $0x7FFC0, v4  }
0x2a: {  	[tilespmem:s0+$0x2C00] =	vst v4;
	v4 =	vshrl.u32 v5, $0xD;
	v5 =	vand.u32 $0x7FFFF, v5  }
0x2b: {  	v4 =	vand.u32 $0x7FFC0, v4;
	[tilespmem:s7+$0x0] =	vst v5  }
0x2c: {  	s0 =	simm.s32 $0x0;
	[tilespmem:s7+$0x2C00] =	vst v4  }
0x2d: {  	v5 =	vld [tilespmem:s0+$0x200];
	_ =	sdelay $0x3  }
0x2e: {  	s9 =	simm.s32 $0x80  }
0x2f: {  	s10 =	simm.s32 $0x40;
	s8 =	simm.s32 $0x0;
	s7 =	simm.s32 $0x40;
	v4 =	vshrl.u32 v5, $0xD;
	v5 =	vand.u32 $0x7FFFF, v5  }
.LBB2_4:
0x30: {  	p0 =	sne.s32 s9, $0x7C0;
	s12 =	sshra.s32 s10, $0x2;
	v4 =	vand.u32 $0x7FFC0, v4;
	[tilespmem:s8+$0x200] =	vst v5;
	s10 =	smov.u32 s9  }
0x31: {  	v5 =	vld [tilespmem:s12+$0x200];
	[tilespmem:s8+$0x2E00] =	vst v4;
	s8 =	smov.u32 s12  }
.Ltmp1:
0x32: {  	(pc) =	sbr.rel @p0 .LBB2_4-.Ltmp1, $2  }
0x33: {  	_ =	sdelay $0x2  }
0x34: {  	s9 =	sadd.s32 $0x40, s9;
	v4 =	vshrl.u32 v5, $0xD;
	v5 =	vand.u32 $0x7FFFF, v5  }
0x35: {  	s9 =	sshra.s32 s10, $0x2;
	[tilespmem:s8+$0x200] =	vst v5  }
0x36: {  	v5 =	vld [tilespmem:s9+$0x200];
	_ =	sdelay $0x3  }
0x37: {  	v4 =	vand.u32 $0x7FFC0, v4  }
0x38: {  	[tilespmem:s8+$0x2E00] =	vst v4;
	v4 =	vshrl.u32 v5, $0xD;
	v5 =	vand.u32 $0x7FFFF, v5  }
0x39: {  	v4 =	vand.u32 $0x7FFC0, v4;
	[tilespmem:s9+$0x200] =	vst v5  }
0x3a: {  	[tilespmem:s9+$0x2E00] =	vst v4  }
0x3b: {  	v5 =	vld [tilespmem:s0+$0x400];
	_ =	sdelay $0x4  }
0x3c: {  	s8 =	simm.s32 $0x80;
	v4 =	vshrl.u32 v5, $0xD;
	v5 =	vand.u32 $0x7FFFF, v5  }
.LBB2_6:
0x3d: {  	p0 =	sne.s32 s8, $0x9FC0;
	s9 =	sshra.s32 s7, $0x2;
	v4 =	vand.u32 $0x7FFC0, v4;
	[tilespmem:s0+$0x400] =	vst v5;
	s7 =	smov.u32 s8  }
0x3e: {  	v5 =	vld [tilespmem:s9+$0x400];
	[tilespmem:s0+$0x3000] =	vst v4;
	s0 =	smov.u32 s9  }
.Ltmp2:
0x3f: {  	(pc) =	sbr.rel @p0 .LBB2_6-.Ltmp2, $2  }
0x40: {  	_ =	sdelay $0x2  }
0x41: {  	s8 =	sadd.s32 $0x40, s8;
	v4 =	vshrl.u32 v5, $0xD;
	v5 =	vand.u32 $0x7FFFF, v5  }
0x42: {  	s7 =	sshra.s32 s7, $0x2;
	[tilespmem:s0+$0x400] =	vst v5  }
0x43: {  	v5 =	vld [tilespmem:s7+$0x400];
	_ =	sdelay $0x3  }
0x44: {  	v4 =	vand.u32 $0x7FFC0, v4  }
0x45: {  	[tilespmem:s0+$0x3000] =	vst v4;
	v4 =	vshrl.u32 v5, $0xD;
	v5 =	vand.u32 $0x7FFFF, v5  }
0x46: {  	v4 =	vand.u32 $0x7FFC0, v4;
	[tilespmem:s7+$0x400] =	vst v5  }
0x47: {  	s19 =	simm.s32 $0x0;
	[tilespmem:s7+$0x3000] =	vst v4  }
0x48: {  	[tilespmem:s15], [sflag:$0x1] =	stream.indirect.gather [hbm4b:s3+s14], $0x80, s19, s14, $0xb8;
	[tilespmem:$0x1B980] =	vst v63  }
0x49: {  	_ = 	snop  }
0x4a: {  	[tilespmem:s16], [sflag:$0x1] =	stream.indirect.gather [hbm4b:s4+s14], $0x80, s13, s14, $0xb8;
	[tilespmem:$0x1B980] =	vst v63  }
0x4b: {  	s22 =	simm.s32 $0x480  }
0x4c: {  	[tilespmem:s18], [sflag:$0x1] =	stream.indirect.gather [hbm4b:s4+s17], $0x80, s20, s17, $0xb8;
	[tilespmem:$0x1B980] =	vst v63  }
0x4d: {  	s2 =	simm.s32 $0xA800;
	s29 =	simm.s32 $0x500;
	s30 =	simm.s32 $0xE800  }
0x4e: {  	[tilespmem:s2], [sflag:$0x1] =	stream.indirect.gather [hbm4b:s4+s17], $0x80, s22, s17, $0xb8;
	[tilespmem:$0x1B980] =	vst v63  }
0x4f: {  	s12 =	simm.s32 $0x54C;
	s0 =	simm.s32 $0x4C;
	s13 =	simm.s32 $0x0  }
0x50: {  	[tilespmem:s30], [sflag:$0x1] =	stream.indirect.gather [hbm4b:s4+s23], $0x80, s29, s23, $0xb8;
	[tilespmem:$0x1B980] =	vst v63  }
.LBB2_8:
0x51: {  	_ =	swait.ge [sflag:s24], $0x800  }
0x52: {  	[sflag:s24] =	ssyncset.done $0x0  }
0x53: {  	[sflag:s24] =	ssyncadd.s32 $0xFFFFF800  }
0x54: {  	_ =	swait.ge [sflag:s24], $0x800  }
0x55: {  	[sflag:s24] =	ssyncset.done $0x0  }
0x56: {  	[sflag:s24] =	ssyncadd.s32 $0xFFFFF800  }
0x57: {  	_ =	swait.ge [sflag:s24], $0x4000  }
0x58: {  	[sflag:s24] =	ssyncset.done $0x0  }
0x59: {  	[sflag:s24] =	ssyncadd.s32 $0xFFFFC000  }
0x5a: {  	_ =	swait.ge [sflag:s24], $0x4000  }
0x5b: {  	[sflag:s24] =	ssyncset.done $0x0  }
0x5c: {  	[sflag:s24] =	ssyncadd.s32 $0xFFFFC000  }
0x5d: {  	_ =	swait.ge [sflag:s24], $0x2000  }
0x5e: {  	s8 =	sshllo.u32 s13, $0x1;
	[sflag:s24] =	ssyncset.done $0x0  }
0x5f: {  	s7 =	sshll.u32 s8, $0x4;
	[sflag:s24] =	ssyncadd.s32 $0xFFFFE000  }
0x60: {  	[tilespmem:s25], [sflag:$0x2] =	stream.indirect.gather [hbm4b:s3+s14], $0x80, s7, s14, $0xb8;
	[tilespmem:$0x1B980] =	vst v63  }
0x61: {  	s8 =	smul.u32 $0x140, s8;
	s9 =	sadd.s32 $0x200, s7  }
0x62: {  	[tilespmem:s26], [sflag:$0x2] =	stream.indirect.gather [hbm4b:s4+s14], $0x80, s9, s14, $0xb8;
	[tilespmem:$0x1B980] =	vst v63  }
0x63: {  	s2 =	simm.s32 $0x15800;
	s20 =	sadd.s32 $0x400, s8  }
0x64: {  	[tilespmem:s28], [sflag:$0x2] =	stream.indirect.gather [hbm4b:s4+s17], $0x80, s20, s17, $0xb8;
	[tilespmem:$0x1B980] =	vst v63  }
0x65: {  	s22 =	simm.s32 $0x19800;
	s10 =	simm.s32 $0x14;
	s21 =	sadd.s32 $0x480, s8  }
0x66: {  	[tilespmem:s2], [sflag:$0x2] =	stream.indirect.gather [hbm4b:s4+s17], $0x80, s21, s17, $0xb8;
	[tilespmem:$0x1B980] =	vst v63  }
0x67: {  	s29 =	simm.s32 $0x0;
	s8 =	sadd.s32 $0x500, s8;
	s9 =	sshll.u32 s13, $0x5  }
0x68: {  	[tilespmem:s22], [sflag:$0x2] =	stream.indirect.gather [hbm4b:s4+s23], $0x80, s8, s23, $0xb8;
	[tilespmem:$0x1B980] =	vst v63  }
0x69: {  	s30 =	simm.s32 $0x0;
	v4 =	vmov s9;
	s8 =	sshll.u32 s13, $0x1;
	s22 =	smov.u32 s0  }
.LBB2_9:
0x6a: {  	s20 =	sor.u32 s13, s30  }
0x6b: {  	p1 =	sne.s32 s29, $0x0;
	p0 =	seq.s32 s20, $0x0  }
0x6c: {  	p0 =	por !p1, !p0  }
0x6d: {  	s20 =	rddreg [dreg:$0x4];
	p0 =	por !p0, !p0  }
0x6e: {  	s20 =	simm.s32 @!p0 $0x0  }
0x6f: {  	s20 =	sshll.u32 s20, $0x4  }
0x70: {  	v5 =	vld.idx.msk [tilespmem:v4+s20+$0x2C00 ss:$0x1], $0xffff  }
0x71: {  	v8 =	vld.idx.msk [tilespmem:v4+s20+$0x2E00 ss:$0x1], $0xffff;
	_ =	sdelay $0x2  }
0x72: {  	v6 =	vmov s30  }
0x73: {  	v5 =	vperm.xlane v5, v6  }
0x74: {  	v6 =	vperm.xlane v8, v6  }
0x75: {  	v7 =	vadd.s32 v0, v5;
	v10 =	vadd.s32 v1, v5;
	v11 =	vadd.s32 v2, v5  }
0x76: {  	v5 =	vadd.s32 v3, v5;
	v54 =	vadd.s32 v0, v6;
	v13 =	vadd.s32 v1, v6  }
0x77: {  	v56 =	vadd.s32 v2, v6;
	v15 =	vadd.s32 v3, v6;
	v9 =	vand.u32 $0xFFFFFF80, v7  }
0x78: {  	v7 =	vand.u32 $0x7F, v7;
	v50 =	vand.u32 $0xFFFFFF80, v10;
	v10 =	vand.u32 $0x7F, v10  }
0x79: {  	v51 =	vand.u32 $0xFFFFFF80, v11;
	v52 =	vand.u32 $0x7F, v11;
	v53 =	vand.u32 $0xFFFFFF80, v5  }
0x7a: {  	s2 =	sshll.u32 s30, $0x7;
	v5 =	vand.u32 $0x7F, v5;
	v12 =	vand.u32 $0xFFFFFF80, v54;
	v11 =	vand.u32 $0x7F, v54  }
0x7b: {  	v55 =	vand.u32 $0x7F, v13;
	v14 =	vand.u32 $0xFFFFFF80, v56;
	v9 =	vadd.s32 s2, v9  }
0x7c: {  	v12 =	vadd.s32 s2, v12;
	v7 =	vor.u32 v7, v9;
	v9 =	vadd.s32 s2, v50  }
0x7d: {  	v11 =	vor.u32 v11, v12;
	v9 =	vor.u32 v10, v9;
	v10 =	vadd.s32 s2, v51  }
0x7e: {  	v58 =	vand.u32 $0xFFFFFF80, v15;
	v8 =	vor.u32 v52, v10;
	v10 =	vadd.s32 s2, v53  }
0x7f: {  	v60 =	vand.u32 $0x7F, v15;
	v10 =	vor.u32 v5, v10;
	v5 =	vand.u32 $0xFFFFFF80, v13  }
0x80: {  	v57 =	vadd.s32 s2, v14;
	v14 =	vadd.s32 s2, v58;
	v5 =	vadd.s32 s2, v5  }
0x81: {  	v13 =	vor.u32 v60, v14;
	v12 =	vor.u32 v55, v5;
	v5 =	vld.idx.msk [tilespmem:v7+s15+$0x0], $0xffff  }
0x82: {  	v7 =	vand.u32 $0x7F, v56;
	v61 =	vld.idx.msk [tilespmem:v11+s16+$0x0], $0xffff  }
0x83: {  	v6 =	vld.idx.msk [tilespmem:v9+s15+$0x0], $0xffff;
	v59 =	vor.u32 v7, v57  }
0x84: {  	v7 =	vld.idx.msk [tilespmem:v8+s15+$0x0], $0xffff  }
0x85: {  	v8 =	vld.idx.msk [tilespmem:v10+s15+$0x0], $0xffff  }
0x86: {  	v63 =	vld.idx.msk [tilespmem:v13+s16+$0x0], $0xffff  }
0x87: {  	v62 =	vld.idx.msk [tilespmem:v12+s16+$0x0], $0xffff  }
0x88: {  	v9 =	vld.idx.msk [tilespmem:v59+s16+$0x0], $0xffff;
	_ =	sdelay $0x3  }
0x89: {  	v10 =	vmul.f32 v61, v5;
	v12 =	vmul.f32 v63, v8  }
0x8a: {  	v11 =	vmul.f32 v62, v6;
	v9 =	vmul.f32 v9, v7;
	_ =	sdelay $0x1  }
0x8b: {  	v10 =	vadd.f32 v11, v10;
	v9 =	vadd.f32 v12, v9;
	_ =	sdelay $0x1  }
0x8c: {  	v9 =	vadd.f32 v9, v10;
	_ =	sdelay $0x1  }
0x8d: {  	(xrf2) =	vadd.scan.msk.f32 $0xffff, v9;
	_ =	sdelay $0x3  }
0x8e: {  	s21 =	sadd.s32 s29, s19;
	s23 =	sand.u32 $0xC, s29  }
0x8f: {  	p5 =	seq.s32 s21, $0x0;
	p6 =	sne.s32 s23, $0x0;
	s2 =	sadd.s32 $0xFFFFFFEC, s10  }
0x90: {  	p0 =	por !p5, !p6;
	v14 =	vmov s2  }
0x91: {  	p0 =	por !p0, !p0;
	s2 =	simm.s32 $0x1  }
0x92: {  	s20 =	sshrl.u32 s21, $0x4;
	s2 =	simm.s32 @!p0 $0x0  }
0x93: {  	s2 =	ssub.s32 s20, s2  }
0x94: {  	s2 =	sshll.u32 s2, $0x6;
	v15, _, _ =	vpop (xrf2)  }
0x95: {  	s2 =	sshra.s32 s2, $0x2;
	[tilespmem:v14+s31+$0x0] =	vst.idx.msk vm0, v15  }
0x96: {  	v10 =	vld [tilespmem:s2+$0x3000];
	_ =	sdelay $0x3  }
0x97: {  	v9 =	vmov s23  }
0x98: {  	v10 =	vperm.xlane v10, v9;
	_ =	sdelay $0x1  }
0x99: {  	v16 =	vadd.s32 v0, v10  }
0x9a: {  	v18 =	vadd.s32 v1, v10;
	v20 =	vadd.s32 v2, v10;
	v10 =	vadd.s32 v3, v10  }
0x9b: {  	s20 =	sshll.u32 s29, $0x7;
	v17 =	vand.u32 $0xFFFFFF80, v16;
	v11 =	vand.u32 $0x7F, v16;
	v19 =	vand.u32 $0xFFFFFF80, v18  }
0x9c: {  	v13 =	vand.u32 $0x7F, v18;
	v22 =	vand.u32 $0xFFFFFF80, v10;
	v12 =	vadd.s32 s20, v17  }
0x9d: {  	v10 =	vand.u32 $0x7F, v10;
	v23 =	vadd.s32 s20, v22;
	v11 =	vor.u32 v11, v12  }
0x9e: {  	v21 =	vand.u32 $0xFFFFFF80, v20;
	v12 =	vadd.s32 s20, v19;
	v10 =	vor.u32 v10, v23  }
0x9f: {  	v14 =	vand.u32 $0x7F, v20;
	v12 =	vor.u32 v13, v12;
	v13 =	vadd.s32 s20, v21  }
0xa0: {  	v13 =	vor.u32 v14, v13;
	_ =	sdelay $0x1  }
0xa1: {  	v11 =	vld.idx.msk [tilespmem:v11+s18+$0x0], $0xffff  }
0xa2: {  	v10 =	vld.idx.msk [tilespmem:v10+s18+$0x0], $0xffff  }
0xa3: {  	v12 =	vld.idx.msk [tilespmem:v12+s18+$0x0], $0xffff  }
0xa4: {  	v13 =	vld.idx.msk [tilespmem:v13+s18+$0x0], $0xffff;
	_ =	sdelay $0x3  }
0xa5: {  	v11 =	vmul.f32 v11, v5;
	v10 =	vmul.f32 v10, v8  }
0xa6: {  	v12 =	vmul.f32 v12, v6;
	v13 =	vmul.f32 v13, v7;
	_ =	sdelay $0x1  }
0xa7: {  	v11 =	vadd.f32 v12, v11;
	v10 =	vadd.f32 v10, v13;
	_ =	sdelay $0x1  }
0xa8: {  	v10 =	vadd.f32 v10, v11;
	_ =	sdelay $0x1  }
0xa9: {  	(xrf2) =	vadd.scan.msk.f32 $0xffff, v10;
	_ =	sdelay $0x4  }
0xaa: {  	s21 =	sadd.s32 $0xFFFFFFED, s10  }
0xab: {  	v24 =	vmov s21;
	_ =	sdelay $0x2  }
0xac: {  	s23 =	sadd.s32 $0xFFFFFFB4, s22  }
0xad: {  	s2 =	sand.u32 $0x1FFC0, s23;
	v25, _, _ =	vpop (xrf2)  }
0xae: {  	s23 =	sshrl.u32 s2, $0x2;
	[tilespmem:v24+s31+$0x0] =	vst.idx.msk vm0, v25  }
0xaf: {  	v10 =	vld [tilespmem:s23+$0x3000];
	_ =	sdelay $0x1  }
0xb0: {  	s2 =	sadd.s32 $0x1, s29  }
0xb1: {  	s21 =	sand.u32 $0xD, s2  }
0xb2: {  	v26 =	vmov s21  }
0xb3: {  	v10 =	vperm.xlane v10, v26;
	_ =	sdelay $0x1  }
0xb4: {  	v11 =	vadd.s32 v0, v10  }
0xb5: {  	v28 =	vadd.s32 v1, v10;
	v30 =	vadd.s32 v2, v10;
	v10 =	vadd.s32 v3, v10  }
0xb6: {  	s2 =	sshll.u32 s2, $0x7;
	v27 =	vand.u32 $0xFFFFFF80, v11;
	v11 =	vand.u32 $0x7F, v11;
	v29 =	vand.u32 $0xFFFFFF80, v28  }
0xb7: {  	v13 =	vand.u32 $0x7F, v28;
	v32 =	vand.u32 $0xFFFFFF80, v10;
	v12 =	vadd.s32 s2, v27  }
0xb8: {  	v10 =	vand.u32 $0x7F, v10;
	v33 =	vadd.s32 s2, v32;
	v11 =	vor.u32 v11, v12  }
0xb9: {  	v31 =	vand.u32 $0xFFFFFF80, v30;
	v12 =	vadd.s32 s2, v29;
	v10 =	vor.u32 v10, v33  }
0xba: {  	v14 =	vand.u32 $0x7F, v30;
	v12 =	vor.u32 v13, v12;
	v13 =	vadd.s32 s2, v31  }
0xbb: {  	v13 =	vor.u32 v14, v13;
	_ =	sdelay $0x1  }
0xbc: {  	v11 =	vld.idx.msk [tilespmem:v11+s18+$0x0], $0xffff  }
0xbd: {  	v10 =	vld.idx.msk [tilespmem:v10+s18+$0x0], $0xffff  }
0xbe: {  	v12 =	vld.idx.msk [tilespmem:v12+s18+$0x0], $0xffff  }
0xbf: {  	v13 =	vld.idx.msk [tilespmem:v13+s18+$0x0], $0xffff;
	_ =	sdelay $0x3  }
0xc0: {  	v11 =	vmul.f32 v11, v5;
	v10 =	vmul.f32 v10, v8  }
0xc1: {  	v12 =	vmul.f32 v12, v6;
	v13 =	vmul.f32 v13, v7;
	_ =	sdelay $0x1  }
0xc2: {  	v11 =	vadd.f32 v12, v11;
	v10 =	vadd.f32 v10, v13;
	_ =	sdelay $0x1  }
0xc3: {  	v10 =	vadd.f32 v10, v11;
	_ =	sdelay $0x1  }
0xc4: {  	(xrf2) =	vadd.scan.msk.f32 $0xffff, v10;
	_ =	sdelay $0x4  }
0xc5: {  	s21 =	sadd.s32 $0xFFFFFFEE, s10  }
0xc6: {  	v34 =	vmov s21;
	_ =	sdelay $0x3  }
0xc7: {  	v35, _, _ =	vpop (xrf2)  }
0xc8: {  	[tilespmem:v34+s31+$0x0] =	vst.idx.msk vm0, v35  }
0xc9: {  	v10 =	vld [tilespmem:s23+$0x3000];
	_ =	sdelay $0x1  }
0xca: {  	s2 =	sadd.s32 $0x2, s29  }
0xcb: {  	s21 =	sand.u32 $0xE, s2  }
0xcc: {  	v36 =	vmov s21  }
0xcd: {  	v10 =	vperm.xlane v10, v36;
	_ =	sdelay $0x1  }
0xce: {  	v11 =	vadd.s32 v0, v10  }
0xcf: {  	v38 =	vadd.s32 v1, v10;
	v40 =	vadd.s32 v2, v10;
	v10 =	vadd.s32 v3, v10  }
0xd0: {  	s2 =	sshll.u32 s2, $0x7;
	v37 =	vand.u32 $0xFFFFFF80, v11;
	v11 =	vand.u32 $0x7F, v11;
	v39 =	vand.u32 $0xFFFFFF80, v38  }
0xd1: {  	v13 =	vand.u32 $0x7F, v38;
	v42 =	vand.u32 $0xFFFFFF80, v10;
	v12 =	vadd.s32 s2, v37  }
0xd2: {  	v10 =	vand.u32 $0x7F, v10;
	v43 =	vadd.s32 s2, v42;
	v11 =	vor.u32 v11, v12  }
0xd3: {  	v41 =	vand.u32 $0xFFFFFF80, v40;
	v12 =	vadd.s32 s2, v39;
	v10 =	vor.u32 v10, v43  }
0xd4: {  	v14 =	vand.u32 $0x7F, v40;
	v12 =	vor.u32 v13, v12;
	v13 =	vadd.s32 s2, v41  }
0xd5: {  	v13 =	vor.u32 v14, v13;
	_ =	sdelay $0x1  }
0xd6: {  	v11 =	vld.idx.msk [tilespmem:v11+s18+$0x0], $0xffff  }
0xd7: {  	v10 =	vld.idx.msk [tilespmem:v10+s18+$0x0], $0xffff  }
0xd8: {  	v12 =	vld.idx.msk [tilespmem:v12+s18+$0x0], $0xffff  }
0xd9: {  	v13 =	vld.idx.msk [tilespmem:v13+s18+$0x0], $0xffff;
	_ =	sdelay $0x3  }
0xda: {  	v11 =	vmul.f32 v11, v5;
	v10 =	vmul.f32 v10, v8  }
0xdb: {  	v12 =	vmul.f32 v12, v6;
	v13 =	vmul.f32 v13, v7;
	_ =	sdelay $0x1  }
0xdc: {  	v11 =	vadd.f32 v12, v11;
	v10 =	vadd.f32 v10, v13;
	_ =	sdelay $0x1  }
0xdd: {  	v10 =	vadd.f32 v10, v11;
	_ =	sdelay $0x1  }
0xde: {  	(xrf2) =	vadd.scan.msk.f32 $0xffff, v10;
	_ =	sdelay $0x4  }
0xdf: {  	s21 =	sadd.s32 $0xFFFFFFEF, s10  }
0xe0: {  	v44 =	vmov s21;
	_ =	sdelay $0x3  }
0xe1: {  	v45, _, _ =	vpop (xrf2)  }
0xe2: {  	[tilespmem:v44+s31+$0x0] =	vst.idx.msk vm0, v45  }
0xe3: {  	v10 =	vld [tilespmem:s23+$0x3000];
	_ =	sdelay $0x2  }
0xe4: {  	s21 =	sadd.s32 $0x3, s29  }
0xe5: {  	v46 =	vmov s21  }
0xe6: {  	v10 =	vperm.xlane v10, v46;
	_ =	sdelay $0x1  }
0xe7: {  	v11 =	vadd.s32 v0, v10  }
0xe8: {  	v48 =	vadd.s32 v1, v10;
	v50 =	vadd.s32 v2, v10;
	v10 =	vadd.s32 v3, v10  }
0xe9: {  	s2 =	sshll.u32 s21, $0x7;
	v47 =	vand.u32 $0xFFFFFF80, v11;
	v11 =	vand.u32 $0x7F, v11;
	v49 =	vand.u32 $0xFFFFFF80, v48  }
0xea: {  	v13 =	vand.u32 $0x7F, v48;
	v52 =	vand.u32 $0xFFFFFF80, v10;
	v12 =	vadd.s32 s2, v47  }
0xeb: {  	v10 =	vand.u32 $0x7F, v10;
	v53 =	vadd.s32 s2, v52;
	v11 =	vor.u32 v11, v12  }
0xec: {  	v51 =	vand.u32 $0xFFFFFF80, v50;
	v12 =	vadd.s32 s2, v49;
	v10 =	vor.u32 v10, v53  }
0xed: {  	v14 =	vand.u32 $0x7F, v50;
	v12 =	vor.u32 v13, v12;
	v13 =	vadd.s32 s2, v51  }
0xee: {  	v13 =	vor.u32 v14, v13;
	_ =	sdelay $0x1  }
0xef: {  	v11 =	vld.idx.msk [tilespmem:v11+s18+$0x0], $0xffff  }
0xf0: {  	v10 =	vld.idx.msk [tilespmem:v10+s18+$0x0], $0xffff  }
0xf1: {  	v12 =	vld.idx.msk [tilespmem:v12+s18+$0x0], $0xffff  }
0xf2: {  	v13 =	vld.idx.msk [tilespmem:v13+s18+$0x0], $0xffff;
	_ =	sdelay $0x3  }
0xf3: {  	v11 =	vmul.f32 v11, v5;
	v10 =	vmul.f32 v10, v8  }
0xf4: {  	v12 =	vmul.f32 v12, v6;
	v13 =	vmul.f32 v13, v7;
	_ =	sdelay $0x1  }
0xf5: {  	v11 =	vadd.f32 v12, v11;
	v10 =	vadd.f32 v10, v13;
	_ =	sdelay $0x1  }
0xf6: {  	v10 =	vadd.f32 v10, v11;
	_ =	sdelay $0x1  }
0xf7: {  	(xrf2) =	vadd.scan.msk.f32 $0xffff, v10;
	_ =	sdelay $0x4  }
0xf8: {  	s23 =	sadd.s32 $0xFFFFFFF0, s10  }
0xf9: {  	v54 =	vmov s23;
	_ =	sdelay $0x2  }
0xfa: {  	s21 =	sadd.s32 $0xFFFFFFC4, s22  }
0xfb: {  	s2 =	sand.u32 $0x1FFC0, s21;
	v55, _, _ =	vpop (xrf2)  }
0xfc: {  	s2 =	sshrl.u32 s2, $0x2;
	[tilespmem:v54+s31+$0x0] =	vst.idx.msk vm0, v55  }
0xfd: {  	v10 =	vld [tilespmem:s2+$0x3000];
	_ =	sdelay $0x1  }
0xfe: {  	s2 =	sadd.s32 $0x4, s29  }
0xff: {  	s23 =	sand.u32 $0xC, s2  }
0x100: {  	v56 =	vmov s23  }
0x101: {  	v10 =	vperm.xlane v10, v56;
	_ =	sdelay $0x1  }
0x102: {  	v11 =	vadd.s32 v0, v10  }
0x103: {  	v58 =	vadd.s32 v1, v10;
	v60 =	vadd.s32 v2, v10;
	v10 =	vadd.s32 v3, v10  }
0x104: {  	s2 =	sshll.u32 s2, $0x7;
	v57 =	vand.u32 $0xFFFFFF80, v11;
	v11 =	vand.u32 $0x7F, v11;
	v59 =	vand.u32 $0xFFFFFF80, v58  }
0x105: {  	v13 =	vand.u32 $0x7F, v58;
	v62 =	vand.u32 $0xFFFFFF80, v10;
	v12 =	vadd.s32 s2, v57  }
0x106: {  	v10 =	vand.u32 $0x7F, v10;
	v63 =	vadd.s32 s2, v62;
	v11 =	vor.u32 v11, v12  }
0x107: {  	v61 =	vand.u32 $0xFFFFFF80, v60;
	v12 =	vadd.s32 s2, v59;
	v10 =	vor.u32 v10, v63  }
0x108: {  	v14 =	vand.u32 $0x7F, v60;
	v12 =	vor.u32 v13, v12;
	v13 =	vadd.s32 s2, v61  }
0x109: {  	v13 =	vor.u32 v14, v13;
	_ =	sdelay $0x1  }
0x10a: {  	v11 =	vld.idx.msk [tilespmem:v11+s18+$0x0], $0xffff  }
0x10b: {  	v10 =	vld.idx.msk [tilespmem:v10+s18+$0x0], $0xffff  }
0x10c: {  	v12 =	vld.idx.msk [tilespmem:v12+s18+$0x0], $0xffff  }
0x10d: {  	v13 =	vld.idx.msk [tilespmem:v13+s18+$0x0], $0xffff;
	_ =	sdelay $0x3  }
0x10e: {  	v11 =	vmul.f32 v11, v5;
	v10 =	vmul.f32 v10, v8  }
0x10f: {  	v12 =	vmul.f32 v12, v6;
	v13 =	vmul.f32 v13, v7;
	_ =	sdelay $0x1  }
0x110: {  	v11 =	vadd.f32 v12, v11;
	v10 =	vadd.f32 v10, v13;
	_ =	sdelay $0x1  }
0x111: {  	v10 =	vadd.f32 v10, v11;
	_ =	sdelay $0x1  }
0x112: {  	(xrf2) =	vadd.scan.msk.f32 $0xffff, v10;
	_ =	sdelay $0x4  }
0x113: {  	s23 =	sadd.s32 $0xFFFFFFF1, s10  }
0x114: {  	v14 =	vmov s23;
	_ =	sdelay $0x2  }
0x115: {  	s21 =	sadd.s32 $0xFFFFFFC8, s22  }
0x116: {  	s2 =	sand.u32 $0x1FFC0, s21;
	v15, _, _ =	vpop (xrf2)  }
0x117: {  	s2 =	sshrl.u32 s2, $0x2;
	[tilespmem:v14+s31+$0x0] =	vst.idx.msk vm0, v15  }
0x118: {  	v10 =	vld [tilespmem:s2+$0x3000];
	_ =	sdelay $0x1  }
0x119: {  	s2 =	sadd.s32 $0x5, s29  }
0x11a: {  	s23 =	sand.u32 $0xD, s2  }
0x11b: {  	v16 =	vmov s23  }
0x11c: {  	v10 =	vperm.xlane v10, v16;
	_ =	sdelay $0x1  }
0x11d: {  	v11 =	vadd.s32 v0, v10  }
0x11e: {  	v18 =	vadd.s32 v1, v10;
	v20 =	vadd.s32 v2, v10;
	v10 =	vadd.s32 v3, v10  }
0x11f: {  	s2 =	sshll.u32 s2, $0x7;
	v17 =	vand.u32 $0xFFFFFF80, v11;
	v11 =	vand.u32 $0x7F, v11;
	v19 =	vand.u32 $0xFFFFFF80, v18  }
0x120: {  	v13 =	vand.u32 $0x7F, v18;
	v22 =	vand.u32 $0xFFFFFF80, v10;
	v12 =	vadd.s32 s2, v17  }
0x121: {  	v10 =	vand.u32 $0x7F, v10;
	v23 =	vadd.s32 s2, v22;
	v11 =	vor.u32 v11, v12  }
0x122: {  	v21 =	vand.u32 $0xFFFFFF80, v20;
	v12 =	vadd.s32 s2, v19;
	v10 =	vor.u32 v10, v23  }
0x123: {  	v14 =	vand.u32 $0x7F, v20;
	v12 =	vor.u32 v13, v12;
	v13 =	vadd.s32 s2, v21  }
0x124: {  	v13 =	vor.u32 v14, v13;
	_ =	sdelay $0x1  }
0x125: {  	v11 =	vld.idx.msk [tilespmem:v11+s18+$0x0], $0xffff  }
0x126: {  	v10 =	vld.idx.msk [tilespmem:v10+s18+$0x0], $0xffff  }
0x127: {  	v12 =	vld.idx.msk [tilespmem:v12+s18+$0x0], $0xffff  }
0x128: {  	v13 =	vld.idx.msk [tilespmem:v13+s18+$0x0], $0xffff;
	_ =	sdelay $0x3  }
0x129: {  	v11 =	vmul.f32 v11, v5;
	v10 =	vmul.f32 v10, v8  }
0x12a: {  	v12 =	vmul.f32 v12, v6;
	v13 =	vmul.f32 v13, v7;
	_ =	sdelay $0x1  }
0x12b: {  	v11 =	vadd.f32 v12, v11;
	v10 =	vadd.f32 v10, v13;
	_ =	sdelay $0x1  }
0x12c: {  	v10 =	vadd.f32 v10, v11;
	_ =	sdelay $0x1  }
0x12d: {  	(xrf2) =	vadd.scan.msk.f32 $0xffff, v10;
	_ =	sdelay $0x4  }
0x12e: {  	s23 =	sadd.s32 $0xFFFFFFF2, s10  }
0x12f: {  	v24 =	vmov s23;
	_ =	sdelay $0x2  }
0x130: {  	s21 =	sadd.s32 $0xFFFFFFCC, s22  }
0x131: {  	s2 =	sand.u32 $0x1FFC0, s21;
	v25, _, _ =	vpop (xrf2)  }
0x132: {  	s2 =	sshrl.u32 s2, $0x2;
	[tilespmem:v24+s31+$0x0] =	vst.idx.msk vm0, v25  }
0x133: {  	v10 =	vld [tilespmem:s2+$0x3000];
	_ =	sdelay $0x1  }
0x134: {  	s2 =	sadd.s32 $0x6, s29  }
0x135: {  	s23 =	sand.u32 $0xE, s2  }
0x136: {  	v26 =	vmov s23  }
0x137: {  	v10 =	vperm.xlane v10, v26;
	_ =	sdelay $0x1  }
0x138: {  	v11 =	vadd.s32 v0, v10  }
0x139: {  	v28 =	vadd.s32 v1, v10;
	v30 =	vadd.s32 v2, v10;
	v10 =	vadd.s32 v3, v10  }
0x13a: {  	s2 =	sshll.u32 s2, $0x7;
	v27 =	vand.u32 $0xFFFFFF80, v11;
	v11 =	vand.u32 $0x7F, v11;
	v29 =	vand.u32 $0xFFFFFF80, v28  }
0x13b: {  	v13 =	vand.u32 $0x7F, v28;
	v32 =	vand.u32 $0xFFFFFF80, v10;
	v12 =	vadd.s32 s2, v27  }
0x13c: {  	v10 =	vand.u32 $0x7F, v10;
	v33 =	vadd.s32 s2, v32;
	v11 =	vor.u32 v11, v12  }
0x13d: {  	v31 =	vand.u32 $0xFFFFFF80, v30;
	v12 =	vadd.s32 s2, v29;
	v10 =	vor.u32 v10, v33  }
0x13e: {  	v14 =	vand.u32 $0x7F, v30;
	v12 =	vor.u32 v13, v12;
	v13 =	vadd.s32 s2, v31  }
0x13f: {  	v13 =	vor.u32 v14, v13;
	_ =	sdelay $0x1  }
0x140: {  	v11 =	vld.idx.msk [tilespmem:v11+s18+$0x0], $0xffff  }
0x141: {  	v10 =	vld.idx.msk [tilespmem:v10+s18+$0x0], $0xffff  }
0x142: {  	v12 =	vld.idx.msk [tilespmem:v12+s18+$0x0], $0xffff  }
0x143: {  	v13 =	vld.idx.msk [tilespmem:v13+s18+$0x0], $0xffff;
	_ =	sdelay $0x3  }
0x144: {  	v11 =	vmul.f32 v11, v5;
	v10 =	vmul.f32 v10, v8  }
0x145: {  	v12 =	vmul.f32 v12, v6;
	v13 =	vmul.f32 v13, v7;
	_ =	sdelay $0x1  }
0x146: {  	v11 =	vadd.f32 v12, v11;
	v10 =	vadd.f32 v10, v13;
	_ =	sdelay $0x1  }
0x147: {  	v10 =	vadd.f32 v10, v11;
	_ =	sdelay $0x1  }
0x148: {  	(xrf2) =	vadd.scan.msk.f32 $0xffff, v10;
	_ =	sdelay $0x4  }
0x149: {  	s21 =	sadd.s32 $0xFFFFFFF3, s10  }
0x14a: {  	v34 =	vmov s21;
	_ =	sdelay $0x2  }
0x14b: {  	s23 =	sadd.s32 $0xFFFFFFD0, s22  }
0x14c: {  	s2 =	sand.u32 $0x1FFC0, s23;
	v35, _, _ =	vpop (xrf2)  }
0x14d: {  	s2 =	sshrl.u32 s2, $0x2;
	[tilespmem:v34+s31+$0x0] =	vst.idx.msk vm0, v35  }
0x14e: {  	v10 =	vld [tilespmem:s2+$0x3000];
	_ =	sdelay $0x2  }
0x14f: {  	s21 =	sadd.s32 $0x7, s29  }
0x150: {  	v36 =	vmov s21  }
0x151: {  	v10 =	vperm.xlane v10, v36;
	_ =	sdelay $0x1  }
0x152: {  	v11 =	vadd.s32 v0, v10  }
0x153: {  	v38 =	vadd.s32 v1, v10;
	v40 =	vadd.s32 v2, v10;
	v10 =	vadd.s32 v3, v10  }
0x154: {  	s2 =	sshll.u32 s21, $0x7;
	v37 =	vand.u32 $0xFFFFFF80, v11;
	v11 =	vand.u32 $0x7F, v11;
	v39 =	vand.u32 $0xFFFFFF80, v38  }
0x155: {  	v13 =	vand.u32 $0x7F, v38;
	v42 =	vand.u32 $0xFFFFFF80, v10;
	v12 =	vadd.s32 s2, v37  }
0x156: {  	v10 =	vand.u32 $0x7F, v10;
	v43 =	vadd.s32 s2, v42;
	v11 =	vor.u32 v11, v12  }
0x157: {  	v41 =	vand.u32 $0xFFFFFF80, v40;
	v12 =	vadd.s32 s2, v39;
	v10 =	vor.u32 v10, v43  }
0x158: {  	v14 =	vand.u32 $0x7F, v40;
	v12 =	vor.u32 v13, v12;
	v13 =	vadd.s32 s2, v41  }
0x159: {  	v13 =	vor.u32 v14, v13;
	_ =	sdelay $0x1  }
0x15a: {  	v11 =	vld.idx.msk [tilespmem:v11+s18+$0x0], $0xffff  }
0x15b: {  	v10 =	vld.idx.msk [tilespmem:v10+s18+$0x0], $0xffff  }
0x15c: {  	v12 =	vld.idx.msk [tilespmem:v12+s18+$0x0], $0xffff  }
0x15d: {  	v13 =	vld.idx.msk [tilespmem:v13+s18+$0x0], $0xffff;
	_ =	sdelay $0x3  }
0x15e: {  	v11 =	vmul.f32 v11, v5;
	v10 =	vmul.f32 v10, v8  }
0x15f: {  	v12 =	vmul.f32 v12, v6;
	v13 =	vmul.f32 v13, v7;
	_ =	sdelay $0x1  }
0x160: {  	v11 =	vadd.f32 v12, v11;
	v10 =	vadd.f32 v10, v13;
	_ =	sdelay $0x1  }
0x161: {  	v10 =	vadd.f32 v10, v11;
	_ =	sdelay $0x1  }
0x162: {  	(xrf2) =	vadd.scan.msk.f32 $0xffff, v10;
	_ =	sdelay $0x4  }
0x163: {  	s23 =	sadd.s32 $0xFFFFFFF4, s10  }
0x164: {  	v44 =	vmov s23;
	_ =	sdelay $0x2  }
0x165: {  	s21 =	sadd.s32 $0xFFFFFFD4, s22  }
0x166: {  	s2 =	sand.u32 $0x1FFC0, s21;
	v45, _, _ =	vpop (xrf2)  }
0x167: {  	s2 =	sshrl.u32 s2, $0x2;
	[tilespmem:v44+s31+$0x0] =	vst.idx.msk vm0, v45  }
0x168: {  	v10 =	vld [tilespmem:s2+$0x3000];
	_ =	sdelay $0x1  }
0x169: {  	s2 =	sadd.s32 $0x8, s29  }
0x16a: {  	s23 =	sand.u32 $0xC, s2  }
0x16b: {  	v46 =	vmov s23  }
0x16c: {  	v10 =	vperm.xlane v10, v46;
	_ =	sdelay $0x1  }
0x16d: {  	v11 =	vadd.s32 v0, v10  }
0x16e: {  	v48 =	vadd.s32 v1, v10;
	v50 =	vadd.s32 v2, v10;
	v10 =	vadd.s32 v3, v10  }
0x16f: {  	s2 =	sshll.u32 s2, $0x7;
	v47 =	vand.u32 $0xFFFFFF80, v11;
	v11 =	vand.u32 $0x7F, v11;
	v49 =	vand.u32 $0xFFFFFF80, v48  }
0x170: {  	v13 =	vand.u32 $0x7F, v48;
	v52 =	vand.u32 $0xFFFFFF80, v10;
	v12 =	vadd.s32 s2, v47  }
0x171: {  	v10 =	vand.u32 $0x7F, v10;
	v53 =	vadd.s32 s2, v52;
	v11 =	vor.u32 v11, v12  }
0x172: {  	v51 =	vand.u32 $0xFFFFFF80, v50;
	v12 =	vadd.s32 s2, v49;
	v10 =	vor.u32 v10, v53  }
0x173: {  	v14 =	vand.u32 $0x7F, v50;
	v12 =	vor.u32 v13, v12;
	v13 =	vadd.s32 s2, v51  }
0x174: {  	v13 =	vor.u32 v14, v13;
	_ =	sdelay $0x1  }
0x175: {  	v11 =	vld.idx.msk [tilespmem:v11+s18+$0x0], $0xffff  }
0x176: {  	v10 =	vld.idx.msk [tilespmem:v10+s18+$0x0], $0xffff  }
0x177: {  	v12 =	vld.idx.msk [tilespmem:v12+s18+$0x0], $0xffff  }
0x178: {  	v13 =	vld.idx.msk [tilespmem:v13+s18+$0x0], $0xffff;
	_ =	sdelay $0x3  }
0x179: {  	v11 =	vmul.f32 v11, v5;
	v10 =	vmul.f32 v10, v8  }
0x17a: {  	v12 =	vmul.f32 v12, v6;
	v13 =	vmul.f32 v13, v7;
	_ =	sdelay $0x1  }
0x17b: {  	v11 =	vadd.f32 v12, v11;
	v10 =	vadd.f32 v10, v13;
	_ =	sdelay $0x1  }
0x17c: {  	v10 =	vadd.f32 v10, v11;
	_ =	sdelay $0x1  }
0x17d: {  	(xrf2) =	vadd.scan.msk.f32 $0xffff, v10;
	_ =	sdelay $0x4  }
0x17e: {  	s23 =	sadd.s32 $0xFFFFFFF5, s10  }
0x17f: {  	v54 =	vmov s23;
	_ =	sdelay $0x2  }
0x180: {  	s21 =	sadd.s32 $0xFFFFFFD8, s22  }
0x181: {  	s2 =	sand.u32 $0x1FFC0, s21;
	v55, _, _ =	vpop (xrf2)  }
0x182: {  	s2 =	sshrl.u32 s2, $0x2;
	[tilespmem:v54+s31+$0x0] =	vst.idx.msk vm0, v55  }
0x183: {  	v10 =	vld [tilespmem:s2+$0x3000];
	_ =	sdelay $0x1  }
0x184: {  	s2 =	sadd.s32 $0x9, s29  }
0x185: {  	s23 =	sand.u32 $0xD, s2  }
0x186: {  	v56 =	vmov s23  }
0x187: {  	v10 =	vperm.xlane v10, v56;
	_ =	sdelay $0x1  }
0x188: {  	v11 =	vadd.s32 v0, v10  }
0x189: {  	v58 =	vadd.s32 v1, v10;
	v60 =	vadd.s32 v2, v10;
	v10 =	vadd.s32 v3, v10  }
0x18a: {  	s2 =	sshll.u32 s2, $0x7;
	v57 =	vand.u32 $0xFFFFFF80, v11;
	v11 =	vand.u32 $0x7F, v11;
	v59 =	vand.u32 $0xFFFFFF80, v58  }
0x18b: {  	v13 =	vand.u32 $0x7F, v58;
	v62 =	vand.u32 $0xFFFFFF80, v10;
	v12 =	vadd.s32 s2, v57  }
0x18c: {  	v10 =	vand.u32 $0x7F, v10;
	v63 =	vadd.s32 s2, v62;
	v11 =	vor.u32 v11, v12  }
0x18d: {  	v61 =	vand.u32 $0xFFFFFF80, v60;
	v12 =	vadd.s32 s2, v59;
	v10 =	vor.u32 v10, v63  }
0x18e: {  	v14 =	vand.u32 $0x7F, v60;
	v12 =	vor.u32 v13, v12;
	v13 =	vadd.s32 s2, v61  }
0x18f: {  	v13 =	vor.u32 v14, v13;
	_ =	sdelay $0x1  }
0x190: {  	v11 =	vld.idx.msk [tilespmem:v11+s18+$0x0], $0xffff  }
0x191: {  	v10 =	vld.idx.msk [tilespmem:v10+s18+$0x0], $0xffff  }
0x192: {  	v12 =	vld.idx.msk [tilespmem:v12+s18+$0x0], $0xffff  }
0x193: {  	v13 =	vld.idx.msk [tilespmem:v13+s18+$0x0], $0xffff;
	_ =	sdelay $0x3  }
0x194: {  	v11 =	vmul.f32 v11, v5;
	v10 =	vmul.f32 v10, v8  }
0x195: {  	v12 =	vmul.f32 v12, v6;
	v13 =	vmul.f32 v13, v7;
	_ =	sdelay $0x1  }
0x196: {  	v11 =	vadd.f32 v12, v11;
	v10 =	vadd.f32 v10, v13;
	_ =	sdelay $0x1  }
0x197: {  	v10 =	vadd.f32 v10, v11;
	_ =	sdelay $0x1  }
0x198: {  	(xrf2) =	vadd.scan.msk.f32 $0xffff, v10;
	_ =	sdelay $0x4  }
0x199: {  	s23 =	sadd.s32 $0xFFFFFFF6, s10  }
0x19a: {  	v14 =	vmov s23;
	_ =	sdelay $0x2  }
0x19b: {  	s21 =	sadd.s32 $0xFFFFFFDC, s22  }
0x19c: {  	s2 =	sand.u32 $0x1FFC0, s21;
	v15, _, _ =	vpop (xrf2)  }
0x19d: {  	s2 =	sshrl.u32 s2, $0x2;
	[tilespmem:v14+s31+$0x0] =	vst.idx.msk vm0, v15  }
0x19e: {  	v10 =	vld [tilespmem:s2+$0x3000];
	_ =	sdelay $0x1  }
0x19f: {  	s2 =	sadd.s32 $0xA, s29  }
0x1a0: {  	s23 =	sand.u32 $0xE, s2  }
0x1a1: {  	v16 =	vmov s23  }
0x1a2: {  	v10 =	vperm.xlane v10, v16;
	_ =	sdelay $0x1  }
0x1a3: {  	v11 =	vadd.s32 v0, v10  }
0x1a4: {  	v18 =	vadd.s32 v1, v10;
	v20 =	vadd.s32 v2, v10;
	v10 =	vadd.s32 v3, v10  }
0x1a5: {  	s2 =	sshll.u32 s2, $0x7;
	v17 =	vand.u32 $0xFFFFFF80, v11;
	v11 =	vand.u32 $0x7F, v11;
	v19 =	vand.u32 $0xFFFFFF80, v18  }
0x1a6: {  	v13 =	vand.u32 $0x7F, v18;
	v22 =	vand.u32 $0xFFFFFF80, v10;
	v12 =	vadd.s32 s2, v17  }
0x1a7: {  	v10 =	vand.u32 $0x7F, v10;
	v23 =	vadd.s32 s2, v22;
	v11 =	vor.u32 v11, v12  }
0x1a8: {  	v21 =	vand.u32 $0xFFFFFF80, v20;
	v12 =	vadd.s32 s2, v19;
	v10 =	vor.u32 v10, v23  }
0x1a9: {  	v14 =	vand.u32 $0x7F, v20;
	v12 =	vor.u32 v13, v12;
	v13 =	vadd.s32 s2, v21  }
0x1aa: {  	v13 =	vor.u32 v14, v13;
	_ =	sdelay $0x1  }
0x1ab: {  	v11 =	vld.idx.msk [tilespmem:v11+s18+$0x0], $0xffff  }
0x1ac: {  	v10 =	vld.idx.msk [tilespmem:v10+s18+$0x0], $0xffff  }
0x1ad: {  	v12 =	vld.idx.msk [tilespmem:v12+s18+$0x0], $0xffff  }
0x1ae: {  	v13 =	vld.idx.msk [tilespmem:v13+s18+$0x0], $0xffff;
	_ =	sdelay $0x3  }
0x1af: {  	v11 =	vmul.f32 v11, v5;
	v10 =	vmul.f32 v10, v8  }
0x1b0: {  	v12 =	vmul.f32 v12, v6;
	v13 =	vmul.f32 v13, v7;
	_ =	sdelay $0x1  }
0x1b1: {  	v11 =	vadd.f32 v12, v11;
	v10 =	vadd.f32 v10, v13;
	_ =	sdelay $0x1  }
0x1b2: {  	v10 =	vadd.f32 v10, v11;
	_ =	sdelay $0x1  }
0x1b3: {  	(xrf2) =	vadd.scan.msk.f32 $0xffff, v10;
	_ =	sdelay $0x4  }
0x1b4: {  	s21 =	sadd.s32 $0xFFFFFFF7, s10  }
0x1b5: {  	v24 =	vmov s21;
	_ =	sdelay $0x2  }
0x1b6: {  	s23 =	sadd.s32 $0xFFFFFFE0, s22  }
0x1b7: {  	s2 =	sand.u32 $0x1FFC0, s23;
	v25, _, _ =	vpop (xrf2)  }
0x1b8: {  	s2 =	sshrl.u32 s2, $0x2;
	[tilespmem:v24+s31+$0x0] =	vst.idx.msk vm0, v25  }
0x1b9: {  	v10 =	vld [tilespmem:s2+$0x3000];
	_ =	sdelay $0x2  }
0x1ba: {  	s21 =	sadd.s32 $0xB, s29  }
0x1bb: {  	v26 =	vmov s21  }
0x1bc: {  	v10 =	vperm.xlane v10, v26;
	_ =	sdelay $0x1  }
0x1bd: {  	v11 =	vadd.s32 v0, v10  }
0x1be: {  	v28 =	vadd.s32 v1, v10;
	v30 =	vadd.s32 v2, v10;
	v10 =	vadd.s32 v3, v10  }
0x1bf: {  	s2 =	sshll.u32 s21, $0x7;
	v27 =	vand.u32 $0xFFFFFF80, v11;
	v11 =	vand.u32 $0x7F, v11;
	v29 =	vand.u32 $0xFFFFFF80, v28  }
0x1c0: {  	v13 =	vand.u32 $0x7F, v28;
	v32 =	vand.u32 $0xFFFFFF80, v10;
	v12 =	vadd.s32 s2, v27  }
0x1c1: {  	v10 =	vand.u32 $0x7F, v10;
	v33 =	vadd.s32 s2, v32;
	v11 =	vor.u32 v11, v12  }
0x1c2: {  	v31 =	vand.u32 $0xFFFFFF80, v30;
	v12 =	vadd.s32 s2, v29;
	v10 =	vor.u32 v10, v33  }
0x1c3: {  	v14 =	vand.u32 $0x7F, v30;
	v12 =	vor.u32 v13, v12;
	v13 =	vadd.s32 s2, v31  }
0x1c4: {  	v13 =	vor.u32 v14, v13;
	_ =	sdelay $0x1  }
0x1c5: {  	v11 =	vld.idx.msk [tilespmem:v11+s18+$0x0], $0xffff  }
0x1c6: {  	v10 =	vld.idx.msk [tilespmem:v10+s18+$0x0], $0xffff  }
0x1c7: {  	v12 =	vld.idx.msk [tilespmem:v12+s18+$0x0], $0xffff  }
0x1c8: {  	v13 =	vld.idx.msk [tilespmem:v13+s18+$0x0], $0xffff;
	_ =	sdelay $0x3  }
0x1c9: {  	v11 =	vmul.f32 v11, v5;
	v10 =	vmul.f32 v10, v8  }
0x1ca: {  	v12 =	vmul.f32 v12, v6;
	v13 =	vmul.f32 v13, v7;
	_ =	sdelay $0x1  }
0x1cb: {  	v11 =	vadd.f32 v12, v11;
	v10 =	vadd.f32 v10, v13;
	_ =	sdelay $0x1  }
0x1cc: {  	v10 =	vadd.f32 v10, v11;
	_ =	sdelay $0x1  }
0x1cd: {  	(xrf2) =	vadd.scan.msk.f32 $0xffff, v10;
	_ =	sdelay $0x4  }
0x1ce: {  	s23 =	sadd.s32 $0xFFFFFFF8, s10  }
0x1cf: {  	v34 =	vmov s23;
	_ =	sdelay $0x2  }
0x1d0: {  	s21 =	sadd.s32 $0xFFFFFFE4, s22  }
0x1d1: {  	s2 =	sand.u32 $0x1FFC0, s21;
	v35, _, _ =	vpop (xrf2)  }
0x1d2: {  	s2 =	sshrl.u32 s2, $0x2;
	[tilespmem:v34+s31+$0x0] =	vst.idx.msk vm0, v35  }
0x1d3: {  	v10 =	vld [tilespmem:s2+$0x3000];
	_ =	sdelay $0x1  }
0x1d4: {  	s2 =	sadd.s32 $0xC, s29  }
0x1d5: {  	s23 =	sand.u32 $0xC, s2  }
0x1d6: {  	v36 =	vmov s23  }
0x1d7: {  	v10 =	vperm.xlane v10, v36;
	_ =	sdelay $0x1  }
0x1d8: {  	v11 =	vadd.s32 v0, v10  }
0x1d9: {  	v38 =	vadd.s32 v1, v10;
	v40 =	vadd.s32 v2, v10;
	v10 =	vadd.s32 v3, v10  }
0x1da: {  	s2 =	sshll.u32 s2, $0x7;
	v37 =	vand.u32 $0xFFFFFF80, v11;
	v11 =	vand.u32 $0x7F, v11;
	v39 =	vand.u32 $0xFFFFFF80, v38  }
0x1db: {  	v13 =	vand.u32 $0x7F, v38;
	v42 =	vand.u32 $0xFFFFFF80, v10;
	v12 =	vadd.s32 s2, v37  }
0x1dc: {  	v10 =	vand.u32 $0x7F, v10;
	v43 =	vadd.s32 s2, v42;
	v11 =	vor.u32 v11, v12  }
0x1dd: {  	v41 =	vand.u32 $0xFFFFFF80, v40;
	v12 =	vadd.s32 s2, v39;
	v10 =	vor.u32 v10, v43  }
0x1de: {  	v14 =	vand.u32 $0x7F, v40;
	v12 =	vor.u32 v13, v12;
	v13 =	vadd.s32 s2, v41  }
0x1df: {  	v13 =	vor.u32 v14, v13;
	_ =	sdelay $0x1  }
0x1e0: {  	v11 =	vld.idx.msk [tilespmem:v11+s18+$0x0], $0xffff  }
0x1e1: {  	v10 =	vld.idx.msk [tilespmem:v10+s18+$0x0], $0xffff  }
0x1e2: {  	v12 =	vld.idx.msk [tilespmem:v12+s18+$0x0], $0xffff  }
0x1e3: {  	v13 =	vld.idx.msk [tilespmem:v13+s18+$0x0], $0xffff;
	_ =	sdelay $0x3  }
0x1e4: {  	v11 =	vmul.f32 v11, v5;
	v10 =	vmul.f32 v10, v8  }
0x1e5: {  	v12 =	vmul.f32 v12, v6;
	v13 =	vmul.f32 v13, v7;
	_ =	sdelay $0x1  }
0x1e6: {  	v11 =	vadd.f32 v12, v11;
	v10 =	vadd.f32 v10, v13;
	_ =	sdelay $0x1  }
0x1e7: {  	v10 =	vadd.f32 v10, v11;
	_ =	sdelay $0x1  }
0x1e8: {  	(xrf2) =	vadd.scan.msk.f32 $0xffff, v10;
	_ =	sdelay $0x4  }
0x1e9: {  	s23 =	sadd.s32 $0xFFFFFFF9, s10  }
0x1ea: {  	v44 =	vmov s23;
	_ =	sdelay $0x2  }
0x1eb: {  	s21 =	sadd.s32 $0xFFFFFFE8, s22  }
0x1ec: {  	s2 =	sand.u32 $0x1FFC0, s21;
	v45, _, _ =	vpop (xrf2)  }
0x1ed: {  	s2 =	sshrl.u32 s2, $0x2;
	[tilespmem:v44+s31+$0x0] =	vst.idx.msk vm0, v45  }
0x1ee: {  	v10 =	vld [tilespmem:s2+$0x3000];
	_ =	sdelay $0x1  }
0x1ef: {  	s2 =	sadd.s32 $0xD, s29  }
0x1f0: {  	s23 =	sand.u32 $0xD, s2  }
0x1f1: {  	v46 =	vmov s23  }
0x1f2: {  	v10 =	vperm.xlane v10, v46;
	_ =	sdelay $0x1  }
0x1f3: {  	v11 =	vadd.s32 v0, v10  }
0x1f4: {  	v48 =	vadd.s32 v1, v10;
	v50 =	vadd.s32 v2, v10;
	v10 =	vadd.s32 v3, v10  }
0x1f5: {  	s2 =	sshll.u32 s2, $0x7;
	v47 =	vand.u32 $0xFFFFFF80, v11;
	v11 =	vand.u32 $0x7F, v11;
	v49 =	vand.u32 $0xFFFFFF80, v48  }
0x1f6: {  	v13 =	vand.u32 $0x7F, v48;
	v52 =	vand.u32 $0xFFFFFF80, v10;
	v12 =	vadd.s32 s2, v47  }
0x1f7: {  	v10 =	vand.u32 $0x7F, v10;
	v53 =	vadd.s32 s2, v52;
	v11 =	vor.u32 v11, v12  }
0x1f8: {  	v51 =	vand.u32 $0xFFFFFF80, v50;
	v12 =	vadd.s32 s2, v49;
	v10 =	vor.u32 v10, v53  }
0x1f9: {  	v14 =	vand.u32 $0x7F, v50;
	v12 =	vor.u32 v13, v12;
	v13 =	vadd.s32 s2, v51  }
0x1fa: {  	v13 =	vor.u32 v14, v13;
	_ =	sdelay $0x1  }
0x1fb: {  	v11 =	vld.idx.msk [tilespmem:v11+s18+$0x0], $0xffff  }
0x1fc: {  	v10 =	vld.idx.msk [tilespmem:v10+s18+$0x0], $0xffff  }
0x1fd: {  	v12 =	vld.idx.msk [tilespmem:v12+s18+$0x0], $0xffff  }
0x1fe: {  	v13 =	vld.idx.msk [tilespmem:v13+s18+$0x0], $0xffff;
	_ =	sdelay $0x3  }
0x1ff: {  	v11 =	vmul.f32 v11, v5;
	v10 =	vmul.f32 v10, v8  }
0x200: {  	v12 =	vmul.f32 v12, v6;
	v13 =	vmul.f32 v13, v7;
	_ =	sdelay $0x1  }
0x201: {  	v11 =	vadd.f32 v12, v11;
	v10 =	vadd.f32 v10, v13;
	_ =	sdelay $0x1  }
0x202: {  	v10 =	vadd.f32 v10, v11;
	_ =	sdelay $0x1  }
0x203: {  	(xrf2) =	vadd.scan.msk.f32 $0xffff, v10;
	_ =	sdelay $0x4  }
0x204: {  	s23 =	sadd.s32 $0xFFFFFFFA, s10  }
0x205: {  	v54 =	vmov s23;
	_ =	sdelay $0x2  }
0x206: {  	s21 =	sadd.s32 $0xFFFFFFEC, s22  }
0x207: {  	s2 =	sand.u32 $0x1FFC0, s21;
	v55, _, _ =	vpop (xrf2)  }
0x208: {  	s2 =	sshrl.u32 s2, $0x2;
	[tilespmem:v54+s31+$0x0] =	vst.idx.msk vm0, v55  }
0x209: {  	v10 =	vld [tilespmem:s2+$0x3000];
	_ =	sdelay $0x1  }
0x20a: {  	s2 =	sadd.s32 $0xE, s29  }
0x20b: {  	s23 =	sand.u32 $0xE, s2  }
0x20c: {  	v56 =	vmov s23  }
0x20d: {  	v10 =	vperm.xlane v10, v56;
	_ =	sdelay $0x1  }
0x20e: {  	v11 =	vadd.s32 v0, v10  }
0x20f: {  	v58 =	vadd.s32 v1, v10;
	v60 =	vadd.s32 v2, v10;
	v10 =	vadd.s32 v3, v10  }
0x210: {  	s2 =	sshll.u32 s2, $0x7;
	v57 =	vand.u32 $0xFFFFFF80, v11;
	v11 =	vand.u32 $0x7F, v11;
	v59 =	vand.u32 $0xFFFFFF80, v58  }
0x211: {  	v13 =	vand.u32 $0x7F, v58;
	v62 =	vand.u32 $0xFFFFFF80, v10;
	v12 =	vadd.s32 s2, v57  }
0x212: {  	v10 =	vand.u32 $0x7F, v10;
	v63 =	vadd.s32 s2, v62;
	v11 =	vor.u32 v11, v12  }
0x213: {  	v61 =	vand.u32 $0xFFFFFF80, v60;
	v12 =	vadd.s32 s2, v59;
	v10 =	vor.u32 v10, v63  }
0x214: {  	v14 =	vand.u32 $0x7F, v60;
	v12 =	vor.u32 v13, v12;
	v13 =	vadd.s32 s2, v61  }
0x215: {  	v13 =	vor.u32 v14, v13;
	_ =	sdelay $0x1  }
0x216: {  	v11 =	vld.idx.msk [tilespmem:v11+s18+$0x0], $0xffff  }
0x217: {  	v10 =	vld.idx.msk [tilespmem:v10+s18+$0x0], $0xffff  }
0x218: {  	v12 =	vld.idx.msk [tilespmem:v12+s18+$0x0], $0xffff  }
0x219: {  	v13 =	vld.idx.msk [tilespmem:v13+s18+$0x0], $0xffff;
	_ =	sdelay $0x3  }
0x21a: {  	v11 =	vmul.f32 v11, v5;
	v10 =	vmul.f32 v10, v8  }
0x21b: {  	v12 =	vmul.f32 v12, v6;
	v13 =	vmul.f32 v13, v7;
	_ =	sdelay $0x1  }
0x21c: {  	v11 =	vadd.f32 v12, v11;
	v10 =	vadd.f32 v10, v13;
	_ =	sdelay $0x1  }
0x21d: {  	v10 =	vadd.f32 v10, v11;
	_ =	sdelay $0x1  }
0x21e: {  	(xrf2) =	vadd.scan.msk.f32 $0xffff, v10;
	_ =	sdelay $0x4  }
0x21f: {  	s21 =	sadd.s32 $0xFFFFFFFB, s10  }
0x220: {  	v15 =	vmov s21;
	_ =	sdelay $0x2  }
0x221: {  	s23 =	sadd.s32 $0xFFFFFFF0, s22  }
0x222: {  	s2 =	sand.u32 $0x1FFC0, s23;
	v16, _, _ =	vpop (xrf2)  }
0x223: {  	s2 =	sshrl.u32 s2, $0x2;
	[tilespmem:v15+s31+$0x0] =	vst.idx.msk vm0, v16  }
0x224: {  	v10 =	vld [tilespmem:s2+$0x3000];
	_ =	sdelay $0x2  }
0x225: {  	s21 =	sadd.s32 $0xF, s29  }
0x226: {  	v17 =	vmov s21  }
0x227: {  	v10 =	vperm.xlane v10, v17;
	_ =	sdelay $0x1  }
0x228: {  	v11 =	vadd.s32 v0, v10  }
0x229: {  	v19 =	vadd.s32 v1, v10;
	v21 =	vadd.s32 v2, v10;
	v10 =	vadd.s32 v3, v10  }
0x22a: {  	s2 =	sshll.u32 s21, $0x7;
	v18 =	vand.u32 $0xFFFFFF80, v11;
	v11 =	vand.u32 $0x7F, v11;
	v20 =	vand.u32 $0xFFFFFF80, v19  }
0x22b: {  	v13 =	vand.u32 $0x7F, v19;
	v23 =	vand.u32 $0xFFFFFF80, v10;
	v12 =	vadd.s32 s2, v18  }
0x22c: {  	v10 =	vand.u32 $0x7F, v10;
	v24 =	vadd.s32 s2, v23;
	v11 =	vor.u32 v11, v12  }
0x22d: {  	v22 =	vand.u32 $0xFFFFFF80, v21;
	v12 =	vadd.s32 s2, v20;
	v10 =	vor.u32 v10, v24  }
0x22e: {  	v14 =	vand.u32 $0x7F, v21;
	v12 =	vor.u32 v13, v12;
	v13 =	vadd.s32 s2, v22  }
0x22f: {  	v13 =	vor.u32 v14, v13;
	_ =	sdelay $0x1  }
0x230: {  	v11 =	vld.idx.msk [tilespmem:v11+s18+$0x0], $0xffff  }
0x231: {  	v10 =	vld.idx.msk [tilespmem:v10+s18+$0x0], $0xffff  }
0x232: {  	v12 =	vld.idx.msk [tilespmem:v12+s18+$0x0], $0xffff  }
0x233: {  	v13 =	vld.idx.msk [tilespmem:v13+s18+$0x0], $0xffff;
	_ =	sdelay $0x3  }
0x234: {  	v11 =	vmul.f32 v11, v5;
	v10 =	vmul.f32 v10, v8  }
0x235: {  	v12 =	vmul.f32 v12, v6;
	v13 =	vmul.f32 v13, v7;
	_ =	sdelay $0x1  }
0x236: {  	v11 =	vadd.f32 v12, v11;
	v10 =	vadd.f32 v10, v13;
	_ =	sdelay $0x1  }
0x237: {  	v10 =	vadd.f32 v10, v11;
	_ =	sdelay $0x1  }
0x238: {  	(xrf2) =	vadd.scan.msk.f32 $0xffff, v10;
	_ =	sdelay $0x4  }
0x239: {  	s23 =	sadd.s32 $0xFFFFFFFC, s10  }
0x23a: {  	v25 =	vmov s23;
	_ =	sdelay $0x2  }
0x23b: {  	s21 =	sadd.s32 $0xFFFFFFF4, s22  }
0x23c: {  	s2 =	sand.u32 $0x1FFC0, s21;
	v26, _, _ =	vpop (xrf2)  }
0x23d: {  	s2 =	sshrl.u32 s2, $0x2;
	[tilespmem:v25+s31+$0x0] =	vst.idx.msk vm0, v26  }
0x23e: {  	v10 =	vld [tilespmem:s2+$0x3000];
	_ =	sdelay $0x4  }
0x23f: {  	v9 =	vperm.xlane v10, v9;
	_ =	sdelay $0x1  }
0x240: {  	v10 =	vadd.s32 v0, v9  }
0x241: {  	v28 =	vadd.s32 v1, v9;
	v30 =	vadd.s32 v2, v9;
	v9 =	vadd.s32 v3, v9  }
0x242: {  	s23 =	sadd.s32 $0x800, s20;
	v27 =	vand.u32 $0xFFFFFF80, v10;
	v10 =	vand.u32 $0x7F, v10;
	v29 =	vand.u32 $0xFFFFFF80, v28  }
0x243: {  	v12 =	vand.u32 $0x7F, v28;
	v32 =	vand.u32 $0xFFFFFF80, v9;
	v11 =	vadd.s32 s23, v27  }
0x244: {  	v9 =	vand.u32 $0x7F, v9;
	v33 =	vadd.s32 s23, v32;
	v10 =	vor.u32 v10, v11  }
0x245: {  	v31 =	vand.u32 $0xFFFFFF80, v30;
	v11 =	vadd.s32 s23, v29;
	v9 =	vor.u32 v9, v33  }
0x246: {  	v13 =	vand.u32 $0x7F, v30;
	v11 =	vor.u32 v12, v11;
	v12 =	vadd.s32 s23, v31  }
0x247: {  	v12 =	vor.u32 v13, v12;
	_ =	sdelay $0x1  }
0x248: {  	v10 =	vld.idx.msk [tilespmem:v10+s18+$0x0], $0xffff  }
0x249: {  	v9 =	vld.idx.msk [tilespmem:v9+s18+$0x0], $0xffff  }
0x24a: {  	v11 =	vld.idx.msk [tilespmem:v11+s18+$0x0], $0xffff  }
0x24b: {  	v12 =	vld.idx.msk [tilespmem:v12+s18+$0x0], $0xffff;
	_ =	sdelay $0x3  }
0x24c: {  	v10 =	vmul.f32 v10, v5;
	v9 =	vmul.f32 v9, v8  }
0x24d: {  	v11 =	vmul.f32 v11, v6;
	v12 =	vmul.f32 v12, v7;
	_ =	sdelay $0x1  }
0x24e: {  	v10 =	vadd.f32 v11, v10;
	v9 =	vadd.f32 v9, v12;
	_ =	sdelay $0x1  }
0x24f: {  	v9 =	vadd.f32 v9, v10;
	_ =	sdelay $0x1  }
0x250: {  	(xrf2) =	vadd.scan.msk.f32 $0xffff, v9;
	_ =	sdelay $0x4  }
0x251: {  	s20 =	sadd.s32 $0xFFFFFFFD, s10  }
0x252: {  	v34 =	vmov s20;
	_ =	sdelay $0x2  }
0x253: {  	s21 =	sadd.s32 $0xFFFFFFF8, s22  }
0x254: {  	s2 =	sand.u32 $0x1FFC0, s21;
	v35, _, _ =	vpop (xrf2)  }
0x255: {  	s2 =	sshrl.u32 s2, $0x2;
	[tilespmem:v34+s31+$0x0] =	vst.idx.msk vm0, v35  }
0x256: {  	v9 =	vld [tilespmem:s2+$0x3000];
	_ =	sdelay $0x1  }
0x257: {  	s23 =	sadd.s32 $0x11, s29  }
0x258: {  	s21 =	sand.u32 $0xD, s23  }
0x259: {  	v36 =	vmov s21  }
0x25a: {  	v9 =	vperm.xlane v9, v36;
	_ =	sdelay $0x1  }
0x25b: {  	v10 =	vadd.s32 v0, v9  }
0x25c: {  	v38 =	vadd.s32 v1, v9;
	v40 =	vadd.s32 v2, v9;
	v9 =	vadd.s32 v3, v9  }
0x25d: {  	s2 =	sshll.u32 s23, $0x7;
	v37 =	vand.u32 $0xFFFFFF80, v10;
	v10 =	vand.u32 $0x7F, v10;
	v39 =	vand.u32 $0xFFFFFF80, v38  }
0x25e: {  	v12 =	vand.u32 $0x7F, v38;
	v42 =	vand.u32 $0xFFFFFF80, v9;
	v11 =	vadd.s32 s2, v37  }
0x25f: {  	v9 =	vand.u32 $0x7F, v9;
	v43 =	vadd.s32 s2, v42;
	v10 =	vor.u32 v10, v11  }
0x260: {  	v41 =	vand.u32 $0xFFFFFF80, v40;
	v11 =	vadd.s32 s2, v39;
	v9 =	vor.u32 v9, v43  }
0x261: {  	v13 =	vand.u32 $0x7F, v40;
	v11 =	vor.u32 v12, v11;
	v12 =	vadd.s32 s2, v41  }
0x262: {  	v12 =	vor.u32 v13, v12;
	_ =	sdelay $0x1  }
0x263: {  	v10 =	vld.idx.msk [tilespmem:v10+s18+$0x0], $0xffff  }
0x264: {  	v9 =	vld.idx.msk [tilespmem:v9+s18+$0x0], $0xffff  }
0x265: {  	v11 =	vld.idx.msk [tilespmem:v11+s18+$0x0], $0xffff  }
0x266: {  	v12 =	vld.idx.msk [tilespmem:v12+s18+$0x0], $0xffff;
	_ =	sdelay $0x3  }
0x267: {  	v10 =	vmul.f32 v10, v5;
	v9 =	vmul.f32 v9, v8  }
0x268: {  	v11 =	vmul.f32 v11, v6;
	v12 =	vmul.f32 v12, v7;
	_ =	sdelay $0x1  }
0x269: {  	v10 =	vadd.f32 v11, v10;
	v9 =	vadd.f32 v9, v12;
	_ =	sdelay $0x1  }
0x26a: {  	v9 =	vadd.f32 v9, v10;
	_ =	sdelay $0x1  }
0x26b: {  	(xrf2) =	vadd.scan.msk.f32 $0xffff, v9;
	_ =	sdelay $0x4  }
0x26c: {  	s23 =	sadd.s32 $0xFFFFFFFE, s10  }
0x26d: {  	v44 =	vmov s23;
	_ =	sdelay $0x2  }
0x26e: {  	s20 =	sadd.s32 $0xFFFFFFFC, s22  }
0x26f: {  	s2 =	sand.u32 $0x1FFC0, s20;
	v45, _, _ =	vpop (xrf2)  }
0x270: {  	s2 =	sshrl.u32 s2, $0x2;
	[tilespmem:v44+s31+$0x0] =	vst.idx.msk vm0, v45  }
0x271: {  	v9 =	vld [tilespmem:s2+$0x3000];
	_ =	sdelay $0x1  }
0x272: {  	s21 =	sadd.s32 $0x12, s29  }
0x273: {  	s23 =	sand.u32 $0xE, s21  }
0x274: {  	v46 =	vmov s23  }
0x275: {  	v9 =	vperm.xlane v9, v46;
	_ =	sdelay $0x1  }
0x276: {  	v10 =	vadd.s32 v0, v9  }
0x277: {  	v48 =	vadd.s32 v1, v9;
	v50 =	vadd.s32 v2, v9;
	v9 =	vadd.s32 v3, v9  }
0x278: {  	s2 =	sshll.u32 s21, $0x7;
	v47 =	vand.u32 $0xFFFFFF80, v10;
	v10 =	vand.u32 $0x7F, v10;
	v49 =	vand.u32 $0xFFFFFF80, v48  }
0x279: {  	v12 =	vand.u32 $0x7F, v48;
	v52 =	vand.u32 $0xFFFFFF80, v9;
	v11 =	vadd.s32 s2, v47  }
0x27a: {  	v9 =	vand.u32 $0x7F, v9;
	v53 =	vadd.s32 s2, v52;
	v10 =	vor.u32 v10, v11  }
0x27b: {  	v51 =	vand.u32 $0xFFFFFF80, v50;
	v11 =	vadd.s32 s2, v49;
	v9 =	vor.u32 v9, v53  }
0x27c: {  	v13 =	vand.u32 $0x7F, v50;
	v11 =	vor.u32 v12, v11;
	v12 =	vadd.s32 s2, v51  }
0x27d: {  	v12 =	vor.u32 v13, v12;
	_ =	sdelay $0x1  }
0x27e: {  	v10 =	vld.idx.msk [tilespmem:v10+s18+$0x0], $0xffff  }
0x27f: {  	v9 =	vld.idx.msk [tilespmem:v9+s18+$0x0], $0xffff  }
0x280: {  	v11 =	vld.idx.msk [tilespmem:v11+s18+$0x0], $0xffff  }
0x281: {  	v12 =	vld.idx.msk [tilespmem:v12+s18+$0x0], $0xffff;
	_ =	sdelay $0x3  }
0x282: {  	v10 =	vmul.f32 v10, v5;
	v9 =	vmul.f32 v9, v8  }
0x283: {  	v11 =	vmul.f32 v11, v6;
	v12 =	vmul.f32 v12, v7;
	_ =	sdelay $0x1  }
0x284: {  	v10 =	vadd.f32 v11, v10;
	v9 =	vadd.f32 v9, v12;
	_ =	sdelay $0x1  }
0x285: {  	v9 =	vadd.f32 v9, v10;
	_ =	sdelay $0x1  }
0x286: {  	(xrf2) =	vadd.scan.msk.f32 $0xffff, v9;
	_ =	sdelay $0x4  }
0x287: {  	s20 =	sadd.s32 $0xFFFFFFFF, s10  }
0x288: {  	v54 =	vmov s20;
	_ =	sdelay $0x3  }
0x289: {  	s21 =	sand.u32 $0x1FFC0, s22;
	v55, _, _ =	vpop (xrf2)  }
0x28a: {  	s2 =	sshrl.u32 s21, $0x2;
	[tilespmem:v54+s31+$0x0] =	vst.idx.msk vm0, v55  }
0x28b: {  	v9 =	vld [tilespmem:s2+$0x3000];
	_ =	sdelay $0x2  }
0x28c: {  	s23 =	sadd.s32 $0x13, s29  }
0x28d: {  	v56 =	vmov s23  }
0x28e: {  	v9 =	vperm.xlane v9, v56;
	_ =	sdelay $0x1  }
0x28f: {  	v10 =	vadd.s32 v0, v9  }
0x290: {  	v58 =	vadd.s32 v1, v9;
	v60 =	vadd.s32 v2, v9;
	v9 =	vadd.s32 v3, v9  }
0x291: {  	s2 =	sshll.u32 s23, $0x7;
	v57 =	vand.u32 $0xFFFFFF80, v10;
	v10 =	vand.u32 $0x7F, v10;
	v59 =	vand.u32 $0xFFFFFF80, v58  }
0x292: {  	v12 =	vand.u32 $0x7F, v58;
	v62 =	vand.u32 $0xFFFFFF80, v9;
	v11 =	vadd.s32 s2, v57  }
0x293: {  	v9 =	vand.u32 $0x7F, v9;
	v63 =	vadd.s32 s2, v62;
	v10 =	vor.u32 v10, v11  }
0x294: {  	v61 =	vand.u32 $0xFFFFFF80, v60;
	v11 =	vadd.s32 s2, v59;
	v9 =	vor.u32 v9, v63  }
0x295: {  	v13 =	vand.u32 $0x7F, v60;
	v11 =	vor.u32 v12, v11;
	v12 =	vadd.s32 s2, v61  }
0x296: {  	v12 =	vor.u32 v13, v12;
	_ =	sdelay $0x1  }
0x297: {  	v10 =	vld.idx.msk [tilespmem:v10+s18+$0x0], $0xffff  }
0x298: {  	v9 =	vld.idx.msk [tilespmem:v9+s18+$0x0], $0xffff  }
0x299: {  	v11 =	vld.idx.msk [tilespmem:v11+s18+$0x0], $0xffff  }
0x29a: {  	v12 =	vld.idx.msk [tilespmem:v12+s18+$0x0], $0xffff;
	_ =	sdelay $0x3  }
0x29b: {  	v5 =	vmul.f32 v10, v5;
	v8 =	vmul.f32 v9, v8  }
0x29c: {  	v6 =	vmul.f32 v11, v6;
	v7 =	vmul.f32 v12, v7;
	_ =	sdelay $0x1  }
0x29d: {  	v5 =	vadd.f32 v6, v5;
	v6 =	vadd.f32 v8, v7;
	_ =	sdelay $0x1  }
0x29e: {  	v5 =	vadd.f32 v6, v5;
	_ =	sdelay $0x1  }
0x29f: {  	(xrf2) =	vadd.scan.msk.f32 $0xffff, v5;
	_ =	sdelay $0x5  }
0x2a0: {  	p0 =	sne.s32 s29, $0x12C;
	v5 =	vmov s10  }
.Ltmp3:
0x2a1: {  	_ = 	snop;
	(pc) =	sbr.rel @p0 .LBB2_9-.Ltmp3, $3  }
0x2a2: {  	_ =	sdelay $0x1  }
0x2a3: {  	s30 =	sadd.s32 $0x1, s30;
	v6, _, _ =	vpop (xrf2)  }
0x2a4: {  	s29 =	sadd.s32 $0x14, s29;
	s22 =	sadd.s32 $0x50, s22;
	s10 =	sadd.s32 $0x15, s10;
	[tilespmem:v5+s31+$0x0] =	vst.idx.msk vm0, v6  }
0x2a5: {  	s2 =	sadd.s32 s6, s9  }
0x2a6: {  	s2 =	smul.u32 $0x15, s2;
	_ =	sdelay $0x1  }
0x2a7: {  	s2 =	sshrl.u32 s2, $0x3  }
0x2a8: {  	s9 =	simm.s32 $0x0;
	s2 =	sadd.s32 s5, s2  }
0x2a9: {  	[hbm4b:s2+s9] =	stream.linear.scatter [tilespmem:s31], [sflag:$0x3], $0x150, $0x38;
	[tilespmem:$0x1B980] =	vst v63  }
0x2aa: {  	_ =	swait.ge [sflag:s11], $0x150  }
0x2ab: {  	[sflag:s11] =	ssyncset.done $0x0  }
0x2ac: {  	[sflag:s11] =	ssyncadd.s32 $0xFFFFFEB0  }
0x2ad: {  	_ =	swait.ge [sflag:s1], $0x800  }
0x2ae: {  	[sflag:s1] =	ssyncset.done $0x0  }
0x2af: {  	[sflag:s1] =	ssyncadd.s32 $0xFFFFF800  }
0x2b0: {  	_ =	swait.ge [sflag:s1], $0x800  }
0x2b1: {  	[sflag:s1] =	ssyncset.done $0x0  }
0x2b2: {  	[sflag:s1] =	ssyncadd.s32 $0xFFFFF800  }
0x2b3: {  	_ =	swait.ge [sflag:s1], $0x4000  }
0x2b4: {  	[sflag:s1] =	ssyncset.done $0x0  }
0x2b5: {  	[sflag:s1] =	ssyncadd.s32 $0xFFFFC000  }
0x2b6: {  	_ =	swait.ge [sflag:s1], $0x4000  }
0x2b7: {  	[sflag:s1] =	ssyncset.done $0x0  }
0x2b8: {  	[sflag:s1] =	ssyncadd.s32 $0xFFFFC000  }
0x2b9: {  	s21 =	smin.u32 s8, $0x1D;
	_ =	swait.ge [sflag:s1], $0x2000  }
0x2ba: {  	s2 =	sadd.s32 $0x2, s21;
	[sflag:s1] =	ssyncset.done $0x0  }
0x2bb: {  	s22 =	sshll.u32 s2, $0x4;
	s2 =	smul.u32 $0x500, s2;
	[sflag:s1] =	ssyncadd.s32 $0xFFFFE000  }
0x2bc: {  	[tilespmem:s15], [sflag:$0x1] =	stream.indirect.gather [hbm4b:s3+s14], $0x80, s22, s14, $0xb8;
	[tilespmem:$0x1B980] =	vst v63  }
0x2bd: {  	s8 =	sadd.s32 $0x200, s22;
	s2 =	sshrl.u32 s2, $0x2  }
0x2be: {  	[tilespmem:s16], [sflag:$0x1] =	stream.indirect.gather [hbm4b:s4+s14], $0x80, s8, s14, $0xb8;
	[tilespmem:$0x1B980] =	vst v63  }
0x2bf: {  	s10 =	simm.s32 $0xA800;
	s30 =	simm.s32 $0xE800;
	s23 =	sadd.s32 $0x400, s2  }
0x2c0: {  	[tilespmem:s18], [sflag:$0x1] =	stream.indirect.gather [hbm4b:s4+s17], $0x80, s23, s17, $0xb8;
	[tilespmem:$0x1B980] =	vst v63  }
0x2c1: {  	s29 =	sadd.s32 $0x480, s2;
	s2 =	sadd.s32 $0x500, s2;
	s22 =	simm.s32 $0x0  }
0x2c2: {  	[tilespmem:s10], [sflag:$0x1] =	stream.indirect.gather [hbm4b:s4+s17], $0x80, s29, s17, $0xb8;
	[tilespmem:$0x1B980] =	vst v63  }
0x2c3: {  	s8 =	simm.s32 $0x14;
	s23 =	simm.s32 $0x40;
	s10 =	smov.u32 s12  }
0x2c4: {  	[tilespmem:s30], [sflag:$0x1] =	stream.indirect.gather [hbm4b:s4+s23], $0x80, s2, s23, $0xb8;
	[tilespmem:$0x1B980] =	vst v63  }
.LBB2_11:
0x2c5: {  	v4 =	vld [tilespmem:s7+$0x2C00]  }
0x2c6: {  	v7 =	vld [tilespmem:s7+$0x2E00];
	_ =	sdelay $0x2  }
0x2c7: {  	v5 =	vmov s22  }
0x2c8: {  	v4 =	vperm.xlane v4, v5  }
0x2c9: {  	v5 =	vperm.xlane v7, v5  }
0x2ca: {  	v6 =	vadd.s32 v0, v4;
	v9 =	vadd.s32 v1, v4;
	v10 =	vadd.s32 v2, v4  }
0x2cb: {  	v4 =	vadd.s32 v3, v4;
	v54 =	vadd.s32 v0, v5;
	v12 =	vadd.s32 v1, v5  }
0x2cc: {  	v56 =	vadd.s32 v2, v5;
	v14 =	vadd.s32 v3, v5;
	v8 =	vand.u32 $0xFFFFFF80, v6  }
0x2cd: {  	v6 =	vand.u32 $0x7F, v6;
	v50 =	vand.u32 $0xFFFFFF80, v9;
	v9 =	vand.u32 $0x7F, v9  }
0x2ce: {  	v51 =	vand.u32 $0xFFFFFF80, v10;
	v52 =	vand.u32 $0x7F, v10;
	v53 =	vand.u32 $0xFFFFFF80, v4  }
0x2cf: {  	s2 =	sshll.u32 s22, $0x7;
	v4 =	vand.u32 $0x7F, v4;
	v11 =	vand.u32 $0xFFFFFF80, v54;
	v10 =	vand.u32 $0x7F, v54  }
0x2d0: {  	v13 =	vand.u32 $0xFFFFFF80, v56;
	v57 =	vand.u32 $0x7F, v56;
	v8 =	vadd.s32 s2, v8  }
0x2d1: {  	v11 =	vadd.s32 s2, v11;
	v6 =	vor.u32 v6, v8;
	v8 =	vadd.s32 s2, v50  }
0x2d2: {  	v10 =	vor.u32 v10, v11;
	v8 =	vor.u32 v9, v8;
	v9 =	vadd.s32 s2, v51  }
0x2d3: {  	v58 =	vadd.s32 s2, v13;
	v7 =	vor.u32 v52, v9;
	v9 =	vadd.s32 s2, v53  }
0x2d4: {  	v60 =	vor.u32 v57, v58;
	v9 =	vor.u32 v4, v9;
	v4 =	vand.u32 $0xFFFFFF80, v12  }
0x2d5: {  	v55 =	vand.u32 $0x7F, v12;
	v59 =	vand.u32 $0xFFFFFF80, v14;
	v4 =	vadd.s32 s2, v4  }
0x2d6: {  	v61 =	vand.u32 $0x7F, v14;
	v13 =	vadd.s32 s2, v59;
	v11 =	vor.u32 v55, v4;
	v4 =	vld.idx.msk [tilespmem:v6+s25+$0x0], $0xffff  }
0x2d7: {  	v12 =	vor.u32 v61, v13;
	v62 =	vld.idx.msk [tilespmem:v10+s26+$0x0], $0xffff  }
0x2d8: {  	v5 =	vld.idx.msk [tilespmem:v8+s25+$0x0], $0xffff  }
0x2d9: {  	v8 =	vld.idx.msk [tilespmem:v60+s26+$0x0], $0xffff  }
0x2da: {  	v6 =	vld.idx.msk [tilespmem:v7+s25+$0x0], $0xffff  }
0x2db: {  	v7 =	vld.idx.msk [tilespmem:v9+s25+$0x0], $0xffff  }
0x2dc: {  	v13 =	vld.idx.msk [tilespmem:v12+s26+$0x0], $0xffff  }
0x2dd: {  	v63 =	vld.idx.msk [tilespmem:v11+s26+$0x0], $0xffff;
	_ =	sdelay $0x3  }
0x2de: {  	v9 =	vmul.f32 v62, v4;
	v8 =	vmul.f32 v8, v6  }
0x2df: {  	v11 =	vmul.f32 v13, v7;
	v10 =	vmul.f32 v63, v5;
	_ =	sdelay $0x1  }
0x2e0: {  	v8 =	vadd.f32 v11, v8;
	v9 =	vadd.f32 v10, v9;
	_ =	sdelay $0x1  }
0x2e1: {  	v8 =	vadd.f32 v8, v9;
	_ =	sdelay $0x1  }
0x2e2: {  	(xrf2) =	vadd.scan.msk.f32 $0xffff, v8;
	_ =	sdelay $0x4  }
0x2e3: {  	s29 =	sadd.s32 $0xFFFFFFEC, s8  }
0x2e4: {  	v14 =	vmov s29;
	_ =	sdelay $0x2  }
0x2e5: {  	s30 =	sadd.s32 $0xFFFFFFB4, s10  }
0x2e6: {  	s2 =	sand.u32 $0x7FFFFFC0, s30;
	v15, _, _ =	vpop (xrf2)  }
0x2e7: {  	s29 =	sshrl.u32 s2, $0x2;
	[tilespmem:v14+s31+$0x0] =	vst.idx.msk vm0, v15  }
0x2e8: {  	v9 =	vld [tilespmem:s29+$0x3000];
	_ =	sdelay $0x2  }
0x2e9: {  	s20 =	sand.u32 $0xC, s9  }
0x2ea: {  	v8 =	vmov s20  }
0x2eb: {  	v9 =	vperm.xlane v9, v8;
	_ =	sdelay $0x1  }
0x2ec: {  	v16 =	vadd.s32 v0, v9  }
0x2ed: {  	v18 =	vadd.s32 v1, v9;
	v20 =	vadd.s32 v2, v9;
	v9 =	vadd.s32 v3, v9  }
0x2ee: {  	s20 =	sshll.u32 s9, $0x7;
	v17 =	vand.u32 $0xFFFFFF80, v16;
	v10 =	vand.u32 $0x7F, v16;
	v19 =	vand.u32 $0xFFFFFF80, v18  }
0x2ef: {  	v12 =	vand.u32 $0x7F, v18;
	v22 =	vand.u32 $0xFFFFFF80, v9;
	v11 =	vadd.s32 s20, v17  }
0x2f0: {  	v9 =	vand.u32 $0x7F, v9;
	v23 =	vadd.s32 s20, v22;
	v10 =	vor.u32 v10, v11  }
0x2f1: {  	v21 =	vand.u32 $0xFFFFFF80, v20;
	v11 =	vadd.s32 s20, v19;
	v9 =	vor.u32 v9, v23  }
0x2f2: {  	v13 =	vand.u32 $0x7F, v20;
	v11 =	vor.u32 v12, v11;
	v12 =	vadd.s32 s20, v21  }
0x2f3: {  	v12 =	vor.u32 v13, v12;
	_ =	sdelay $0x1  }
0x2f4: {  	v10 =	vld.idx.msk [tilespmem:v10+s28+$0x0], $0xffff  }
0x2f5: {  	v9 =	vld.idx.msk [tilespmem:v9+s28+$0x0], $0xffff  }
0x2f6: {  	v11 =	vld.idx.msk [tilespmem:v11+s28+$0x0], $0xffff  }
0x2f7: {  	v12 =	vld.idx.msk [tilespmem:v12+s28+$0x0], $0xffff;
	_ =	sdelay $0x3  }
0x2f8: {  	v10 =	vmul.f32 v10, v4;
	v9 =	vmul.f32 v9, v7  }
0x2f9: {  	v11 =	vmul.f32 v11, v5;
	v12 =	vmul.f32 v12, v6;
	_ =	sdelay $0x1  }
0x2fa: {  	v10 =	vadd.f32 v11, v10;
	v9 =	vadd.f32 v9, v12;
	_ =	sdelay $0x1  }
0x2fb: {  	v9 =	vadd.f32 v9, v10;
	_ =	sdelay $0x1  }
0x2fc: {  	(xrf2) =	vadd.scan.msk.f32 $0xffff, v9;
	_ =	sdelay $0x4  }
0x2fd: {  	s21 =	sadd.s32 $0xFFFFFFED, s8  }
0x2fe: {  	v24 =	vmov s21;
	_ =	sdelay $0x3  }
0x2ff: {  	v25, _, _ =	vpop (xrf2)  }
0x300: {  	[tilespmem:v24+s31+$0x0] =	vst.idx.msk vm0, v25  }
0x301: {  	v9 =	vld [tilespmem:s29+$0x3000];
	_ =	sdelay $0x1  }
0x302: {  	s30 =	sadd.s32 $0x1, s9  }
0x303: {  	s21 =	sand.u32 $0xD, s30  }
0x304: {  	v26 =	vmov s21  }
0x305: {  	v9 =	vperm.xlane v9, v26;
	_ =	sdelay $0x1  }
0x306: {  	v10 =	vadd.s32 v0, v9  }
0x307: {  	v28 =	vadd.s32 v1, v9;
	v30 =	vadd.s32 v2, v9;
	v9 =	vadd.s32 v3, v9  }
0x308: {  	s2 =	sshll.u32 s30, $0x7;
	v27 =	vand.u32 $0xFFFFFF80, v10;
	v10 =	vand.u32 $0x7F, v10;
	v29 =	vand.u32 $0xFFFFFF80, v28  }
0x309: {  	v12 =	vand.u32 $0x7F, v28;
	v32 =	vand.u32 $0xFFFFFF80, v9;
	v11 =	vadd.s32 s2, v27  }
0x30a: {  	v9 =	vand.u32 $0x7F, v9;
	v33 =	vadd.s32 s2, v32;
	v10 =	vor.u32 v10, v11  }
0x30b: {  	v31 =	vand.u32 $0xFFFFFF80, v30;
	v11 =	vadd.s32 s2, v29;
	v9 =	vor.u32 v9, v33  }
0x30c: {  	v13 =	vand.u32 $0x7F, v30;
	v11 =	vor.u32 v12, v11;
	v12 =	vadd.s32 s2, v31  }
0x30d: {  	v12 =	vor.u32 v13, v12;
	_ =	sdelay $0x1  }
0x30e: {  	v10 =	vld.idx.msk [tilespmem:v10+s28+$0x0], $0xffff  }
0x30f: {  	v9 =	vld.idx.msk [tilespmem:v9+s28+$0x0], $0xffff  }
0x310: {  	v11 =	vld.idx.msk [tilespmem:v11+s28+$0x0], $0xffff  }
0x311: {  	v12 =	vld.idx.msk [tilespmem:v12+s28+$0x0], $0xffff;
	_ =	sdelay $0x3  }
0x312: {  	v10 =	vmul.f32 v10, v4;
	v9 =	vmul.f32 v9, v7  }
0x313: {  	v11 =	vmul.f32 v11, v5;
	v12 =	vmul.f32 v12, v6;
	_ =	sdelay $0x1  }
0x314: {  	v10 =	vadd.f32 v11, v10;
	v9 =	vadd.f32 v9, v12;
	_ =	sdelay $0x1  }
0x315: {  	v9 =	vadd.f32 v9, v10;
	_ =	sdelay $0x1  }
0x316: {  	(xrf2) =	vadd.scan.msk.f32 $0xffff, v9;
	_ =	sdelay $0x4  }
0x317: {  	s21 =	sadd.s32 $0xFFFFFFEE, s8  }
0x318: {  	v34 =	vmov s21;
	_ =	sdelay $0x3  }
0x319: {  	v35, _, _ =	vpop (xrf2)  }
0x31a: {  	[tilespmem:v34+s31+$0x0] =	vst.idx.msk vm0, v35  }
0x31b: {  	v9 =	vld [tilespmem:s29+$0x3000];
	_ =	sdelay $0x1  }
0x31c: {  	s2 =	sadd.s32 $0x2, s9  }
0x31d: {  	s30 =	sand.u32 $0xE, s2  }
0x31e: {  	v36 =	vmov s30  }
0x31f: {  	v9 =	vperm.xlane v9, v36;
	_ =	sdelay $0x1  }
0x320: {  	v10 =	vadd.s32 v0, v9  }
0x321: {  	v38 =	vadd.s32 v1, v9;
	v40 =	vadd.s32 v2, v9;
	v9 =	vadd.s32 v3, v9  }
0x322: {  	s2 =	sshll.u32 s2, $0x7;
	v37 =	vand.u32 $0xFFFFFF80, v10;
	v10 =	vand.u32 $0x7F, v10;
	v39 =	vand.u32 $0xFFFFFF80, v38  }
0x323: {  	v12 =	vand.u32 $0x7F, v38;
	v42 =	vand.u32 $0xFFFFFF80, v9;
	v11 =	vadd.s32 s2, v37  }
0x324: {  	v9 =	vand.u32 $0x7F, v9;
	v43 =	vadd.s32 s2, v42;
	v10 =	vor.u32 v10, v11  }
0x325: {  	v41 =	vand.u32 $0xFFFFFF80, v40;
	v11 =	vadd.s32 s2, v39;
	v9 =	vor.u32 v9, v43  }
0x326: {  	v13 =	vand.u32 $0x7F, v40;
	v11 =	vor.u32 v12, v11;
	v12 =	vadd.s32 s2, v41  }
0x327: {  	v12 =	vor.u32 v13, v12;
	_ =	sdelay $0x1  }
0x328: {  	v10 =	vld.idx.msk [tilespmem:v10+s28+$0x0], $0xffff  }
0x329: {  	v9 =	vld.idx.msk [tilespmem:v9+s28+$0x0], $0xffff  }
0x32a: {  	v11 =	vld.idx.msk [tilespmem:v11+s28+$0x0], $0xffff  }
0x32b: {  	v12 =	vld.idx.msk [tilespmem:v12+s28+$0x0], $0xffff;
	_ =	sdelay $0x3  }
0x32c: {  	v10 =	vmul.f32 v10, v4;
	v9 =	vmul.f32 v9, v7  }
0x32d: {  	v11 =	vmul.f32 v11, v5;
	v12 =	vmul.f32 v12, v6;
	_ =	sdelay $0x1  }
0x32e: {  	v10 =	vadd.f32 v11, v10;
	v9 =	vadd.f32 v9, v12;
	_ =	sdelay $0x1  }
0x32f: {  	v9 =	vadd.f32 v9, v10;
	_ =	sdelay $0x1  }
0x330: {  	(xrf2) =	vadd.scan.msk.f32 $0xffff, v9;
	_ =	sdelay $0x4  }
0x331: {  	s21 =	sadd.s32 $0xFFFFFFEF, s8  }
0x332: {  	v44 =	vmov s21;
	_ =	sdelay $0x3  }
0x333: {  	v45, _, _ =	vpop (xrf2)  }
0x334: {  	[tilespmem:v44+s31+$0x0] =	vst.idx.msk vm0, v45  }
0x335: {  	v9 =	vld [tilespmem:s29+$0x3000];
	_ =	sdelay $0x2  }
0x336: {  	s29 =	sadd.s32 $0x3, s9  }
0x337: {  	v46 =	vmov s29  }
0x338: {  	v9 =	vperm.xlane v9, v46;
	_ =	sdelay $0x1  }
0x339: {  	v10 =	vadd.s32 v0, v9  }
0x33a: {  	v48 =	vadd.s32 v1, v9;
	v50 =	vadd.s32 v2, v9;
	v9 =	vadd.s32 v3, v9  }
0x33b: {  	s2 =	sshll.u32 s29, $0x7;
	v47 =	vand.u32 $0xFFFFFF80, v10;
	v10 =	vand.u32 $0x7F, v10;
	v49 =	vand.u32 $0xFFFFFF80, v48  }
0x33c: {  	v12 =	vand.u32 $0x7F, v48;
	v52 =	vand.u32 $0xFFFFFF80, v9;
	v11 =	vadd.s32 s2, v47  }
0x33d: {  	v9 =	vand.u32 $0x7F, v9;
	v53 =	vadd.s32 s2, v52;
	v10 =	vor.u32 v10, v11  }
0x33e: {  	v51 =	vand.u32 $0xFFFFFF80, v50;
	v11 =	vadd.s32 s2, v49;
	v9 =	vor.u32 v9, v53  }
0x33f: {  	v13 =	vand.u32 $0x7F, v50;
	v11 =	vor.u32 v12, v11;
	v12 =	vadd.s32 s2, v51  }
0x340: {  	v12 =	vor.u32 v13, v12;
	_ =	sdelay $0x1  }
0x341: {  	v10 =	vld.idx.msk [tilespmem:v10+s28+$0x0], $0xffff  }
0x342: {  	v9 =	vld.idx.msk [tilespmem:v9+s28+$0x0], $0xffff  }
0x343: {  	v11 =	vld.idx.msk [tilespmem:v11+s28+$0x0], $0xffff  }
0x344: {  	v12 =	vld.idx.msk [tilespmem:v12+s28+$0x0], $0xffff;
	_ =	sdelay $0x3  }
0x345: {  	v10 =	vmul.f32 v10, v4;
	v9 =	vmul.f32 v9, v7  }
0x346: {  	v11 =	vmul.f32 v11, v5;
	v12 =	vmul.f32 v12, v6;
	_ =	sdelay $0x1  }
0x347: {  	v10 =	vadd.f32 v11, v10;
	v9 =	vadd.f32 v9, v12;
	_ =	sdelay $0x1  }
0x348: {  	v9 =	vadd.f32 v9, v10;
	_ =	sdelay $0x1  }
0x349: {  	(xrf2) =	vadd.scan.msk.f32 $0xffff, v9;
	_ =	sdelay $0x4  }
0x34a: {  	s30 =	sadd.s32 $0xFFFFFFF0, s8  }
0x34b: {  	v54 =	vmov s30;
	_ =	sdelay $0x2  }
0x34c: {  	s21 =	sadd.s32 $0xFFFFFFC4, s10  }
0x34d: {  	s2 =	sand.u32 $0x7FFFFFC0, s21;
	v55, _, _ =	vpop (xrf2)  }
0x34e: {  	s2 =	sshrl.u32 s2, $0x2;
	[tilespmem:v54+s31+$0x0] =	vst.idx.msk vm0, v55  }
0x34f: {  	v9 =	vld [tilespmem:s2+$0x3000];
	_ =	sdelay $0x1  }
0x350: {  	s29 =	sadd.s32 $0x4, s9  }
0x351: {  	s30 =	sand.u32 $0xC, s29  }
0x352: {  	v56 =	vmov s30  }
0x353: {  	v9 =	vperm.xlane v9, v56;
	_ =	sdelay $0x1  }
0x354: {  	v10 =	vadd.s32 v0, v9  }
0x355: {  	v58 =	vadd.s32 v1, v9;
	v60 =	vadd.s32 v2, v9;
	v9 =	vadd.s32 v3, v9  }
0x356: {  	s2 =	sshll.u32 s29, $0x7;
	v57 =	vand.u32 $0xFFFFFF80, v10;
	v10 =	vand.u32 $0x7F, v10;
	v59 =	vand.u32 $0xFFFFFF80, v58  }
0x357: {  	v12 =	vand.u32 $0x7F, v58;
	v62 =	vand.u32 $0xFFFFFF80, v9;
	v11 =	vadd.s32 s2, v57  }
0x358: {  	v9 =	vand.u32 $0x7F, v9;
	v63 =	vadd.s32 s2, v62;
	v10 =	vor.u32 v10, v11  }
0x359: {  	v61 =	vand.u32 $0xFFFFFF80, v60;
	v11 =	vadd.s32 s2, v59;
	v9 =	vor.u32 v9, v63  }
0x35a: {  	v13 =	vand.u32 $0x7F, v60;
	v11 =	vor.u32 v12, v11;
	v12 =	vadd.s32 s2, v61  }
0x35b: {  	v12 =	vor.u32 v13, v12;
	_ =	sdelay $0x1  }
0x35c: {  	v10 =	vld.idx.msk [tilespmem:v10+s28+$0x0], $0xffff  }
0x35d: {  	v9 =	vld.idx.msk [tilespmem:v9+s28+$0x0], $0xffff  }
0x35e: {  	v11 =	vld.idx.msk [tilespmem:v11+s28+$0x0], $0xffff  }
0x35f: {  	v12 =	vld.idx.msk [tilespmem:v12+s28+$0x0], $0xffff;
	_ =	sdelay $0x3  }
0x360: {  	v10 =	vmul.f32 v10, v4;
	v9 =	vmul.f32 v9, v7  }
0x361: {  	v11 =	vmul.f32 v11, v5;
	v12 =	vmul.f32 v12, v6;
	_ =	sdelay $0x1  }
0x362: {  	v10 =	vadd.f32 v11, v10;
	v9 =	vadd.f32 v9, v12;
	_ =	sdelay $0x1  }
0x363: {  	v9 =	vadd.f32 v9, v10;
	_ =	sdelay $0x1  }
0x364: {  	(xrf2) =	vadd.scan.msk.f32 $0xffff, v9;
	_ =	sdelay $0x4  }
0x365: {  	s21 =	sadd.s32 $0xFFFFFFF1, s8  }
0x366: {  	v14 =	vmov s21;
	_ =	sdelay $0x2  }
0x367: {  	s29 =	sadd.s32 $0xFFFFFFC8, s10  }
0x368: {  	s2 =	sand.u32 $0x7FFFFFC0, s29;
	v15, _, _ =	vpop (xrf2)  }
0x369: {  	s2 =	sshrl.u32 s2, $0x2;
	[tilespmem:v14+s31+$0x0] =	vst.idx.msk vm0, v15  }
0x36a: {  	v9 =	vld [tilespmem:s2+$0x3000];
	_ =	sdelay $0x1  }
0x36b: {  	s30 =	sadd.s32 $0x5, s9  }
0x36c: {  	s29 =	sand.u32 $0xD, s30  }
0x36d: {  	v16 =	vmov s29  }
0x36e: {  	v9 =	vperm.xlane v9, v16;
	_ =	sdelay $0x1  }
0x36f: {  	v10 =	vadd.s32 v0, v9  }
0x370: {  	v18 =	vadd.s32 v1, v9;
	v20 =	vadd.s32 v2, v9;
	v9 =	vadd.s32 v3, v9  }
0x371: {  	s2 =	sshll.u32 s30, $0x7;
	v17 =	vand.u32 $0xFFFFFF80, v10;
	v10 =	vand.u32 $0x7F, v10;
	v19 =	vand.u32 $0xFFFFFF80, v18  }
0x372: {  	v12 =	vand.u32 $0x7F, v18;
	v22 =	vand.u32 $0xFFFFFF80, v9;
	v11 =	vadd.s32 s2, v17  }
0x373: {  	v9 =	vand.u32 $0x7F, v9;
	v23 =	vadd.s32 s2, v22;
	v10 =	vor.u32 v10, v11  }
0x374: {  	v21 =	vand.u32 $0xFFFFFF80, v20;
	v11 =	vadd.s32 s2, v19;
	v9 =	vor.u32 v9, v23  }
0x375: {  	v13 =	vand.u32 $0x7F, v20;
	v11 =	vor.u32 v12, v11;
	v12 =	vadd.s32 s2, v21  }
0x376: {  	v12 =	vor.u32 v13, v12;
	_ =	sdelay $0x1  }
0x377: {  	v10 =	vld.idx.msk [tilespmem:v10+s28+$0x0], $0xffff  }
0x378: {  	v9 =	vld.idx.msk [tilespmem:v9+s28+$0x0], $0xffff  }
0x379: {  	v11 =	vld.idx.msk [tilespmem:v11+s28+$0x0], $0xffff  }
0x37a: {  	v12 =	vld.idx.msk [tilespmem:v12+s28+$0x0], $0xffff;
	_ =	sdelay $0x3  }
0x37b: {  	v10 =	vmul.f32 v10, v4;
	v9 =	vmul.f32 v9, v7  }
0x37c: {  	v11 =	vmul.f32 v11, v5;
	v12 =	vmul.f32 v12, v6;
	_ =	sdelay $0x1  }
0x37d: {  	v10 =	vadd.f32 v11, v10;
	v9 =	vadd.f32 v9, v12;
	_ =	sdelay $0x1  }
0x37e: {  	v9 =	vadd.f32 v9, v10;
	_ =	sdelay $0x1  }
0x37f: {  	(xrf2) =	vadd.scan.msk.f32 $0xffff, v9;
	_ =	sdelay $0x4  }
0x380: {  	s30 =	sadd.s32 $0xFFFFFFF2, s8  }
0x381: {  	v24 =	vmov s30;
	_ =	sdelay $0x2  }
0x382: {  	s21 =	sadd.s32 $0xFFFFFFCC, s10  }
0x383: {  	s2 =	sand.u32 $0x7FFFFFC0, s21;
	v25, _, _ =	vpop (xrf2)  }
0x384: {  	s2 =	sshrl.u32 s2, $0x2;
	[tilespmem:v24+s31+$0x0] =	vst.idx.msk vm0, v25  }
0x385: {  	v9 =	vld [tilespmem:s2+$0x3000];
	_ =	sdelay $0x1  }
0x386: {  	s29 =	sadd.s32 $0x6, s9  }
0x387: {  	s30 =	sand.u32 $0xE, s29  }
0x388: {  	v26 =	vmov s30  }
0x389: {  	v9 =	vperm.xlane v9, v26;
	_ =	sdelay $0x1  }
0x38a: {  	v10 =	vadd.s32 v0, v9  }
0x38b: {  	v28 =	vadd.s32 v1, v9;
	v30 =	vadd.s32 v2, v9;
	v9 =	vadd.s32 v3, v9  }
0x38c: {  	s2 =	sshll.u32 s29, $0x7;
	v27 =	vand.u32 $0xFFFFFF80, v10;
	v10 =	vand.u32 $0x7F, v10;
	v29 =	vand.u32 $0xFFFFFF80, v28  }
0x38d: {  	v12 =	vand.u32 $0x7F, v28;
	v32 =	vand.u32 $0xFFFFFF80, v9;
	v11 =	vadd.s32 s2, v27  }
0x38e: {  	v9 =	vand.u32 $0x7F, v9;
	v33 =	vadd.s32 s2, v32;
	v10 =	vor.u32 v10, v11  }
0x38f: {  	v31 =	vand.u32 $0xFFFFFF80, v30;
	v11 =	vadd.s32 s2, v29;
	v9 =	vor.u32 v9, v33  }
0x390: {  	v13 =	vand.u32 $0x7F, v30;
	v11 =	vor.u32 v12, v11;
	v12 =	vadd.s32 s2, v31  }
0x391: {  	v12 =	vor.u32 v13, v12;
	_ =	sdelay $0x1  }
0x392: {  	v10 =	vld.idx.msk [tilespmem:v10+s28+$0x0], $0xffff  }
0x393: {  	v9 =	vld.idx.msk [tilespmem:v9+s28+$0x0], $0xffff  }
0x394: {  	v11 =	vld.idx.msk [tilespmem:v11+s28+$0x0], $0xffff  }
0x395: {  	v12 =	vld.idx.msk [tilespmem:v12+s28+$0x0], $0xffff;
	_ =	sdelay $0x3  }
0x396: {  	v10 =	vmul.f32 v10, v4;
	v9 =	vmul.f32 v9, v7  }
0x397: {  	v11 =	vmul.f32 v11, v5;
	v12 =	vmul.f32 v12, v6;
	_ =	sdelay $0x1  }
0x398: {  	v10 =	vadd.f32 v11, v10;
	v9 =	vadd.f32 v9, v12;
	_ =	sdelay $0x1  }
0x399: {  	v9 =	vadd.f32 v9, v10;
	_ =	sdelay $0x1  }
0x39a: {  	(xrf2) =	vadd.scan.msk.f32 $0xffff, v9;
	_ =	sdelay $0x4  }
0x39b: {  	s21 =	sadd.s32 $0xFFFFFFF3, s8  }
0x39c: {  	v34 =	vmov s21;
	_ =	sdelay $0x2  }
0x39d: {  	s29 =	sadd.s32 $0xFFFFFFD0, s10  }
0x39e: {  	s2 =	sand.u32 $0x7FFFFFC0, s29;
	v35, _, _ =	vpop (xrf2)  }
0x39f: {  	s2 =	sshrl.u32 s2, $0x2;
	[tilespmem:v34+s31+$0x0] =	vst.idx.msk vm0, v35  }
0x3a0: {  	v9 =	vld [tilespmem:s2+$0x3000];
	_ =	sdelay $0x2  }
0x3a1: {  	s30 =	sadd.s32 $0x7, s9  }
0x3a2: {  	v36 =	vmov s30  }
0x3a3: {  	v9 =	vperm.xlane v9, v36;
	_ =	sdelay $0x1  }
0x3a4: {  	v10 =	vadd.s32 v0, v9  }
0x3a5: {  	v38 =	vadd.s32 v1, v9;
	v40 =	vadd.s32 v2, v9;
	v9 =	vadd.s32 v3, v9  }
0x3a6: {  	s2 =	sshll.u32 s30, $0x7;
	v37 =	vand.u32 $0xFFFFFF80, v10;
	v10 =	vand.u32 $0x7F, v10;
	v39 =	vand.u32 $0xFFFFFF80, v38  }
0x3a7: {  	v12 =	vand.u32 $0x7F, v38;
	v42 =	vand.u32 $0xFFFFFF80, v9;
	v11 =	vadd.s32 s2, v37  }
0x3a8: {  	v9 =	vand.u32 $0x7F, v9;
	v43 =	vadd.s32 s2, v42;
	v10 =	vor.u32 v10, v11  }
0x3a9: {  	v41 =	vand.u32 $0xFFFFFF80, v40;
	v11 =	vadd.s32 s2, v39;
	v9 =	vor.u32 v9, v43  }
0x3aa: {  	v13 =	vand.u32 $0x7F, v40;
	v11 =	vor.u32 v12, v11;
	v12 =	vadd.s32 s2, v41  }
0x3ab: {  	v12 =	vor.u32 v13, v12;
	_ =	sdelay $0x1  }
0x3ac: {  	v10 =	vld.idx.msk [tilespmem:v10+s28+$0x0], $0xffff  }
0x3ad: {  	v9 =	vld.idx.msk [tilespmem:v9+s28+$0x0], $0xffff  }
0x3ae: {  	v11 =	vld.idx.msk [tilespmem:v11+s28+$0x0], $0xffff  }
0x3af: {  	v12 =	vld.idx.msk [tilespmem:v12+s28+$0x0], $0xffff;
	_ =	sdelay $0x3  }
0x3b0: {  	v10 =	vmul.f32 v10, v4;
	v9 =	vmul.f32 v9, v7  }
0x3b1: {  	v11 =	vmul.f32 v11, v5;
	v12 =	vmul.f32 v12, v6;
	_ =	sdelay $0x1  }
0x3b2: {  	v10 =	vadd.f32 v11, v10;
	v9 =	vadd.f32 v9, v12;
	_ =	sdelay $0x1  }
0x3b3: {  	v9 =	vadd.f32 v9, v10;
	_ =	sdelay $0x1  }
0x3b4: {  	(xrf2) =	vadd.scan.msk.f32 $0xffff, v9;
	_ =	sdelay $0x4  }
0x3b5: {  	s21 =	sadd.s32 $0xFFFFFFF4, s8  }
0x3b6: {  	v44 =	vmov s21;
	_ =	sdelay $0x2  }
0x3b7: {  	s29 =	sadd.s32 $0xFFFFFFD4, s10  }
0x3b8: {  	s2 =	sand.u32 $0x7FFFFFC0, s29;
	v45, _, _ =	vpop (xrf2)  }
0x3b9: {  	s2 =	sshrl.u32 s2, $0x2;
	[tilespmem:v44+s31+$0x0] =	vst.idx.msk vm0, v45  }
0x3ba: {  	v9 =	vld [tilespmem:s2+$0x3000];
	_ =	sdelay $0x1  }
0x3bb: {  	s30 =	sadd.s32 $0x8, s9  }
0x3bc: {  	s29 =	sand.u32 $0xC, s30  }
0x3bd: {  	v46 =	vmov s29  }
0x3be: {  	v9 =	vperm.xlane v9, v46;
	_ =	sdelay $0x1  }
0x3bf: {  	v10 =	vadd.s32 v0, v9  }
0x3c0: {  	v48 =	vadd.s32 v1, v9;
	v50 =	vadd.s32 v2, v9;
	v9 =	vadd.s32 v3, v9  }
0x3c1: {  	s2 =	sshll.u32 s30, $0x7;
	v47 =	vand.u32 $0xFFFFFF80, v10;
	v10 =	vand.u32 $0x7F, v10;
	v49 =	vand.u32 $0xFFFFFF80, v48  }
0x3c2: {  	v12 =	vand.u32 $0x7F, v48;
	v52 =	vand.u32 $0xFFFFFF80, v9;
	v11 =	vadd.s32 s2, v47  }
0x3c3: {  	v9 =	vand.u32 $0x7F, v9;
	v53 =	vadd.s32 s2, v52;
	v10 =	vor.u32 v10, v11  }
0x3c4: {  	v51 =	vand.u32 $0xFFFFFF80, v50;
	v11 =	vadd.s32 s2, v49;
	v9 =	vor.u32 v9, v53  }
0x3c5: {  	v13 =	vand.u32 $0x7F, v50;
	v11 =	vor.u32 v12, v11;
	v12 =	vadd.s32 s2, v51  }
0x3c6: {  	v12 =	vor.u32 v13, v12;
	_ =	sdelay $0x1  }
0x3c7: {  	v10 =	vld.idx.msk [tilespmem:v10+s28+$0x0], $0xffff  }
0x3c8: {  	v9 =	vld.idx.msk [tilespmem:v9+s28+$0x0], $0xffff  }
0x3c9: {  	v11 =	vld.idx.msk [tilespmem:v11+s28+$0x0], $0xffff  }
0x3ca: {  	v12 =	vld.idx.msk [tilespmem:v12+s28+$0x0], $0xffff;
	_ =	sdelay $0x3  }
0x3cb: {  	v10 =	vmul.f32 v10, v4;
	v9 =	vmul.f32 v9, v7  }
0x3cc: {  	v11 =	vmul.f32 v11, v5;
	v12 =	vmul.f32 v12, v6;
	_ =	sdelay $0x1  }
0x3cd: {  	v10 =	vadd.f32 v11, v10;
	v9 =	vadd.f32 v9, v12;
	_ =	sdelay $0x1  }
0x3ce: {  	v9 =	vadd.f32 v9, v10;
	_ =	sdelay $0x1  }
0x3cf: {  	(xrf2) =	vadd.scan.msk.f32 $0xffff, v9;
	_ =	sdelay $0x4  }
0x3d0: {  	s30 =	sadd.s32 $0xFFFFFFF5, s8  }
0x3d1: {  	v54 =	vmov s30;
	_ =	sdelay $0x2  }
0x3d2: {  	s21 =	sadd.s32 $0xFFFFFFD8, s10  }
0x3d3: {  	s2 =	sand.u32 $0x7FFFFFC0, s21;
	v55, _, _ =	vpop (xrf2)  }
0x3d4: {  	s2 =	sshrl.u32 s2, $0x2;
	[tilespmem:v54+s31+$0x0] =	vst.idx.msk vm0, v55  }
0x3d5: {  	v9 =	vld [tilespmem:s2+$0x3000];
	_ =	sdelay $0x1  }
0x3d6: {  	s29 =	sadd.s32 $0x9, s9  }
0x3d7: {  	s30 =	sand.u32 $0xD, s29  }
0x3d8: {  	v56 =	vmov s30  }
0x3d9: {  	v9 =	vperm.xlane v9, v56;
	_ =	sdelay $0x1  }
0x3da: {  	v10 =	vadd.s32 v0, v9  }
0x3db: {  	v58 =	vadd.s32 v1, v9;
	v60 =	vadd.s32 v2, v9;
	v9 =	vadd.s32 v3, v9  }
0x3dc: {  	s2 =	sshll.u32 s29, $0x7;
	v57 =	vand.u32 $0xFFFFFF80, v10;
	v10 =	vand.u32 $0x7F, v10;
	v59 =	vand.u32 $0xFFFFFF80, v58  }
0x3dd: {  	v12 =	vand.u32 $0x7F, v58;
	v62 =	vand.u32 $0xFFFFFF80, v9;
	v11 =	vadd.s32 s2, v57  }
0x3de: {  	v9 =	vand.u32 $0x7F, v9;
	v63 =	vadd.s32 s2, v62;
	v10 =	vor.u32 v10, v11  }
0x3df: {  	v61 =	vand.u32 $0xFFFFFF80, v60;
	v11 =	vadd.s32 s2, v59;
	v9 =	vor.u32 v9, v63  }
0x3e0: {  	v13 =	vand.u32 $0x7F, v60;
	v11 =	vor.u32 v12, v11;
	v12 =	vadd.s32 s2, v61  }
0x3e1: {  	v12 =	vor.u32 v13, v12;
	_ =	sdelay $0x1  }
0x3e2: {  	v10 =	vld.idx.msk [tilespmem:v10+s28+$0x0], $0xffff  }
0x3e3: {  	v9 =	vld.idx.msk [tilespmem:v9+s28+$0x0], $0xffff  }
0x3e4: {  	v11 =	vld.idx.msk [tilespmem:v11+s28+$0x0], $0xffff  }
0x3e5: {  	v12 =	vld.idx.msk [tilespmem:v12+s28+$0x0], $0xffff;
	_ =	sdelay $0x3  }
0x3e6: {  	v10 =	vmul.f32 v10, v4;
	v9 =	vmul.f32 v9, v7  }
0x3e7: {  	v11 =	vmul.f32 v11, v5;
	v12 =	vmul.f32 v12, v6;
	_ =	sdelay $0x1  }
0x3e8: {  	v10 =	vadd.f32 v11, v10;
	v9 =	vadd.f32 v9, v12;
	_ =	sdelay $0x1  }
0x3e9: {  	v9 =	vadd.f32 v9, v10;
	_ =	sdelay $0x1  }
0x3ea: {  	(xrf2) =	vadd.scan.msk.f32 $0xffff, v9;
	_ =	sdelay $0x4  }
0x3eb: {  	s21 =	sadd.s32 $0xFFFFFFF6, s8  }
0x3ec: {  	v14 =	vmov s21;
	_ =	sdelay $0x2  }
0x3ed: {  	s29 =	sadd.s32 $0xFFFFFFDC, s10  }
0x3ee: {  	s2 =	sand.u32 $0x7FFFFFC0, s29;
	v15, _, _ =	vpop (xrf2)  }
0x3ef: {  	s2 =	sshrl.u32 s2, $0x2;
	[tilespmem:v14+s31+$0x0] =	vst.idx.msk vm0, v15  }
0x3f0: {  	v9 =	vld [tilespmem:s2+$0x3000];
	_ =	sdelay $0x1  }
0x3f1: {  	s30 =	sadd.s32 $0xA, s9  }
0x3f2: {  	s29 =	sand.u32 $0xE, s30  }
0x3f3: {  	v16 =	vmov s29  }
0x3f4: {  	v9 =	vperm.xlane v9, v16;
	_ =	sdelay $0x1  }
0x3f5: {  	v10 =	vadd.s32 v0, v9  }
0x3f6: {  	v18 =	vadd.s32 v1, v9;
	v20 =	vadd.s32 v2, v9;
	v9 =	vadd.s32 v3, v9  }
0x3f7: {  	s2 =	sshll.u32 s30, $0x7;
	v17 =	vand.u32 $0xFFFFFF80, v10;
	v10 =	vand.u32 $0x7F, v10;
	v19 =	vand.u32 $0xFFFFFF80, v18  }
0x3f8: {  	v12 =	vand.u32 $0x7F, v18;
	v22 =	vand.u32 $0xFFFFFF80, v9;
	v11 =	vadd.s32 s2, v17  }
0x3f9: {  	v9 =	vand.u32 $0x7F, v9;
	v23 =	vadd.s32 s2, v22;
	v10 =	vor.u32 v10, v11  }
0x3fa: {  	v21 =	vand.u32 $0xFFFFFF80, v20;
	v11 =	vadd.s32 s2, v19;
	v9 =	vor.u32 v9, v23  }
0x3fb: {  	v13 =	vand.u32 $0x7F, v20;
	v11 =	vor.u32 v12, v11;
	v12 =	vadd.s32 s2, v21  }
0x3fc: {  	v12 =	vor.u32 v13, v12;
	_ =	sdelay $0x1  }
0x3fd: {  	v10 =	vld.idx.msk [tilespmem:v10+s28+$0x0], $0xffff  }
0x3fe: {  	v9 =	vld.idx.msk [tilespmem:v9+s28+$0x0], $0xffff  }
0x3ff: {  	v11 =	vld.idx.msk [tilespmem:v11+s28+$0x0], $0xffff  }
0x400: {  	v12 =	vld.idx.msk [tilespmem:v12+s28+$0x0], $0xffff;
	_ =	sdelay $0x3  }
0x401: {  	v10 =	vmul.f32 v10, v4;
	v9 =	vmul.f32 v9, v7  }
0x402: {  	v11 =	vmul.f32 v11, v5;
	v12 =	vmul.f32 v12, v6;
	_ =	sdelay $0x1  }
0x403: {  	v10 =	vadd.f32 v11, v10;
	v9 =	vadd.f32 v9, v12;
	_ =	sdelay $0x1  }
0x404: {  	v9 =	vadd.f32 v9, v10;
	_ =	sdelay $0x1  }
0x405: {  	(xrf2) =	vadd.scan.msk.f32 $0xffff, v9;
	_ =	sdelay $0x4  }
0x406: {  	s30 =	sadd.s32 $0xFFFFFFF7, s8  }
0x407: {  	v24 =	vmov s30;
	_ =	sdelay $0x2  }
0x408: {  	s21 =	sadd.s32 $0xFFFFFFE0, s10  }
0x409: {  	s2 =	sand.u32 $0x7FFFFFC0, s21;
	v25, _, _ =	vpop (xrf2)  }
0x40a: {  	s2 =	sshrl.u32 s2, $0x2;
	[tilespmem:v24+s31+$0x0] =	vst.idx.msk vm0, v25  }
0x40b: {  	v9 =	vld [tilespmem:s2+$0x3000];
	_ =	sdelay $0x2  }
0x40c: {  	s29 =	sadd.s32 $0xB, s9  }
0x40d: {  	v26 =	vmov s29  }
0x40e: {  	v9 =	vperm.xlane v9, v26;
	_ =	sdelay $0x1  }
0x40f: {  	v10 =	vadd.s32 v0, v9  }
0x410: {  	v28 =	vadd.s32 v1, v9;
	v30 =	vadd.s32 v2, v9;
	v9 =	vadd.s32 v3, v9  }
0x411: {  	s2 =	sshll.u32 s29, $0x7;
	v27 =	vand.u32 $0xFFFFFF80, v10;
	v10 =	vand.u32 $0x7F, v10;
	v29 =	vand.u32 $0xFFFFFF80, v28  }
0x412: {  	v12 =	vand.u32 $0x7F, v28;
	v32 =	vand.u32 $0xFFFFFF80, v9;
	v11 =	vadd.s32 s2, v27  }
0x413: {  	v9 =	vand.u32 $0x7F, v9;
	v33 =	vadd.s32 s2, v32;
	v10 =	vor.u32 v10, v11  }
0x414: {  	v31 =	vand.u32 $0xFFFFFF80, v30;
	v11 =	vadd.s32 s2, v29;
	v9 =	vor.u32 v9, v33  }
0x415: {  	v13 =	vand.u32 $0x7F, v30;
	v11 =	vor.u32 v12, v11;
	v12 =	vadd.s32 s2, v31  }
0x416: {  	v12 =	vor.u32 v13, v12;
	_ =	sdelay $0x1  }
0x417: {  	v10 =	vld.idx.msk [tilespmem:v10+s28+$0x0], $0xffff  }
0x418: {  	v9 =	vld.idx.msk [tilespmem:v9+s28+$0x0], $0xffff  }
0x419: {  	v11 =	vld.idx.msk [tilespmem:v11+s28+$0x0], $0xffff  }
0x41a: {  	v12 =	vld.idx.msk [tilespmem:v12+s28+$0x0], $0xffff;
	_ =	sdelay $0x3  }
0x41b: {  	v10 =	vmul.f32 v10, v4;
	v9 =	vmul.f32 v9, v7  }
0x41c: {  	v11 =	vmul.f32 v11, v5;
	v12 =	vmul.f32 v12, v6;
	_ =	sdelay $0x1  }
0x41d: {  	v10 =	vadd.f32 v11, v10;
	v9 =	vadd.f32 v9, v12;
	_ =	sdelay $0x1  }
0x41e: {  	v9 =	vadd.f32 v9, v10;
	_ =	sdelay $0x1  }
0x41f: {  	(xrf2) =	vadd.scan.msk.f32 $0xffff, v9;
	_ =	sdelay $0x4  }
0x420: {  	s30 =	sadd.s32 $0xFFFFFFF8, s8  }
0x421: {  	v34 =	vmov s30;
	_ =	sdelay $0x2  }
0x422: {  	s21 =	sadd.s32 $0xFFFFFFE4, s10  }
0x423: {  	s2 =	sand.u32 $0x7FFFFFC0, s21;
	v35, _, _ =	vpop (xrf2)  }
0x424: {  	s2 =	sshrl.u32 s2, $0x2;
	[tilespmem:v34+s31+$0x0] =	vst.idx.msk vm0, v35  }
0x425: {  	v9 =	vld [tilespmem:s2+$0x3000];
	_ =	sdelay $0x1  }
0x426: {  	s29 =	sadd.s32 $0xC, s9  }
0x427: {  	s30 =	sand.u32 $0xC, s29  }
0x428: {  	v36 =	vmov s30  }
0x429: {  	v9 =	vperm.xlane v9, v36;
	_ =	sdelay $0x1  }
0x42a: {  	v10 =	vadd.s32 v0, v9  }
0x42b: {  	v38 =	vadd.s32 v1, v9;
	v40 =	vadd.s32 v2, v9;
	v9 =	vadd.s32 v3, v9  }
0x42c: {  	s2 =	sshll.u32 s29, $0x7;
	v37 =	vand.u32 $0xFFFFFF80, v10;
	v10 =	vand.u32 $0x7F, v10;
	v39 =	vand.u32 $0xFFFFFF80, v38  }
0x42d: {  	v12 =	vand.u32 $0x7F, v38;
	v42 =	vand.u32 $0xFFFFFF80, v9;
	v11 =	vadd.s32 s2, v37  }
0x42e: {  	v9 =	vand.u32 $0x7F, v9;
	v43 =	vadd.s32 s2, v42;
	v10 =	vor.u32 v10, v11  }
0x42f: {  	v41 =	vand.u32 $0xFFFFFF80, v40;
	v11 =	vadd.s32 s2, v39;
	v9 =	vor.u32 v9, v43  }
0x430: {  	v13 =	vand.u32 $0x7F, v40;
	v11 =	vor.u32 v12, v11;
	v12 =	vadd.s32 s2, v41  }
0x431: {  	v12 =	vor.u32 v13, v12;
	_ =	sdelay $0x1  }
0x432: {  	v10 =	vld.idx.msk [tilespmem:v10+s28+$0x0], $0xffff  }
0x433: {  	v9 =	vld.idx.msk [tilespmem:v9+s28+$0x0], $0xffff  }
0x434: {  	v11 =	vld.idx.msk [tilespmem:v11+s28+$0x0], $0xffff  }
0x435: {  	v12 =	vld.idx.msk [tilespmem:v12+s28+$0x0], $0xffff;
	_ =	sdelay $0x3  }
0x436: {  	v10 =	vmul.f32 v10, v4;
	v9 =	vmul.f32 v9, v7  }
0x437: {  	v11 =	vmul.f32 v11, v5;
	v12 =	vmul.f32 v12, v6;
	_ =	sdelay $0x1  }
0x438: {  	v10 =	vadd.f32 v11, v10;
	v9 =	vadd.f32 v9, v12;
	_ =	sdelay $0x1  }
0x439: {  	v9 =	vadd.f32 v9, v10;
	_ =	sdelay $0x1  }
0x43a: {  	(xrf2) =	vadd.scan.msk.f32 $0xffff, v9;
	_ =	sdelay $0x4  }
0x43b: {  	s21 =	sadd.s32 $0xFFFFFFF9, s8  }
0x43c: {  	v44 =	vmov s21;
	_ =	sdelay $0x2  }
0x43d: {  	s29 =	sadd.s32 $0xFFFFFFE8, s10  }
0x43e: {  	s2 =	sand.u32 $0x7FFFFFC0, s29;
	v45, _, _ =	vpop (xrf2)  }
0x43f: {  	s2 =	sshrl.u32 s2, $0x2;
	[tilespmem:v44+s31+$0x0] =	vst.idx.msk vm0, v45  }
0x440: {  	v9 =	vld [tilespmem:s2+$0x3000];
	_ =	sdelay $0x1  }
0x441: {  	s30 =	sadd.s32 $0xD, s9  }
0x442: {  	s29 =	sand.u32 $0xD, s30  }
0x443: {  	v46 =	vmov s29  }
0x444: {  	v9 =	vperm.xlane v9, v46;
	_ =	sdelay $0x1  }
0x445: {  	v10 =	vadd.s32 v0, v9  }
0x446: {  	v48 =	vadd.s32 v1, v9;
	v50 =	vadd.s32 v2, v9;
	v9 =	vadd.s32 v3, v9  }
0x447: {  	s2 =	sshll.u32 s30, $0x7;
	v47 =	vand.u32 $0xFFFFFF80, v10;
	v10 =	vand.u32 $0x7F, v10;
	v49 =	vand.u32 $0xFFFFFF80, v48  }
0x448: {  	v12 =	vand.u32 $0x7F, v48;
	v52 =	vand.u32 $0xFFFFFF80, v9;
	v11 =	vadd.s32 s2, v47  }
0x449: {  	v9 =	vand.u32 $0x7F, v9;
	v53 =	vadd.s32 s2, v52;
	v10 =	vor.u32 v10, v11  }
0x44a: {  	v51 =	vand.u32 $0xFFFFFF80, v50;
	v11 =	vadd.s32 s2, v49;
	v9 =	vor.u32 v9, v53  }
0x44b: {  	v13 =	vand.u32 $0x7F, v50;
	v11 =	vor.u32 v12, v11;
	v12 =	vadd.s32 s2, v51  }
0x44c: {  	v12 =	vor.u32 v13, v12;
	_ =	sdelay $0x1  }
0x44d: {  	v10 =	vld.idx.msk [tilespmem:v10+s28+$0x0], $0xffff  }
0x44e: {  	v9 =	vld.idx.msk [tilespmem:v9+s28+$0x0], $0xffff  }
0x44f: {  	v11 =	vld.idx.msk [tilespmem:v11+s28+$0x0], $0xffff  }
0x450: {  	v12 =	vld.idx.msk [tilespmem:v12+s28+$0x0], $0xffff;
	_ =	sdelay $0x3  }
0x451: {  	v10 =	vmul.f32 v10, v4;
	v9 =	vmul.f32 v9, v7  }
0x452: {  	v11 =	vmul.f32 v11, v5;
	v12 =	vmul.f32 v12, v6;
	_ =	sdelay $0x1  }
0x453: {  	v10 =	vadd.f32 v11, v10;
	v9 =	vadd.f32 v9, v12;
	_ =	sdelay $0x1  }
0x454: {  	v9 =	vadd.f32 v9, v10;
	_ =	sdelay $0x1  }
0x455: {  	(xrf2) =	vadd.scan.msk.f32 $0xffff, v9;
	_ =	sdelay $0x4  }
0x456: {  	s30 =	sadd.s32 $0xFFFFFFFA, s8  }
0x457: {  	v54 =	vmov s30;
	_ =	sdelay $0x2  }
0x458: {  	s21 =	sadd.s32 $0xFFFFFFEC, s10  }
0x459: {  	s2 =	sand.u32 $0x7FFFFFC0, s21;
	v55, _, _ =	vpop (xrf2)  }
0x45a: {  	s2 =	sshrl.u32 s2, $0x2;
	[tilespmem:v54+s31+$0x0] =	vst.idx.msk vm0, v55  }
0x45b: {  	v9 =	vld [tilespmem:s2+$0x3000];
	_ =	sdelay $0x1  }
0x45c: {  	s29 =	sadd.s32 $0xE, s9  }
0x45d: {  	s30 =	sand.u32 $0xE, s29  }
0x45e: {  	v56 =	vmov s30  }
0x45f: {  	v9 =	vperm.xlane v9, v56;
	_ =	sdelay $0x1  }
0x460: {  	v10 =	vadd.s32 v0, v9  }
0x461: {  	v58 =	vadd.s32 v1, v9;
	v60 =	vadd.s32 v2, v9;
	v9 =	vadd.s32 v3, v9  }
0x462: {  	s2 =	sshll.u32 s29, $0x7;
	v57 =	vand.u32 $0xFFFFFF80, v10;
	v10 =	vand.u32 $0x7F, v10;
	v59 =	vand.u32 $0xFFFFFF80, v58  }
0x463: {  	v12 =	vand.u32 $0x7F, v58;
	v62 =	vand.u32 $0xFFFFFF80, v9;
	v11 =	vadd.s32 s2, v57  }
0x464: {  	v9 =	vand.u32 $0x7F, v9;
	v63 =	vadd.s32 s2, v62;
	v10 =	vor.u32 v10, v11  }
0x465: {  	v61 =	vand.u32 $0xFFFFFF80, v60;
	v11 =	vadd.s32 s2, v59;
	v9 =	vor.u32 v9, v63  }
0x466: {  	v13 =	vand.u32 $0x7F, v60;
	v11 =	vor.u32 v12, v11;
	v12 =	vadd.s32 s2, v61  }
0x467: {  	v12 =	vor.u32 v13, v12;
	_ =	sdelay $0x1  }
0x468: {  	v10 =	vld.idx.msk [tilespmem:v10+s28+$0x0], $0xffff  }
0x469: {  	v9 =	vld.idx.msk [tilespmem:v9+s28+$0x0], $0xffff  }
0x46a: {  	v11 =	vld.idx.msk [tilespmem:v11+s28+$0x0], $0xffff  }
0x46b: {  	v12 =	vld.idx.msk [tilespmem:v12+s28+$0x0], $0xffff;
	_ =	sdelay $0x3  }
0x46c: {  	v10 =	vmul.f32 v10, v4;
	v9 =	vmul.f32 v9, v7  }
0x46d: {  	v11 =	vmul.f32 v11, v5;
	v12 =	vmul.f32 v12, v6;
	_ =	sdelay $0x1  }
0x46e: {  	v10 =	vadd.f32 v11, v10;
	v9 =	vadd.f32 v9, v12;
	_ =	sdelay $0x1  }
0x46f: {  	v9 =	vadd.f32 v9, v10;
	_ =	sdelay $0x1  }
0x470: {  	(xrf2) =	vadd.scan.msk.f32 $0xffff, v9;
	_ =	sdelay $0x4  }
0x471: {  	s21 =	sadd.s32 $0xFFFFFFFB, s8  }
0x472: {  	v15 =	vmov s21;
	_ =	sdelay $0x2  }
0x473: {  	s29 =	sadd.s32 $0xFFFFFFF0, s10  }
0x474: {  	s2 =	sand.u32 $0x7FFFFFC0, s29;
	v16, _, _ =	vpop (xrf2)  }
0x475: {  	s2 =	sshrl.u32 s2, $0x2;
	[tilespmem:v15+s31+$0x0] =	vst.idx.msk vm0, v16  }
0x476: {  	v9 =	vld [tilespmem:s2+$0x3000];
	_ =	sdelay $0x2  }
0x477: {  	s30 =	sadd.s32 $0xF, s9  }
0x478: {  	v17 =	vmov s30  }
0x479: {  	v9 =	vperm.xlane v9, v17;
	_ =	sdelay $0x1  }
0x47a: {  	v10 =	vadd.s32 v0, v9  }
0x47b: {  	v19 =	vadd.s32 v1, v9;
	v21 =	vadd.s32 v2, v9;
	v9 =	vadd.s32 v3, v9  }
0x47c: {  	s2 =	sshll.u32 s30, $0x7;
	v18 =	vand.u32 $0xFFFFFF80, v10;
	v10 =	vand.u32 $0x7F, v10;
	v20 =	vand.u32 $0xFFFFFF80, v19  }
0x47d: {  	v12 =	vand.u32 $0x7F, v19;
	v23 =	vand.u32 $0xFFFFFF80, v9;
	v11 =	vadd.s32 s2, v18  }
0x47e: {  	v9 =	vand.u32 $0x7F, v9;
	v24 =	vadd.s32 s2, v23;
	v10 =	vor.u32 v10, v11  }
0x47f: {  	v22 =	vand.u32 $0xFFFFFF80, v21;
	v11 =	vadd.s32 s2, v20;
	v9 =	vor.u32 v9, v24  }
0x480: {  	v13 =	vand.u32 $0x7F, v21;
	v11 =	vor.u32 v12, v11;
	v12 =	vadd.s32 s2, v22  }
0x481: {  	v12 =	vor.u32 v13, v12;
	_ =	sdelay $0x1  }
0x482: {  	v10 =	vld.idx.msk [tilespmem:v10+s28+$0x0], $0xffff  }
0x483: {  	v9 =	vld.idx.msk [tilespmem:v9+s28+$0x0], $0xffff  }
0x484: {  	v11 =	vld.idx.msk [tilespmem:v11+s28+$0x0], $0xffff  }
0x485: {  	v12 =	vld.idx.msk [tilespmem:v12+s28+$0x0], $0xffff;
	_ =	sdelay $0x3  }
0x486: {  	v10 =	vmul.f32 v10, v4;
	v9 =	vmul.f32 v9, v7  }
0x487: {  	v11 =	vmul.f32 v11, v5;
	v12 =	vmul.f32 v12, v6;
	_ =	sdelay $0x1  }
0x488: {  	v10 =	vadd.f32 v11, v10;
	v9 =	vadd.f32 v9, v12;
	_ =	sdelay $0x1  }
0x489: {  	v9 =	vadd.f32 v9, v10;
	_ =	sdelay $0x1  }
0x48a: {  	(xrf2) =	vadd.scan.msk.f32 $0xffff, v9;
	_ =	sdelay $0x4  }
0x48b: {  	s21 =	sadd.s32 $0xFFFFFFFC, s8  }
0x48c: {  	v25 =	vmov s21;
	_ =	sdelay $0x2  }
0x48d: {  	s29 =	sadd.s32 $0xFFFFFFF4, s10  }
0x48e: {  	s2 =	sand.u32 $0x7FFFFFC0, s29;
	v26, _, _ =	vpop (xrf2)  }
0x48f: {  	s2 =	sshrl.u32 s2, $0x2;
	[tilespmem:v25+s31+$0x0] =	vst.idx.msk vm0, v26  }
0x490: {  	v9 =	vld [tilespmem:s2+$0x3000];
	_ =	sdelay $0x4  }
0x491: {  	v8 =	vperm.xlane v9, v8;
	_ =	sdelay $0x1  }
0x492: {  	v9 =	vadd.s32 v0, v8  }
0x493: {  	v28 =	vadd.s32 v1, v8;
	v30 =	vadd.s32 v2, v8;
	v8 =	vadd.s32 v3, v8  }
0x494: {  	s30 =	sadd.s32 $0x800, s20;
	v27 =	vand.u32 $0xFFFFFF80, v9;
	v9 =	vand.u32 $0x7F, v9;
	v29 =	vand.u32 $0xFFFFFF80, v28  }
0x495: {  	v11 =	vand.u32 $0x7F, v28;
	v32 =	vand.u32 $0xFFFFFF80, v8;
	v10 =	vadd.s32 s30, v27  }
0x496: {  	v8 =	vand.u32 $0x7F, v8;
	v33 =	vadd.s32 s30, v32;
	v9 =	vor.u32 v9, v10  }
0x497: {  	v31 =	vand.u32 $0xFFFFFF80, v30;
	v10 =	vadd.s32 s30, v29;
	v8 =	vor.u32 v8, v33  }
0x498: {  	v12 =	vand.u32 $0x7F, v30;
	v10 =	vor.u32 v11, v10;
	v11 =	vadd.s32 s30, v31  }
0x499: {  	v11 =	vor.u32 v12, v11;
	_ =	sdelay $0x1  }
0x49a: {  	v9 =	vld.idx.msk [tilespmem:v9+s28+$0x0], $0xffff  }
0x49b: {  	v8 =	vld.idx.msk [tilespmem:v8+s28+$0x0], $0xffff  }
0x49c: {  	v10 =	vld.idx.msk [tilespmem:v10+s28+$0x0], $0xffff  }
0x49d: {  	v11 =	vld.idx.msk [tilespmem:v11+s28+$0x0], $0xffff;
	_ =	sdelay $0x3  }
0x49e: {  	v9 =	vmul.f32 v9, v4;
	v8 =	vmul.f32 v8, v7  }
0x49f: {  	v10 =	vmul.f32 v10, v5;
	v11 =	vmul.f32 v11, v6;
	_ =	sdelay $0x1  }
0x4a0: {  	v9 =	vadd.f32 v10, v9;
	v8 =	vadd.f32 v8, v11;
	_ =	sdelay $0x1  }
0x4a1: {  	v8 =	vadd.f32 v8, v9;
	_ =	sdelay $0x1  }
0x4a2: {  	(xrf2) =	vadd.scan.msk.f32 $0xffff, v8;
	_ =	sdelay $0x4  }
0x4a3: {  	s20 =	sadd.s32 $0xFFFFFFFD, s8  }
0x4a4: {  	v34 =	vmov s20;
	_ =	sdelay $0x2  }
0x4a5: {  	s21 =	sadd.s32 $0xFFFFFFF8, s10  }
0x4a6: {  	s2 =	sand.u32 $0x7FFFFFC0, s21;
	v35, _, _ =	vpop (xrf2)  }
0x4a7: {  	s2 =	sshrl.u32 s2, $0x2;
	[tilespmem:v34+s31+$0x0] =	vst.idx.msk vm0, v35  }
0x4a8: {  	v8 =	vld [tilespmem:s2+$0x3000];
	_ =	sdelay $0x1  }
0x4a9: {  	s29 =	sadd.s32 $0x11, s9  }
0x4aa: {  	s30 =	sand.u32 $0xD, s29  }
0x4ab: {  	v36 =	vmov s30  }
0x4ac: {  	v8 =	vperm.xlane v8, v36;
	_ =	sdelay $0x1  }
0x4ad: {  	v9 =	vadd.s32 v0, v8  }
0x4ae: {  	v38 =	vadd.s32 v1, v8;
	v40 =	vadd.s32 v2, v8;
	v8 =	vadd.s32 v3, v8  }
0x4af: {  	s2 =	sshll.u32 s29, $0x7;
	v37 =	vand.u32 $0xFFFFFF80, v9;
	v9 =	vand.u32 $0x7F, v9;
	v39 =	vand.u32 $0xFFFFFF80, v38  }
0x4b0: {  	v11 =	vand.u32 $0x7F, v38;
	v42 =	vand.u32 $0xFFFFFF80, v8;
	v10 =	vadd.s32 s2, v37  }
0x4b1: {  	v8 =	vand.u32 $0x7F, v8;
	v43 =	vadd.s32 s2, v42;
	v9 =	vor.u32 v9, v10  }
0x4b2: {  	v41 =	vand.u32 $0xFFFFFF80, v40;
	v10 =	vadd.s32 s2, v39;
	v8 =	vor.u32 v8, v43  }
0x4b3: {  	v12 =	vand.u32 $0x7F, v40;
	v10 =	vor.u32 v11, v10;
	v11 =	vadd.s32 s2, v41  }
0x4b4: {  	v11 =	vor.u32 v12, v11;
	_ =	sdelay $0x1  }
0x4b5: {  	v9 =	vld.idx.msk [tilespmem:v9+s28+$0x0], $0xffff  }
0x4b6: {  	v8 =	vld.idx.msk [tilespmem:v8+s28+$0x0], $0xffff  }
0x4b7: {  	v10 =	vld.idx.msk [tilespmem:v10+s28+$0x0], $0xffff  }
0x4b8: {  	v11 =	vld.idx.msk [tilespmem:v11+s28+$0x0], $0xffff;
	_ =	sdelay $0x3  }
0x4b9: {  	v9 =	vmul.f32 v9, v4;
	v8 =	vmul.f32 v8, v7  }
0x4ba: {  	v10 =	vmul.f32 v10, v5;
	v11 =	vmul.f32 v11, v6;
	_ =	sdelay $0x1  }
0x4bb: {  	v9 =	vadd.f32 v10, v9;
	v8 =	vadd.f32 v8, v11;
	_ =	sdelay $0x1  }
0x4bc: {  	v8 =	vadd.f32 v8, v9;
	_ =	sdelay $0x1  }
0x4bd: {  	(xrf2) =	vadd.scan.msk.f32 $0xffff, v8;
	_ =	sdelay $0x4  }
0x4be: {  	s20 =	sadd.s32 $0xFFFFFFFE, s8  }
0x4bf: {  	v44 =	vmov s20;
	_ =	sdelay $0x2  }
0x4c0: {  	s21 =	sadd.s32 $0xFFFFFFFC, s10  }
0x4c1: {  	s2 =	sand.u32 $0x7FFFFFC0, s21;
	v45, _, _ =	vpop (xrf2)  }
0x4c2: {  	s2 =	sshrl.u32 s2, $0x2;
	[tilespmem:v44+s31+$0x0] =	vst.idx.msk vm0, v45  }
0x4c3: {  	v8 =	vld [tilespmem:s2+$0x3000];
	_ =	sdelay $0x1  }
0x4c4: {  	s29 =	sadd.s32 $0x12, s9  }
0x4c5: {  	s30 =	sand.u32 $0xE, s29  }
0x4c6: {  	v46 =	vmov s30  }
0x4c7: {  	v8 =	vperm.xlane v8, v46;
	_ =	sdelay $0x1  }
0x4c8: {  	v9 =	vadd.s32 v0, v8  }
0x4c9: {  	v48 =	vadd.s32 v1, v8;
	v50 =	vadd.s32 v2, v8;
	v8 =	vadd.s32 v3, v8  }
0x4ca: {  	s2 =	sshll.u32 s29, $0x7;
	v47 =	vand.u32 $0xFFFFFF80, v9;
	v9 =	vand.u32 $0x7F, v9;
	v49 =	vand.u32 $0xFFFFFF80, v48  }
0x4cb: {  	v11 =	vand.u32 $0x7F, v48;
	v52 =	vand.u32 $0xFFFFFF80, v8;
	v10 =	vadd.s32 s2, v47  }
0x4cc: {  	v8 =	vand.u32 $0x7F, v8;
	v53 =	vadd.s32 s2, v52;
	v9 =	vor.u32 v9, v10  }
0x4cd: {  	v51 =	vand.u32 $0xFFFFFF80, v50;
	v10 =	vadd.s32 s2, v49;
	v8 =	vor.u32 v8, v53  }
0x4ce: {  	v12 =	vand.u32 $0x7F, v50;
	v10 =	vor.u32 v11, v10;
	v11 =	vadd.s32 s2, v51  }
0x4cf: {  	v11 =	vor.u32 v12, v11;
	_ =	sdelay $0x1  }
0x4d0: {  	v9 =	vld.idx.msk [tilespmem:v9+s28+$0x0], $0xffff  }
0x4d1: {  	v8 =	vld.idx.msk [tilespmem:v8+s28+$0x0], $0xffff  }
0x4d2: {  	v10 =	vld.idx.msk [tilespmem:v10+s28+$0x0], $0xffff  }
0x4d3: {  	v11 =	vld.idx.msk [tilespmem:v11+s28+$0x0], $0xffff;
	_ =	sdelay $0x3  }
0x4d4: {  	v9 =	vmul.f32 v9, v4;
	v8 =	vmul.f32 v8, v7  }
0x4d5: {  	v10 =	vmul.f32 v10, v5;
	v11 =	vmul.f32 v11, v6;
	_ =	sdelay $0x1  }
0x4d6: {  	v9 =	vadd.f32 v10, v9;
	v8 =	vadd.f32 v8, v11;
	_ =	sdelay $0x1  }
0x4d7: {  	v8 =	vadd.f32 v8, v9;
	_ =	sdelay $0x1  }
0x4d8: {  	(xrf2) =	vadd.scan.msk.f32 $0xffff, v8;
	_ =	sdelay $0x4  }
0x4d9: {  	s21 =	sadd.s32 $0xFFFFFFFF, s8  }
0x4da: {  	v54 =	vmov s21;
	_ =	sdelay $0x3  }
0x4db: {  	s29 =	sand.u32 $0x7FFFFFC0, s10;
	v55, _, _ =	vpop (xrf2)  }
0x4dc: {  	s2 =	sshrl.u32 s29, $0x2;
	[tilespmem:v54+s31+$0x0] =	vst.idx.msk vm0, v55  }
0x4dd: {  	v8 =	vld [tilespmem:s2+$0x3000];
	_ =	sdelay $0x2  }
0x4de: {  	s30 =	sadd.s32 $0x13, s9  }
0x4df: {  	v56 =	vmov s30  }
0x4e0: {  	v8 =	vperm.xlane v8, v56;
	_ =	sdelay $0x1  }
0x4e1: {  	v9 =	vadd.s32 v0, v8  }
0x4e2: {  	v58 =	vadd.s32 v1, v8;
	v60 =	vadd.s32 v2, v8;
	v8 =	vadd.s32 v3, v8  }
0x4e3: {  	s2 =	sshll.u32 s30, $0x7;
	v57 =	vand.u32 $0xFFFFFF80, v9;
	v9 =	vand.u32 $0x7F, v9;
	v59 =	vand.u32 $0xFFFFFF80, v58  }
0x4e4: {  	v11 =	vand.u32 $0x7F, v58;
	v62 =	vand.u32 $0xFFFFFF80, v8;
	v10 =	vadd.s32 s2, v57  }
0x4e5: {  	v8 =	vand.u32 $0x7F, v8;
	v63 =	vadd.s32 s2, v62;
	v9 =	vor.u32 v9, v10  }
0x4e6: {  	v61 =	vand.u32 $0xFFFFFF80, v60;
	v10 =	vadd.s32 s2, v59;
	v8 =	vor.u32 v8, v63  }
0x4e7: {  	v12 =	vand.u32 $0x7F, v60;
	v10 =	vor.u32 v11, v10;
	v11 =	vadd.s32 s2, v61  }
0x4e8: {  	v11 =	vor.u32 v12, v11;
	_ =	sdelay $0x1  }
0x4e9: {  	v9 =	vld.idx.msk [tilespmem:v9+s28+$0x0], $0xffff  }
0x4ea: {  	v8 =	vld.idx.msk [tilespmem:v8+s28+$0x0], $0xffff  }
0x4eb: {  	v10 =	vld.idx.msk [tilespmem:v10+s28+$0x0], $0xffff  }
0x4ec: {  	v11 =	vld.idx.msk [tilespmem:v11+s28+$0x0], $0xffff;
	_ =	sdelay $0x3  }
0x4ed: {  	v4 =	vmul.f32 v9, v4;
	v7 =	vmul.f32 v8, v7  }
0x4ee: {  	v5 =	vmul.f32 v10, v5;
	v6 =	vmul.f32 v11, v6;
	_ =	sdelay $0x1  }
0x4ef: {  	v4 =	vadd.f32 v5, v4;
	v5 =	vadd.f32 v7, v6;
	_ =	sdelay $0x1  }
0x4f0: {  	v4 =	vadd.f32 v5, v4;
	_ =	sdelay $0x1  }
0x4f1: {  	(xrf2) =	vadd.scan.msk.f32 $0xffff, v4;
	_ =	sdelay $0x5  }
0x4f2: {  	p0 =	sne.s32 s8, $0x14F;
	v4 =	vmov s8  }
.Ltmp4:
0x4f3: {  	_ = 	snop;
	(pc) =	sbr.rel @p0 .LBB2_11-.Ltmp4, $3  }
0x4f4: {  	_ =	sdelay $0x1  }
0x4f5: {  	s22 =	sadd.s32 $0x1, s22;
	v5, _, _ =	vpop (xrf2)  }
0x4f6: {  	s9 =	sadd.s32 $0x14, s9;
	s10 =	sadd.s32 $0x50, s10;
	s8 =	sadd.s32 $0x15, s8;
	[tilespmem:v4+s31+$0x0] =	vst.idx.msk vm0, v5  }
0x4f7: {  	s2 =	sadd.s32 s6, s7  }
0x4f8: {  	s2 =	smul.u32 $0x15, s2  }
0x4f9: {  	s13 =	sadd.s32 $0x1, s13  }
0x4fa: {  	p0 =	sne.s32 s13, $0x10;
	s2 =	sshrl.u32 s2, $0x3  }
.Ltmp5:
0x4fb: {  	s30 =	simm.s32 $0x0;
	s2 =	sadd.s32 s5, s2;
	(pc) =	sbr.rel @p0 .LBB2_8-.Ltmp5, $4  }
0x4fc: {  	[hbm4b:s2+s30] =	stream.linear.scatter [tilespmem:s31], [sflag:$0x3], $0x150, $0x38;
	[tilespmem:$0x1B980] =	vst v63  }
0x4fd: {  	_ =	swait.ge [sflag:s11], $0x150  }
0x4fe: {  	s0 =	sadd.s32 $0xA00, s0;
	[sflag:s11] =	ssyncset.done $0x0  }
0x4ff: {  	s19 =	sadd.s32 $0x280, s19;
	s12 =	sadd.s32 $0xA00, s12;
	[sflag:s11] =	ssyncadd.s32 $0xFFFFFEB0  }
0x500: {  	_ =	swait.ge [sflag:s24], $0x800  }
0x501: {  	[sflag:s24] =	ssyncset.done $0x0  }
0x502: {  	[sflag:s24] =	ssyncadd.s32 $0xFFFFF800  }
0x503: {  	_ =	swait.ge [sflag:s24], $0x800  }
0x504: {  	[sflag:s24] =	ssyncset.done $0x0  }
0x505: {  	[sflag:s24] =	ssyncadd.s32 $0xFFFFF800  }
0x506: {  	_ =	swait.ge [sflag:s24], $0x4000  }
0x507: {  	[sflag:s24] =	ssyncset.done $0x0  }
0x508: {  	[sflag:s24] =	ssyncadd.s32 $0xFFFFC000  }
0x509: {  	_ =	swait.ge [sflag:s24], $0x4000  }
0x50a: {  	[sflag:s24] =	ssyncset.done $0x0  }
0x50b: {  	[sflag:s24] =	ssyncadd.s32 $0xFFFFC000  }
0x50c: {  	_ =	swait.ge [sflag:s24], $0x2000  }
0x50d: {  	s2 =	rddreg [dreg:$0x9]  }
0x50e: {  	s0 =	rddreg [dreg:$0x8];
	s2 =	sadd.s32 $0x1, s2  }
0x50f: {  	p0 =	sne.s32 s2, s0  }
.Ltmp6:
0x510: {  	_ = 	snop;
	(pc) =	sbr.rel @p0 .LBB2_1-.Ltmp6, $3  }
0x511: {  	_ =	sdelay $0x1  }
0x512: {  	[sflag:s24] =	ssyncset.done $0x0  }
0x513: {  	s13 =	simm.s32 $0x200;
	s20 =	simm.s32 $0x400;
	[sflag:s24] =	ssyncadd.s32 $0xFFFFE000  }
0x514: {  	_ =	sfence.sel $0x180000  }
0x515: {  	[bflag:$0x0] =	sbarrier.arrive $0xFFFF  }
0x516: {  	_ =	strace $0x90000047  }
0x517: {  	s0 =	stileid.u32;
	[bflag:$0x2] =	sbarrier.arrive $0xFFFF  }
0x518: {  	p0 =	sne.s32 s0, $0x0;
	s0 =	rddreg [dreg:$0x3]  }
0x519: {  	s0 =	sadd.s32 @!p0 $0x100000, s0  }
0x51a: {  	[sflag:s0] =	ssyncadd.tile.s32 @!p0 $0x1;
	_ =	shalt  }
.Lfunc_end2:
_tile_overlayer_lowered:
.L_overlay_start_2:
0x51b: {  	(tag) =	ssettag $0x2  }
0x51c: {  	s0 =	rddreg [dreg:$0x0];
	s2 =	stileid.u32  }
0x51d: {  	s1 =	rddreg [dreg:$0x1];
	p0 =	sne.s32 s2, $0x0  }
0x51e: {  	s3 =	rddreg [dreg:$0x2];
	[bflag:$0x3] =	sbarrier.arrive $0xFFFF;
	s2 =	simm.s32 @!p0 $0x1C03  }
0x51f: {  	[timem:s3], [sflag:s2] =	dma.local @!p0 [hbm:s0], s1  }
0x520: {  	s0 =	simm.s32 @!p0 $0x3  }
0x521: {  	_ =	swait.ge @!p0 [sflag:s0], s1  }
0x522: {  	s1 =	ssub.s32 @!p0 $0x0, s1;
	[sflag:s0] =	ssyncset.done @!p0 $0x0  }
0x523: {  	[sflag:s0] =	ssyncadd.s32 @!p0 s1  }
0x524: {  	[bflag:$0x3] =	sbarrier.arrive $0xFFFF  }
0x525: {  	_ =	shalt  }

</sc_bundles>
